<compile_context>
chip_gen: v7x
topology: tpu7x:2x2x1
jax: 0.10.2.dev20260603
libtpu: 0.0.44.dev20260713+nightly
codegen_flags: <defaults>
</compile_context>

<pallas_src>
import functools

import jax
import jax.numpy as jnp
from jax import lax
from jax.experimental import pallas as pl
from jax.experimental.pallas import tpu as pltpu
from jax.experimental.pallas import tpu_sc as plsc

DM = 2048
DH = 4096
NE = 8
TOK = 4096
TILE = 640
NTMAX = 16
NSLOT = NTMAX * TILE
HB = 1024
NHB = DH // HB
RB = 512



def _router_body(x_ref, wg_ref, bg_ref, out_ref):
    logits = jnp.dot(x_ref[...], wg_ref[...],
                     preferred_element_type=jnp.float32) + bg_ref[...]
    mx = jnp.max(logits, axis=1, keepdims=True)
    col = lax.broadcasted_iota(jnp.int32, logits.shape, 1)
    idx = jnp.min(jnp.where(logits == mx, col, NE), axis=1)
    out_ref[...] = idx.reshape(1, 1, RB)


def _router(x_flat, Wg, bg):
    wg_pad = jnp.zeros((DM, 128), jnp.float32).at[:, :NE].set(Wg)
    bg_pad = jnp.full((1, 128), -1e30, jnp.float32).at[0, :NE].set(bg)
    out = pl.pallas_call(
        _router_body,
        grid=(TOK // RB,),
        in_specs=[pl.BlockSpec((RB, DM), lambda i: (i, 0)),
                  pl.BlockSpec((DM, 128), lambda i: (0, 0)),
                  pl.BlockSpec((1, 128), lambda i: (0, 0))],
        out_specs=pl.BlockSpec((1, 1, RB), lambda i: (i, 0, 0)),
        out_shape=jax.ShapeDtypeStruct((TOK // RB, 1, RB), jnp.int32),
    )(x_flat, wg_pad, bg_pad)
    return out.reshape(TOK)



def _schedule(idx):
    mesh = plsc.VectorSubcoreMesh(core_axis_name="c", subcore_axis_name="s",
                                   num_cores=2, num_subcores=16)

    @functools.partial(
        pl.kernel, mesh=mesh,
        out_type=(jax.ShapeDtypeStruct((NSLOT,), jnp.int32),
                  jax.ShapeDtypeStruct((TOK,), jnp.int32),
                  jax.ShapeDtypeStruct((32,), jnp.int32),
                  jax.ShapeDtypeStruct((32,), jnp.int32),
                  jax.ShapeDtypeStruct((16,), jnp.int32)),
        scratch_types=[pltpu.VMEM((TOK,), jnp.int32),
                       pltpu.VMEM((NSLOT,), jnp.int32),
                       pltpu.VMEM((TOK,), jnp.int32),
                       pltpu.VMEM((32,), jnp.int32),
                       pltpu.VMEM((32,), jnp.int32),
                       pltpu.VMEM((16,), jnp.int32)],
        compiler_params=pltpu.CompilerParams(needs_layout_passes=False),
    )
    def sched(idx_hbm, perm_hbm, slot_hbm, texp_hbm, omap_hbm, nrun_hbm,
              idx_v, perm_v, slot_v, texp_v, omap_v, nrun_v):
        wid = lax.axis_index("s") * 2 + lax.axis_index("c")

        @pl.when(wid == 0)
        def _():
            lane = lax.iota(jnp.int32, 16)
            pltpu.sync_copy(idx_hbm, idx_v)

            def zero_body(i, c):
                perm_v[pl.ds(i * 16, 16)] = (
                    jnp.full((16,), i * 16, jnp.int32) + lane) & (TOK - 1)
                return c
            lax.fori_loop(0, NSLOT // 16, zero_body, 0)

            def cnt_body(v, cnt):
                ids = idx_v[pl.ds(v * 16, 16)]
                for e in range(NE):
                    s = jnp.sum((ids == e).astype(jnp.int32))
                    cnt = cnt + jnp.where(lane == e, s, 0)
                return cnt
            cnt = lax.fori_loop(0, TOK // 16, cnt_body,
                                jnp.zeros((16,), jnp.int32))

            ntile = jnp.where(lane < NE, (cnt + (TILE - 1)) // TILE, 0)
            cum = plsc.cumsum(ntile)
            start_tile = cum - ntile
            used = jnp.sum(jnp.where(lane == NE - 1, cum, 0))
            e_last = jnp.max(jnp.where(ntile > 0, lane, 0))
            base0 = start_tile * TILE

            for w in range(2):
                tv = lane + w * 16
                te = jnp.zeros((16,), jnp.int32)
                for e in range(NE):
                    st = jnp.sum(jnp.where(lane == e, start_tile, 0))
                    nt = jnp.sum(jnp.where(lane == e, ntile, 0))
                    te = jnp.where((tv >= st) & (tv < st + nt), e, te)
                active = tv < used
                texp_v[pl.ds(w * 16, 16)] = jnp.where(active, te, e_last)
                omap_v[pl.ds(w * 16, 16)] = jnp.where(active, tv, used - 1)
            nrun_v[pl.ds(0, 16)] = jnp.where(lane == 0, used * TILE, 0)

            def pos_body(v, base):
                ids = idx_v[pl.ds(v * 16, 16)]
                pos = jnp.zeros((16,), jnp.int32)
                for e in range(NE):
                    m = ids == e
                    c = plsc.cumsum(m.astype(jnp.int32))
                    b_e = jnp.sum(jnp.where(lane == e, base, 0))
                    pos = jnp.where(m, b_e + c - 1, pos)
                    base = base + jnp.where(lane == e,
                                            jnp.sum(m.astype(jnp.int32)), 0)
                slot_v[pl.ds(v * 16, 16)] = pos
                tok = jnp.full((16,), v * 16, jnp.int32) + lane
                plsc.store_scatter(perm_v, [pos], tok)
                return base
            lax.fori_loop(0, TOK // 16, pos_body, base0)

            pltpu.sync_copy(perm_v, perm_hbm)
            pltpu.sync_copy(slot_v, slot_hbm)
            pltpu.sync_copy(texp_v, texp_hbm)
            pltpu.sync_copy(omap_v, omap_hbm)
            pltpu.sync_copy(nrun_v, nrun_hbm)

    return sched(idx)



def _sc_gather(table, idx, nrows, nrun=None):
    mesh = plsc.VectorSubcoreMesh(core_axis_name="c", subcore_axis_name="s",
                                   num_cores=2, num_subcores=16)
    per_v = nrows // 64
    C = min(16, per_v)
    n_ch = per_v // C
    NB = 3
    skip = nrun is not None

    @functools.partial(
        pl.kernel, mesh=mesh,
        out_type=jax.ShapeDtypeStruct((nrows, DM), jnp.float32),
        scratch_types=[pltpu.VMEM((per_v,), jnp.int32),
                       pltpu.VMEM((16,), jnp.int32)]
        + [pltpu.VMEM((C, DM), jnp.float32) for _ in range(NB)]
        + [pltpu.SemaphoreType.DMA for _ in range(NB)],
        compiler_params=pltpu.CompilerParams(needs_layout_passes=False),
    )
    def g(tbl_hbm, idx_hbm, nrun_hbm, out_hbm, idx_v, nrun_v, *bufs_sems):
        bufs = bufs_sems[:NB]
        sems = bufs_sems[NB:]
        wid = lax.axis_index("s") * 2 + lax.axis_index("c")
        if skip:
            lane = lax.iota(jnp.int32, 16)
            pltpu.sync_copy(nrun_hbm, nrun_v)
            used_rows = jnp.sum(jnp.where(lane == 0, nrun_v[pl.ds(0, 16)], 0))

        for half in range(2):
            base = wid * per_v + half * (nrows // 2)
            cond = (base < used_rows) if skip else (wid >= 0)

            @pl.when(cond)
            def _(base=base):
                pltpu.sync_copy(idx_hbm.at[pl.ds(base, per_v)], idx_v)

                def issue(t):
                    return pltpu.async_copy(
                        tbl_hbm.at[idx_v.at[pl.ds(t * C, C)]], bufs[t % NB],
                        sems[t % NB])

                pending = [None] * n_ch
                for t in range(min(NB - 1, n_ch)):
                    pending[t] = issue(t)
                for t in range(n_ch):
                    if t + NB - 1 < n_ch:
                        pending[t + NB - 1] = issue(t + NB - 1)
                    pending[t].wait()
                    pltpu.sync_copy(bufs[t % NB],
                                    out_hbm.at[pl.ds(base + t * C, C)])

    if nrun is None:
        nrun = jnp.zeros((16,), jnp.int32)
    return g(table, idx, nrun)



def _ffn_body(texp_ref, omap_ref, xs_ref, w1_ref, b1_ref, w2_ref, b2_ref,
              out_ref):
    i = pl.program_id(0)
    j = pl.program_id(1)

    @pl.when(omap_ref[i] == i)
    def _():
        h = jnp.dot(xs_ref[...], w1_ref[0],
                    preferred_element_type=jnp.float32) + b1_ref[0]
        h = jnp.maximum(h, 0.0)
        y = jnp.dot(h, w2_ref[0], preferred_element_type=jnp.float32)

        @pl.when(j == 0)
        def _():
            out_ref[...] = y + b2_ref[0]

        @pl.when(j > 0)
        def _():
            out_ref[...] = out_ref[...] + y


def _ffn(xs, W1, b1, W2, b2, texp, omap):
    def _jm(i, j, omap):
        return jnp.where(omap[i] == i, j, NHB - 1)

    grid_spec = pltpu.PrefetchScalarGridSpec(
        num_scalar_prefetch=2,
        grid=(NTMAX, NHB),
        in_specs=[pl.BlockSpec((TILE, DM),
                               lambda i, j, texp, omap: (omap[i], 0)),
                  pl.BlockSpec((1, DM, HB),
                               lambda i, j, texp, omap:
                               (texp[i], 0, _jm(i, j, omap))),
                  pl.BlockSpec((1, 1, HB),
                               lambda i, j, texp, omap:
                               (texp[i], 0, _jm(i, j, omap))),
                  pl.BlockSpec((1, HB, DM),
                               lambda i, j, texp, omap:
                               (texp[i], _jm(i, j, omap), 0)),
                  pl.BlockSpec((1, 1, DM),
                               lambda i, j, texp, omap: (texp[i], 0, 0))],
        out_specs=pl.BlockSpec((TILE, DM),
                               lambda i, j, texp, omap: (omap[i], 0)),
    )
    return pl.pallas_call(
        _ffn_body,
        grid_spec=grid_spec,
        out_shape=jax.ShapeDtypeStruct((NSLOT, DM), jnp.float32),
        compiler_params=pltpu.CompilerParams(
            dimension_semantics=("arbitrary", "arbitrary"),
            vmem_limit_bytes=100 * 1024 * 1024),
    )(texp, omap, xs, W1, b1.reshape(NE, 1, DH), W2, b2.reshape(NE, 1, DM))



def kernel(x, W1, b1, W2, b2, Wg, bg):
    B, N, D = x.shape
    x_flat = x.reshape(B * N, D)
    idx = _router(x_flat, Wg, bg)
    perm, slot, texp32, omap32, nrun = _schedule(idx)
    xs = _sc_gather(x_flat, perm, NSLOT, nrun)
    ys = _ffn(xs, W1, b1, W2, b2, texp32[:NTMAX], omap32[:NTMAX])
    out_flat = _sc_gather(ys, slot, TOK)
    return out_flat.reshape(B, N, D)

# --- scband reference (transcript-rebuilt; emitter-appended) ---
"""Pipeline reference for scband-sparse-mo-elayer-57440892617409 (READ-ONLY COPY).

The authoritative reference and input builder live on the scoring server;
editing this copy changes nothing except your own understanding.
"""

import jax, jax.numpy as jnp
import numpy as np

D_MODEL = 2048
NUM_EXPERTS = 8

def setup_inputs(seed: int = 0) -> dict:
    key = jax.random.key(seed)
    ks = jax.random.split(key, 8)
    s1 = 1.0 / np.sqrt(D_MODEL)
    s2 = 1.0 / np.sqrt(2 * D_MODEL)
    x = jax.random.normal(ks[0], (2, 2048, D_MODEL), dtype=jnp.float32)
    W1 = jax.random.uniform(ks[1], (NUM_EXPERTS, D_MODEL, 2 * D_MODEL), minval=-s1, maxval=s1, dtype=jnp.float32)
    b1 = jax.random.uniform(ks[2], (NUM_EXPERTS, 2 * D_MODEL), minval=-s1, maxval=s1, dtype=jnp.float32)
    W2 = jax.random.uniform(ks[3], (NUM_EXPERTS, 2 * D_MODEL, D_MODEL), minval=-s2, maxval=s2, dtype=jnp.float32)
    b2 = jax.random.uniform(ks[4], (NUM_EXPERTS, D_MODEL), minval=-s2, maxval=s2, dtype=jnp.float32)
    Wg = jax.random.uniform(ks[5], (D_MODEL, NUM_EXPERTS), minval=-s1, maxval=s1, dtype=jnp.float32)
    bg = jax.random.uniform(ks[6], (NUM_EXPERTS,), minval=-s1, maxval=s1, dtype=jnp.float32)
    return {"x": x, "W1": W1, "b1": b1, "W2": W2, "b2": b2, "Wg": Wg, "bg": bg}

def reference(x, W1, b1, W2, b2, Wg, bg):
    # top_k=1 sparse routing (inference mode: dropout is identity)
    B, N, D = x.shape
    x_flat = x.reshape(B * N, D)
    router_logits = x_flat @ Wg + bg
    indices = jnp.argmax(router_logits, axis=-1)  # [T]
    out_flat = jnp.zeros_like(x_flat)
    for e in range(NUM_EXPERTS):
        h = jax.nn.relu(x_flat @ W1[e] + b1[e])
        y = h @ W2[e] + b2[e]
        mask = (indices == e).astype(x_flat.dtype)[:, None]
        out_flat = out_flat + mask * y
    return out_flat.reshape(B, N, D)

if __name__ == "__main__":
    import jax
    _d = setup_inputs()
    print(jax.jit(kernel)(*tuple(_d.values())))

</pallas_src>

<mosaic_0001>
#map = affine_map<(d0, d1) -> (0)>
module attributes {stable_mosaic.version = 14 : i64} {
  func.func @sched(%arg0: i32, %arg1: i32, %arg2: memref<4096xi32, #tpu.memory_space<hbm>>, %arg3: memref<10240xi32, #tpu.memory_space<hbm>>, %arg4: memref<4096xi32, #tpu.memory_space<hbm>>, %arg5: memref<32xi32, #tpu.memory_space<hbm>>, %arg6: memref<32xi32, #tpu.memory_space<hbm>>, %arg7: memref<16xi32, #tpu.memory_space<hbm>>, %arg8: memref<4096xi32, #tpu.memory_space<vmem>>, %arg9: memref<10240xi32, #tpu.memory_space<vmem>>, %arg10: memref<4096xi32, #tpu.memory_space<vmem>>, %arg11: memref<32xi32, #tpu.memory_space<vmem>>, %arg12: memref<32xi32, #tpu.memory_space<vmem>>, %arg13: memref<16xi32, #tpu.memory_space<vmem>>) attributes {dimension_semantics = [#tpu.dimension_semantics<core_parallel>, #tpu.dimension_semantics<subcore_parallel>], iteration_bounds = array<i64: 2, 16>, scalar_prefetch = 0 : i64, scratch_operands = 6 : i64, tpu.core_type = #tpu.core_type<sc_vector_subcore>, window_params = [{transform_indices = #map}, {transform_indices = #map}, {transform_indices = #map}, {transform_indices = #map}, {transform_indices = #map}, {transform_indices = #map}]} {
    %mul3A = arith.constant 2 : i32
    %mul3A_0 = arith.muli %arg1, %mul3A : i32
    %add3A = arith.addi %mul3A_0, %arg0 : i32
    %eq3A = arith.constant 0 : i32
    %eq3A_1 = arith.cmpi eq, %add3A, %eq3A : i32
    %convert_element_type3A = arith.extui %eq3A_1 : i1 to i32
    %cond3A = arith.constant 0 : i32
    %cond3A_2 = arith.cmpi ne, %convert_element_type3A, %cond3A : i32
    scf.if %cond3A_2 {
      %iota3A = tpu.iota {dimensions = array<i32: 0>} : vector<16xi32>
      "tpu.region"() ({
        %run_scoped3A = tpu.sem_alloc : memref<!tpu.dma_semaphore, #tpu.memory_space<semaphore_mem>>
        tpu.enqueue_dma source(%arg2 : memref<4096xi32, #tpu.memory_space<hbm>>) target(%arg8 : memref<4096xi32, #tpu.memory_space<vmem>>) target_semaphore(%run_scoped3A : memref<!tpu.dma_semaphore, #tpu.memory_space<semaphore_mem>>)
        tpu.wait_dma2 semaphore(%run_scoped3A : memref<!tpu.dma_semaphore, #tpu.memory_space<semaphore_mem>>) src(%arg2 : memref<4096xi32, #tpu.memory_space<hbm>>) dst(%arg8 : memref<4096xi32, #tpu.memory_space<vmem>>)
        tpu.yield
      }) : () -> ()
      %scan3A = arith.constant 0 : i32
      %scan3A_3 = arith.constant 0 : i32
      %scan3A_4 = arith.constant 640 : i32
      %scan3A_5 = arith.addi %scan3A_3, %scan3A_4 : i32
      %scan3A_6 = arith.constant 1 : i32
      scf.for %scan3A_586 = %scan3A_3 to %scan3A_5 step %scan3A_6  : i32 {
        %mul3A_587 = arith.constant 16 : i32
        %mul3A_588 = arith.muli %scan3A_586, %mul3A_587 : i32
        %broadcast_in_dim3A_589 = vector.broadcast %mul3A_588 : i32 to vector<16xi32>
        %add3A_590 = arith.addi %broadcast_in_dim3A_589, %iota3A : vector<16xi32>
        %and3A_591 = arith.constant 4095 : i32
        %and3A_592 = vector.broadcast %and3A_591 : i32 to vector<16xi32>
        %and3A_593 = arith.andi %add3A_590, %and3A_592 : vector<16xi32>
        %mul3A_594 = arith.constant 16 : i32
        %mul3A_595 = arith.muli %scan3A_586, %mul3A_594 : i32
        %swap3A_596 = arith.index_cast %mul3A_595 : i32 to index
        %swap3A_597 = tpu.vector_load %arg9[%swap3A_596] {strides = array<i32>} : memref<10240xi32, #tpu.memory_space<vmem>>, vector<16xi32>,
        tpu.vector_store %arg9[%swap3A_596], %and3A_593 {strides = array<i32>} : memref<10240xi32, #tpu.memory_space<vmem>>, vector<16xi32>,
      }
      %scan3A_7 = arith.constant 640 : i32
      %broadcast_in_dim3A = arith.constant 0 : i32
      %broadcast_in_dim3A_8 = vector.broadcast %broadcast_in_dim3A : i32 to vector<16xi32>
      %scan3A_9 = arith.constant 0 : i32
      %scan3A_10 = arith.constant 256 : i32
      %scan3A_11 = arith.addi %scan3A_9, %scan3A_10 : i32
      %scan3A_12 = arith.constant 1 : i32
      %scan3A_13 = scf.for %scan3A_586 = %scan3A_9 to %scan3A_11 step %scan3A_12 iter_args(%scan3A_587 = %broadcast_in_dim3A_8) -> (vector<16xi32>)  : i32 {
        %mul3A_588 = arith.constant 16 : i32
        %mul3A_589 = arith.muli %scan3A_586, %mul3A_588 : i32
        %get3A = arith.index_cast %mul3A_589 : i32 to index
        %get3A_590 = tpu.vector_load %arg8[%get3A] {strides = array<i32>} : memref<4096xi32, #tpu.memory_space<vmem>>, vector<16xi32>,
        %eq3A_591 = arith.constant 0 : i32
        %eq3A_592 = vector.broadcast %eq3A_591 : i32 to vector<16xi32>
        %eq3A_593 = arith.cmpi eq, %get3A_590, %eq3A_592 : vector<16xi32>
        %convert_element_type3A_594 = arith.extui %eq3A_593 : vector<16xi1> to vector<16xi32>
        %reduce_sum3A_595 = arith.constant true
        %reduce_sum3A_596 = vector.broadcast %reduce_sum3A_595 : i1 to vector<16xi1>
        %reduce_sum3A_597 = tpu.scan <sum>, %convert_element_type3A_594 masked %reduce_sum3A_596 : vector<16xi32>, vector<16xi1> -> vector<16xi32>
        %reduce_sum3A_598 = vector.extract %reduce_sum3A_597[15] : i32 from vector<16xi32>
        %eq3A_599 = arith.constant 0 : i32
        %eq3A_600 = vector.broadcast %eq3A_599 : i32 to vector<16xi32>
        %eq3A_601 = arith.cmpi eq, %iota3A, %eq3A_600 : vector<16xi32>
        %jit3A_602 = arith.constant 0 : i32
        %broadcast_in_dim3A_603 = vector.broadcast %reduce_sum3A_598 : i32 to vector<16xi32>
        %broadcast_in_dim3A_604 = vector.broadcast %jit3A_602 : i32 to vector<16xi32>
        %select_n3A_605 = arith.select %eq3A_601, %broadcast_in_dim3A_603, %broadcast_in_dim3A_604 : vector<16xi1>, vector<16xi32>
        %add3A_606 = arith.addi %scan3A_587, %select_n3A_605 : vector<16xi32>
        %eq3A_607 = arith.constant 1 : i32
        %eq3A_608 = vector.broadcast %eq3A_607 : i32 to vector<16xi32>
        %eq3A_609 = arith.cmpi eq, %get3A_590, %eq3A_608 : vector<16xi32>
        %convert_element_type3A_610 = arith.extui %eq3A_609 : vector<16xi1> to vector<16xi32>
        %reduce_sum3A_611 = arith.constant true
        %reduce_sum3A_612 = vector.broadcast %reduce_sum3A_611 : i1 to vector<16xi1>
        %reduce_sum3A_613 = tpu.scan <sum>, %convert_element_type3A_610 masked %reduce_sum3A_612 : vector<16xi32>, vector<16xi1> -> vector<16xi32>
        %reduce_sum3A_614 = vector.extract %reduce_sum3A_613[15] : i32 from vector<16xi32>
        %eq3A_615 = arith.constant 1 : i32
        %eq3A_616 = vector.broadcast %eq3A_615 : i32 to vector<16xi32>
        %eq3A_617 = arith.cmpi eq, %iota3A, %eq3A_616 : vector<16xi32>
        %jit3A_618 = arith.constant 0 : i32
        %broadcast_in_dim3A_619 = vector.broadcast %reduce_sum3A_614 : i32 to vector<16xi32>
        %broadcast_in_dim3A_620 = vector.broadcast %jit3A_618 : i32 to vector<16xi32>
        %select_n3A_621 = arith.select %eq3A_617, %broadcast_in_dim3A_619, %broadcast_in_dim3A_620 : vector<16xi1>, vector<16xi32>
        %add3A_622 = arith.addi %add3A_606, %select_n3A_621 : vector<16xi32>
        %eq3A_623 = arith.constant 2 : i32
        %eq3A_624 = vector.broadcast %eq3A_623 : i32 to vector<16xi32>
        %eq3A_625 = arith.cmpi eq, %get3A_590, %eq3A_624 : vector<16xi32>
        %convert_element_type3A_626 = arith.extui %eq3A_625 : vector<16xi1> to vector<16xi32>
        %reduce_sum3A_627 = arith.constant true
        %reduce_sum3A_628 = vector.broadcast %reduce_sum3A_627 : i1 to vector<16xi1>
        %reduce_sum3A_629 = tpu.scan <sum>, %convert_element_type3A_626 masked %reduce_sum3A_628 : vector<16xi32>, vector<16xi1> -> vector<16xi32>
        %reduce_sum3A_630 = vector.extract %reduce_sum3A_629[15] : i32 from vector<16xi32>
        %eq3A_631 = arith.constant 2 : i32
        %eq3A_632 = vector.broadcast %eq3A_631 : i32 to vector<16xi32>
        %eq3A_633 = arith.cmpi eq, %iota3A, %eq3A_632 : vector<16xi32>
        %jit3A_634 = arith.constant 0 : i32
        %broadcast_in_dim3A_635 = vector.broadcast %reduce_sum3A_630 : i32 to vector<16xi32>
        %broadcast_in_dim3A_636 = vector.broadcast %jit3A_634 : i32 to vector<16xi32>
        %select_n3A_637 = arith.select %eq3A_633, %broadcast_in_dim3A_635, %broadcast_in_dim3A_636 : vector<16xi1>, vector<16xi32>
        %add3A_638 = arith.addi %add3A_622, %select_n3A_637 : vector<16xi32>
        %eq3A_639 = arith.constant 3 : i32
        %eq3A_640 = vector.broadcast %eq3A_639 : i32 to vector<16xi32>
        %eq3A_641 = arith.cmpi eq, %get3A_590, %eq3A_640 : vector<16xi32>
        %convert_element_type3A_642 = arith.extui %eq3A_641 : vector<16xi1> to vector<16xi32>
        %reduce_sum3A_643 = arith.constant true
        %reduce_sum3A_644 = vector.broadcast %reduce_sum3A_643 : i1 to vector<16xi1>
        %reduce_sum3A_645 = tpu.scan <sum>, %convert_element_type3A_642 masked %reduce_sum3A_644 : vector<16xi32>, vector<16xi1> -> vector<16xi32>
        %reduce_sum3A_646 = vector.extract %reduce_sum3A_645[15] : i32 from vector<16xi32>
        %eq3A_647 = arith.constant 3 : i32
        %eq3A_648 = vector.broadcast %eq3A_647 : i32 to vector<16xi32>
        %eq3A_649 = arith.cmpi eq, %iota3A, %eq3A_648 : vector<16xi32>
        %jit3A_650 = arith.constant 0 : i32
        %broadcast_in_dim3A_651 = vector.broadcast %reduce_sum3A_646 : i32 to vector<16xi32>
        %broadcast_in_dim3A_652 = vector.broadcast %jit3A_650 : i32 to vector<16xi32>
        %select_n3A_653 = arith.select %eq3A_649, %broadcast_in_dim3A_651, %broadcast_in_dim3A_652 : vector<16xi1>, vector<16xi32>
        %add3A_654 = arith.addi %add3A_638, %select_n3A_653 : vector<16xi32>
        %eq3A_655 = arith.constant 4 : i32
        %eq3A_656 = vector.broadcast %eq3A_655 : i32 to vector<16xi32>
        %eq3A_657 = arith.cmpi eq, %get3A_590, %eq3A_656 : vector<16xi32>
        %convert_element_type3A_658 = arith.extui %eq3A_657 : vector<16xi1> to vector<16xi32>
        %reduce_sum3A_659 = arith.constant true
        %reduce_sum3A_660 = vector.broadcast %reduce_sum3A_659 : i1 to vector<16xi1>
        %reduce_sum3A_661 = tpu.scan <sum>, %convert_element_type3A_658 masked %reduce_sum3A_660 : vector<16xi32>, vector<16xi1> -> vector<16xi32>
        %reduce_sum3A_662 = vector.extract %reduce_sum3A_661[15] : i32 from vector<16xi32>
        %eq3A_663 = arith.constant 4 : i32
        %eq3A_664 = vector.broadcast %eq3A_663 : i32 to vector<16xi32>
        %eq3A_665 = arith.cmpi eq, %iota3A, %eq3A_664 : vector<16xi32>
        %jit3A_666 = arith.constant 0 : i32
        %broadcast_in_dim3A_667 = vector.broadcast %reduce_sum3A_662 : i32 to vector<16xi32>
        %broadcast_in_dim3A_668 = vector.broadcast %jit3A_666 : i32 to vector<16xi32>
        %select_n3A_669 = arith.select %eq3A_665, %broadcast_in_dim3A_667, %broadcast_in_dim3A_668 : vector<16xi1>, vector<16xi32>
        %add3A_670 = arith.addi %add3A_654, %select_n3A_669 : vector<16xi32>
        %eq3A_671 = arith.constant 5 : i32
        %eq3A_672 = vector.broadcast %eq3A_671 : i32 to vector<16xi32>
        %eq3A_673 = arith.cmpi eq, %get3A_590, %eq3A_672 : vector<16xi32>
        %convert_element_type3A_674 = arith.extui %eq3A_673 : vector<16xi1> to vector<16xi32>
        %reduce_sum3A_675 = arith.constant true
        %reduce_sum3A_676 = vector.broadcast %reduce_sum3A_675 : i1 to vector<16xi1>
        %reduce_sum3A_677 = tpu.scan <sum>, %convert_element_type3A_674 masked %reduce_sum3A_676 : vector<16xi32>, vector<16xi1> -> vector<16xi32>
        %reduce_sum3A_678 = vector.extract %reduce_sum3A_677[15] : i32 from vector<16xi32>
        %eq3A_679 = arith.constant 5 : i32
        %eq3A_680 = vector.broadcast %eq3A_679 : i32 to vector<16xi32>
        %eq3A_681 = arith.cmpi eq, %iota3A, %eq3A_680 : vector<16xi32>
        %jit3A_682 = arith.constant 0 : i32
        %broadcast_in_dim3A_683 = vector.broadcast %reduce_sum3A_678 : i32 to vector<16xi32>
        %broadcast_in_dim3A_684 = vector.broadcast %jit3A_682 : i32 to vector<16xi32>
        %select_n3A_685 = arith.select %eq3A_681, %broadcast_in_dim3A_683, %broadcast_in_dim3A_684 : vector<16xi1>, vector<16xi32>
        %add3A_686 = arith.addi %add3A_670, %select_n3A_685 : vector<16xi32>
        %eq3A_687 = arith.constant 6 : i32
        %eq3A_688 = vector.broadcast %eq3A_687 : i32 to vector<16xi32>
        %eq3A_689 = arith.cmpi eq, %get3A_590, %eq3A_688 : vector<16xi32>
        %convert_element_type3A_690 = arith.extui %eq3A_689 : vector<16xi1> to vector<16xi32>
        %reduce_sum3A_691 = arith.constant true
        %reduce_sum3A_692 = vector.broadcast %reduce_sum3A_691 : i1 to vector<16xi1>
        %reduce_sum3A_693 = tpu.scan <sum>, %convert_element_type3A_690 masked %reduce_sum3A_692 : vector<16xi32>, vector<16xi1> -> vector<16xi32>
        %reduce_sum3A_694 = vector.extract %reduce_sum3A_693[15] : i32 from vector<16xi32>
        %eq3A_695 = arith.constant 6 : i32
        %eq3A_696 = vector.broadcast %eq3A_695 : i32 to vector<16xi32>
        %eq3A_697 = arith.cmpi eq, %iota3A, %eq3A_696 : vector<16xi32>
        %jit3A_698 = arith.constant 0 : i32
        %broadcast_in_dim3A_699 = vector.broadcast %reduce_sum3A_694 : i32 to vector<16xi32>
        %broadcast_in_dim3A_700 = vector.broadcast %jit3A_698 : i32 to vector<16xi32>
        %select_n3A_701 = arith.select %eq3A_697, %broadcast_in_dim3A_699, %broadcast_in_dim3A_700 : vector<16xi1>, vector<16xi32>
        %add3A_702 = arith.addi %add3A_686, %select_n3A_701 : vector<16xi32>
        %eq3A_703 = arith.constant 7 : i32
        %eq3A_704 = vector.broadcast %eq3A_703 : i32 to vector<16xi32>
        %eq3A_705 = arith.cmpi eq, %get3A_590, %eq3A_704 : vector<16xi32>
        %convert_element_type3A_706 = arith.extui %eq3A_705 : vector<16xi1> to vector<16xi32>
        %reduce_sum3A_707 = arith.constant true
        %reduce_sum3A_708 = vector.broadcast %reduce_sum3A_707 : i1 to vector<16xi1>
        %reduce_sum3A_709 = tpu.scan <sum>, %convert_element_type3A_706 masked %reduce_sum3A_708 : vector<16xi32>, vector<16xi1> -> vector<16xi32>
        %reduce_sum3A_710 = vector.extract %reduce_sum3A_709[15] : i32 from vector<16xi32>
        %eq3A_711 = arith.constant 7 : i32
        %eq3A_712 = vector.broadcast %eq3A_711 : i32 to vector<16xi32>
        %eq3A_713 = arith.cmpi eq, %iota3A, %eq3A_712 : vector<16xi32>
        %jit3A_714 = arith.constant 0 : i32
        %broadcast_in_dim3A_715 = vector.broadcast %reduce_sum3A_710 : i32 to vector<16xi32>
        %broadcast_in_dim3A_716 = vector.broadcast %jit3A_714 : i32 to vector<16xi32>
        %select_n3A_717 = arith.select %eq3A_713, %broadcast_in_dim3A_715, %broadcast_in_dim3A_716 : vector<16xi1>, vector<16xi32>
        %add3A_718 = arith.addi %add3A_702, %select_n3A_717 : vector<16xi32>
        scf.yield %add3A_718 : vector<16xi32>
      }
      %scan3A_14 = arith.constant 256 : i32
      %lt3A = arith.constant 8 : i32
      %lt3A_15 = vector.broadcast %lt3A : i32 to vector<16xi32>
      %lt3A_16 = arith.cmpi slt, %iota3A, %lt3A_15 : vector<16xi32>
      %add3A_17 = arith.constant 639 : i32
      %add3A_18 = vector.broadcast %add3A_17 : i32 to vector<16xi32>
      %add3A_19 = arith.addi %scan3A_13, %add3A_18 : vector<16xi32>
      %jit3A = arith.constant 640 : i32
      %div3A = vector.broadcast %jit3A : i32 to vector<16xi32>
      %div3A_20 = arith.divsi %add3A_19, %div3A : vector<16xi32>
      %sign3A = arith.constant 0 : i32
      %sign3A_21 = vector.broadcast %sign3A : i32 to vector<16xi32>
      %sign3A_22 = arith.cmpi sgt, %add3A_19, %sign3A_21 : vector<16xi32>
      %sign3A_23 = arith.extui %sign3A_22 : vector<16xi1> to vector<16xi32>
      %sign3A_24 = arith.constant 0 : i32
      %sign3A_25 = vector.broadcast %sign3A_24 : i32 to vector<16xi32>
      %sign3A_26 = arith.cmpi slt, %add3A_19, %sign3A_25 : vector<16xi32>
      %sign3A_27 = arith.extui %sign3A_26 : vector<16xi1> to vector<16xi32>
      %sign3A_28 = arith.subi %sign3A_23, %sign3A_27 : vector<16xi32>
      %sign3A_29 = arith.constant 0 : i32
      %sign3A_30 = arith.cmpi sgt, %jit3A, %sign3A_29 : i32
      %sign3A_31 = arith.extui %sign3A_30 : i1 to i32
      %sign3A_32 = arith.constant 0 : i32
      %sign3A_33 = arith.cmpi slt, %jit3A, %sign3A_32 : i32
      %sign3A_34 = arith.extui %sign3A_33 : i1 to i32
      %sign3A_35 = arith.subi %sign3A_31, %sign3A_34 : i32
      %ne3A = vector.broadcast %sign3A_35 : i32 to vector<16xi32>
      %ne3A_36 = arith.cmpi ne, %sign3A_28, %ne3A : vector<16xi32>
      %rem3A = vector.broadcast %jit3A : i32 to vector<16xi32>
      %rem3A_37 = arith.remsi %add3A_19, %rem3A : vector<16xi32>
      %ne3A_38 = arith.constant 0 : i32
      %ne3A_39 = vector.broadcast %ne3A_38 : i32 to vector<16xi32>
      %ne3A_40 = arith.cmpi ne, %rem3A_37, %ne3A_39 : vector<16xi32>
      %and3A = arith.andi %ne3A_36, %ne3A_40 : vector<16xi1>
      %sub3A = arith.constant 1 : i32
      %sub3A_41 = vector.broadcast %sub3A : i32 to vector<16xi32>
      %sub3A_42 = arith.subi %div3A_20, %sub3A_41 : vector<16xi32>
      %select_n3A = arith.select %and3A, %sub3A_42, %div3A_20 : vector<16xi1>, vector<16xi32>
      %jit3A_43 = arith.constant 0 : i32
      %broadcast_in_dim3A_44 = vector.broadcast %jit3A_43 : i32 to vector<16xi32>
      %select_n3A_45 = arith.select %lt3A_16, %select_n3A, %broadcast_in_dim3A_44 : vector<16xi1>, vector<16xi32>
      %broadcast_in_dim3A_46 = arith.constant true
      %broadcast_in_dim3A_47 = vector.broadcast %broadcast_in_dim3A_46 : i1 to vector<16xi1>
      %masked_cumsum3A = tpu.scan <sum>, %select_n3A_45 masked %broadcast_in_dim3A_47 : vector<16xi32>, vector<16xi1> -> vector<16xi32>
      %sub3A_48 = arith.subi %masked_cumsum3A, %select_n3A_45 : vector<16xi32>
      %eq3A_49 = arith.constant 7 : i32
      %eq3A_50 = vector.broadcast %eq3A_49 : i32 to vector<16xi32>
      %eq3A_51 = arith.cmpi eq, %iota3A, %eq3A_50 : vector<16xi32>
      %jit3A_52 = arith.constant 0 : i32
      %broadcast_in_dim3A_53 = vector.broadcast %jit3A_52 : i32 to vector<16xi32>
      %select_n3A_54 = arith.select %eq3A_51, %masked_cumsum3A, %broadcast_in_dim3A_53 : vector<16xi1>, vector<16xi32>
      %reduce_sum3A = arith.constant true
      %reduce_sum3A_55 = vector.broadcast %reduce_sum3A : i1 to vector<16xi1>
      %reduce_sum3A_56 = tpu.scan <sum>, %select_n3A_54 masked %reduce_sum3A_55 : vector<16xi32>, vector<16xi1> -> vector<16xi32>
      %reduce_sum3A_57 = vector.extract %reduce_sum3A_56[15] : i32 from vector<16xi32>
      %gt3A = arith.constant 0 : i32
      %gt3A_58 = vector.broadcast %gt3A : i32 to vector<16xi32>
      %gt3A_59 = arith.cmpi sgt, %select_n3A_45, %gt3A_58 : vector<16xi32>
      %jit3A_60 = arith.constant 0 : i32
      %broadcast_in_dim3A_61 = vector.broadcast %jit3A_60 : i32 to vector<16xi32>
      %select_n3A_62 = arith.select %gt3A_59, %iota3A, %broadcast_in_dim3A_61 : vector<16xi1>, vector<16xi32>
      %reduce_max3A = arith.constant true
      %reduce_max3A_63 = vector.broadcast %reduce_max3A : i1 to vector<16xi1>
      %reduce_max3A_64 = arith.constant -2147483648 : i32
      %reduce_max3A_65 = vector.broadcast %reduce_max3A_64 : i32 to vector<16xi32>
      %reduce_max3A_66 = arith.xori %select_n3A_62, %reduce_max3A_65 : vector<16xi32>
      %reduce_max3A_67 = tpu.scan <max>, %reduce_max3A_66 masked %reduce_max3A_63 : vector<16xi32>, vector<16xi1> -> vector<16xi32>
      %reduce_max3A_68 = arith.xori %reduce_max3A_67, %reduce_max3A_65 : vector<16xi32>
      %reduce_max3A_69 = vector.extract %reduce_max3A_68[15] : i32 from vector<16xi32>
      %mul3A_70 = arith.constant 640 : i32
      %mul3A_71 = vector.broadcast %mul3A_70 : i32 to vector<16xi32>
      %mul3A_72 = arith.muli %sub3A_48, %mul3A_71 : vector<16xi32>
      %add3A_73 = arith.constant 0 : i32
      %add3A_74 = vector.broadcast %add3A_73 : i32 to vector<16xi32>
      %add3A_75 = arith.addi %iota3A, %add3A_74 : vector<16xi32>
      %broadcast_in_dim3A_76 = arith.constant 0 : i32
      %broadcast_in_dim3A_77 = vector.broadcast %broadcast_in_dim3A_76 : i32 to vector<16xi32>
      %eq3A_78 = arith.constant 0 : i32
      %eq3A_79 = vector.broadcast %eq3A_78 : i32 to vector<16xi32>
      %eq3A_80 = arith.cmpi eq, %iota3A, %eq3A_79 : vector<16xi32>
      %jit3A_81 = arith.constant 0 : i32
      %broadcast_in_dim3A_82 = vector.broadcast %jit3A_81 : i32 to vector<16xi32>
      %select_n3A_83 = arith.select %eq3A_80, %sub3A_48, %broadcast_in_dim3A_82 : vector<16xi1>, vector<16xi32>
      %reduce_sum3A_84 = arith.constant true
      %reduce_sum3A_85 = vector.broadcast %reduce_sum3A_84 : i1 to vector<16xi1>
      %reduce_sum3A_86 = tpu.scan <sum>, %select_n3A_83 masked %reduce_sum3A_85 : vector<16xi32>, vector<16xi1> -> vector<16xi32>
      %reduce_sum3A_87 = vector.extract %reduce_sum3A_86[15] : i32 from vector<16xi32>
      %eq3A_88 = arith.constant 0 : i32
      %eq3A_89 = vector.broadcast %eq3A_88 : i32 to vector<16xi32>
      %eq3A_90 = arith.cmpi eq, %iota3A, %eq3A_89 : vector<16xi32>
      %jit3A_91 = arith.constant 0 : i32
      %broadcast_in_dim3A_92 = vector.broadcast %jit3A_91 : i32 to vector<16xi32>
      %select_n3A_93 = arith.select %eq3A_90, %select_n3A_45, %broadcast_in_dim3A_92 : vector<16xi1>, vector<16xi32>
      %reduce_sum3A_94 = arith.constant true
      %reduce_sum3A_95 = vector.broadcast %reduce_sum3A_94 : i1 to vector<16xi1>
      %reduce_sum3A_96 = tpu.scan <sum>, %select_n3A_93 masked %reduce_sum3A_95 : vector<16xi32>, vector<16xi1> -> vector<16xi32>
      %reduce_sum3A_97 = vector.extract %reduce_sum3A_96[15] : i32 from vector<16xi32>
      %ge3A = vector.broadcast %reduce_sum3A_87 : i32 to vector<16xi32>
      %ge3A_98 = arith.cmpi sge, %add3A_75, %ge3A : vector<16xi32>
      %add3A_99 = arith.addi %reduce_sum3A_87, %reduce_sum3A_97 : i32
      %lt3A_100 = vector.broadcast %add3A_99 : i32 to vector<16xi32>
      %lt3A_101 = arith.cmpi slt, %add3A_75, %lt3A_100 : vector<16xi32>
      %and3A_102 = arith.andi %ge3A_98, %lt3A_101 : vector<16xi1>
      %jit3A_103 = arith.constant 0 : i32
      %broadcast_in_dim3A_104 = vector.broadcast %jit3A_103 : i32 to vector<16xi32>
      %select_n3A_105 = arith.select %and3A_102, %broadcast_in_dim3A_104, %broadcast_in_dim3A_77 : vector<16xi1>, vector<16xi32>
      %eq3A_106 = arith.constant 1 : i32
      %eq3A_107 = vector.broadcast %eq3A_106 : i32 to vector<16xi32>
      %eq3A_108 = arith.cmpi eq, %iota3A, %eq3A_107 : vector<16xi32>
      %jit3A_109 = arith.constant 0 : i32
      %broadcast_in_dim3A_110 = vector.broadcast %jit3A_109 : i32 to vector<16xi32>
      %select_n3A_111 = arith.select %eq3A_108, %sub3A_48, %broadcast_in_dim3A_110 : vector<16xi1>, vector<16xi32>
      %reduce_sum3A_112 = arith.constant true
      %reduce_sum3A_113 = vector.broadcast %reduce_sum3A_112 : i1 to vector<16xi1>
      %reduce_sum3A_114 = tpu.scan <sum>, %select_n3A_111 masked %reduce_sum3A_113 : vector<16xi32>, vector<16xi1> -> vector<16xi32>
      %reduce_sum3A_115 = vector.extract %reduce_sum3A_114[15] : i32 from vector<16xi32>
      %eq3A_116 = arith.constant 1 : i32
      %eq3A_117 = vector.broadcast %eq3A_116 : i32 to vector<16xi32>
      %eq3A_118 = arith.cmpi eq, %iota3A, %eq3A_117 : vector<16xi32>
      %jit3A_119 = arith.constant 0 : i32
      %broadcast_in_dim3A_120 = vector.broadcast %jit3A_119 : i32 to vector<16xi32>
      %select_n3A_121 = arith.select %eq3A_118, %select_n3A_45, %broadcast_in_dim3A_120 : vector<16xi1>, vector<16xi32>
      %reduce_sum3A_122 = arith.constant true
      %reduce_sum3A_123 = vector.broadcast %reduce_sum3A_122 : i1 to vector<16xi1>
      %reduce_sum3A_124 = tpu.scan <sum>, %select_n3A_121 masked %reduce_sum3A_123 : vector<16xi32>, vector<16xi1> -> vector<16xi32>
      %reduce_sum3A_125 = vector.extract %reduce_sum3A_124[15] : i32 from vector<16xi32>
      %ge3A_126 = vector.broadcast %reduce_sum3A_115 : i32 to vector<16xi32>
      %ge3A_127 = arith.cmpi sge, %add3A_75, %ge3A_126 : vector<16xi32>
      %add3A_128 = arith.addi %reduce_sum3A_115, %reduce_sum3A_125 : i32
      %lt3A_129 = vector.broadcast %add3A_128 : i32 to vector<16xi32>
      %lt3A_130 = arith.cmpi slt, %add3A_75, %lt3A_129 : vector<16xi32>
      %and3A_131 = arith.andi %ge3A_127, %lt3A_130 : vector<16xi1>
      %jit3A_132 = arith.constant 1 : i32
      %broadcast_in_dim3A_133 = vector.broadcast %jit3A_132 : i32 to vector<16xi32>
      %select_n3A_134 = arith.select %and3A_131, %broadcast_in_dim3A_133, %select_n3A_105 : vector<16xi1>, vector<16xi32>
      %eq3A_135 = arith.constant 2 : i32
      %eq3A_136 = vector.broadcast %eq3A_135 : i32 to vector<16xi32>
      %eq3A_137 = arith.cmpi eq, %iota3A, %eq3A_136 : vector<16xi32>
      %jit3A_138 = arith.constant 0 : i32
      %broadcast_in_dim3A_139 = vector.broadcast %jit3A_138 : i32 to vector<16xi32>
      %select_n3A_140 = arith.select %eq3A_137, %sub3A_48, %broadcast_in_dim3A_139 : vector<16xi1>, vector<16xi32>
      %reduce_sum3A_141 = arith.constant true
      %reduce_sum3A_142 = vector.broadcast %reduce_sum3A_141 : i1 to vector<16xi1>
      %reduce_sum3A_143 = tpu.scan <sum>, %select_n3A_140 masked %reduce_sum3A_142 : vector<16xi32>, vector<16xi1> -> vector<16xi32>
      %reduce_sum3A_144 = vector.extract %reduce_sum3A_143[15] : i32 from vector<16xi32>
      %eq3A_145 = arith.constant 2 : i32
      %eq3A_146 = vector.broadcast %eq3A_145 : i32 to vector<16xi32>
      %eq3A_147 = arith.cmpi eq, %iota3A, %eq3A_146 : vector<16xi32>
      %jit3A_148 = arith.constant 0 : i32
      %broadcast_in_dim3A_149 = vector.broadcast %jit3A_148 : i32 to vector<16xi32>
      %select_n3A_150 = arith.select %eq3A_147, %select_n3A_45, %broadcast_in_dim3A_149 : vector<16xi1>, vector<16xi32>
      %reduce_sum3A_151 = arith.constant true
      %reduce_sum3A_152 = vector.broadcast %reduce_sum3A_151 : i1 to vector<16xi1>
      %reduce_sum3A_153 = tpu.scan <sum>, %select_n3A_150 masked %reduce_sum3A_152 : vector<16xi32>, vector<16xi1> -> vector<16xi32>
      %reduce_sum3A_154 = vector.extract %reduce_sum3A_153[15] : i32 from vector<16xi32>
      %ge3A_155 = vector.broadcast %reduce_sum3A_144 : i32 to vector<16xi32>
      %ge3A_156 = arith.cmpi sge, %add3A_75, %ge3A_155 : vector<16xi32>
      %add3A_157 = arith.addi %reduce_sum3A_144, %reduce_sum3A_154 : i32
      %lt3A_158 = vector.broadcast %add3A_157 : i32 to vector<16xi32>
      %lt3A_159 = arith.cmpi slt, %add3A_75, %lt3A_158 : vector<16xi32>
      %and3A_160 = arith.andi %ge3A_156, %lt3A_159 : vector<16xi1>
      %jit3A_161 = arith.constant 2 : i32
      %broadcast_in_dim3A_162 = vector.broadcast %jit3A_161 : i32 to vector<16xi32>
      %select_n3A_163 = arith.select %and3A_160, %broadcast_in_dim3A_162, %select_n3A_134 : vector<16xi1>, vector<16xi32>
      %eq3A_164 = arith.constant 3 : i32
      %eq3A_165 = vector.broadcast %eq3A_164 : i32 to vector<16xi32>
      %eq3A_166 = arith.cmpi eq, %iota3A, %eq3A_165 : vector<16xi32>
      %jit3A_167 = arith.constant 0 : i32
      %broadcast_in_dim3A_168 = vector.broadcast %jit3A_167 : i32 to vector<16xi32>
      %select_n3A_169 = arith.select %eq3A_166, %sub3A_48, %broadcast_in_dim3A_168 : vector<16xi1>, vector<16xi32>
      %reduce_sum3A_170 = arith.constant true
      %reduce_sum3A_171 = vector.broadcast %reduce_sum3A_170 : i1 to vector<16xi1>
      %reduce_sum3A_172 = tpu.scan <sum>, %select_n3A_169 masked %reduce_sum3A_171 : vector<16xi32>, vector<16xi1> -> vector<16xi32>
      %reduce_sum3A_173 = vector.extract %reduce_sum3A_172[15] : i32 from vector<16xi32>
      %eq3A_174 = arith.constant 3 : i32
      %eq3A_175 = vector.broadcast %eq3A_174 : i32 to vector<16xi32>
      %eq3A_176 = arith.cmpi eq, %iota3A, %eq3A_175 : vector<16xi32>
      %jit3A_177 = arith.constant 0 : i32
      %broadcast_in_dim3A_178 = vector.broadcast %jit3A_177 : i32 to vector<16xi32>
      %select_n3A_179 = arith.select %eq3A_176, %select_n3A_45, %broadcast_in_dim3A_178 : vector<16xi1>, vector<16xi32>
      %reduce_sum3A_180 = arith.constant true
      %reduce_sum3A_181 = vector.broadcast %reduce_sum3A_180 : i1 to vector<16xi1>
      %reduce_sum3A_182 = tpu.scan <sum>, %select_n3A_179 masked %reduce_sum3A_181 : vector<16xi32>, vector<16xi1> -> vector<16xi32>
      %reduce_sum3A_183 = vector.extract %reduce_sum3A_182[15] : i32 from vector<16xi32>
      %ge3A_184 = vector.broadcast %reduce_sum3A_173 : i32 to vector<16xi32>
      %ge3A_185 = arith.cmpi sge, %add3A_75, %ge3A_184 : vector<16xi32>
      %add3A_186 = arith.addi %reduce_sum3A_173, %reduce_sum3A_183 : i32
      %lt3A_187 = vector.broadcast %add3A_186 : i32 to vector<16xi32>
      %lt3A_188 = arith.cmpi slt, %add3A_75, %lt3A_187 : vector<16xi32>
      %and3A_189 = arith.andi %ge3A_185, %lt3A_188 : vector<16xi1>
      %jit3A_190 = arith.constant 3 : i32
      %broadcast_in_dim3A_191 = vector.broadcast %jit3A_190 : i32 to vector<16xi32>
      %select_n3A_192 = arith.select %and3A_189, %broadcast_in_dim3A_191, %select_n3A_163 : vector<16xi1>, vector<16xi32>
      %eq3A_193 = arith.constant 4 : i32
      %eq3A_194 = vector.broadcast %eq3A_193 : i32 to vector<16xi32>
      %eq3A_195 = arith.cmpi eq, %iota3A, %eq3A_194 : vector<16xi32>
      %jit3A_196 = arith.constant 0 : i32
      %broadcast_in_dim3A_197 = vector.broadcast %jit3A_196 : i32 to vector<16xi32>
      %select_n3A_198 = arith.select %eq3A_195, %sub3A_48, %broadcast_in_dim3A_197 : vector<16xi1>, vector<16xi32>
      %reduce_sum3A_199 = arith.constant true
      %reduce_sum3A_200 = vector.broadcast %reduce_sum3A_199 : i1 to vector<16xi1>
      %reduce_sum3A_201 = tpu.scan <sum>, %select_n3A_198 masked %reduce_sum3A_200 : vector<16xi32>, vector<16xi1> -> vector<16xi32>
      %reduce_sum3A_202 = vector.extract %reduce_sum3A_201[15] : i32 from vector<16xi32>
      %eq3A_203 = arith.constant 4 : i32
      %eq3A_204 = vector.broadcast %eq3A_203 : i32 to vector<16xi32>
      %eq3A_205 = arith.cmpi eq, %iota3A, %eq3A_204 : vector<16xi32>
      %jit3A_206 = arith.constant 0 : i32
      %broadcast_in_dim3A_207 = vector.broadcast %jit3A_206 : i32 to vector<16xi32>
      %select_n3A_208 = arith.select %eq3A_205, %select_n3A_45, %broadcast_in_dim3A_207 : vector<16xi1>, vector<16xi32>
      %reduce_sum3A_209 = arith.constant true
      %reduce_sum3A_210 = vector.broadcast %reduce_sum3A_209 : i1 to vector<16xi1>
      %reduce_sum3A_211 = tpu.scan <sum>, %select_n3A_208 masked %reduce_sum3A_210 : vector<16xi32>, vector<16xi1> -> vector<16xi32>
      %reduce_sum3A_212 = vector.extract %reduce_sum3A_211[15] : i32 from vector<16xi32>
      %ge3A_213 = vector.broadcast %reduce_sum3A_202 : i32 to vector<16xi32>
      %ge3A_214 = arith.cmpi sge, %add3A_75, %ge3A_213 : vector<16xi32>
      %add3A_215 = arith.addi %reduce_sum3A_202, %reduce_sum3A_212 : i32
      %lt3A_216 = vector.broadcast %add3A_215 : i32 to vector<16xi32>
      %lt3A_217 = arith.cmpi slt, %add3A_75, %lt3A_216 : vector<16xi32>
      %and3A_218 = arith.andi %ge3A_214, %lt3A_217 : vector<16xi1>
      %jit3A_219 = arith.constant 4 : i32
      %broadcast_in_dim3A_220 = vector.broadcast %jit3A_219 : i32 to vector<16xi32>
      %select_n3A_221 = arith.select %and3A_218, %broadcast_in_dim3A_220, %select_n3A_192 : vector<16xi1>, vector<16xi32>
      %eq3A_222 = arith.constant 5 : i32
      %eq3A_223 = vector.broadcast %eq3A_222 : i32 to vector<16xi32>
      %eq3A_224 = arith.cmpi eq, %iota3A, %eq3A_223 : vector<16xi32>
      %jit3A_225 = arith.constant 0 : i32
      %broadcast_in_dim3A_226 = vector.broadcast %jit3A_225 : i32 to vector<16xi32>
      %select_n3A_227 = arith.select %eq3A_224, %sub3A_48, %broadcast_in_dim3A_226 : vector<16xi1>, vector<16xi32>
      %reduce_sum3A_228 = arith.constant true
      %reduce_sum3A_229 = vector.broadcast %reduce_sum3A_228 : i1 to vector<16xi1>
      %reduce_sum3A_230 = tpu.scan <sum>, %select_n3A_227 masked %reduce_sum3A_229 : vector<16xi32>, vector<16xi1> -> vector<16xi32>
      %reduce_sum3A_231 = vector.extract %reduce_sum3A_230[15] : i32 from vector<16xi32>
      %eq3A_232 = arith.constant 5 : i32
      %eq3A_233 = vector.broadcast %eq3A_232 : i32 to vector<16xi32>
      %eq3A_234 = arith.cmpi eq, %iota3A, %eq3A_233 : vector<16xi32>
      %jit3A_235 = arith.constant 0 : i32
      %broadcast_in_dim3A_236 = vector.broadcast %jit3A_235 : i32 to vector<16xi32>
      %select_n3A_237 = arith.select %eq3A_234, %select_n3A_45, %broadcast_in_dim3A_236 : vector<16xi1>, vector<16xi32>
      %reduce_sum3A_238 = arith.constant true
      %reduce_sum3A_239 = vector.broadcast %reduce_sum3A_238 : i1 to vector<16xi1>
      %reduce_sum3A_240 = tpu.scan <sum>, %select_n3A_237 masked %reduce_sum3A_239 : vector<16xi32>, vector<16xi1> -> vector<16xi32>
      %reduce_sum3A_241 = vector.extract %reduce_sum3A_240[15] : i32 from vector<16xi32>
      %ge3A_242 = vector.broadcast %reduce_sum3A_231 : i32 to vector<16xi32>
      %ge3A_243 = arith.cmpi sge, %add3A_75, %ge3A_242 : vector<16xi32>
      %add3A_244 = arith.addi %reduce_sum3A_231, %reduce_sum3A_241 : i32
      %lt3A_245 = vector.broadcast %add3A_244 : i32 to vector<16xi32>
      %lt3A_246 = arith.cmpi slt, %add3A_75, %lt3A_245 : vector<16xi32>
      %and3A_247 = arith.andi %ge3A_243, %lt3A_246 : vector<16xi1>
      %jit3A_248 = arith.constant 5 : i32
      %broadcast_in_dim3A_249 = vector.broadcast %jit3A_248 : i32 to vector<16xi32>
      %select_n3A_250 = arith.select %and3A_247, %broadcast_in_dim3A_249, %select_n3A_221 : vector<16xi1>, vector<16xi32>
      %eq3A_251 = arith.constant 6 : i32
      %eq3A_252 = vector.broadcast %eq3A_251 : i32 to vector<16xi32>
      %eq3A_253 = arith.cmpi eq, %iota3A, %eq3A_252 : vector<16xi32>
      %jit3A_254 = arith.constant 0 : i32
      %broadcast_in_dim3A_255 = vector.broadcast %jit3A_254 : i32 to vector<16xi32>
      %select_n3A_256 = arith.select %eq3A_253, %sub3A_48, %broadcast_in_dim3A_255 : vector<16xi1>, vector<16xi32>
      %reduce_sum3A_257 = arith.constant true
      %reduce_sum3A_258 = vector.broadcast %reduce_sum3A_257 : i1 to vector<16xi1>
      %reduce_sum3A_259 = tpu.scan <sum>, %select_n3A_256 masked %reduce_sum3A_258 : vector<16xi32>, vector<16xi1> -> vector<16xi32>
      %reduce_sum3A_260 = vector.extract %reduce_sum3A_259[15] : i32 from vector<16xi32>
      %eq3A_261 = arith.constant 6 : i32
      %eq3A_262 = vector.broadcast %eq3A_261 : i32 to vector<16xi32>
      %eq3A_263 = arith.cmpi eq, %iota3A, %eq3A_262 : vector<16xi32>
      %jit3A_264 = arith.constant 0 : i32
      %broadcast_in_dim3A_265 = vector.broadcast %jit3A_264 : i32 to vector<16xi32>
      %select_n3A_266 = arith.select %eq3A_263, %select_n3A_45, %broadcast_in_dim3A_265 : vector<16xi1>, vector<16xi32>
      %reduce_sum3A_267 = arith.constant true
      %reduce_sum3A_268 = vector.broadcast %reduce_sum3A_267 : i1 to vector<16xi1>
      %reduce_sum3A_269 = tpu.scan <sum>, %select_n3A_266 masked %reduce_sum3A_268 : vector<16xi32>, vector<16xi1> -> vector<16xi32>
      %reduce_sum3A_270 = vector.extract %reduce_sum3A_269[15] : i32 from vector<16xi32>
      %ge3A_271 = vector.broadcast %reduce_sum3A_260 : i32 to vector<16xi32>
      %ge3A_272 = arith.cmpi sge, %add3A_75, %ge3A_271 : vector<16xi32>
      %add3A_273 = arith.addi %reduce_sum3A_260, %reduce_sum3A_270 : i32
      %lt3A_274 = vector.broadcast %add3A_273 : i32 to vector<16xi32>
      %lt3A_275 = arith.cmpi slt, %add3A_75, %lt3A_274 : vector<16xi32>
      %and3A_276 = arith.andi %ge3A_272, %lt3A_275 : vector<16xi1>
      %jit3A_277 = arith.constant 6 : i32
      %broadcast_in_dim3A_278 = vector.broadcast %jit3A_277 : i32 to vector<16xi32>
      %select_n3A_279 = arith.select %and3A_276, %broadcast_in_dim3A_278, %select_n3A_250 : vector<16xi1>, vector<16xi32>
      %eq3A_280 = arith.constant 7 : i32
      %eq3A_281 = vector.broadcast %eq3A_280 : i32 to vector<16xi32>
      %eq3A_282 = arith.cmpi eq, %iota3A, %eq3A_281 : vector<16xi32>
      %jit3A_283 = arith.constant 0 : i32
      %broadcast_in_dim3A_284 = vector.broadcast %jit3A_283 : i32 to vector<16xi32>
      %select_n3A_285 = arith.select %eq3A_282, %sub3A_48, %broadcast_in_dim3A_284 : vector<16xi1>, vector<16xi32>
      %reduce_sum3A_286 = arith.constant true
      %reduce_sum3A_287 = vector.broadcast %reduce_sum3A_286 : i1 to vector<16xi1>
      %reduce_sum3A_288 = tpu.scan <sum>, %select_n3A_285 masked %reduce_sum3A_287 : vector<16xi32>, vector<16xi1> -> vector<16xi32>
      %reduce_sum3A_289 = vector.extract %reduce_sum3A_288[15] : i32 from vector<16xi32>
      %eq3A_290 = arith.constant 7 : i32
      %eq3A_291 = vector.broadcast %eq3A_290 : i32 to vector<16xi32>
      %eq3A_292 = arith.cmpi eq, %iota3A, %eq3A_291 : vector<16xi32>
      %jit3A_293 = arith.constant 0 : i32
      %broadcast_in_dim3A_294 = vector.broadcast %jit3A_293 : i32 to vector<16xi32>
      %select_n3A_295 = arith.select %eq3A_292, %select_n3A_45, %broadcast_in_dim3A_294 : vector<16xi1>, vector<16xi32>
      %reduce_sum3A_296 = arith.constant true
      %reduce_sum3A_297 = vector.broadcast %reduce_sum3A_296 : i1 to vector<16xi1>
      %reduce_sum3A_298 = tpu.scan <sum>, %select_n3A_295 masked %reduce_sum3A_297 : vector<16xi32>, vector<16xi1> -> vector<16xi32>
      %reduce_sum3A_299 = vector.extract %reduce_sum3A_298[15] : i32 from vector<16xi32>
      %ge3A_300 = vector.broadcast %reduce_sum3A_289 : i32 to vector<16xi32>
      %ge3A_301 = arith.cmpi sge, %add3A_75, %ge3A_300 : vector<16xi32>
      %add3A_302 = arith.addi %reduce_sum3A_289, %reduce_sum3A_299 : i32
      %lt3A_303 = vector.broadcast %add3A_302 : i32 to vector<16xi32>
      %lt3A_304 = arith.cmpi slt, %add3A_75, %lt3A_303 : vector<16xi32>
      %and3A_305 = arith.andi %ge3A_301, %lt3A_304 : vector<16xi1>
      %jit3A_306 = arith.constant 7 : i32
      %broadcast_in_dim3A_307 = vector.broadcast %jit3A_306 : i32 to vector<16xi32>
      %select_n3A_308 = arith.select %and3A_305, %broadcast_in_dim3A_307, %select_n3A_279 : vector<16xi1>, vector<16xi32>
      %lt3A_309 = vector.broadcast %reduce_sum3A_57 : i32 to vector<16xi32>
      %lt3A_310 = arith.cmpi slt, %add3A_75, %lt3A_309 : vector<16xi32>
      %broadcast_in_dim3A_311 = vector.broadcast %reduce_max3A_69 : i32 to vector<16xi32>
      %select_n3A_312 = arith.select %lt3A_310, %select_n3A_308, %broadcast_in_dim3A_311 : vector<16xi1>, vector<16xi32>
      %swap3A = arith.constant 0 : index
      %swap3A_313 = tpu.vector_load %arg11[%swap3A] {strides = array<i32>} : memref<32xi32, #tpu.memory_space<vmem>>, vector<16xi32>,
      tpu.vector_store %arg11[%swap3A], %select_n3A_312 {strides = array<i32>} : memref<32xi32, #tpu.memory_space<vmem>>, vector<16xi32>,
      %sub3A_314 = arith.constant 1 : i32
      %sub3A_315 = arith.subi %reduce_sum3A_57, %sub3A_314 : i32
      %broadcast_in_dim3A_316 = vector.broadcast %sub3A_315 : i32 to vector<16xi32>
      %select_n3A_317 = arith.select %lt3A_310, %add3A_75, %broadcast_in_dim3A_316 : vector<16xi1>, vector<16xi32>
      %swap3A_318 = arith.constant 0 : index
      %swap3A_319 = tpu.vector_load %arg12[%swap3A_318] {strides = array<i32>} : memref<32xi32, #tpu.memory_space<vmem>>, vector<16xi32>,
      tpu.vector_store %arg12[%swap3A_318], %select_n3A_317 {strides = array<i32>} : memref<32xi32, #tpu.memory_space<vmem>>, vector<16xi32>,
      %add3A_320 = arith.constant 16 : i32
      %add3A_321 = vector.broadcast %add3A_320 : i32 to vector<16xi32>
      %add3A_322 = arith.addi %iota3A, %add3A_321 : vector<16xi32>
      %broadcast_in_dim3A_323 = arith.constant 0 : i32
      %broadcast_in_dim3A_324 = vector.broadcast %broadcast_in_dim3A_323 : i32 to vector<16xi32>
      %eq3A_325 = arith.constant 0 : i32
      %eq3A_326 = vector.broadcast %eq3A_325 : i32 to vector<16xi32>
      %eq3A_327 = arith.cmpi eq, %iota3A, %eq3A_326 : vector<16xi32>
      %jit3A_328 = arith.constant 0 : i32
      %broadcast_in_dim3A_329 = vector.broadcast %jit3A_328 : i32 to vector<16xi32>
      %select_n3A_330 = arith.select %eq3A_327, %sub3A_48, %broadcast_in_dim3A_329 : vector<16xi1>, vector<16xi32>
      %reduce_sum3A_331 = arith.constant true
      %reduce_sum3A_332 = vector.broadcast %reduce_sum3A_331 : i1 to vector<16xi1>
      %reduce_sum3A_333 = tpu.scan <sum>, %select_n3A_330 masked %reduce_sum3A_332 : vector<16xi32>, vector<16xi1> -> vector<16xi32>
      %reduce_sum3A_334 = vector.extract %reduce_sum3A_333[15] : i32 from vector<16xi32>
      %eq3A_335 = arith.constant 0 : i32
      %eq3A_336 = vector.broadcast %eq3A_335 : i32 to vector<16xi32>
      %eq3A_337 = arith.cmpi eq, %iota3A, %eq3A_336 : vector<16xi32>
      %jit3A_338 = arith.constant 0 : i32
      %broadcast_in_dim3A_339 = vector.broadcast %jit3A_338 : i32 to vector<16xi32>
      %select_n3A_340 = arith.select %eq3A_337, %select_n3A_45, %broadcast_in_dim3A_339 : vector<16xi1>, vector<16xi32>
      %reduce_sum3A_341 = arith.constant true
      %reduce_sum3A_342 = vector.broadcast %reduce_sum3A_341 : i1 to vector<16xi1>
      %reduce_sum3A_343 = tpu.scan <sum>, %select_n3A_340 masked %reduce_sum3A_342 : vector<16xi32>, vector<16xi1> -> vector<16xi32>
      %reduce_sum3A_344 = vector.extract %reduce_sum3A_343[15] : i32 from vector<16xi32>
      %ge3A_345 = vector.broadcast %reduce_sum3A_334 : i32 to vector<16xi32>
      %ge3A_346 = arith.cmpi sge, %add3A_322, %ge3A_345 : vector<16xi32>
      %add3A_347 = arith.addi %reduce_sum3A_334, %reduce_sum3A_344 : i32
      %lt3A_348 = vector.broadcast %add3A_347 : i32 to vector<16xi32>
      %lt3A_349 = arith.cmpi slt, %add3A_322, %lt3A_348 : vector<16xi32>
      %and3A_350 = arith.andi %ge3A_346, %lt3A_349 : vector<16xi1>
      %jit3A_351 = arith.constant 0 : i32
      %broadcast_in_dim3A_352 = vector.broadcast %jit3A_351 : i32 to vector<16xi32>
      %select_n3A_353 = arith.select %and3A_350, %broadcast_in_dim3A_352, %broadcast_in_dim3A_324 : vector<16xi1>, vector<16xi32>
      %eq3A_354 = arith.constant 1 : i32
      %eq3A_355 = vector.broadcast %eq3A_354 : i32 to vector<16xi32>
      %eq3A_356 = arith.cmpi eq, %iota3A, %eq3A_355 : vector<16xi32>
      %jit3A_357 = arith.constant 0 : i32
      %broadcast_in_dim3A_358 = vector.broadcast %jit3A_357 : i32 to vector<16xi32>
      %select_n3A_359 = arith.select %eq3A_356, %sub3A_48, %broadcast_in_dim3A_358 : vector<16xi1>, vector<16xi32>
      %reduce_sum3A_360 = arith.constant true
      %reduce_sum3A_361 = vector.broadcast %reduce_sum3A_360 : i1 to vector<16xi1>
      %reduce_sum3A_362 = tpu.scan <sum>, %select_n3A_359 masked %reduce_sum3A_361 : vector<16xi32>, vector<16xi1> -> vector<16xi32>
      %reduce_sum3A_363 = vector.extract %reduce_sum3A_362[15] : i32 from vector<16xi32>
      %eq3A_364 = arith.constant 1 : i32
      %eq3A_365 = vector.broadcast %eq3A_364 : i32 to vector<16xi32>
      %eq3A_366 = arith.cmpi eq, %iota3A, %eq3A_365 : vector<16xi32>
      %jit3A_367 = arith.constant 0 : i32
      %broadcast_in_dim3A_368 = vector.broadcast %jit3A_367 : i32 to vector<16xi32>
      %select_n3A_369 = arith.select %eq3A_366, %select_n3A_45, %broadcast_in_dim3A_368 : vector<16xi1>, vector<16xi32>
      %reduce_sum3A_370 = arith.constant true
      %reduce_sum3A_371 = vector.broadcast %reduce_sum3A_370 : i1 to vector<16xi1>
      %reduce_sum3A_372 = tpu.scan <sum>, %select_n3A_369 masked %reduce_sum3A_371 : vector<16xi32>, vector<16xi1> -> vector<16xi32>
      %reduce_sum3A_373 = vector.extract %reduce_sum3A_372[15] : i32 from vector<16xi32>
      %ge3A_374 = vector.broadcast %reduce_sum3A_363 : i32 to vector<16xi32>
      %ge3A_375 = arith.cmpi sge, %add3A_322, %ge3A_374 : vector<16xi32>
      %add3A_376 = arith.addi %reduce_sum3A_363, %reduce_sum3A_373 : i32
      %lt3A_377 = vector.broadcast %add3A_376 : i32 to vector<16xi32>
      %lt3A_378 = arith.cmpi slt, %add3A_322, %lt3A_377 : vector<16xi32>
      %and3A_379 = arith.andi %ge3A_375, %lt3A_378 : vector<16xi1>
      %jit3A_380 = arith.constant 1 : i32
      %broadcast_in_dim3A_381 = vector.broadcast %jit3A_380 : i32 to vector<16xi32>
      %select_n3A_382 = arith.select %and3A_379, %broadcast_in_dim3A_381, %select_n3A_353 : vector<16xi1>, vector<16xi32>
      %eq3A_383 = arith.constant 2 : i32
      %eq3A_384 = vector.broadcast %eq3A_383 : i32 to vector<16xi32>
      %eq3A_385 = arith.cmpi eq, %iota3A, %eq3A_384 : vector<16xi32>
      %jit3A_386 = arith.constant 0 : i32
      %broadcast_in_dim3A_387 = vector.broadcast %jit3A_386 : i32 to vector<16xi32>
      %select_n3A_388 = arith.select %eq3A_385, %sub3A_48, %broadcast_in_dim3A_387 : vector<16xi1>, vector<16xi32>
      %reduce_sum3A_389 = arith.constant true
      %reduce_sum3A_390 = vector.broadcast %reduce_sum3A_389 : i1 to vector<16xi1>
      %reduce_sum3A_391 = tpu.scan <sum>, %select_n3A_388 masked %reduce_sum3A_390 : vector<16xi32>, vector<16xi1> -> vector<16xi32>
      %reduce_sum3A_392 = vector.extract %reduce_sum3A_391[15] : i32 from vector<16xi32>
      %eq3A_393 = arith.constant 2 : i32
      %eq3A_394 = vector.broadcast %eq3A_393 : i32 to vector<16xi32>
      %eq3A_395 = arith.cmpi eq, %iota3A, %eq3A_394 : vector<16xi32>
      %jit3A_396 = arith.constant 0 : i32
      %broadcast_in_dim3A_397 = vector.broadcast %jit3A_396 : i32 to vector<16xi32>
      %select_n3A_398 = arith.select %eq3A_395, %select_n3A_45, %broadcast_in_dim3A_397 : vector<16xi1>, vector<16xi32>
      %reduce_sum3A_399 = arith.constant true
      %reduce_sum3A_400 = vector.broadcast %reduce_sum3A_399 : i1 to vector<16xi1>
      %reduce_sum3A_401 = tpu.scan <sum>, %select_n3A_398 masked %reduce_sum3A_400 : vector<16xi32>, vector<16xi1> -> vector<16xi32>
      %reduce_sum3A_402 = vector.extract %reduce_sum3A_401[15] : i32 from vector<16xi32>
      %ge3A_403 = vector.broadcast %reduce_sum3A_392 : i32 to vector<16xi32>
      %ge3A_404 = arith.cmpi sge, %add3A_322, %ge3A_403 : vector<16xi32>
      %add3A_405 = arith.addi %reduce_sum3A_392, %reduce_sum3A_402 : i32
      %lt3A_406 = vector.broadcast %add3A_405 : i32 to vector<16xi32>
      %lt3A_407 = arith.cmpi slt, %add3A_322, %lt3A_406 : vector<16xi32>
      %and3A_408 = arith.andi %ge3A_404, %lt3A_407 : vector<16xi1>
      %jit3A_409 = arith.constant 2 : i32
      %broadcast_in_dim3A_410 = vector.broadcast %jit3A_409 : i32 to vector<16xi32>
      %select_n3A_411 = arith.select %and3A_408, %broadcast_in_dim3A_410, %select_n3A_382 : vector<16xi1>, vector<16xi32>
      %eq3A_412 = arith.constant 3 : i32
      %eq3A_413 = vector.broadcast %eq3A_412 : i32 to vector<16xi32>
      %eq3A_414 = arith.cmpi eq, %iota3A, %eq3A_413 : vector<16xi32>
      %jit3A_415 = arith.constant 0 : i32
      %broadcast_in_dim3A_416 = vector.broadcast %jit3A_415 : i32 to vector<16xi32>
      %select_n3A_417 = arith.select %eq3A_414, %sub3A_48, %broadcast_in_dim3A_416 : vector<16xi1>, vector<16xi32>
      %reduce_sum3A_418 = arith.constant true
      %reduce_sum3A_419 = vector.broadcast %reduce_sum3A_418 : i1 to vector<16xi1>
      %reduce_sum3A_420 = tpu.scan <sum>, %select_n3A_417 masked %reduce_sum3A_419 : vector<16xi32>, vector<16xi1> -> vector<16xi32>
      %reduce_sum3A_421 = vector.extract %reduce_sum3A_420[15] : i32 from vector<16xi32>
      %eq3A_422 = arith.constant 3 : i32
      %eq3A_423 = vector.broadcast %eq3A_422 : i32 to vector<16xi32>
      %eq3A_424 = arith.cmpi eq, %iota3A, %eq3A_423 : vector<16xi32>
      %jit3A_425 = arith.constant 0 : i32
      %broadcast_in_dim3A_426 = vector.broadcast %jit3A_425 : i32 to vector<16xi32>
      %select_n3A_427 = arith.select %eq3A_424, %select_n3A_45, %broadcast_in_dim3A_426 : vector<16xi1>, vector<16xi32>
      %reduce_sum3A_428 = arith.constant true
      %reduce_sum3A_429 = vector.broadcast %reduce_sum3A_428 : i1 to vector<16xi1>
      %reduce_sum3A_430 = tpu.scan <sum>, %select_n3A_427 masked %reduce_sum3A_429 : vector<16xi32>, vector<16xi1> -> vector<16xi32>
      %reduce_sum3A_431 = vector.extract %reduce_sum3A_430[15] : i32 from vector<16xi32>
      %ge3A_432 = vector.broadcast %reduce_sum3A_421 : i32 to vector<16xi32>
      %ge3A_433 = arith.cmpi sge, %add3A_322, %ge3A_432 : vector<16xi32>
      %add3A_434 = arith.addi %reduce_sum3A_421, %reduce_sum3A_431 : i32
      %lt3A_435 = vector.broadcast %add3A_434 : i32 to vector<16xi32>
      %lt3A_436 = arith.cmpi slt, %add3A_322, %lt3A_435 : vector<16xi32>
      %and3A_437 = arith.andi %ge3A_433, %lt3A_436 : vector<16xi1>
      %jit3A_438 = arith.constant 3 : i32
      %broadcast_in_dim3A_439 = vector.broadcast %jit3A_438 : i32 to vector<16xi32>
      %select_n3A_440 = arith.select %and3A_437, %broadcast_in_dim3A_439, %select_n3A_411 : vector<16xi1>, vector<16xi32>
      %eq3A_441 = arith.constant 4 : i32
      %eq3A_442 = vector.broadcast %eq3A_441 : i32 to vector<16xi32>
      %eq3A_443 = arith.cmpi eq, %iota3A, %eq3A_442 : vector<16xi32>
      %jit3A_444 = arith.constant 0 : i32
      %broadcast_in_dim3A_445 = vector.broadcast %jit3A_444 : i32 to vector<16xi32>
      %select_n3A_446 = arith.select %eq3A_443, %sub3A_48, %broadcast_in_dim3A_445 : vector<16xi1>, vector<16xi32>
      %reduce_sum3A_447 = arith.constant true
      %reduce_sum3A_448 = vector.broadcast %reduce_sum3A_447 : i1 to vector<16xi1>
      %reduce_sum3A_449 = tpu.scan <sum>, %select_n3A_446 masked %reduce_sum3A_448 : vector<16xi32>, vector<16xi1> -> vector<16xi32>
      %reduce_sum3A_450 = vector.extract %reduce_sum3A_449[15] : i32 from vector<16xi32>
      %eq3A_451 = arith.constant 4 : i32
      %eq3A_452 = vector.broadcast %eq3A_451 : i32 to vector<16xi32>
      %eq3A_453 = arith.cmpi eq, %iota3A, %eq3A_452 : vector<16xi32>
      %jit3A_454 = arith.constant 0 : i32
      %broadcast_in_dim3A_455 = vector.broadcast %jit3A_454 : i32 to vector<16xi32>
      %select_n3A_456 = arith.select %eq3A_453, %select_n3A_45, %broadcast_in_dim3A_455 : vector<16xi1>, vector<16xi32>
      %reduce_sum3A_457 = arith.constant true
      %reduce_sum3A_458 = vector.broadcast %reduce_sum3A_457 : i1 to vector<16xi1>
      %reduce_sum3A_459 = tpu.scan <sum>, %select_n3A_456 masked %reduce_sum3A_458 : vector<16xi32>, vector<16xi1> -> vector<16xi32>
      %reduce_sum3A_460 = vector.extract %reduce_sum3A_459[15] : i32 from vector<16xi32>
      %ge3A_461 = vector.broadcast %reduce_sum3A_450 : i32 to vector<16xi32>
      %ge3A_462 = arith.cmpi sge, %add3A_322, %ge3A_461 : vector<16xi32>
      %add3A_463 = arith.addi %reduce_sum3A_450, %reduce_sum3A_460 : i32
      %lt3A_464 = vector.broadcast %add3A_463 : i32 to vector<16xi32>
      %lt3A_465 = arith.cmpi slt, %add3A_322, %lt3A_464 : vector<16xi32>
      %and3A_466 = arith.andi %ge3A_462, %lt3A_465 : vector<16xi1>
      %jit3A_467 = arith.constant 4 : i32
      %broadcast_in_dim3A_468 = vector.broadcast %jit3A_467 : i32 to vector<16xi32>
      %select_n3A_469 = arith.select %and3A_466, %broadcast_in_dim3A_468, %select_n3A_440 : vector<16xi1>, vector<16xi32>
      %eq3A_470 = arith.constant 5 : i32
      %eq3A_471 = vector.broadcast %eq3A_470 : i32 to vector<16xi32>
      %eq3A_472 = arith.cmpi eq, %iota3A, %eq3A_471 : vector<16xi32>
      %jit3A_473 = arith.constant 0 : i32
      %broadcast_in_dim3A_474 = vector.broadcast %jit3A_473 : i32 to vector<16xi32>
      %select_n3A_475 = arith.select %eq3A_472, %sub3A_48, %broadcast_in_dim3A_474 : vector<16xi1>, vector<16xi32>
      %reduce_sum3A_476 = arith.constant true
      %reduce_sum3A_477 = vector.broadcast %reduce_sum3A_476 : i1 to vector<16xi1>
      %reduce_sum3A_478 = tpu.scan <sum>, %select_n3A_475 masked %reduce_sum3A_477 : vector<16xi32>, vector<16xi1> -> vector<16xi32>
      %reduce_sum3A_479 = vector.extract %reduce_sum3A_478[15] : i32 from vector<16xi32>
      %eq3A_480 = arith.constant 5 : i32
      %eq3A_481 = vector.broadcast %eq3A_480 : i32 to vector<16xi32>
      %eq3A_482 = arith.cmpi eq, %iota3A, %eq3A_481 : vector<16xi32>
      %jit3A_483 = arith.constant 0 : i32
      %broadcast_in_dim3A_484 = vector.broadcast %jit3A_483 : i32 to vector<16xi32>
      %select_n3A_485 = arith.select %eq3A_482, %select_n3A_45, %broadcast_in_dim3A_484 : vector<16xi1>, vector<16xi32>
      %reduce_sum3A_486 = arith.constant true
      %reduce_sum3A_487 = vector.broadcast %reduce_sum3A_486 : i1 to vector<16xi1>
      %reduce_sum3A_488 = tpu.scan <sum>, %select_n3A_485 masked %reduce_sum3A_487 : vector<16xi32>, vector<16xi1> -> vector<16xi32>
      %reduce_sum3A_489 = vector.extract %reduce_sum3A_488[15] : i32 from vector<16xi32>
      %ge3A_490 = vector.broadcast %reduce_sum3A_479 : i32 to vector<16xi32>
      %ge3A_491 = arith.cmpi sge, %add3A_322, %ge3A_490 : vector<16xi32>
      %add3A_492 = arith.addi %reduce_sum3A_479, %reduce_sum3A_489 : i32
      %lt3A_493 = vector.broadcast %add3A_492 : i32 to vector<16xi32>
      %lt3A_494 = arith.cmpi slt, %add3A_322, %lt3A_493 : vector<16xi32>
      %and3A_495 = arith.andi %ge3A_491, %lt3A_494 : vector<16xi1>
      %jit3A_496 = arith.constant 5 : i32
      %broadcast_in_dim3A_497 = vector.broadcast %jit3A_496 : i32 to vector<16xi32>
      %select_n3A_498 = arith.select %and3A_495, %broadcast_in_dim3A_497, %select_n3A_469 : vector<16xi1>, vector<16xi32>
      %eq3A_499 = arith.constant 6 : i32
      %eq3A_500 = vector.broadcast %eq3A_499 : i32 to vector<16xi32>
      %eq3A_501 = arith.cmpi eq, %iota3A, %eq3A_500 : vector<16xi32>
      %jit3A_502 = arith.constant 0 : i32
      %broadcast_in_dim3A_503 = vector.broadcast %jit3A_502 : i32 to vector<16xi32>
      %select_n3A_504 = arith.select %eq3A_501, %sub3A_48, %broadcast_in_dim3A_503 : vector<16xi1>, vector<16xi32>
      %reduce_sum3A_505 = arith.constant true
      %reduce_sum3A_506 = vector.broadcast %reduce_sum3A_505 : i1 to vector<16xi1>
      %reduce_sum3A_507 = tpu.scan <sum>, %select_n3A_504 masked %reduce_sum3A_506 : vector<16xi32>, vector<16xi1> -> vector<16xi32>
      %reduce_sum3A_508 = vector.extract %reduce_sum3A_507[15] : i32 from vector<16xi32>
      %eq3A_509 = arith.constant 6 : i32
      %eq3A_510 = vector.broadcast %eq3A_509 : i32 to vector<16xi32>
      %eq3A_511 = arith.cmpi eq, %iota3A, %eq3A_510 : vector<16xi32>
      %jit3A_512 = arith.constant 0 : i32
      %broadcast_in_dim3A_513 = vector.broadcast %jit3A_512 : i32 to vector<16xi32>
      %select_n3A_514 = arith.select %eq3A_511, %select_n3A_45, %broadcast_in_dim3A_513 : vector<16xi1>, vector<16xi32>
      %reduce_sum3A_515 = arith.constant true
      %reduce_sum3A_516 = vector.broadcast %reduce_sum3A_515 : i1 to vector<16xi1>
      %reduce_sum3A_517 = tpu.scan <sum>, %select_n3A_514 masked %reduce_sum3A_516 : vector<16xi32>, vector<16xi1> -> vector<16xi32>
      %reduce_sum3A_518 = vector.extract %reduce_sum3A_517[15] : i32 from vector<16xi32>
      %ge3A_519 = vector.broadcast %reduce_sum3A_508 : i32 to vector<16xi32>
      %ge3A_520 = arith.cmpi sge, %add3A_322, %ge3A_519 : vector<16xi32>
      %add3A_521 = arith.addi %reduce_sum3A_508, %reduce_sum3A_518 : i32
      %lt3A_522 = vector.broadcast %add3A_521 : i32 to vector<16xi32>
      %lt3A_523 = arith.cmpi slt, %add3A_322, %lt3A_522 : vector<16xi32>
      %and3A_524 = arith.andi %ge3A_520, %lt3A_523 : vector<16xi1>
      %jit3A_525 = arith.constant 6 : i32
      %broadcast_in_dim3A_526 = vector.broadcast %jit3A_525 : i32 to vector<16xi32>
      %select_n3A_527 = arith.select %and3A_524, %broadcast_in_dim3A_526, %select_n3A_498 : vector<16xi1>, vector<16xi32>
      %eq3A_528 = arith.constant 7 : i32
      %eq3A_529 = vector.broadcast %eq3A_528 : i32 to vector<16xi32>
      %eq3A_530 = arith.cmpi eq, %iota3A, %eq3A_529 : vector<16xi32>
      %jit3A_531 = arith.constant 0 : i32
      %broadcast_in_dim3A_532 = vector.broadcast %jit3A_531 : i32 to vector<16xi32>
      %select_n3A_533 = arith.select %eq3A_530, %sub3A_48, %broadcast_in_dim3A_532 : vector<16xi1>, vector<16xi32>
      %reduce_sum3A_534 = arith.constant true
      %reduce_sum3A_535 = vector.broadcast %reduce_sum3A_534 : i1 to vector<16xi1>
      %reduce_sum3A_536 = tpu.scan <sum>, %select_n3A_533 masked %reduce_sum3A_535 : vector<16xi32>, vector<16xi1> -> vector<16xi32>
      %reduce_sum3A_537 = vector.extract %reduce_sum3A_536[15] : i32 from vector<16xi32>
      %eq3A_538 = arith.constant 7 : i32
      %eq3A_539 = vector.broadcast %eq3A_538 : i32 to vector<16xi32>
      %eq3A_540 = arith.cmpi eq, %iota3A, %eq3A_539 : vector<16xi32>
      %jit3A_541 = arith.constant 0 : i32
      %broadcast_in_dim3A_542 = vector.broadcast %jit3A_541 : i32 to vector<16xi32>
      %select_n3A_543 = arith.select %eq3A_540, %select_n3A_45, %broadcast_in_dim3A_542 : vector<16xi1>, vector<16xi32>
      %reduce_sum3A_544 = arith.constant true
      %reduce_sum3A_545 = vector.broadcast %reduce_sum3A_544 : i1 to vector<16xi1>
      %reduce_sum3A_546 = tpu.scan <sum>, %select_n3A_543 masked %reduce_sum3A_545 : vector<16xi32>, vector<16xi1> -> vector<16xi32>
      %reduce_sum3A_547 = vector.extract %reduce_sum3A_546[15] : i32 from vector<16xi32>
      %ge3A_548 = vector.broadcast %reduce_sum3A_537 : i32 to vector<16xi32>
      %ge3A_549 = arith.cmpi sge, %add3A_322, %ge3A_548 : vector<16xi32>
      %add3A_550 = arith.addi %reduce_sum3A_537, %reduce_sum3A_547 : i32
      %lt3A_551 = vector.broadcast %add3A_550 : i32 to vector<16xi32>
      %lt3A_552 = arith.cmpi slt, %add3A_322, %lt3A_551 : vector<16xi32>
      %and3A_553 = arith.andi %ge3A_549, %lt3A_552 : vector<16xi1>
      %jit3A_554 = arith.constant 7 : i32
      %broadcast_in_dim3A_555 = vector.broadcast %jit3A_554 : i32 to vector<16xi32>
      %select_n3A_556 = arith.select %and3A_553, %broadcast_in_dim3A_555, %select_n3A_527 : vector<16xi1>, vector<16xi32>
      %lt3A_557 = vector.broadcast %reduce_sum3A_57 : i32 to vector<16xi32>
      %lt3A_558 = arith.cmpi slt, %add3A_322, %lt3A_557 : vector<16xi32>
      %broadcast_in_dim3A_559 = vector.broadcast %reduce_max3A_69 : i32 to vector<16xi32>
      %select_n3A_560 = arith.select %lt3A_558, %select_n3A_556, %broadcast_in_dim3A_559 : vector<16xi1>, vector<16xi32>
      %swap3A_561 = arith.constant 16 : index
      %swap3A_562 = tpu.vector_load %arg11[%swap3A_561] {strides = array<i32>} : memref<32xi32, #tpu.memory_space<vmem>>, vector<16xi32>,
      tpu.vector_store %arg11[%swap3A_561], %select_n3A_560 {strides = array<i32>} : memref<32xi32, #tpu.memory_space<vmem>>, vector<16xi32>,
      %sub3A_563 = arith.constant 1 : i32
      %sub3A_564 = arith.subi %reduce_sum3A_57, %sub3A_563 : i32
      %broadcast_in_dim3A_565 = vector.broadcast %sub3A_564 : i32 to vector<16xi32>
      %select_n3A_566 = arith.select %lt3A_558, %add3A_322, %broadcast_in_dim3A_565 : vector<16xi1>, vector<16xi32>
      %swap3A_567 = arith.constant 16 : index
      %swap3A_568 = tpu.vector_load %arg12[%swap3A_567] {strides = array<i32>} : memref<32xi32, #tpu.memory_space<vmem>>, vector<16xi32>,
      tpu.vector_store %arg12[%swap3A_567], %select_n3A_566 {strides = array<i32>} : memref<32xi32, #tpu.memory_space<vmem>>, vector<16xi32>,
      %eq3A_569 = arith.constant 0 : i32
      %eq3A_570 = vector.broadcast %eq3A_569 : i32 to vector<16xi32>
      %eq3A_571 = arith.cmpi eq, %iota3A, %eq3A_570 : vector<16xi32>
      %mul3A_572 = arith.constant 640 : i32
      %mul3A_573 = arith.muli %reduce_sum3A_57, %mul3A_572 : i32
      %jit3A_574 = arith.constant 0 : i32
      %broadcast_in_dim3A_575 = vector.broadcast %mul3A_573 : i32 to vector<16xi32>
      %broadcast_in_dim3A_576 = vector.broadcast %jit3A_574 : i32 to vector<16xi32>
      %select_n3A_577 = arith.select %eq3A_571, %broadcast_in_dim3A_575, %broadcast_in_dim3A_576 : vector<16xi1>, vector<16xi32>
      %swap3A_578 = arith.constant 0 : index
      %swap3A_579 = tpu.vector_load %arg13[%swap3A_578] {strides = array<i32>} : memref<16xi32, #tpu.memory_space<vmem>>, vector<16xi32>,
      tpu.vector_store %arg13[%swap3A_578], %select_n3A_577 {strides = array<i32>} : memref<16xi32, #tpu.memory_space<vmem>>, vector<16xi32>,
      %scan3A_580 = arith.constant 0 : i32
      %scan3A_581 = arith.constant 256 : i32
      %scan3A_582 = arith.addi %scan3A_580, %scan3A_581 : i32
      %scan3A_583 = arith.constant 1 : i32
      %scan3A_584 = scf.for %scan3A_586 = %scan3A_580 to %scan3A_582 step %scan3A_583 iter_args(%scan3A_587 = %mul3A_72) -> (vector<16xi32>)  : i32 {
        %mul3A_588 = arith.constant 16 : i32
        %mul3A_589 = arith.muli %scan3A_586, %mul3A_588 : i32
        %get3A = arith.index_cast %mul3A_589 : i32 to index
        %get3A_590 = tpu.vector_load %arg8[%get3A] {strides = array<i32>} : memref<4096xi32, #tpu.memory_space<vmem>>, vector<16xi32>,
        %broadcast_in_dim3A_591 = arith.constant 0 : i32
        %broadcast_in_dim3A_592 = vector.broadcast %broadcast_in_dim3A_591 : i32 to vector<16xi32>
        %eq3A_593 = arith.constant 0 : i32
        %eq3A_594 = vector.broadcast %eq3A_593 : i32 to vector<16xi32>
        %eq3A_595 = arith.cmpi eq, %get3A_590, %eq3A_594 : vector<16xi32>
        %convert_element_type3A_596 = arith.extui %eq3A_595 : vector<16xi1> to vector<16xi32>
        %broadcast_in_dim3A_597 = arith.constant true
        %broadcast_in_dim3A_598 = vector.broadcast %broadcast_in_dim3A_597 : i1 to vector<16xi1>
        %masked_cumsum3A_599 = tpu.scan <sum>, %convert_element_type3A_596 masked %broadcast_in_dim3A_598 : vector<16xi32>, vector<16xi1> -> vector<16xi32>
        %eq3A_600 = arith.constant 0 : i32
        %eq3A_601 = vector.broadcast %eq3A_600 : i32 to vector<16xi32>
        %eq3A_602 = arith.cmpi eq, %iota3A, %eq3A_601 : vector<16xi32>
        %jit3A_603 = arith.constant 0 : i32
        %broadcast_in_dim3A_604 = vector.broadcast %jit3A_603 : i32 to vector<16xi32>
        %select_n3A_605 = arith.select %eq3A_602, %scan3A_587, %broadcast_in_dim3A_604 : vector<16xi1>, vector<16xi32>
        %reduce_sum3A_606 = arith.constant true
        %reduce_sum3A_607 = vector.broadcast %reduce_sum3A_606 : i1 to vector<16xi1>
        %reduce_sum3A_608 = tpu.scan <sum>, %select_n3A_605 masked %reduce_sum3A_607 : vector<16xi32>, vector<16xi1> -> vector<16xi32>
        %reduce_sum3A_609 = vector.extract %reduce_sum3A_608[15] : i32 from vector<16xi32>
        %add3A_610 = vector.broadcast %reduce_sum3A_609 : i32 to vector<16xi32>
        %add3A_611 = arith.addi %add3A_610, %masked_cumsum3A_599 : vector<16xi32>
        %sub3A_612 = arith.constant 1 : i32
        %sub3A_613 = vector.broadcast %sub3A_612 : i32 to vector<16xi32>
        %sub3A_614 = arith.subi %add3A_611, %sub3A_613 : vector<16xi32>
        %select_n3A_615 = arith.select %eq3A_595, %sub3A_614, %broadcast_in_dim3A_592 : vector<16xi1>, vector<16xi32>
        %eq3A_616 = arith.constant 0 : i32
        %eq3A_617 = vector.broadcast %eq3A_616 : i32 to vector<16xi32>
        %eq3A_618 = arith.cmpi eq, %iota3A, %eq3A_617 : vector<16xi32>
        %convert_element_type3A_619 = arith.extui %eq3A_595 : vector<16xi1> to vector<16xi32>
        %reduce_sum3A_620 = arith.constant true
        %reduce_sum3A_621 = vector.broadcast %reduce_sum3A_620 : i1 to vector<16xi1>
        %reduce_sum3A_622 = tpu.scan <sum>, %convert_element_type3A_619 masked %reduce_sum3A_621 : vector<16xi32>, vector<16xi1> -> vector<16xi32>
        %reduce_sum3A_623 = vector.extract %reduce_sum3A_622[15] : i32 from vector<16xi32>
        %jit3A_624 = arith.constant 0 : i32
        %broadcast_in_dim3A_625 = vector.broadcast %reduce_sum3A_623 : i32 to vector<16xi32>
        %broadcast_in_dim3A_626 = vector.broadcast %jit3A_624 : i32 to vector<16xi32>
        %select_n3A_627 = arith.select %eq3A_618, %broadcast_in_dim3A_625, %broadcast_in_dim3A_626 : vector<16xi1>, vector<16xi32>
        %add3A_628 = arith.addi %scan3A_587, %select_n3A_627 : vector<16xi32>
        %eq3A_629 = arith.constant 1 : i32
        %eq3A_630 = vector.broadcast %eq3A_629 : i32 to vector<16xi32>
        %eq3A_631 = arith.cmpi eq, %get3A_590, %eq3A_630 : vector<16xi32>
        %convert_element_type3A_632 = arith.extui %eq3A_631 : vector<16xi1> to vector<16xi32>
        %broadcast_in_dim3A_633 = arith.constant true
        %broadcast_in_dim3A_634 = vector.broadcast %broadcast_in_dim3A_633 : i1 to vector<16xi1>
        %masked_cumsum3A_635 = tpu.scan <sum>, %convert_element_type3A_632 masked %broadcast_in_dim3A_634 : vector<16xi32>, vector<16xi1> -> vector<16xi32>
        %eq3A_636 = arith.constant 1 : i32
        %eq3A_637 = vector.broadcast %eq3A_636 : i32 to vector<16xi32>
        %eq3A_638 = arith.cmpi eq, %iota3A, %eq3A_637 : vector<16xi32>
        %jit3A_639 = arith.constant 0 : i32
        %broadcast_in_dim3A_640 = vector.broadcast %jit3A_639 : i32 to vector<16xi32>
        %select_n3A_641 = arith.select %eq3A_638, %add3A_628, %broadcast_in_dim3A_640 : vector<16xi1>, vector<16xi32>
        %reduce_sum3A_642 = arith.constant true
        %reduce_sum3A_643 = vector.broadcast %reduce_sum3A_642 : i1 to vector<16xi1>
        %reduce_sum3A_644 = tpu.scan <sum>, %select_n3A_641 masked %reduce_sum3A_643 : vector<16xi32>, vector<16xi1> -> vector<16xi32>
        %reduce_sum3A_645 = vector.extract %reduce_sum3A_644[15] : i32 from vector<16xi32>
        %add3A_646 = vector.broadcast %reduce_sum3A_645 : i32 to vector<16xi32>
        %add3A_647 = arith.addi %add3A_646, %masked_cumsum3A_635 : vector<16xi32>
        %sub3A_648 = arith.constant 1 : i32
        %sub3A_649 = vector.broadcast %sub3A_648 : i32 to vector<16xi32>
        %sub3A_650 = arith.subi %add3A_647, %sub3A_649 : vector<16xi32>
        %select_n3A_651 = arith.select %eq3A_631, %sub3A_650, %select_n3A_615 : vector<16xi1>, vector<16xi32>
        %eq3A_652 = arith.constant 1 : i32
        %eq3A_653 = vector.broadcast %eq3A_652 : i32 to vector<16xi32>
        %eq3A_654 = arith.cmpi eq, %iota3A, %eq3A_653 : vector<16xi32>
        %convert_element_type3A_655 = arith.extui %eq3A_631 : vector<16xi1> to vector<16xi32>
        %reduce_sum3A_656 = arith.constant true
        %reduce_sum3A_657 = vector.broadcast %reduce_sum3A_656 : i1 to vector<16xi1>
        %reduce_sum3A_658 = tpu.scan <sum>, %convert_element_type3A_655 masked %reduce_sum3A_657 : vector<16xi32>, vector<16xi1> -> vector<16xi32>
        %reduce_sum3A_659 = vector.extract %reduce_sum3A_658[15] : i32 from vector<16xi32>
        %jit3A_660 = arith.constant 0 : i32
        %broadcast_in_dim3A_661 = vector.broadcast %reduce_sum3A_659 : i32 to vector<16xi32>
        %broadcast_in_dim3A_662 = vector.broadcast %jit3A_660 : i32 to vector<16xi32>
        %select_n3A_663 = arith.select %eq3A_654, %broadcast_in_dim3A_661, %broadcast_in_dim3A_662 : vector<16xi1>, vector<16xi32>
        %add3A_664 = arith.addi %add3A_628, %select_n3A_663 : vector<16xi32>
        %eq3A_665 = arith.constant 2 : i32
        %eq3A_666 = vector.broadcast %eq3A_665 : i32 to vector<16xi32>
        %eq3A_667 = arith.cmpi eq, %get3A_590, %eq3A_666 : vector<16xi32>
        %convert_element_type3A_668 = arith.extui %eq3A_667 : vector<16xi1> to vector<16xi32>
        %broadcast_in_dim3A_669 = arith.constant true
        %broadcast_in_dim3A_670 = vector.broadcast %broadcast_in_dim3A_669 : i1 to vector<16xi1>
        %masked_cumsum3A_671 = tpu.scan <sum>, %convert_element_type3A_668 masked %broadcast_in_dim3A_670 : vector<16xi32>, vector<16xi1> -> vector<16xi32>
        %eq3A_672 = arith.constant 2 : i32
        %eq3A_673 = vector.broadcast %eq3A_672 : i32 to vector<16xi32>
        %eq3A_674 = arith.cmpi eq, %iota3A, %eq3A_673 : vector<16xi32>
        %jit3A_675 = arith.constant 0 : i32
        %broadcast_in_dim3A_676 = vector.broadcast %jit3A_675 : i32 to vector<16xi32>
        %select_n3A_677 = arith.select %eq3A_674, %add3A_664, %broadcast_in_dim3A_676 : vector<16xi1>, vector<16xi32>
        %reduce_sum3A_678 = arith.constant true
        %reduce_sum3A_679 = vector.broadcast %reduce_sum3A_678 : i1 to vector<16xi1>
        %reduce_sum3A_680 = tpu.scan <sum>, %select_n3A_677 masked %reduce_sum3A_679 : vector<16xi32>, vector<16xi1> -> vector<16xi32>
        %reduce_sum3A_681 = vector.extract %reduce_sum3A_680[15] : i32 from vector<16xi32>
        %add3A_682 = vector.broadcast %reduce_sum3A_681 : i32 to vector<16xi32>
        %add3A_683 = arith.addi %add3A_682, %masked_cumsum3A_671 : vector<16xi32>
        %sub3A_684 = arith.constant 1 : i32
        %sub3A_685 = vector.broadcast %sub3A_684 : i32 to vector<16xi32>
        %sub3A_686 = arith.subi %add3A_683, %sub3A_685 : vector<16xi32>
        %select_n3A_687 = arith.select %eq3A_667, %sub3A_686, %select_n3A_651 : vector<16xi1>, vector<16xi32>
        %eq3A_688 = arith.constant 2 : i32
        %eq3A_689 = vector.broadcast %eq3A_688 : i32 to vector<16xi32>
        %eq3A_690 = arith.cmpi eq, %iota3A, %eq3A_689 : vector<16xi32>
        %convert_element_type3A_691 = arith.extui %eq3A_667 : vector<16xi1> to vector<16xi32>
        %reduce_sum3A_692 = arith.constant true
        %reduce_sum3A_693 = vector.broadcast %reduce_sum3A_692 : i1 to vector<16xi1>
        %reduce_sum3A_694 = tpu.scan <sum>, %convert_element_type3A_691 masked %reduce_sum3A_693 : vector<16xi32>, vector<16xi1> -> vector<16xi32>
        %reduce_sum3A_695 = vector.extract %reduce_sum3A_694[15] : i32 from vector<16xi32>
        %jit3A_696 = arith.constant 0 : i32
        %broadcast_in_dim3A_697 = vector.broadcast %reduce_sum3A_695 : i32 to vector<16xi32>
        %broadcast_in_dim3A_698 = vector.broadcast %jit3A_696 : i32 to vector<16xi32>
        %select_n3A_699 = arith.select %eq3A_690, %broadcast_in_dim3A_697, %broadcast_in_dim3A_698 : vector<16xi1>, vector<16xi32>
        %add3A_700 = arith.addi %add3A_664, %select_n3A_699 : vector<16xi32>
        %eq3A_701 = arith.constant 3 : i32
        %eq3A_702 = vector.broadcast %eq3A_701 : i32 to vector<16xi32>
        %eq3A_703 = arith.cmpi eq, %get3A_590, %eq3A_702 : vector<16xi32>
        %convert_element_type3A_704 = arith.extui %eq3A_703 : vector<16xi1> to vector<16xi32>
        %broadcast_in_dim3A_705 = arith.constant true
        %broadcast_in_dim3A_706 = vector.broadcast %broadcast_in_dim3A_705 : i1 to vector<16xi1>
        %masked_cumsum3A_707 = tpu.scan <sum>, %convert_element_type3A_704 masked %broadcast_in_dim3A_706 : vector<16xi32>, vector<16xi1> -> vector<16xi32>
        %eq3A_708 = arith.constant 3 : i32
        %eq3A_709 = vector.broadcast %eq3A_708 : i32 to vector<16xi32>
        %eq3A_710 = arith.cmpi eq, %iota3A, %eq3A_709 : vector<16xi32>
        %jit3A_711 = arith.constant 0 : i32
        %broadcast_in_dim3A_712 = vector.broadcast %jit3A_711 : i32 to vector<16xi32>
        %select_n3A_713 = arith.select %eq3A_710, %add3A_700, %broadcast_in_dim3A_712 : vector<16xi1>, vector<16xi32>
        %reduce_sum3A_714 = arith.constant true
        %reduce_sum3A_715 = vector.broadcast %reduce_sum3A_714 : i1 to vector<16xi1>
        %reduce_sum3A_716 = tpu.scan <sum>, %select_n3A_713 masked %reduce_sum3A_715 : vector<16xi32>, vector<16xi1> -> vector<16xi32>
        %reduce_sum3A_717 = vector.extract %reduce_sum3A_716[15] : i32 from vector<16xi32>
        %add3A_718 = vector.broadcast %reduce_sum3A_717 : i32 to vector<16xi32>
        %add3A_719 = arith.addi %add3A_718, %masked_cumsum3A_707 : vector<16xi32>
        %sub3A_720 = arith.constant 1 : i32
        %sub3A_721 = vector.broadcast %sub3A_720 : i32 to vector<16xi32>
        %sub3A_722 = arith.subi %add3A_719, %sub3A_721 : vector<16xi32>
        %select_n3A_723 = arith.select %eq3A_703, %sub3A_722, %select_n3A_687 : vector<16xi1>, vector<16xi32>
        %eq3A_724 = arith.constant 3 : i32
        %eq3A_725 = vector.broadcast %eq3A_724 : i32 to vector<16xi32>
        %eq3A_726 = arith.cmpi eq, %iota3A, %eq3A_725 : vector<16xi32>
        %convert_element_type3A_727 = arith.extui %eq3A_703 : vector<16xi1> to vector<16xi32>
        %reduce_sum3A_728 = arith.constant true
        %reduce_sum3A_729 = vector.broadcast %reduce_sum3A_728 : i1 to vector<16xi1>
        %reduce_sum3A_730 = tpu.scan <sum>, %convert_element_type3A_727 masked %reduce_sum3A_729 : vector<16xi32>, vector<16xi1> -> vector<16xi32>
        %reduce_sum3A_731 = vector.extract %reduce_sum3A_730[15] : i32 from vector<16xi32>
        %jit3A_732 = arith.constant 0 : i32
        %broadcast_in_dim3A_733 = vector.broadcast %reduce_sum3A_731 : i32 to vector<16xi32>
        %broadcast_in_dim3A_734 = vector.broadcast %jit3A_732 : i32 to vector<16xi32>
        %select_n3A_735 = arith.select %eq3A_726, %broadcast_in_dim3A_733, %broadcast_in_dim3A_734 : vector<16xi1>, vector<16xi32>
        %add3A_736 = arith.addi %add3A_700, %select_n3A_735 : vector<16xi32>
        %eq3A_737 = arith.constant 4 : i32
        %eq3A_738 = vector.broadcast %eq3A_737 : i32 to vector<16xi32>
        %eq3A_739 = arith.cmpi eq, %get3A_590, %eq3A_738 : vector<16xi32>
        %convert_element_type3A_740 = arith.extui %eq3A_739 : vector<16xi1> to vector<16xi32>
        %broadcast_in_dim3A_741 = arith.constant true
        %broadcast_in_dim3A_742 = vector.broadcast %broadcast_in_dim3A_741 : i1 to vector<16xi1>
        %masked_cumsum3A_743 = tpu.scan <sum>, %convert_element_type3A_740 masked %broadcast_in_dim3A_742 : vector<16xi32>, vector<16xi1> -> vector<16xi32>
        %eq3A_744 = arith.constant 4 : i32
        %eq3A_745 = vector.broadcast %eq3A_744 : i32 to vector<16xi32>
        %eq3A_746 = arith.cmpi eq, %iota3A, %eq3A_745 : vector<16xi32>
        %jit3A_747 = arith.constant 0 : i32
        %broadcast_in_dim3A_748 = vector.broadcast %jit3A_747 : i32 to vector<16xi32>
        %select_n3A_749 = arith.select %eq3A_746, %add3A_736, %broadcast_in_dim3A_748 : vector<16xi1>, vector<16xi32>
        %reduce_sum3A_750 = arith.constant true
        %reduce_sum3A_751 = vector.broadcast %reduce_sum3A_750 : i1 to vector<16xi1>
        %reduce_sum3A_752 = tpu.scan <sum>, %select_n3A_749 masked %reduce_sum3A_751 : vector<16xi32>, vector<16xi1> -> vector<16xi32>
        %reduce_sum3A_753 = vector.extract %reduce_sum3A_752[15] : i32 from vector<16xi32>
        %add3A_754 = vector.broadcast %reduce_sum3A_753 : i32 to vector<16xi32>
        %add3A_755 = arith.addi %add3A_754, %masked_cumsum3A_743 : vector<16xi32>
        %sub3A_756 = arith.constant 1 : i32
        %sub3A_757 = vector.broadcast %sub3A_756 : i32 to vector<16xi32>
        %sub3A_758 = arith.subi %add3A_755, %sub3A_757 : vector<16xi32>
        %select_n3A_759 = arith.select %eq3A_739, %sub3A_758, %select_n3A_723 : vector<16xi1>, vector<16xi32>
        %eq3A_760 = arith.constant 4 : i32
        %eq3A_761 = vector.broadcast %eq3A_760 : i32 to vector<16xi32>
        %eq3A_762 = arith.cmpi eq, %iota3A, %eq3A_761 : vector<16xi32>
        %convert_element_type3A_763 = arith.extui %eq3A_739 : vector<16xi1> to vector<16xi32>
        %reduce_sum3A_764 = arith.constant true
        %reduce_sum3A_765 = vector.broadcast %reduce_sum3A_764 : i1 to vector<16xi1>
        %reduce_sum3A_766 = tpu.scan <sum>, %convert_element_type3A_763 masked %reduce_sum3A_765 : vector<16xi32>, vector<16xi1> -> vector<16xi32>
        %reduce_sum3A_767 = vector.extract %reduce_sum3A_766[15] : i32 from vector<16xi32>
        %jit3A_768 = arith.constant 0 : i32
        %broadcast_in_dim3A_769 = vector.broadcast %reduce_sum3A_767 : i32 to vector<16xi32>
        %broadcast_in_dim3A_770 = vector.broadcast %jit3A_768 : i32 to vector<16xi32>
        %select_n3A_771 = arith.select %eq3A_762, %broadcast_in_dim3A_769, %broadcast_in_dim3A_770 : vector<16xi1>, vector<16xi32>
        %add3A_772 = arith.addi %add3A_736, %select_n3A_771 : vector<16xi32>
        %eq3A_773 = arith.constant 5 : i32
        %eq3A_774 = vector.broadcast %eq3A_773 : i32 to vector<16xi32>
        %eq3A_775 = arith.cmpi eq, %get3A_590, %eq3A_774 : vector<16xi32>
        %convert_element_type3A_776 = arith.extui %eq3A_775 : vector<16xi1> to vector<16xi32>
        %broadcast_in_dim3A_777 = arith.constant true
        %broadcast_in_dim3A_778 = vector.broadcast %broadcast_in_dim3A_777 : i1 to vector<16xi1>
        %masked_cumsum3A_779 = tpu.scan <sum>, %convert_element_type3A_776 masked %broadcast_in_dim3A_778 : vector<16xi32>, vector<16xi1> -> vector<16xi32>
        %eq3A_780 = arith.constant 5 : i32
        %eq3A_781 = vector.broadcast %eq3A_780 : i32 to vector<16xi32>
        %eq3A_782 = arith.cmpi eq, %iota3A, %eq3A_781 : vector<16xi32>
        %jit3A_783 = arith.constant 0 : i32
        %broadcast_in_dim3A_784 = vector.broadcast %jit3A_783 : i32 to vector<16xi32>
        %select_n3A_785 = arith.select %eq3A_782, %add3A_772, %broadcast_in_dim3A_784 : vector<16xi1>, vector<16xi32>
        %reduce_sum3A_786 = arith.constant true
        %reduce_sum3A_787 = vector.broadcast %reduce_sum3A_786 : i1 to vector<16xi1>
        %reduce_sum3A_788 = tpu.scan <sum>, %select_n3A_785 masked %reduce_sum3A_787 : vector<16xi32>, vector<16xi1> -> vector<16xi32>
        %reduce_sum3A_789 = vector.extract %reduce_sum3A_788[15] : i32 from vector<16xi32>
        %add3A_790 = vector.broadcast %reduce_sum3A_789 : i32 to vector<16xi32>
        %add3A_791 = arith.addi %add3A_790, %masked_cumsum3A_779 : vector<16xi32>
        %sub3A_792 = arith.constant 1 : i32
        %sub3A_793 = vector.broadcast %sub3A_792 : i32 to vector<16xi32>
        %sub3A_794 = arith.subi %add3A_791, %sub3A_793 : vector<16xi32>
        %select_n3A_795 = arith.select %eq3A_775, %sub3A_794, %select_n3A_759 : vector<16xi1>, vector<16xi32>
        %eq3A_796 = arith.constant 5 : i32
        %eq3A_797 = vector.broadcast %eq3A_796 : i32 to vector<16xi32>
        %eq3A_798 = arith.cmpi eq, %iota3A, %eq3A_797 : vector<16xi32>
        %convert_element_type3A_799 = arith.extui %eq3A_775 : vector<16xi1> to vector<16xi32>
        %reduce_sum3A_800 = arith.constant true
        %reduce_sum3A_801 = vector.broadcast %reduce_sum3A_800 : i1 to vector<16xi1>
        %reduce_sum3A_802 = tpu.scan <sum>, %convert_element_type3A_799 masked %reduce_sum3A_801 : vector<16xi32>, vector<16xi1> -> vector<16xi32>
        %reduce_sum3A_803 = vector.extract %reduce_sum3A_802[15] : i32 from vector<16xi32>
        %jit3A_804 = arith.constant 0 : i32
        %broadcast_in_dim3A_805 = vector.broadcast %reduce_sum3A_803 : i32 to vector<16xi32>
        %broadcast_in_dim3A_806 = vector.broadcast %jit3A_804 : i32 to vector<16xi32>
        %select_n3A_807 = arith.select %eq3A_798, %broadcast_in_dim3A_805, %broadcast_in_dim3A_806 : vector<16xi1>, vector<16xi32>
        %add3A_808 = arith.addi %add3A_772, %select_n3A_807 : vector<16xi32>
        %eq3A_809 = arith.constant 6 : i32
        %eq3A_810 = vector.broadcast %eq3A_809 : i32 to vector<16xi32>
        %eq3A_811 = arith.cmpi eq, %get3A_590, %eq3A_810 : vector<16xi32>
        %convert_element_type3A_812 = arith.extui %eq3A_811 : vector<16xi1> to vector<16xi32>
        %broadcast_in_dim3A_813 = arith.constant true
        %broadcast_in_dim3A_814 = vector.broadcast %broadcast_in_dim3A_813 : i1 to vector<16xi1>
        %masked_cumsum3A_815 = tpu.scan <sum>, %convert_element_type3A_812 masked %broadcast_in_dim3A_814 : vector<16xi32>, vector<16xi1> -> vector<16xi32>
        %eq3A_816 = arith.constant 6 : i32
        %eq3A_817 = vector.broadcast %eq3A_816 : i32 to vector<16xi32>
        %eq3A_818 = arith.cmpi eq, %iota3A, %eq3A_817 : vector<16xi32>
        %jit3A_819 = arith.constant 0 : i32
        %broadcast_in_dim3A_820 = vector.broadcast %jit3A_819 : i32 to vector<16xi32>
        %select_n3A_821 = arith.select %eq3A_818, %add3A_808, %broadcast_in_dim3A_820 : vector<16xi1>, vector<16xi32>
        %reduce_sum3A_822 = arith.constant true
        %reduce_sum3A_823 = vector.broadcast %reduce_sum3A_822 : i1 to vector<16xi1>
        %reduce_sum3A_824 = tpu.scan <sum>, %select_n3A_821 masked %reduce_sum3A_823 : vector<16xi32>, vector<16xi1> -> vector<16xi32>
        %reduce_sum3A_825 = vector.extract %reduce_sum3A_824[15] : i32 from vector<16xi32>
        %add3A_826 = vector.broadcast %reduce_sum3A_825 : i32 to vector<16xi32>
        %add3A_827 = arith.addi %add3A_826, %masked_cumsum3A_815 : vector<16xi32>
        %sub3A_828 = arith.constant 1 : i32
        %sub3A_829 = vector.broadcast %sub3A_828 : i32 to vector<16xi32>
        %sub3A_830 = arith.subi %add3A_827, %sub3A_829 : vector<16xi32>
        %select_n3A_831 = arith.select %eq3A_811, %sub3A_830, %select_n3A_795 : vector<16xi1>, vector<16xi32>
        %eq3A_832 = arith.constant 6 : i32
        %eq3A_833 = vector.broadcast %eq3A_832 : i32 to vector<16xi32>
        %eq3A_834 = arith.cmpi eq, %iota3A, %eq3A_833 : vector<16xi32>
        %convert_element_type3A_835 = arith.extui %eq3A_811 : vector<16xi1> to vector<16xi32>
        %reduce_sum3A_836 = arith.constant true
        %reduce_sum3A_837 = vector.broadcast %reduce_sum3A_836 : i1 to vector<16xi1>
        %reduce_sum3A_838 = tpu.scan <sum>, %convert_element_type3A_835 masked %reduce_sum3A_837 : vector<16xi32>, vector<16xi1> -> vector<16xi32>
        %reduce_sum3A_839 = vector.extract %reduce_sum3A_838[15] : i32 from vector<16xi32>
        %jit3A_840 = arith.constant 0 : i32
        %broadcast_in_dim3A_841 = vector.broadcast %reduce_sum3A_839 : i32 to vector<16xi32>
        %broadcast_in_dim3A_842 = vector.broadcast %jit3A_840 : i32 to vector<16xi32>
        %select_n3A_843 = arith.select %eq3A_834, %broadcast_in_dim3A_841, %broadcast_in_dim3A_842 : vector<16xi1>, vector<16xi32>
        %add3A_844 = arith.addi %add3A_808, %select_n3A_843 : vector<16xi32>
        %eq3A_845 = arith.constant 7 : i32
        %eq3A_846 = vector.broadcast %eq3A_845 : i32 to vector<16xi32>
        %eq3A_847 = arith.cmpi eq, %get3A_590, %eq3A_846 : vector<16xi32>
        %convert_element_type3A_848 = arith.extui %eq3A_847 : vector<16xi1> to vector<16xi32>
        %broadcast_in_dim3A_849 = arith.constant true
        %broadcast_in_dim3A_850 = vector.broadcast %broadcast_in_dim3A_849 : i1 to vector<16xi1>
        %masked_cumsum3A_851 = tpu.scan <sum>, %convert_element_type3A_848 masked %broadcast_in_dim3A_850 : vector<16xi32>, vector<16xi1> -> vector<16xi32>
        %eq3A_852 = arith.constant 7 : i32
        %eq3A_853 = vector.broadcast %eq3A_852 : i32 to vector<16xi32>
        %eq3A_854 = arith.cmpi eq, %iota3A, %eq3A_853 : vector<16xi32>
        %jit3A_855 = arith.constant 0 : i32
        %broadcast_in_dim3A_856 = vector.broadcast %jit3A_855 : i32 to vector<16xi32>
        %select_n3A_857 = arith.select %eq3A_854, %add3A_844, %broadcast_in_dim3A_856 : vector<16xi1>, vector<16xi32>
        %reduce_sum3A_858 = arith.constant true
        %reduce_sum3A_859 = vector.broadcast %reduce_sum3A_858 : i1 to vector<16xi1>
        %reduce_sum3A_860 = tpu.scan <sum>, %select_n3A_857 masked %reduce_sum3A_859 : vector<16xi32>, vector<16xi1> -> vector<16xi32>
        %reduce_sum3A_861 = vector.extract %reduce_sum3A_860[15] : i32 from vector<16xi32>
        %add3A_862 = vector.broadcast %reduce_sum3A_861 : i32 to vector<16xi32>
        %add3A_863 = arith.addi %add3A_862, %masked_cumsum3A_851 : vector<16xi32>
        %sub3A_864 = arith.constant 1 : i32
        %sub3A_865 = vector.broadcast %sub3A_864 : i32 to vector<16xi32>
        %sub3A_866 = arith.subi %add3A_863, %sub3A_865 : vector<16xi32>
        %select_n3A_867 = arith.select %eq3A_847, %sub3A_866, %select_n3A_831 : vector<16xi1>, vector<16xi32>
        %eq3A_868 = arith.constant 7 : i32
        %eq3A_869 = vector.broadcast %eq3A_868 : i32 to vector<16xi32>
        %eq3A_870 = arith.cmpi eq, %iota3A, %eq3A_869 : vector<16xi32>
        %convert_element_type3A_871 = arith.extui %eq3A_847 : vector<16xi1> to vector<16xi32>
        %reduce_sum3A_872 = arith.constant true
        %reduce_sum3A_873 = vector.broadcast %reduce_sum3A_872 : i1 to vector<16xi1>
        %reduce_sum3A_874 = tpu.scan <sum>, %convert_element_type3A_871 masked %reduce_sum3A_873 : vector<16xi32>, vector<16xi1> -> vector<16xi32>
        %reduce_sum3A_875 = vector.extract %reduce_sum3A_874[15] : i32 from vector<16xi32>
        %jit3A_876 = arith.constant 0 : i32
        %broadcast_in_dim3A_877 = vector.broadcast %reduce_sum3A_875 : i32 to vector<16xi32>
        %broadcast_in_dim3A_878 = vector.broadcast %jit3A_876 : i32 to vector<16xi32>
        %select_n3A_879 = arith.select %eq3A_870, %broadcast_in_dim3A_877, %broadcast_in_dim3A_878 : vector<16xi1>, vector<16xi32>
        %add3A_880 = arith.addi %add3A_844, %select_n3A_879 : vector<16xi32>
        %mul3A_881 = arith.constant 16 : i32
        %mul3A_882 = arith.muli %scan3A_586, %mul3A_881 : i32
        %swap3A_883 = arith.index_cast %mul3A_882 : i32 to index
        %swap3A_884 = tpu.vector_load %arg10[%swap3A_883] {strides = array<i32>} : memref<4096xi32, #tpu.memory_space<vmem>>, vector<16xi32>,
        tpu.vector_store %arg10[%swap3A_883], %select_n3A_867 {strides = array<i32>} : memref<4096xi32, #tpu.memory_space<vmem>>, vector<16xi32>,
        %mul3A_885 = arith.constant 16 : i32
        %mul3A_886 = arith.muli %scan3A_586, %mul3A_885 : i32
        %broadcast_in_dim3A_887 = vector.broadcast %mul3A_886 : i32 to vector<16xi32>
        %add3A_888 = arith.addi %broadcast_in_dim3A_887, %iota3A : vector<16xi32>
        tpu.vector_store_idx %arg9[%select_n3A_867], %add3A_888 : memref<10240xi32, #tpu.memory_space<vmem>>[vector<16xi32>], vector<16xi32>,
        scf.yield %add3A_880 : vector<16xi32>
      }
      %scan3A_585 = arith.constant 256 : i32
      "tpu.region"() ({
        %run_scoped3A = tpu.sem_alloc : memref<!tpu.dma_semaphore, #tpu.memory_space<semaphore_mem>>
        tpu.enqueue_dma source(%arg9 : memref<10240xi32, #tpu.memory_space<vmem>>) target(%arg3 : memref<10240xi32, #tpu.memory_space<hbm>>) target_semaphore(%run_scoped3A : memref<!tpu.dma_semaphore, #tpu.memory_space<semaphore_mem>>)
        tpu.wait_dma2 semaphore(%run_scoped3A : memref<!tpu.dma_semaphore, #tpu.memory_space<semaphore_mem>>) src(%arg9 : memref<10240xi32, #tpu.memory_space<vmem>>) dst(%arg3 : memref<10240xi32, #tpu.memory_space<hbm>>)
        tpu.yield
      }) : () -> ()
      "tpu.region"() ({
        %run_scoped3A = tpu.sem_alloc : memref<!tpu.dma_semaphore, #tpu.memory_space<semaphore_mem>>
        tpu.enqueue_dma source(%arg10 : memref<4096xi32, #tpu.memory_space<vmem>>) target(%arg4 : memref<4096xi32, #tpu.memory_space<hbm>>) target_semaphore(%run_scoped3A : memref<!tpu.dma_semaphore, #tpu.memory_space<semaphore_mem>>)
        tpu.wait_dma2 semaphore(%run_scoped3A : memref<!tpu.dma_semaphore, #tpu.memory_space<semaphore_mem>>) src(%arg10 : memref<4096xi32, #tpu.memory_space<vmem>>) dst(%arg4 : memref<4096xi32, #tpu.memory_space<hbm>>)
        tpu.yield
      }) : () -> ()
      "tpu.region"() ({
        %run_scoped3A = tpu.sem_alloc : memref<!tpu.dma_semaphore, #tpu.memory_space<semaphore_mem>>
        tpu.enqueue_dma source(%arg11 : memref<32xi32, #tpu.memory_space<vmem>>) target(%arg5 : memref<32xi32, #tpu.memory_space<hbm>>) target_semaphore(%run_scoped3A : memref<!tpu.dma_semaphore, #tpu.memory_space<semaphore_mem>>)
        tpu.wait_dma2 semaphore(%run_scoped3A : memref<!tpu.dma_semaphore, #tpu.memory_space<semaphore_mem>>) src(%arg11 : memref<32xi32, #tpu.memory_space<vmem>>) dst(%arg5 : memref<32xi32, #tpu.memory_space<hbm>>)
        tpu.yield
      }) : () -> ()
      "tpu.region"() ({
        %run_scoped3A = tpu.sem_alloc : memref<!tpu.dma_semaphore, #tpu.memory_space<semaphore_mem>>
        tpu.enqueue_dma source(%arg12 : memref<32xi32, #tpu.memory_space<vmem>>) target(%arg6 : memref<32xi32, #tpu.memory_space<hbm>>) target_semaphore(%run_scoped3A : memref<!tpu.dma_semaphore, #tpu.memory_space<semaphore_mem>>)
        tpu.wait_dma2 semaphore(%run_scoped3A : memref<!tpu.dma_semaphore, #tpu.memory_space<semaphore_mem>>) src(%arg12 : memref<32xi32, #tpu.memory_space<vmem>>) dst(%arg6 : memref<32xi32, #tpu.memory_space<hbm>>)
        tpu.yield
      }) : () -> ()
      "tpu.region"() ({
        %run_scoped3A = tpu.sem_alloc : memref<!tpu.dma_semaphore, #tpu.memory_space<semaphore_mem>>
        tpu.enqueue_dma source(%arg13 : memref<16xi32, #tpu.memory_space<vmem>>) target(%arg7 : memref<16xi32, #tpu.memory_space<hbm>>) target_semaphore(%run_scoped3A : memref<!tpu.dma_semaphore, #tpu.memory_space<semaphore_mem>>)
        tpu.wait_dma2 semaphore(%run_scoped3A : memref<!tpu.dma_semaphore, #tpu.memory_space<semaphore_mem>>) src(%arg13 : memref<16xi32, #tpu.memory_space<vmem>>) dst(%arg7 : memref<16xi32, #tpu.memory_space<hbm>>)
        tpu.yield
      }) : () -> ()
    } else {
    }
    return
  }
}

#map = affine_map<(d0, d1) -> (0, 0)>
#map1 = affine_map<(d0, d1) -> (0)>
module attributes {stable_mosaic.version = 14 : i64} {
  func.func @g(%arg0: i32, %arg1: i32, %arg2: memref<4096x2048xf32, #tpu.memory_space<hbm>>, %arg3: memref<10240xi32, #tpu.memory_space<hbm>>, %arg4: memref<16xi32, #tpu.memory_space<hbm>>, %arg5: memref<10240x2048xf32, #tpu.memory_space<hbm>>, %arg6: memref<160xi32, #tpu.memory_space<vmem>>, %arg7: memref<16xi32, #tpu.memory_space<vmem>>, %arg8: memref<16x2048xf32, #tpu.memory_space<vmem>>, %arg9: memref<16x2048xf32, #tpu.memory_space<vmem>>, %arg10: memref<16x2048xf32, #tpu.memory_space<vmem>>, %arg11: memref<!tpu.dma_semaphore, #tpu.memory_space<semaphore_mem>>, %arg12: memref<!tpu.dma_semaphore, #tpu.memory_space<semaphore_mem>>, %arg13: memref<!tpu.dma_semaphore, #tpu.memory_space<semaphore_mem>>) attributes {dimension_semantics = [#tpu.dimension_semantics<core_parallel>, #tpu.dimension_semantics<subcore_parallel>], iteration_bounds = array<i64: 2, 16>, scalar_prefetch = 0 : i64, scratch_operands = 8 : i64, tpu.core_type = #tpu.core_type<sc_vector_subcore>, window_params = [{transform_indices = #map}, {transform_indices = #map1}, {transform_indices = #map1}, {transform_indices = #map}]} {
    %mul3A = arith.constant 2 : i32
    %mul3A_0 = arith.muli %arg1, %mul3A : i32
    %add3A = arith.addi %mul3A_0, %arg0 : i32
    %iota3A = tpu.iota {dimensions = array<i32: 0>} : vector<16xi32>
    "tpu.region"() ({
      %run_scoped3A = tpu.sem_alloc : memref<!tpu.dma_semaphore, #tpu.memory_space<semaphore_mem>>
      tpu.enqueue_dma source(%arg4 : memref<16xi32, #tpu.memory_space<hbm>>) target(%arg7 : memref<16xi32, #tpu.memory_space<vmem>>) target_semaphore(%run_scoped3A : memref<!tpu.dma_semaphore, #tpu.memory_space<semaphore_mem>>)
      tpu.wait_dma2 semaphore(%run_scoped3A : memref<!tpu.dma_semaphore, #tpu.memory_space<semaphore_mem>>) src(%arg4 : memref<16xi32, #tpu.memory_space<hbm>>) dst(%arg7 : memref<16xi32, #tpu.memory_space<vmem>>)
      tpu.yield
    }) : () -> ()
    %eq3A = arith.constant 0 : i32
    %eq3A_1 = vector.broadcast %eq3A : i32 to vector<16xi32>
    %eq3A_2 = arith.cmpi eq, %iota3A, %eq3A_1 : vector<16xi32>
    %get3A = arith.constant 0 : index
    %get3A_3 = tpu.vector_load %arg7[%get3A] {strides = array<i32>} : memref<16xi32, #tpu.memory_space<vmem>>, vector<16xi32>,
    %jit3A = arith.constant 0 : i32
    %broadcast_in_dim3A = vector.broadcast %jit3A : i32 to vector<16xi32>
    %select_n3A = arith.select %eq3A_2, %get3A_3, %broadcast_in_dim3A : vector<16xi1>, vector<16xi32>
    %reduce_sum3A = arith.constant true
    %reduce_sum3A_4 = vector.broadcast %reduce_sum3A : i1 to vector<16xi1>
    %reduce_sum3A_5 = tpu.scan <sum>, %select_n3A masked %reduce_sum3A_4 : vector<16xi32>, vector<16xi1> -> vector<16xi32>
    %reduce_sum3A_6 = vector.extract %reduce_sum3A_5[15] : i32 from vector<16xi32>
    %mul3A_7 = arith.constant 160 : i32
    %mul3A_8 = arith.muli %add3A, %mul3A_7 : i32
    %add3A_9 = arith.constant 0 : i32
    %add3A_10 = arith.addi %mul3A_8, %add3A_9 : i32
    %lt3A = arith.cmpi slt, %add3A_10, %reduce_sum3A_6 : i32
    %convert_element_type3A = arith.extui %lt3A : i1 to i32
    %cond3A = arith.constant 0 : i32
    %cond3A_11 = arith.cmpi ne, %convert_element_type3A, %cond3A : i32
    scf.if %cond3A_11 {
      "tpu.region"() ({
        %run_scoped3A = tpu.sem_alloc : memref<!tpu.dma_semaphore, #tpu.memory_space<semaphore_mem>>
        %dma_start3A_138 = tpu.memref_slice %arg3[%add3A_10] : memref<10240xi32, #tpu.memory_space<hbm>> -> memref<160xi32, #tpu.memory_space<hbm>>
        %dma_start3A_139 = tpu.memref_slice %arg3[%add3A_10] : memref<10240xi32, #tpu.memory_space<hbm>> -> memref<160xi32, #tpu.memory_space<hbm>>
        tpu.enqueue_dma source(%dma_start3A_139 : memref<160xi32, #tpu.memory_space<hbm>>) target(%arg6 : memref<160xi32, #tpu.memory_space<vmem>>) target_semaphore(%run_scoped3A : memref<!tpu.dma_semaphore, #tpu.memory_space<semaphore_mem>>)
        %dma_wait3A_140 = tpu.memref_slice %arg3[%add3A_10] : memref<10240xi32, #tpu.memory_space<hbm>> -> memref<160xi32, #tpu.memory_space<hbm>>
        %dma_wait3A_141 = tpu.memref_slice %arg3[%add3A_10] : memref<10240xi32, #tpu.memory_space<hbm>> -> memref<160xi32, #tpu.memory_space<hbm>>
        tpu.wait_dma2 semaphore(%run_scoped3A : memref<!tpu.dma_semaphore, #tpu.memory_space<semaphore_mem>>) src(%dma_wait3A_141 : memref<160xi32, #tpu.memory_space<hbm>>) dst(%arg6 : memref<160xi32, #tpu.memory_space<vmem>>)
        tpu.yield
      }) : () -> ()
      %dma_start3A = arith.constant 0 : i32
      %dma_start3A_20 = tpu.memref_slice %arg6[%dma_start3A] : memref<160xi32, #tpu.memory_space<vmem>> -> memref<16xi32, #tpu.memory_space<vmem>>
      %dma_start3A_21 = arith.constant 0 : i32
      %dma_start3A_22 = arith.constant 0 : i32
      %dma_start3A_23 = tpu.memref_slice %arg2[%dma_start3A_21, %dma_start3A_22] : memref<4096x2048xf32, #tpu.memory_space<hbm>> -> memref<4096x2048xf32, #tpu.memory_space<hbm>>
      tpu.enqueue_indirect_dma source(%dma_start3A_23 : memref<4096x2048xf32, #tpu.memory_space<hbm>>) target(%arg8 : memref<16x2048xf32, #tpu.memory_space<vmem>>) offsets(%dma_start3A_20 : memref<16xi32, #tpu.memory_space<vmem>>) semaphore(%arg11 : memref<!tpu.dma_semaphore, #tpu.memory_space<semaphore_mem>>)
      %dma_start3A_24 = arith.constant 16 : i32
      %dma_start3A_25 = tpu.memref_slice %arg6[%dma_start3A_24] : memref<160xi32, #tpu.memory_space<vmem>> -> memref<16xi32, #tpu.memory_space<vmem>>
      %dma_start3A_26 = arith.constant 0 : i32
      %dma_start3A_27 = arith.constant 0 : i32
      %dma_start3A_28 = tpu.memref_slice %arg2[%dma_start3A_26, %dma_start3A_27] : memref<4096x2048xf32, #tpu.memory_space<hbm>> -> memref<4096x2048xf32, #tpu.memory_space<hbm>>
      tpu.enqueue_indirect_dma source(%dma_start3A_28 : memref<4096x2048xf32, #tpu.memory_space<hbm>>) target(%arg9 : memref<16x2048xf32, #tpu.memory_space<vmem>>) offsets(%dma_start3A_25 : memref<16xi32, #tpu.memory_space<vmem>>) semaphore(%arg12 : memref<!tpu.dma_semaphore, #tpu.memory_space<semaphore_mem>>)
      %dma_start3A_29 = arith.constant 32 : i32
      %dma_start3A_30 = tpu.memref_slice %arg6[%dma_start3A_29] : memref<160xi32, #tpu.memory_space<vmem>> -> memref<16xi32, #tpu.memory_space<vmem>>
      %dma_start3A_31 = arith.constant 0 : i32
      %dma_start3A_32 = arith.constant 0 : i32
      %dma_start3A_33 = tpu.memref_slice %arg2[%dma_start3A_31, %dma_start3A_32] : memref<4096x2048xf32, #tpu.memory_space<hbm>> -> memref<4096x2048xf32, #tpu.memory_space<hbm>>
      tpu.enqueue_indirect_dma source(%dma_start3A_33 : memref<4096x2048xf32, #tpu.memory_space<hbm>>) target(%arg10 : memref<16x2048xf32, #tpu.memory_space<vmem>>) offsets(%dma_start3A_30 : memref<16xi32, #tpu.memory_space<vmem>>) semaphore(%arg13 : memref<!tpu.dma_semaphore, #tpu.memory_space<semaphore_mem>>)
      %dma_wait3A = arith.constant 0 : i32
      %dma_wait3A_34 = tpu.memref_slice %arg6[%dma_wait3A] : memref<160xi32, #tpu.memory_space<vmem>> -> memref<16xi32, #tpu.memory_space<vmem>>
      %dma_wait3A_35 = arith.constant 0 : i32
      %dma_wait3A_36 = arith.constant 0 : i32
      %dma_wait3A_37 = tpu.memref_slice %arg2[%dma_wait3A_35, %dma_wait3A_36] : memref<4096x2048xf32, #tpu.memory_space<hbm>> -> memref<4096x2048xf32, #tpu.memory_space<hbm>>
      tpu.wait_indirect_dma semaphore(%arg11 : memref<!tpu.dma_semaphore, #tpu.memory_space<semaphore_mem>>) src(%dma_wait3A_37 : memref<4096x2048xf32, #tpu.memory_space<hbm>>) dst(%arg8 : memref<16x2048xf32, #tpu.memory_space<vmem>>)
      %add3A_38 = arith.constant 0 : i32
      %add3A_39 = arith.addi %add3A_10, %add3A_38 : i32
      "tpu.region"() ({
        %run_scoped3A = tpu.sem_alloc : memref<!tpu.dma_semaphore, #tpu.memory_space<semaphore_mem>>
        %dma_start3A_138 = arith.constant 0 : i32
        %dma_start3A_139 = tpu.memref_slice %arg5[%add3A_39, %dma_start3A_138] : memref<10240x2048xf32, #tpu.memory_space<hbm>> -> memref<16x2048xf32, #tpu.memory_space<hbm>>
        %dma_start3A_140 = arith.constant 0 : i32
        %dma_start3A_141 = tpu.memref_slice %arg5[%add3A_39, %dma_start3A_140] : memref<10240x2048xf32, #tpu.memory_space<hbm>> -> memref<16x2048xf32, #tpu.memory_space<hbm>>
        tpu.enqueue_dma source(%arg8 : memref<16x2048xf32, #tpu.memory_space<vmem>>) target(%dma_start3A_141 : memref<16x2048xf32, #tpu.memory_space<hbm>>) target_semaphore(%run_scoped3A : memref<!tpu.dma_semaphore, #tpu.memory_space<semaphore_mem>>)
        %dma_wait3A_142 = arith.constant 0 : i32
        %dma_wait3A_143 = tpu.memref_slice %arg5[%add3A_39, %dma_wait3A_142] : memref<10240x2048xf32, #tpu.memory_space<hbm>> -> memref<16x2048xf32, #tpu.memory_space<hbm>>
        %dma_wait3A_144 = arith.constant 0 : i32
        %dma_wait3A_145 = tpu.memref_slice %arg5[%add3A_39, %dma_wait3A_144] : memref<10240x2048xf32, #tpu.memory_space<hbm>> -> memref<16x2048xf32, #tpu.memory_space<hbm>>
        tpu.wait_dma2 semaphore(%run_scoped3A : memref<!tpu.dma_semaphore, #tpu.memory_space<semaphore_mem>>) src(%arg8 : memref<16x2048xf32, #tpu.memory_space<vmem>>) dst(%dma_wait3A_145 : memref<16x2048xf32, #tpu.memory_space<hbm>>)
        tpu.yield
      }) : () -> ()
      %dma_start3A_40 = arith.constant 48 : i32
      %dma_start3A_41 = tpu.memref_slice %arg6[%dma_start3A_40] : memref<160xi32, #tpu.memory_space<vmem>> -> memref<16xi32, #tpu.memory_space<vmem>>
      %dma_start3A_42 = arith.constant 0 : i32
      %dma_start3A_43 = arith.constant 0 : i32
      %dma_start3A_44 = tpu.memref_slice %arg2[%dma_start3A_42, %dma_start3A_43] : memref<4096x2048xf32, #tpu.memory_space<hbm>> -> memref<4096x2048xf32, #tpu.memory_space<hbm>>
      tpu.enqueue_indirect_dma source(%dma_start3A_44 : memref<4096x2048xf32, #tpu.memory_space<hbm>>) target(%arg8 : memref<16x2048xf32, #tpu.memory_space<vmem>>) offsets(%dma_start3A_41 : memref<16xi32, #tpu.memory_space<vmem>>) semaphore(%arg11 : memref<!tpu.dma_semaphore, #tpu.memory_space<semaphore_mem>>)
      %dma_wait3A_45 = arith.constant 16 : i32
      %dma_wait3A_46 = tpu.memref_slice %arg6[%dma_wait3A_45] : memref<160xi32, #tpu.memory_space<vmem>> -> memref<16xi32, #tpu.memory_space<vmem>>
      %dma_wait3A_47 = arith.constant 0 : i32
      %dma_wait3A_48 = arith.constant 0 : i32
      %dma_wait3A_49 = tpu.memref_slice %arg2[%dma_wait3A_47, %dma_wait3A_48] : memref<4096x2048xf32, #tpu.memory_space<hbm>> -> memref<4096x2048xf32, #tpu.memory_space<hbm>>
      tpu.wait_indirect_dma semaphore(%arg12 : memref<!tpu.dma_semaphore, #tpu.memory_space<semaphore_mem>>) src(%dma_wait3A_49 : memref<4096x2048xf32, #tpu.memory_space<hbm>>) dst(%arg9 : memref<16x2048xf32, #tpu.memory_space<vmem>>)
      %add3A_50 = arith.constant 16 : i32
      %add3A_51 = arith.addi %add3A_10, %add3A_50 : i32
      "tpu.region"() ({
        %run_scoped3A = tpu.sem_alloc : memref<!tpu.dma_semaphore, #tpu.memory_space<semaphore_mem>>
        %dma_start3A_138 = arith.constant 0 : i32
        %dma_start3A_139 = tpu.memref_slice %arg5[%add3A_51, %dma_start3A_138] : memref<10240x2048xf32, #tpu.memory_space<hbm>> -> memref<16x2048xf32, #tpu.memory_space<hbm>>
        %dma_start3A_140 = arith.constant 0 : i32
        %dma_start3A_141 = tpu.memref_slice %arg5[%add3A_51, %dma_start3A_140] : memref<10240x2048xf32, #tpu.memory_space<hbm>> -> memref<16x2048xf32, #tpu.memory_space<hbm>>
        tpu.enqueue_dma source(%arg9 : memref<16x2048xf32, #tpu.memory_space<vmem>>) target(%dma_start3A_141 : memref<16x2048xf32, #tpu.memory_space<hbm>>) target_semaphore(%run_scoped3A : memref<!tpu.dma_semaphore, #tpu.memory_space<semaphore_mem>>)
        %dma_wait3A_142 = arith.constant 0 : i32
        %dma_wait3A_143 = tpu.memref_slice %arg5[%add3A_51, %dma_wait3A_142] : memref<10240x2048xf32, #tpu.memory_space<hbm>> -> memref<16x2048xf32, #tpu.memory_space<hbm>>
        %dma_wait3A_144 = arith.constant 0 : i32
        %dma_wait3A_145 = tpu.memref_slice %arg5[%add3A_51, %dma_wait3A_144] : memref<10240x2048xf32, #tpu.memory_space<hbm>> -> memref<16x2048xf32, #tpu.memory_space<hbm>>
        tpu.wait_dma2 semaphore(%run_scoped3A : memref<!tpu.dma_semaphore, #tpu.memory_space<semaphore_mem>>) src(%arg9 : memref<16x2048xf32, #tpu.memory_space<vmem>>) dst(%dma_wait3A_145 : memref<16x2048xf32, #tpu.memory_space<hbm>>)
        tpu.yield
      }) : () -> ()
      %dma_start3A_52 = arith.constant 64 : i32
      %dma_start3A_53 = tpu.memref_slice %arg6[%dma_start3A_52] : memref<160xi32, #tpu.memory_space<vmem>> -> memref<16xi32, #tpu.memory_space<vmem>>
      %dma_start3A_54 = arith.constant 0 : i32
      %dma_start3A_55 = arith.constant 0 : i32
      %dma_start3A_56 = tpu.memref_slice %arg2[%dma_start3A_54, %dma_start3A_55] : memref<4096x2048xf32, #tpu.memory_space<hbm>> -> memref<4096x2048xf32, #tpu.memory_space<hbm>>
      tpu.enqueue_indirect_dma source(%dma_start3A_56 : memref<4096x2048xf32, #tpu.memory_space<hbm>>) target(%arg9 : memref<16x2048xf32, #tpu.memory_space<vmem>>) offsets(%dma_start3A_53 : memref<16xi32, #tpu.memory_space<vmem>>) semaphore(%arg12 : memref<!tpu.dma_semaphore, #tpu.memory_space<semaphore_mem>>)
      %dma_wait3A_57 = arith.constant 32 : i32
      %dma_wait3A_58 = tpu.memref_slice %arg6[%dma_wait3A_57] : memref<160xi32, #tpu.memory_space<vmem>> -> memref<16xi32, #tpu.memory_space<vmem>>
      %dma_wait3A_59 = arith.constant 0 : i32
      %dma_wait3A_60 = arith.constant 0 : i32
      %dma_wait3A_61 = tpu.memref_slice %arg2[%dma_wait3A_59, %dma_wait3A_60] : memref<4096x2048xf32, #tpu.memory_space<hbm>> -> memref<4096x2048xf32, #tpu.memory_space<hbm>>
      tpu.wait_indirect_dma semaphore(%arg13 : memref<!tpu.dma_semaphore, #tpu.memory_space<semaphore_mem>>) src(%dma_wait3A_61 : memref<4096x2048xf32, #tpu.memory_space<hbm>>) dst(%arg10 : memref<16x2048xf32, #tpu.memory_space<vmem>>)
      %add3A_62 = arith.constant 32 : i32
      %add3A_63 = arith.addi %add3A_10, %add3A_62 : i32
      "tpu.region"() ({
        %run_scoped3A = tpu.sem_alloc : memref<!tpu.dma_semaphore, #tpu.memory_space<semaphore_mem>>
        %dma_start3A_138 = arith.constant 0 : i32
        %dma_start3A_139 = tpu.memref_slice %arg5[%add3A_63, %dma_start3A_138] : memref<10240x2048xf32, #tpu.memory_space<hbm>> -> memref<16x2048xf32, #tpu.memory_space<hbm>>
        %dma_start3A_140 = arith.constant 0 : i32
        %dma_start3A_141 = tpu.memref_slice %arg5[%add3A_63, %dma_start3A_140] : memref<10240x2048xf32, #tpu.memory_space<hbm>> -> memref<16x2048xf32, #tpu.memory_space<hbm>>
        tpu.enqueue_dma source(%arg10 : memref<16x2048xf32, #tpu.memory_space<vmem>>) target(%dma_start3A_141 : memref<16x2048xf32, #tpu.memory_space<hbm>>) target_semaphore(%run_scoped3A : memref<!tpu.dma_semaphore, #tpu.memory_space<semaphore_mem>>)
        %dma_wait3A_142 = arith.constant 0 : i32
        %dma_wait3A_143 = tpu.memref_slice %arg5[%add3A_63, %dma_wait3A_142] : memref<10240x2048xf32, #tpu.memory_space<hbm>> -> memref<16x2048xf32, #tpu.memory_space<hbm>>
        %dma_wait3A_144 = arith.constant 0 : i32
        %dma_wait3A_145 = tpu.memref_slice %arg5[%add3A_63, %dma_wait3A_144] : memref<10240x2048xf32, #tpu.memory_space<hbm>> -> memref<16x2048xf32, #tpu.memory_space<hbm>>
        tpu.wait_dma2 semaphore(%run_scoped3A : memref<!tpu.dma_semaphore, #tpu.memory_space<semaphore_mem>>) src(%arg10 : memref<16x2048xf32, #tpu.memory_space<vmem>>) dst(%dma_wait3A_145 : memref<16x2048xf32, #tpu.memory_space<hbm>>)
        tpu.yield
      }) : () -> ()
      %dma_start3A_64 = arith.constant 80 : i32
      %dma_start3A_65 = tpu.memref_slice %arg6[%dma_start3A_64] : memref<160xi32, #tpu.memory_space<vmem>> -> memref<16xi32, #tpu.memory_space<vmem>>
      %dma_start3A_66 = arith.constant 0 : i32
      %dma_start3A_67 = arith.constant 0 : i32
      %dma_start3A_68 = tpu.memref_slice %arg2[%dma_start3A_66, %dma_start3A_67] : memref<4096x2048xf32, #tpu.memory_space<hbm>> -> memref<4096x2048xf32, #tpu.memory_space<hbm>>
      tpu.enqueue_indirect_dma source(%dma_start3A_68 : memref<4096x2048xf32, #tpu.memory_space<hbm>>) target(%arg10 : memref<16x2048xf32, #tpu.memory_space<vmem>>) offsets(%dma_start3A_65 : memref<16xi32, #tpu.memory_space<vmem>>) semaphore(%arg13 : memref<!tpu.dma_semaphore, #tpu.memory_space<semaphore_mem>>)
      %dma_wait3A_69 = arith.constant 48 : i32
      %dma_wait3A_70 = tpu.memref_slice %arg6[%dma_wait3A_69] : memref<160xi32, #tpu.memory_space<vmem>> -> memref<16xi32, #tpu.memory_space<vmem>>
      %dma_wait3A_71 = arith.constant 0 : i32
      %dma_wait3A_72 = arith.constant 0 : i32
      %dma_wait3A_73 = tpu.memref_slice %arg2[%dma_wait3A_71, %dma_wait3A_72] : memref<4096x2048xf32, #tpu.memory_space<hbm>> -> memref<4096x2048xf32, #tpu.memory_space<hbm>>
      tpu.wait_indirect_dma semaphore(%arg11 : memref<!tpu.dma_semaphore, #tpu.memory_space<semaphore_mem>>) src(%dma_wait3A_73 : memref<4096x2048xf32, #tpu.memory_space<hbm>>) dst(%arg8 : memref<16x2048xf32, #tpu.memory_space<vmem>>)
      %add3A_74 = arith.constant 48 : i32
      %add3A_75 = arith.addi %add3A_10, %add3A_74 : i32
      "tpu.region"() ({
        %run_scoped3A = tpu.sem_alloc : memref<!tpu.dma_semaphore, #tpu.memory_space<semaphore_mem>>
        %dma_start3A_138 = arith.constant 0 : i32
        %dma_start3A_139 = tpu.memref_slice %arg5[%add3A_75, %dma_start3A_138] : memref<10240x2048xf32, #tpu.memory_space<hbm>> -> memref<16x2048xf32, #tpu.memory_space<hbm>>
        %dma_start3A_140 = arith.constant 0 : i32
        %dma_start3A_141 = tpu.memref_slice %arg5[%add3A_75, %dma_start3A_140] : memref<10240x2048xf32, #tpu.memory_space<hbm>> -> memref<16x2048xf32, #tpu.memory_space<hbm>>
        tpu.enqueue_dma source(%arg8 : memref<16x2048xf32, #tpu.memory_space<vmem>>) target(%dma_start3A_141 : memref<16x2048xf32, #tpu.memory_space<hbm>>) target_semaphore(%run_scoped3A : memref<!tpu.dma_semaphore, #tpu.memory_space<semaphore_mem>>)
        %dma_wait3A_142 = arith.constant 0 : i32
        %dma_wait3A_143 = tpu.memref_slice %arg5[%add3A_75, %dma_wait3A_142] : memref<10240x2048xf32, #tpu.memory_space<hbm>> -> memref<16x2048xf32, #tpu.memory_space<hbm>>
        %dma_wait3A_144 = arith.constant 0 : i32
        %dma_wait3A_145 = tpu.memref_slice %arg5[%add3A_75, %dma_wait3A_144] : memref<10240x2048xf32, #tpu.memory_space<hbm>> -> memref<16x2048xf32, #tpu.memory_space<hbm>>
        tpu.wait_dma2 semaphore(%run_scoped3A : memref<!tpu.dma_semaphore, #tpu.memory_space<semaphore_mem>>) src(%arg8 : memref<16x2048xf32, #tpu.memory_space<vmem>>) dst(%dma_wait3A_145 : memref<16x2048xf32, #tpu.memory_space<hbm>>)
        tpu.yield
      }) : () -> ()
      %dma_start3A_76 = arith.constant 96 : i32
      %dma_start3A_77 = tpu.memref_slice %arg6[%dma_start3A_76] : memref<160xi32, #tpu.memory_space<vmem>> -> memref<16xi32, #tpu.memory_space<vmem>>
      %dma_start3A_78 = arith.constant 0 : i32
      %dma_start3A_79 = arith.constant 0 : i32
      %dma_start3A_80 = tpu.memref_slice %arg2[%dma_start3A_78, %dma_start3A_79] : memref<4096x2048xf32, #tpu.memory_space<hbm>> -> memref<4096x2048xf32, #tpu.memory_space<hbm>>
      tpu.enqueue_indirect_dma source(%dma_start3A_80 : memref<4096x2048xf32, #tpu.memory_space<hbm>>) target(%arg8 : memref<16x2048xf32, #tpu.memory_space<vmem>>) offsets(%dma_start3A_77 : memref<16xi32, #tpu.memory_space<vmem>>) semaphore(%arg11 : memref<!tpu.dma_semaphore, #tpu.memory_space<semaphore_mem>>)
      %dma_wait3A_81 = arith.constant 64 : i32
      %dma_wait3A_82 = tpu.memref_slice %arg6[%dma_wait3A_81] : memref<160xi32, #tpu.memory_space<vmem>> -> memref<16xi32, #tpu.memory_space<vmem>>
      %dma_wait3A_83 = arith.constant 0 : i32
      %dma_wait3A_84 = arith.constant 0 : i32
      %dma_wait3A_85 = tpu.memref_slice %arg2[%dma_wait3A_83, %dma_wait3A_84] : memref<4096x2048xf32, #tpu.memory_space<hbm>> -> memref<4096x2048xf32, #tpu.memory_space<hbm>>
      tpu.wait_indirect_dma semaphore(%arg12 : memref<!tpu.dma_semaphore, #tpu.memory_space<semaphore_mem>>) src(%dma_wait3A_85 : memref<4096x2048xf32, #tpu.memory_space<hbm>>) dst(%arg9 : memref<16x2048xf32, #tpu.memory_space<vmem>>)
      %add3A_86 = arith.constant 64 : i32
      %add3A_87 = arith.addi %add3A_10, %add3A_86 : i32
      "tpu.region"() ({
        %run_scoped3A = tpu.sem_alloc : memref<!tpu.dma_semaphore, #tpu.memory_space<semaphore_mem>>
        %dma_start3A_138 = arith.constant 0 : i32
        %dma_start3A_139 = tpu.memref_slice %arg5[%add3A_87, %dma_start3A_138] : memref<10240x2048xf32, #tpu.memory_space<hbm>> -> memref<16x2048xf32, #tpu.memory_space<hbm>>
        %dma_start3A_140 = arith.constant 0 : i32
        %dma_start3A_141 = tpu.memref_slice %arg5[%add3A_87, %dma_start3A_140] : memref<10240x2048xf32, #tpu.memory_space<hbm>> -> memref<16x2048xf32, #tpu.memory_space<hbm>>
        tpu.enqueue_dma source(%arg9 : memref<16x2048xf32, #tpu.memory_space<vmem>>) target(%dma_start3A_141 : memref<16x2048xf32, #tpu.memory_space<hbm>>) target_semaphore(%run_scoped3A : memref<!tpu.dma_semaphore, #tpu.memory_space<semaphore_mem>>)
        %dma_wait3A_142 = arith.constant 0 : i32
        %dma_wait3A_143 = tpu.memref_slice %arg5[%add3A_87, %dma_wait3A_142] : memref<10240x2048xf32, #tpu.memory_space<hbm>> -> memref<16x2048xf32, #tpu.memory_space<hbm>>
        %dma_wait3A_144 = arith.constant 0 : i32
        %dma_wait3A_145 = tpu.memref_slice %arg5[%add3A_87, %dma_wait3A_144] : memref<10240x2048xf32, #tpu.memory_space<hbm>> -> memref<16x2048xf32, #tpu.memory_space<hbm>>
        tpu.wait_dma2 semaphore(%run_scoped3A : memref<!tpu.dma_semaphore, #tpu.memory_space<semaphore_mem>>) src(%arg9 : memref<16x2048xf32, #tpu.memory_space<vmem>>) dst(%dma_wait3A_145 : memref<16x2048xf32, #tpu.memory_space<hbm>>)
        tpu.yield
      }) : () -> ()
      %dma_start3A_88 = arith.constant 112 : i32
      %dma_start3A_89 = tpu.memref_slice %arg6[%dma_start3A_88] : memref<160xi32, #tpu.memory_space<vmem>> -> memref<16xi32, #tpu.memory_space<vmem>>
      %dma_start3A_90 = arith.constant 0 : i32
      %dma_start3A_91 = arith.constant 0 : i32
      %dma_start3A_92 = tpu.memref_slice %arg2[%dma_start3A_90, %dma_start3A_91] : memref<4096x2048xf32, #tpu.memory_space<hbm>> -> memref<4096x2048xf32, #tpu.memory_space<hbm>>
      tpu.enqueue_indirect_dma source(%dma_start3A_92 : memref<4096x2048xf32, #tpu.memory_space<hbm>>) target(%arg9 : memref<16x2048xf32, #tpu.memory_space<vmem>>) offsets(%dma_start3A_89 : memref<16xi32, #tpu.memory_space<vmem>>) semaphore(%arg12 : memref<!tpu.dma_semaphore, #tpu.memory_space<semaphore_mem>>)
      %dma_wait3A_93 = arith.constant 80 : i32
      %dma_wait3A_94 = tpu.memref_slice %arg6[%dma_wait3A_93] : memref<160xi32, #tpu.memory_space<vmem>> -> memref<16xi32, #tpu.memory_space<vmem>>
      %dma_wait3A_95 = arith.constant 0 : i32
      %dma_wait3A_96 = arith.constant 0 : i32
      %dma_wait3A_97 = tpu.memref_slice %arg2[%dma_wait3A_95, %dma_wait3A_96] : memref<4096x2048xf32, #tpu.memory_space<hbm>> -> memref<4096x2048xf32, #tpu.memory_space<hbm>>
      tpu.wait_indirect_dma semaphore(%arg13 : memref<!tpu.dma_semaphore, #tpu.memory_space<semaphore_mem>>) src(%dma_wait3A_97 : memref<4096x2048xf32, #tpu.memory_space<hbm>>) dst(%arg10 : memref<16x2048xf32, #tpu.memory_space<vmem>>)
      %add3A_98 = arith.constant 80 : i32
      %add3A_99 = arith.addi %add3A_10, %add3A_98 : i32
      "tpu.region"() ({
        %run_scoped3A = tpu.sem_alloc : memref<!tpu.dma_semaphore, #tpu.memory_space<semaphore_mem>>
        %dma_start3A_138 = arith.constant 0 : i32
        %dma_start3A_139 = tpu.memref_slice %arg5[%add3A_99, %dma_start3A_138] : memref<10240x2048xf32, #tpu.memory_space<hbm>> -> memref<16x2048xf32, #tpu.memory_space<hbm>>
        %dma_start3A_140 = arith.constant 0 : i32
        %dma_start3A_141 = tpu.memref_slice %arg5[%add3A_99, %dma_start3A_140] : memref<10240x2048xf32, #tpu.memory_space<hbm>> -> memref<16x2048xf32, #tpu.memory_space<hbm>>
        tpu.enqueue_dma source(%arg10 : memref<16x2048xf32, #tpu.memory_space<vmem>>) target(%dma_start3A_141 : memref<16x2048xf32, #tpu.memory_space<hbm>>) target_semaphore(%run_scoped3A : memref<!tpu.dma_semaphore, #tpu.memory_space<semaphore_mem>>)
        %dma_wait3A_142 = arith.constant 0 : i32
        %dma_wait3A_143 = tpu.memref_slice %arg5[%add3A_99, %dma_wait3A_142] : memref<10240x2048xf32, #tpu.memory_space<hbm>> -> memref<16x2048xf32, #tpu.memory_space<hbm>>
        %dma_wait3A_144 = arith.constant 0 : i32
        %dma_wait3A_145 = tpu.memref_slice %arg5[%add3A_99, %dma_wait3A_144] : memref<10240x2048xf32, #tpu.memory_space<hbm>> -> memref<16x2048xf32, #tpu.memory_space<hbm>>
        tpu.wait_dma2 semaphore(%run_scoped3A : memref<!tpu.dma_semaphore, #tpu.memory_space<semaphore_mem>>) src(%arg10 : memref<16x2048xf32, #tpu.memory_space<vmem>>) dst(%dma_wait3A_145 : memref<16x2048xf32, #tpu.memory_space<hbm>>)
        tpu.yield
      }) : () -> ()
      %dma_start3A_100 = arith.constant 128 : i32
      %dma_start3A_101 = tpu.memref_slice %arg6[%dma_start3A_100] : memref<160xi32, #tpu.memory_space<vmem>> -> memref<16xi32, #tpu.memory_space<vmem>>
      %dma_start3A_102 = arith.constant 0 : i32
      %dma_start3A_103 = arith.constant 0 : i32
      %dma_start3A_104 = tpu.memref_slice %arg2[%dma_start3A_102, %dma_start3A_103] : memref<4096x2048xf32, #tpu.memory_space<hbm>> -> memref<4096x2048xf32, #tpu.memory_space<hbm>>
      tpu.enqueue_indirect_dma source(%dma_start3A_104 : memref<4096x2048xf32, #tpu.memory_space<hbm>>) target(%arg10 : memref<16x2048xf32, #tpu.memory_space<vmem>>) offsets(%dma_start3A_101 : memref<16xi32, #tpu.memory_space<vmem>>) semaphore(%arg13 : memref<!tpu.dma_semaphore, #tpu.memory_space<semaphore_mem>>)
      %dma_wait3A_105 = arith.constant 96 : i32
      %dma_wait3A_106 = tpu.memref_slice %arg6[%dma_wait3A_105] : memref<160xi32, #tpu.memory_space<vmem>> -> memref<16xi32, #tpu.memory_space<vmem>>
      %dma_wait3A_107 = arith.constant 0 : i32
      %dma_wait3A_108 = arith.constant 0 : i32
      %dma_wait3A_109 = tpu.memref_slice %arg2[%dma_wait3A_107, %dma_wait3A_108] : memref<4096x2048xf32, #tpu.memory_space<hbm>> -> memref<4096x2048xf32, #tpu.memory_space<hbm>>
      tpu.wait_indirect_dma semaphore(%arg11 : memref<!tpu.dma_semaphore, #tpu.memory_space<semaphore_mem>>) src(%dma_wait3A_109 : memref<4096x2048xf32, #tpu.memory_space<hbm>>) dst(%arg8 : memref<16x2048xf32, #tpu.memory_space<vmem>>)
      %add3A_110 = arith.constant 96 : i32
      %add3A_111 = arith.addi %add3A_10, %add3A_110 : i32
      "tpu.region"() ({
        %run_scoped3A = tpu.sem_alloc : memref<!tpu.dma_semaphore, #tpu.memory_space<semaphore_mem>>
        %dma_start3A_138 = arith.constant 0 : i32
        %dma_start3A_139 = tpu.memref_slice %arg5[%add3A_111, %dma_start3A_138] : memref<10240x2048xf32, #tpu.memory_space<hbm>> -> memref<16x2048xf32, #tpu.memory_space<hbm>>
        %dma_start3A_140 = arith.constant 0 : i32
        %dma_start3A_141 = tpu.memref_slice %arg5[%add3A_111, %dma_start3A_140] : memref<10240x2048xf32, #tpu.memory_space<hbm>> -> memref<16x2048xf32, #tpu.memory_space<hbm>>
        tpu.enqueue_dma source(%arg8 : memref<16x2048xf32, #tpu.memory_space<vmem>>) target(%dma_start3A_141 : memref<16x2048xf32, #tpu.memory_space<hbm>>) target_semaphore(%run_scoped3A : memref<!tpu.dma_semaphore, #tpu.memory_space<semaphore_mem>>)
        %dma_wait3A_142 = arith.constant 0 : i32
        %dma_wait3A_143 = tpu.memref_slice %arg5[%add3A_111, %dma_wait3A_142] : memref<10240x2048xf32, #tpu.memory_space<hbm>> -> memref<16x2048xf32, #tpu.memory_space<hbm>>
        %dma_wait3A_144 = arith.constant 0 : i32
        %dma_wait3A_145 = tpu.memref_slice %arg5[%add3A_111, %dma_wait3A_144] : memref<10240x2048xf32, #tpu.memory_space<hbm>> -> memref<16x2048xf32, #tpu.memory_space<hbm>>
        tpu.wait_dma2 semaphore(%run_scoped3A : memref<!tpu.dma_semaphore, #tpu.memory_space<semaphore_mem>>) src(%arg8 : memref<16x2048xf32, #tpu.memory_space<vmem>>) dst(%dma_wait3A_145 : memref<16x2048xf32, #tpu.memory_space<hbm>>)
        tpu.yield
      }) : () -> ()
      %dma_start3A_112 = arith.constant 144 : i32
      %dma_start3A_113 = tpu.memref_slice %arg6[%dma_start3A_112] : memref<160xi32, #tpu.memory_space<vmem>> -> memref<16xi32, #tpu.memory_space<vmem>>
      %dma_start3A_114 = arith.constant 0 : i32
      %dma_start3A_115 = arith.constant 0 : i32
      %dma_start3A_116 = tpu.memref_slice %arg2[%dma_start3A_114, %dma_start3A_115] : memref<4096x2048xf32, #tpu.memory_space<hbm>> -> memref<4096x2048xf32, #tpu.memory_space<hbm>>
      tpu.enqueue_indirect_dma source(%dma_start3A_116 : memref<4096x2048xf32, #tpu.memory_space<hbm>>) target(%arg8 : memref<16x2048xf32, #tpu.memory_space<vmem>>) offsets(%dma_start3A_113 : memref<16xi32, #tpu.memory_space<vmem>>) semaphore(%arg11 : memref<!tpu.dma_semaphore, #tpu.memory_space<semaphore_mem>>)
      %dma_wait3A_117 = arith.constant 112 : i32
      %dma_wait3A_118 = tpu.memref_slice %arg6[%dma_wait3A_117] : memref<160xi32, #tpu.memory_space<vmem>> -> memref<16xi32, #tpu.memory_space<vmem>>
      %dma_wait3A_119 = arith.constant 0 : i32
      %dma_wait3A_120 = arith.constant 0 : i32
      %dma_wait3A_121 = tpu.memref_slice %arg2[%dma_wait3A_119, %dma_wait3A_120] : memref<4096x2048xf32, #tpu.memory_space<hbm>> -> memref<4096x2048xf32, #tpu.memory_space<hbm>>
      tpu.wait_indirect_dma semaphore(%arg12 : memref<!tpu.dma_semaphore, #tpu.memory_space<semaphore_mem>>) src(%dma_wait3A_121 : memref<4096x2048xf32, #tpu.memory_space<hbm>>) dst(%arg9 : memref<16x2048xf32, #tpu.memory_space<vmem>>)
      %add3A_122 = arith.constant 112 : i32
      %add3A_123 = arith.addi %add3A_10, %add3A_122 : i32
      "tpu.region"() ({
        %run_scoped3A = tpu.sem_alloc : memref<!tpu.dma_semaphore, #tpu.memory_space<semaphore_mem>>
        %dma_start3A_138 = arith.constant 0 : i32
        %dma_start3A_139 = tpu.memref_slice %arg5[%add3A_123, %dma_start3A_138] : memref<10240x2048xf32, #tpu.memory_space<hbm>> -> memref<16x2048xf32, #tpu.memory_space<hbm>>
        %dma_start3A_140 = arith.constant 0 : i32
        %dma_start3A_141 = tpu.memref_slice %arg5[%add3A_123, %dma_start3A_140] : memref<10240x2048xf32, #tpu.memory_space<hbm>> -> memref<16x2048xf32, #tpu.memory_space<hbm>>
        tpu.enqueue_dma source(%arg9 : memref<16x2048xf32, #tpu.memory_space<vmem>>) target(%dma_start3A_141 : memref<16x2048xf32, #tpu.memory_space<hbm>>) target_semaphore(%run_scoped3A : memref<!tpu.dma_semaphore, #tpu.memory_space<semaphore_mem>>)
        %dma_wait3A_142 = arith.constant 0 : i32
        %dma_wait3A_143 = tpu.memref_slice %arg5[%add3A_123, %dma_wait3A_142] : memref<10240x2048xf32, #tpu.memory_space<hbm>> -> memref<16x2048xf32, #tpu.memory_space<hbm>>
        %dma_wait3A_144 = arith.constant 0 : i32
        %dma_wait3A_145 = tpu.memref_slice %arg5[%add3A_123, %dma_wait3A_144] : memref<10240x2048xf32, #tpu.memory_space<hbm>> -> memref<16x2048xf32, #tpu.memory_space<hbm>>
        tpu.wait_dma2 semaphore(%run_scoped3A : memref<!tpu.dma_semaphore, #tpu.memory_space<semaphore_mem>>) src(%arg9 : memref<16x2048xf32, #tpu.memory_space<vmem>>) dst(%dma_wait3A_145 : memref<16x2048xf32, #tpu.memory_space<hbm>>)
        tpu.yield
      }) : () -> ()
      %dma_wait3A_124 = arith.constant 128 : i32
      %dma_wait3A_125 = tpu.memref_slice %arg6[%dma_wait3A_124] : memref<160xi32, #tpu.memory_space<vmem>> -> memref<16xi32, #tpu.memory_space<vmem>>
      %dma_wait3A_126 = arith.constant 0 : i32
      %dma_wait3A_127 = arith.constant 0 : i32
      %dma_wait3A_128 = tpu.memref_slice %arg2[%dma_wait3A_126, %dma_wait3A_127] : memref<4096x2048xf32, #tpu.memory_space<hbm>> -> memref<4096x2048xf32, #tpu.memory_space<hbm>>
      tpu.wait_indirect_dma semaphore(%arg13 : memref<!tpu.dma_semaphore, #tpu.memory_space<semaphore_mem>>) src(%dma_wait3A_128 : memref<4096x2048xf32, #tpu.memory_space<hbm>>) dst(%arg10 : memref<16x2048xf32, #tpu.memory_space<vmem>>)
      %add3A_129 = arith.constant 128 : i32
      %add3A_130 = arith.addi %add3A_10, %add3A_129 : i32
      "tpu.region"() ({
        %run_scoped3A = tpu.sem_alloc : memref<!tpu.dma_semaphore, #tpu.memory_space<semaphore_mem>>
        %dma_start3A_138 = arith.constant 0 : i32
        %dma_start3A_139 = tpu.memref_slice %arg5[%add3A_130, %dma_start3A_138] : memref<10240x2048xf32, #tpu.memory_space<hbm>> -> memref<16x2048xf32, #tpu.memory_space<hbm>>
        %dma_start3A_140 = arith.constant 0 : i32
        %dma_start3A_141 = tpu.memref_slice %arg5[%add3A_130, %dma_start3A_140] : memref<10240x2048xf32, #tpu.memory_space<hbm>> -> memref<16x2048xf32, #tpu.memory_space<hbm>>
        tpu.enqueue_dma source(%arg10 : memref<16x2048xf32, #tpu.memory_space<vmem>>) target(%dma_start3A_141 : memref<16x2048xf32, #tpu.memory_space<hbm>>) target_semaphore(%run_scoped3A : memref<!tpu.dma_semaphore, #tpu.memory_space<semaphore_mem>>)
        %dma_wait3A_142 = arith.constant 0 : i32
        %dma_wait3A_143 = tpu.memref_slice %arg5[%add3A_130, %dma_wait3A_142] : memref<10240x2048xf32, #tpu.memory_space<hbm>> -> memref<16x2048xf32, #tpu.memory_space<hbm>>
        %dma_wait3A_144 = arith.constant 0 : i32
        %dma_wait3A_145 = tpu.memref_slice %arg5[%add3A_130, %dma_wait3A_144] : memref<10240x2048xf32, #tpu.memory_space<hbm>> -> memref<16x2048xf32, #tpu.memory_space<hbm>>
        tpu.wait_dma2 semaphore(%run_scoped3A : memref<!tpu.dma_semaphore, #tpu.memory_space<semaphore_mem>>) src(%arg10 : memref<16x2048xf32, #tpu.memory_space<vmem>>) dst(%dma_wait3A_145 : memref<16x2048xf32, #tpu.memory_space<hbm>>)
        tpu.yield
      }) : () -> ()
      %dma_wait3A_131 = arith.constant 144 : i32
      %dma_wait3A_132 = tpu.memref_slice %arg6[%dma_wait3A_131] : memref<160xi32, #tpu.memory_space<vmem>> -> memref<16xi32, #tpu.memory_space<vmem>>
      %dma_wait3A_133 = arith.constant 0 : i32
      %dma_wait3A_134 = arith.constant 0 : i32
      %dma_wait3A_135 = tpu.memref_slice %arg2[%dma_wait3A_133, %dma_wait3A_134] : memref<4096x2048xf32, #tpu.memory_space<hbm>> -> memref<4096x2048xf32, #tpu.memory_space<hbm>>
      tpu.wait_indirect_dma semaphore(%arg11 : memref<!tpu.dma_semaphore, #tpu.memory_space<semaphore_mem>>) src(%dma_wait3A_135 : memref<4096x2048xf32, #tpu.memory_space<hbm>>) dst(%arg8 : memref<16x2048xf32, #tpu.memory_space<vmem>>)
      %add3A_136 = arith.constant 144 : i32
      %add3A_137 = arith.addi %add3A_10, %add3A_136 : i32
      "tpu.region"() ({
        %run_scoped3A = tpu.sem_alloc : memref<!tpu.dma_semaphore, #tpu.memory_space<semaphore_mem>>
        %dma_start3A_138 = arith.constant 0 : i32
        %dma_start3A_139 = tpu.memref_slice %arg5[%add3A_137, %dma_start3A_138] : memref<10240x2048xf32, #tpu.memory_space<hbm>> -> memref<16x2048xf32, #tpu.memory_space<hbm>>
        %dma_start3A_140 = arith.constant 0 : i32
        %dma_start3A_141 = tpu.memref_slice %arg5[%add3A_137, %dma_start3A_140] : memref<10240x2048xf32, #tpu.memory_space<hbm>> -> memref<16x2048xf32, #tpu.memory_space<hbm>>
        tpu.enqueue_dma source(%arg8 : memref<16x2048xf32, #tpu.memory_space<vmem>>) target(%dma_start3A_141 : memref<16x2048xf32, #tpu.memory_space<hbm>>) target_semaphore(%run_scoped3A : memref<!tpu.dma_semaphore, #tpu.memory_space<semaphore_mem>>)
        %dma_wait3A_142 = arith.constant 0 : i32
        %dma_wait3A_143 = tpu.memref_slice %arg5[%add3A_137, %dma_wait3A_142] : memref<10240x2048xf32, #tpu.memory_space<hbm>> -> memref<16x2048xf32, #tpu.memory_space<hbm>>
        %dma_wait3A_144 = arith.constant 0 : i32
        %dma_wait3A_145 = tpu.memref_slice %arg5[%add3A_137, %dma_wait3A_144] : memref<10240x2048xf32, #tpu.memory_space<hbm>> -> memref<16x2048xf32, #tpu.memory_space<hbm>>
        tpu.wait_dma2 semaphore(%run_scoped3A : memref<!tpu.dma_semaphore, #tpu.memory_space<semaphore_mem>>) src(%arg8 : memref<16x2048xf32, #tpu.memory_space<vmem>>) dst(%dma_wait3A_145 : memref<16x2048xf32, #tpu.memory_space<hbm>>)
        tpu.yield
      }) : () -> ()
    } else {
    }
    %mul3A_12 = arith.constant 160 : i32
    %mul3A_13 = arith.muli %add3A, %mul3A_12 : i32
    %add3A_14 = arith.constant 5120 : i32
    %add3A_15 = arith.addi %mul3A_13, %add3A_14 : i32
    %lt3A_16 = arith.cmpi slt, %add3A_15, %reduce_sum3A_6 : i32
    %convert_element_type3A_17 = arith.extui %lt3A_16 : i1 to i32
    %cond3A_18 = arith.constant 0 : i32
    %cond3A_19 = arith.cmpi ne, %convert_element_type3A_17, %cond3A_18 : i32
    scf.if %cond3A_19 {
      "tpu.region"() ({
        %run_scoped3A = tpu.sem_alloc : memref<!tpu.dma_semaphore, #tpu.memory_space<semaphore_mem>>
        %dma_start3A_138 = tpu.memref_slice %arg3[%add3A_15] : memref<10240xi32, #tpu.memory_space<hbm>> -> memref<160xi32, #tpu.memory_space<hbm>>
        %dma_start3A_139 = tpu.memref_slice %arg3[%add3A_15] : memref<10240xi32, #tpu.memory_space<hbm>> -> memref<160xi32, #tpu.memory_space<hbm>>
        tpu.enqueue_dma source(%dma_start3A_139 : memref<160xi32, #tpu.memory_space<hbm>>) target(%arg6 : memref<160xi32, #tpu.memory_space<vmem>>) target_semaphore(%run_scoped3A : memref<!tpu.dma_semaphore, #tpu.memory_space<semaphore_mem>>)
        %dma_wait3A_140 = tpu.memref_slice %arg3[%add3A_15] : memref<10240xi32, #tpu.memory_space<hbm>> -> memref<160xi32, #tpu.memory_space<hbm>>
        %dma_wait3A_141 = tpu.memref_slice %arg3[%add3A_15] : memref<10240xi32, #tpu.memory_space<hbm>> -> memref<160xi32, #tpu.memory_space<hbm>>
        tpu.wait_dma2 semaphore(%run_scoped3A : memref<!tpu.dma_semaphore, #tpu.memory_space<semaphore_mem>>) src(%dma_wait3A_141 : memref<160xi32, #tpu.memory_space<hbm>>) dst(%arg6 : memref<160xi32, #tpu.memory_space<vmem>>)
        tpu.yield
      }) : () -> ()
      %dma_start3A = arith.constant 0 : i32
      %dma_start3A_20 = tpu.memref_slice %arg6[%dma_start3A] : memref<160xi32, #tpu.memory_space<vmem>> -> memref<16xi32, #tpu.memory_space<vmem>>
      %dma_start3A_21 = arith.constant 0 : i32
      %dma_start3A_22 = arith.constant 0 : i32
      %dma_start3A_23 = tpu.memref_slice %arg2[%dma_start3A_21, %dma_start3A_22] : memref<4096x2048xf32, #tpu.memory_space<hbm>> -> memref<4096x2048xf32, #tpu.memory_space<hbm>>
      tpu.enqueue_indirect_dma source(%dma_start3A_23 : memref<4096x2048xf32, #tpu.memory_space<hbm>>) target(%arg8 : memref<16x2048xf32, #tpu.memory_space<vmem>>) offsets(%dma_start3A_20 : memref<16xi32, #tpu.memory_space<vmem>>) semaphore(%arg11 : memref<!tpu.dma_semaphore, #tpu.memory_space<semaphore_mem>>)
      %dma_start3A_24 = arith.constant 16 : i32
      %dma_start3A_25 = tpu.memref_slice %arg6[%dma_start3A_24] : memref<160xi32, #tpu.memory_space<vmem>> -> memref<16xi32, #tpu.memory_space<vmem>>
      %dma_start3A_26 = arith.constant 0 : i32
      %dma_start3A_27 = arith.constant 0 : i32
      %dma_start3A_28 = tpu.memref_slice %arg2[%dma_start3A_26, %dma_start3A_27] : memref<4096x2048xf32, #tpu.memory_space<hbm>> -> memref<4096x2048xf32, #tpu.memory_space<hbm>>
      tpu.enqueue_indirect_dma source(%dma_start3A_28 : memref<4096x2048xf32, #tpu.memory_space<hbm>>) target(%arg9 : memref<16x2048xf32, #tpu.memory_space<vmem>>) offsets(%dma_start3A_25 : memref<16xi32, #tpu.memory_space<vmem>>) semaphore(%arg12 : memref<!tpu.dma_semaphore, #tpu.memory_space<semaphore_mem>>)
      %dma_start3A_29 = arith.constant 32 : i32
      %dma_start3A_30 = tpu.memref_slice %arg6[%dma_start3A_29] : memref<160xi32, #tpu.memory_space<vmem>> -> memref<16xi32, #tpu.memory_space<vmem>>
      %dma_start3A_31 = arith.constant 0 : i32
      %dma_start3A_32 = arith.constant 0 : i32
      %dma_start3A_33 = tpu.memref_slice %arg2[%dma_start3A_31, %dma_start3A_32] : memref<4096x2048xf32, #tpu.memory_space<hbm>> -> memref<4096x2048xf32, #tpu.memory_space<hbm>>
      tpu.enqueue_indirect_dma source(%dma_start3A_33 : memref<4096x2048xf32, #tpu.memory_space<hbm>>) target(%arg10 : memref<16x2048xf32, #tpu.memory_space<vmem>>) offsets(%dma_start3A_30 : memref<16xi32, #tpu.memory_space<vmem>>) semaphore(%arg13 : memref<!tpu.dma_semaphore, #tpu.memory_space<semaphore_mem>>)
      %dma_wait3A = arith.constant 0 : i32
      %dma_wait3A_34 = tpu.memref_slice %arg6[%dma_wait3A] : memref<160xi32, #tpu.memory_space<vmem>> -> memref<16xi32, #tpu.memory_space<vmem>>
      %dma_wait3A_35 = arith.constant 0 : i32
      %dma_wait3A_36 = arith.constant 0 : i32
      %dma_wait3A_37 = tpu.memref_slice %arg2[%dma_wait3A_35, %dma_wait3A_36] : memref<4096x2048xf32, #tpu.memory_space<hbm>> -> memref<4096x2048xf32, #tpu.memory_space<hbm>>
      tpu.wait_indirect_dma semaphore(%arg11 : memref<!tpu.dma_semaphore, #tpu.memory_space<semaphore_mem>>) src(%dma_wait3A_37 : memref<4096x2048xf32, #tpu.memory_space<hbm>>) dst(%arg8 : memref<16x2048xf32, #tpu.memory_space<vmem>>)
      %add3A_38 = arith.constant 0 : i32
      %add3A_39 = arith.addi %add3A_15, %add3A_38 : i32
      "tpu.region"() ({
        %run_scoped3A = tpu.sem_alloc : memref<!tpu.dma_semaphore, #tpu.memory_space<semaphore_mem>>
        %dma_start3A_138 = arith.constant 0 : i32
        %dma_start3A_139 = tpu.memref_slice %arg5[%add3A_39, %dma_start3A_138] : memref<10240x2048xf32, #tpu.memory_space<hbm>> -> memref<16x2048xf32, #tpu.memory_space<hbm>>
        %dma_start3A_140 = arith.constant 0 : i32
        %dma_start3A_141 = tpu.memref_slice %arg5[%add3A_39, %dma_start3A_140] : memref<10240x2048xf32, #tpu.memory_space<hbm>> -> memref<16x2048xf32, #tpu.memory_space<hbm>>
        tpu.enqueue_dma source(%arg8 : memref<16x2048xf32, #tpu.memory_space<vmem>>) target(%dma_start3A_141 : memref<16x2048xf32, #tpu.memory_space<hbm>>) target_semaphore(%run_scoped3A : memref<!tpu.dma_semaphore, #tpu.memory_space<semaphore_mem>>)
        %dma_wait3A_142 = arith.constant 0 : i32
        %dma_wait3A_143 = tpu.memref_slice %arg5[%add3A_39, %dma_wait3A_142] : memref<10240x2048xf32, #tpu.memory_space<hbm>> -> memref<16x2048xf32, #tpu.memory_space<hbm>>
        %dma_wait3A_144 = arith.constant 0 : i32
        %dma_wait3A_145 = tpu.memref_slice %arg5[%add3A_39, %dma_wait3A_144] : memref<10240x2048xf32, #tpu.memory_space<hbm>> -> memref<16x2048xf32, #tpu.memory_space<hbm>>
        tpu.wait_dma2 semaphore(%run_scoped3A : memref<!tpu.dma_semaphore, #tpu.memory_space<semaphore_mem>>) src(%arg8 : memref<16x2048xf32, #tpu.memory_space<vmem>>) dst(%dma_wait3A_145 : memref<16x2048xf32, #tpu.memory_space<hbm>>)
        tpu.yield
      }) : () -> ()
      %dma_start3A_40 = arith.constant 48 : i32
      %dma_start3A_41 = tpu.memref_slice %arg6[%dma_start3A_40] : memref<160xi32, #tpu.memory_space<vmem>> -> memref<16xi32, #tpu.memory_space<vmem>>
      %dma_start3A_42 = arith.constant 0 : i32
      %dma_start3A_43 = arith.constant 0 : i32
      %dma_start3A_44 = tpu.memref_slice %arg2[%dma_start3A_42, %dma_start3A_43] : memref<4096x2048xf32, #tpu.memory_space<hbm>> -> memref<4096x2048xf32, #tpu.memory_space<hbm>>
      tpu.enqueue_indirect_dma source(%dma_start3A_44 : memref<4096x2048xf32, #tpu.memory_space<hbm>>) target(%arg8 : memref<16x2048xf32, #tpu.memory_space<vmem>>) offsets(%dma_start3A_41 : memref<16xi32, #tpu.memory_space<vmem>>) semaphore(%arg11 : memref<!tpu.dma_semaphore, #tpu.memory_space<semaphore_mem>>)
      %dma_wait3A_45 = arith.constant 16 : i32
      %dma_wait3A_46 = tpu.memref_slice %arg6[%dma_wait3A_45] : memref<160xi32, #tpu.memory_space<vmem>> -> memref<16xi32, #tpu.memory_space<vmem>>
      %dma_wait3A_47 = arith.constant 0 : i32
      %dma_wait3A_48 = arith.constant 0 : i32
      %dma_wait3A_49 = tpu.memref_slice %arg2[%dma_wait3A_47, %dma_wait3A_48] : memref<4096x2048xf32, #tpu.memory_space<hbm>> -> memref<4096x2048xf32, #tpu.memory_space<hbm>>
      tpu.wait_indirect_dma semaphore(%arg12 : memref<!tpu.dma_semaphore, #tpu.memory_space<semaphore_mem>>) src(%dma_wait3A_49 : memref<4096x2048xf32, #tpu.memory_space<hbm>>) dst(%arg9 : memref<16x2048xf32, #tpu.memory_space<vmem>>)
      %add3A_50 = arith.constant 16 : i32
      %add3A_51 = arith.addi %add3A_15, %add3A_50 : i32
      "tpu.region"() ({
        %run_scoped3A = tpu.sem_alloc : memref<!tpu.dma_semaphore, #tpu.memory_space<semaphore_mem>>
        %dma_start3A_138 = arith.constant 0 : i32
        %dma_start3A_139 = tpu.memref_slice %arg5[%add3A_51, %dma_start3A_138] : memref<10240x2048xf32, #tpu.memory_space<hbm>> -> memref<16x2048xf32, #tpu.memory_space<hbm>>
        %dma_start3A_140 = arith.constant 0 : i32
        %dma_start3A_141 = tpu.memref_slice %arg5[%add3A_51, %dma_start3A_140] : memref<10240x2048xf32, #tpu.memory_space<hbm>> -> memref<16x2048xf32, #tpu.memory_space<hbm>>
        tpu.enqueue_dma source(%arg9 : memref<16x2048xf32, #tpu.memory_space<vmem>>) target(%dma_start3A_141 : memref<16x2048xf32, #tpu.memory_space<hbm>>) target_semaphore(%run_scoped3A : memref<!tpu.dma_semaphore, #tpu.memory_space<semaphore_mem>>)
        %dma_wait3A_142 = arith.constant 0 : i32
        %dma_wait3A_143 = tpu.memref_slice %arg5[%add3A_51, %dma_wait3A_142] : memref<10240x2048xf32, #tpu.memory_space<hbm>> -> memref<16x2048xf32, #tpu.memory_space<hbm>>
        %dma_wait3A_144 = arith.constant 0 : i32
        %dma_wait3A_145 = tpu.memref_slice %arg5[%add3A_51, %dma_wait3A_144] : memref<10240x2048xf32, #tpu.memory_space<hbm>> -> memref<16x2048xf32, #tpu.memory_space<hbm>>
        tpu.wait_dma2 semaphore(%run_scoped3A : memref<!tpu.dma_semaphore, #tpu.memory_space<semaphore_mem>>) src(%arg9 : memref<16x2048xf32, #tpu.memory_space<vmem>>) dst(%dma_wait3A_145 : memref<16x2048xf32, #tpu.memory_space<hbm>>)
        tpu.yield
      }) : () -> ()
      %dma_start3A_52 = arith.constant 64 : i32
      %dma_start3A_53 = tpu.memref_slice %arg6[%dma_start3A_52] : memref<160xi32, #tpu.memory_space<vmem>> -> memref<16xi32, #tpu.memory_space<vmem>>
      %dma_start3A_54 = arith.constant 0 : i32
      %dma_start3A_55 = arith.constant 0 : i32
      %dma_start3A_56 = tpu.memref_slice %arg2[%dma_start3A_54, %dma_start3A_55] : memref<4096x2048xf32, #tpu.memory_space<hbm>> -> memref<4096x2048xf32, #tpu.memory_space<hbm>>
      tpu.enqueue_indirect_dma source(%dma_start3A_56 : memref<4096x2048xf32, #tpu.memory_space<hbm>>) target(%arg9 : memref<16x2048xf32, #tpu.memory_space<vmem>>) offsets(%dma_start3A_53 : memref<16xi32, #tpu.memory_space<vmem>>) semaphore(%arg12 : memref<!tpu.dma_semaphore, #tpu.memory_space<semaphore_mem>>)
      %dma_wait3A_57 = arith.constant 32 : i32
      %dma_wait3A_58 = tpu.memref_slice %arg6[%dma_wait3A_57] : memref<160xi32, #tpu.memory_space<vmem>> -> memref<16xi32, #tpu.memory_space<vmem>>
      %dma_wait3A_59 = arith.constant 0 : i32
      %dma_wait3A_60 = arith.constant 0 : i32
      %dma_wait3A_61 = tpu.memref_slice %arg2[%dma_wait3A_59, %dma_wait3A_60] : memref<4096x2048xf32, #tpu.memory_space<hbm>> -> memref<4096x2048xf32, #tpu.memory_space<hbm>>
      tpu.wait_indirect_dma semaphore(%arg13 : memref<!tpu.dma_semaphore, #tpu.memory_space<semaphore_mem>>) src(%dma_wait3A_61 : memref<4096x2048xf32, #tpu.memory_space<hbm>>) dst(%arg10 : memref<16x2048xf32, #tpu.memory_space<vmem>>)
      %add3A_62 = arith.constant 32 : i32
      %add3A_63 = arith.addi %add3A_15, %add3A_62 : i32
      "tpu.region"() ({
        %run_scoped3A = tpu.sem_alloc : memref<!tpu.dma_semaphore, #tpu.memory_space<semaphore_mem>>
        %dma_start3A_138 = arith.constant 0 : i32
        %dma_start3A_139 = tpu.memref_slice %arg5[%add3A_63, %dma_start3A_138] : memref<10240x2048xf32, #tpu.memory_space<hbm>> -> memref<16x2048xf32, #tpu.memory_space<hbm>>
        %dma_start3A_140 = arith.constant 0 : i32
        %dma_start3A_141 = tpu.memref_slice %arg5[%add3A_63, %dma_start3A_140] : memref<10240x2048xf32, #tpu.memory_space<hbm>> -> memref<16x2048xf32, #tpu.memory_space<hbm>>
        tpu.enqueue_dma source(%arg10 : memref<16x2048xf32, #tpu.memory_space<vmem>>) target(%dma_start3A_141 : memref<16x2048xf32, #tpu.memory_space<hbm>>) target_semaphore(%run_scoped3A : memref<!tpu.dma_semaphore, #tpu.memory_space<semaphore_mem>>)
        %dma_wait3A_142 = arith.constant 0 : i32
        %dma_wait3A_143 = tpu.memref_slice %arg5[%add3A_63, %dma_wait3A_142] : memref<10240x2048xf32, #tpu.memory_space<hbm>> -> memref<16x2048xf32, #tpu.memory_space<hbm>>
        %dma_wait3A_144 = arith.constant 0 : i32
        %dma_wait3A_145 = tpu.memref_slice %arg5[%add3A_63, %dma_wait3A_144] : memref<10240x2048xf32, #tpu.memory_space<hbm>> -> memref<16x2048xf32, #tpu.memory_space<hbm>>
        tpu.wait_dma2 semaphore(%run_scoped3A : memref<!tpu.dma_semaphore, #tpu.memory_space<semaphore_mem>>) src(%arg10 : memref<16x2048xf32, #tpu.memory_space<vmem>>) dst(%dma_wait3A_145 : memref<16x2048xf32, #tpu.memory_space<hbm>>)
        tpu.yield
      }) : () -> ()
      %dma_start3A_64 = arith.constant 80 : i32
      %dma_start3A_65 = tpu.memref_slice %arg6[%dma_start3A_64] : memref<160xi32, #tpu.memory_space<vmem>> -> memref<16xi32, #tpu.memory_space<vmem>>
      %dma_start3A_66 = arith.constant 0 : i32
      %dma_start3A_67 = arith.constant 0 : i32
      %dma_start3A_68 = tpu.memref_slice %arg2[%dma_start3A_66, %dma_start3A_67] : memref<4096x2048xf32, #tpu.memory_space<hbm>> -> memref<4096x2048xf32, #tpu.memory_space<hbm>>
      tpu.enqueue_indirect_dma source(%dma_start3A_68 : memref<4096x2048xf32, #tpu.memory_space<hbm>>) target(%arg10 : memref<16x2048xf32, #tpu.memory_space<vmem>>) offsets(%dma_start3A_65 : memref<16xi32, #tpu.memory_space<vmem>>) semaphore(%arg13 : memref<!tpu.dma_semaphore, #tpu.memory_space<semaphore_mem>>)
      %dma_wait3A_69 = arith.constant 48 : i32
      %dma_wait3A_70 = tpu.memref_slice %arg6[%dma_wait3A_69] : memref<160xi32, #tpu.memory_space<vmem>> -> memref<16xi32, #tpu.memory_space<vmem>>
      %dma_wait3A_71 = arith.constant 0 : i32
      %dma_wait3A_72 = arith.constant 0 : i32
      %dma_wait3A_73 = tpu.memref_slice %arg2[%dma_wait3A_71, %dma_wait3A_72] : memref<4096x2048xf32, #tpu.memory_space<hbm>> -> memref<4096x2048xf32, #tpu.memory_space<hbm>>
      tpu.wait_indirect_dma semaphore(%arg11 : memref<!tpu.dma_semaphore, #tpu.memory_space<semaphore_mem>>) src(%dma_wait3A_73 : memref<4096x2048xf32, #tpu.memory_space<hbm>>) dst(%arg8 : memref<16x2048xf32, #tpu.memory_space<vmem>>)
      %add3A_74 = arith.constant 48 : i32
      %add3A_75 = arith.addi %add3A_15, %add3A_74 : i32
      "tpu.region"() ({
        %run_scoped3A = tpu.sem_alloc : memref<!tpu.dma_semaphore, #tpu.memory_space<semaphore_mem>>
        %dma_start3A_138 = arith.constant 0 : i32
        %dma_start3A_139 = tpu.memref_slice %arg5[%add3A_75, %dma_start3A_138] : memref<10240x2048xf32, #tpu.memory_space<hbm>> -> memref<16x2048xf32, #tpu.memory_space<hbm>>
        %dma_start3A_140 = arith.constant 0 : i32
        %dma_start3A_141 = tpu.memref_slice %arg5[%add3A_75, %dma_start3A_140] : memref<10240x2048xf32, #tpu.memory_space<hbm>> -> memref<16x2048xf32, #tpu.memory_space<hbm>>
        tpu.enqueue_dma source(%arg8 : memref<16x2048xf32, #tpu.memory_space<vmem>>) target(%dma_start3A_141 : memref<16x2048xf32, #tpu.memory_space<hbm>>) target_semaphore(%run_scoped3A : memref<!tpu.dma_semaphore, #tpu.memory_space<semaphore_mem>>)
        %dma_wait3A_142 = arith.constant 0 : i32
        %dma_wait3A_143 = tpu.memref_slice %arg5[%add3A_75, %dma_wait3A_142] : memref<10240x2048xf32, #tpu.memory_space<hbm>> -> memref<16x2048xf32, #tpu.memory_space<hbm>>
        %dma_wait3A_144 = arith.constant 0 : i32
        %dma_wait3A_145 = tpu.memref_slice %arg5[%add3A_75, %dma_wait3A_144] : memref<10240x2048xf32, #tpu.memory_space<hbm>> -> memref<16x2048xf32, #tpu.memory_space<hbm>>
        tpu.wait_dma2 semaphore(%run_scoped3A : memref<!tpu.dma_semaphore, #tpu.memory_space<semaphore_mem>>) src(%arg8 : memref<16x2048xf32, #tpu.memory_space<vmem>>) dst(%dma_wait3A_145 : memref<16x2048xf32, #tpu.memory_space<hbm>>)
        tpu.yield
      }) : () -> ()
      %dma_start3A_76 = arith.constant 96 : i32
      %dma_start3A_77 = tpu.memref_slice %arg6[%dma_start3A_76] : memref<160xi32, #tpu.memory_space<vmem>> -> memref<16xi32, #tpu.memory_space<vmem>>
      %dma_start3A_78 = arith.constant 0 : i32
      %dma_start3A_79 = arith.constant 0 : i32
      %dma_start3A_80 = tpu.memref_slice %arg2[%dma_start3A_78, %dma_start3A_79] : memref<4096x2048xf32, #tpu.memory_space<hbm>> -> memref<4096x2048xf32, #tpu.memory_space<hbm>>
      tpu.enqueue_indirect_dma source(%dma_start3A_80 : memref<4096x2048xf32, #tpu.memory_space<hbm>>) target(%arg8 : memref<16x2048xf32, #tpu.memory_space<vmem>>) offsets(%dma_start3A_77 : memref<16xi32, #tpu.memory_space<vmem>>) semaphore(%arg11 : memref<!tpu.dma_semaphore, #tpu.memory_space<semaphore_mem>>)
      %dma_wait3A_81 = arith.constant 64 : i32
      %dma_wait3A_82 = tpu.memref_slice %arg6[%dma_wait3A_81] : memref<160xi32, #tpu.memory_space<vmem>> -> memref<16xi32, #tpu.memory_space<vmem>>
      %dma_wait3A_83 = arith.constant 0 : i32
      %dma_wait3A_84 = arith.constant 0 : i32
      %dma_wait3A_85 = tpu.memref_slice %arg2[%dma_wait3A_83, %dma_wait3A_84] : memref<4096x2048xf32, #tpu.memory_space<hbm>> -> memref<4096x2048xf32, #tpu.memory_space<hbm>>
      tpu.wait_indirect_dma semaphore(%arg12 : memref<!tpu.dma_semaphore, #tpu.memory_space<semaphore_mem>>) src(%dma_wait3A_85 : memref<4096x2048xf32, #tpu.memory_space<hbm>>) dst(%arg9 : memref<16x2048xf32, #tpu.memory_space<vmem>>)
      %add3A_86 = arith.constant 64 : i32
      %add3A_87 = arith.addi %add3A_15, %add3A_86 : i32
      "tpu.region"() ({
        %run_scoped3A = tpu.sem_alloc : memref<!tpu.dma_semaphore, #tpu.memory_space<semaphore_mem>>
        %dma_start3A_138 = arith.constant 0 : i32
        %dma_start3A_139 = tpu.memref_slice %arg5[%add3A_87, %dma_start3A_138] : memref<10240x2048xf32, #tpu.memory_space<hbm>> -> memref<16x2048xf32, #tpu.memory_space<hbm>>
        %dma_start3A_140 = arith.constant 0 : i32
        %dma_start3A_141 = tpu.memref_slice %arg5[%add3A_87, %dma_start3A_140] : memref<10240x2048xf32, #tpu.memory_space<hbm>> -> memref<16x2048xf32, #tpu.memory_space<hbm>>
        tpu.enqueue_dma source(%arg9 : memref<16x2048xf32, #tpu.memory_space<vmem>>) target(%dma_start3A_141 : memref<16x2048xf32, #tpu.memory_space<hbm>>) target_semaphore(%run_scoped3A : memref<!tpu.dma_semaphore, #tpu.memory_space<semaphore_mem>>)
        %dma_wait3A_142 = arith.constant 0 : i32
        %dma_wait3A_143 = tpu.memref_slice %arg5[%add3A_87, %dma_wait3A_142] : memref<10240x2048xf32, #tpu.memory_space<hbm>> -> memref<16x2048xf32, #tpu.memory_space<hbm>>
        %dma_wait3A_144 = arith.constant 0 : i32
        %dma_wait3A_145 = tpu.memref_slice %arg5[%add3A_87, %dma_wait3A_144] : memref<10240x2048xf32, #tpu.memory_space<hbm>> -> memref<16x2048xf32, #tpu.memory_space<hbm>>
        tpu.wait_dma2 semaphore(%run_scoped3A : memref<!tpu.dma_semaphore, #tpu.memory_space<semaphore_mem>>) src(%arg9 : memref<16x2048xf32, #tpu.memory_space<vmem>>) dst(%dma_wait3A_145 : memref<16x2048xf32, #tpu.memory_space<hbm>>)
        tpu.yield
      }) : () -> ()
      %dma_start3A_88 = arith.constant 112 : i32
      %dma_start3A_89 = tpu.memref_slice %arg6[%dma_start3A_88] : memref<160xi32, #tpu.memory_space<vmem>> -> memref<16xi32, #tpu.memory_space<vmem>>
      %dma_start3A_90 = arith.constant 0 : i32
      %dma_start3A_91 = arith.constant 0 : i32
      %dma_start3A_92 = tpu.memref_slice %arg2[%dma_start3A_90, %dma_start3A_91] : memref<4096x2048xf32, #tpu.memory_space<hbm>> -> memref<4096x2048xf32, #tpu.memory_space<hbm>>
      tpu.enqueue_indirect_dma source(%dma_start3A_92 : memref<4096x2048xf32, #tpu.memory_space<hbm>>) target(%arg9 : memref<16x2048xf32, #tpu.memory_space<vmem>>) offsets(%dma_start3A_89 : memref<16xi32, #tpu.memory_space<vmem>>) semaphore(%arg12 : memref<!tpu.dma_semaphore, #tpu.memory_space<semaphore_mem>>)
      %dma_wait3A_93 = arith.constant 80 : i32
      %dma_wait3A_94 = tpu.memref_slice %arg6[%dma_wait3A_93] : memref<160xi32, #tpu.memory_space<vmem>> -> memref<16xi32, #tpu.memory_space<vmem>>
      %dma_wait3A_95 = arith.constant 0 : i32
      %dma_wait3A_96 = arith.constant 0 : i32
      %dma_wait3A_97 = tpu.memref_slice %arg2[%dma_wait3A_95, %dma_wait3A_96] : memref<4096x2048xf32, #tpu.memory_space<hbm>> -> memref<4096x2048xf32, #tpu.memory_space<hbm>>
      tpu.wait_indirect_dma semaphore(%arg13 : memref<!tpu.dma_semaphore, #tpu.memory_space<semaphore_mem>>) src(%dma_wait3A_97 : memref<4096x2048xf32, #tpu.memory_space<hbm>>) dst(%arg10 : memref<16x2048xf32, #tpu.memory_space<vmem>>)
      %add3A_98 = arith.constant 80 : i32
      %add3A_99 = arith.addi %add3A_15, %add3A_98 : i32
      "tpu.region"() ({
        %run_scoped3A = tpu.sem_alloc : memref<!tpu.dma_semaphore, #tpu.memory_space<semaphore_mem>>
        %dma_start3A_138 = arith.constant 0 : i32
        %dma_start3A_139 = tpu.memref_slice %arg5[%add3A_99, %dma_start3A_138] : memref<10240x2048xf32, #tpu.memory_space<hbm>> -> memref<16x2048xf32, #tpu.memory_space<hbm>>
        %dma_start3A_140 = arith.constant 0 : i32
        %dma_start3A_141 = tpu.memref_slice %arg5[%add3A_99, %dma_start3A_140] : memref<10240x2048xf32, #tpu.memory_space<hbm>> -> memref<16x2048xf32, #tpu.memory_space<hbm>>
        tpu.enqueue_dma source(%arg10 : memref<16x2048xf32, #tpu.memory_space<vmem>>) target(%dma_start3A_141 : memref<16x2048xf32, #tpu.memory_space<hbm>>) target_semaphore(%run_scoped3A : memref<!tpu.dma_semaphore, #tpu.memory_space<semaphore_mem>>)
        %dma_wait3A_142 = arith.constant 0 : i32
        %dma_wait3A_143 = tpu.memref_slice %arg5[%add3A_99, %dma_wait3A_142] : memref<10240x2048xf32, #tpu.memory_space<hbm>> -> memref<16x2048xf32, #tpu.memory_space<hbm>>
        %dma_wait3A_144 = arith.constant 0 : i32
        %dma_wait3A_145 = tpu.memref_slice %arg5[%add3A_99, %dma_wait3A_144] : memref<10240x2048xf32, #tpu.memory_space<hbm>> -> memref<16x2048xf32, #tpu.memory_space<hbm>>
        tpu.wait_dma2 semaphore(%run_scoped3A : memref<!tpu.dma_semaphore, #tpu.memory_space<semaphore_mem>>) src(%arg10 : memref<16x2048xf32, #tpu.memory_space<vmem>>) dst(%dma_wait3A_145 : memref<16x2048xf32, #tpu.memory_space<hbm>>)
        tpu.yield
      }) : () -> ()
      %dma_start3A_100 = arith.constant 128 : i32
      %dma_start3A_101 = tpu.memref_slice %arg6[%dma_start3A_100] : memref<160xi32, #tpu.memory_space<vmem>> -> memref<16xi32, #tpu.memory_space<vmem>>
      %dma_start3A_102 = arith.constant 0 : i32
      %dma_start3A_103 = arith.constant 0 : i32
      %dma_start3A_104 = tpu.memref_slice %arg2[%dma_start3A_102, %dma_start3A_103] : memref<4096x2048xf32, #tpu.memory_space<hbm>> -> memref<4096x2048xf32, #tpu.memory_space<hbm>>
      tpu.enqueue_indirect_dma source(%dma_start3A_104 : memref<4096x2048xf32, #tpu.memory_space<hbm>>) target(%arg10 : memref<16x2048xf32, #tpu.memory_space<vmem>>) offsets(%dma_start3A_101 : memref<16xi32, #tpu.memory_space<vmem>>) semaphore(%arg13 : memref<!tpu.dma_semaphore, #tpu.memory_space<semaphore_mem>>)
      %dma_wait3A_105 = arith.constant 96 : i32
      %dma_wait3A_106 = tpu.memref_slice %arg6[%dma_wait3A_105] : memref<160xi32, #tpu.memory_space<vmem>> -> memref<16xi32, #tpu.memory_space<vmem>>
      %dma_wait3A_107 = arith.constant 0 : i32
      %dma_wait3A_108 = arith.constant 0 : i32
      %dma_wait3A_109 = tpu.memref_slice %arg2[%dma_wait3A_107, %dma_wait3A_108] : memref<4096x2048xf32, #tpu.memory_space<hbm>> -> memref<4096x2048xf32, #tpu.memory_space<hbm>>
      tpu.wait_indirect_dma semaphore(%arg11 : memref<!tpu.dma_semaphore, #tpu.memory_space<semaphore_mem>>) src(%dma_wait3A_109 : memref<4096x2048xf32, #tpu.memory_space<hbm>>) dst(%arg8 : memref<16x2048xf32, #tpu.memory_space<vmem>>)
      %add3A_110 = arith.constant 96 : i32
      %add3A_111 = arith.addi %add3A_15, %add3A_110 : i32
      "tpu.region"() ({
        %run_scoped3A = tpu.sem_alloc : memref<!tpu.dma_semaphore, #tpu.memory_space<semaphore_mem>>
        %dma_start3A_138 = arith.constant 0 : i32
        %dma_start3A_139 = tpu.memref_slice %arg5[%add3A_111, %dma_start3A_138] : memref<10240x2048xf32, #tpu.memory_space<hbm>> -> memref<16x2048xf32, #tpu.memory_space<hbm>>
        %dma_start3A_140 = arith.constant 0 : i32
        %dma_start3A_141 = tpu.memref_slice %arg5[%add3A_111, %dma_start3A_140] : memref<10240x2048xf32, #tpu.memory_space<hbm>> -> memref<16x2048xf32, #tpu.memory_space<hbm>>
        tpu.enqueue_dma source(%arg8 : memref<16x2048xf32, #tpu.memory_space<vmem>>) target(%dma_start3A_141 : memref<16x2048xf32, #tpu.memory_space<hbm>>) target_semaphore(%run_scoped3A : memref<!tpu.dma_semaphore, #tpu.memory_space<semaphore_mem>>)
        %dma_wait3A_142 = arith.constant 0 : i32
        %dma_wait3A_143 = tpu.memref_slice %arg5[%add3A_111, %dma_wait3A_142] : memref<10240x2048xf32, #tpu.memory_space<hbm>> -> memref<16x2048xf32, #tpu.memory_space<hbm>>
        %dma_wait3A_144 = arith.constant 0 : i32
        %dma_wait3A_145 = tpu.memref_slice %arg5[%add3A_111, %dma_wait3A_144] : memref<10240x2048xf32, #tpu.memory_space<hbm>> -> memref<16x2048xf32, #tpu.memory_space<hbm>>
        tpu.wait_dma2 semaphore(%run_scoped3A : memref<!tpu.dma_semaphore, #tpu.memory_space<semaphore_mem>>) src(%arg8 : memref<16x2048xf32, #tpu.memory_space<vmem>>) dst(%dma_wait3A_145 : memref<16x2048xf32, #tpu.memory_space<hbm>>)
        tpu.yield
      }) : () -> ()
      %dma_start3A_112 = arith.constant 144 : i32
      %dma_start3A_113 = tpu.memref_slice %arg6[%dma_start3A_112] : memref<160xi32, #tpu.memory_space<vmem>> -> memref<16xi32, #tpu.memory_space<vmem>>
      %dma_start3A_114 = arith.constant 0 : i32
      %dma_start3A_115 = arith.constant 0 : i32
      %dma_start3A_116 = tpu.memref_slice %arg2[%dma_start3A_114, %dma_start3A_115] : memref<4096x2048xf32, #tpu.memory_space<hbm>> -> memref<4096x2048xf32, #tpu.memory_space<hbm>>
      tpu.enqueue_indirect_dma source(%dma_start3A_116 : memref<4096x2048xf32, #tpu.memory_space<hbm>>) target(%arg8 : memref<16x2048xf32, #tpu.memory_space<vmem>>) offsets(%dma_start3A_113 : memref<16xi32, #tpu.memory_space<vmem>>) semaphore(%arg11 : memref<!tpu.dma_semaphore, #tpu.memory_space<semaphore_mem>>)
      %dma_wait3A_117 = arith.constant 112 : i32
      %dma_wait3A_118 = tpu.memref_slice %arg6[%dma_wait3A_117] : memref<160xi32, #tpu.memory_space<vmem>> -> memref<16xi32, #tpu.memory_space<vmem>>
      %dma_wait3A_119 = arith.constant 0 : i32
      %dma_wait3A_120 = arith.constant 0 : i32
      %dma_wait3A_121 = tpu.memref_slice %arg2[%dma_wait3A_119, %dma_wait3A_120] : memref<4096x2048xf32, #tpu.memory_space<hbm>> -> memref<4096x2048xf32, #tpu.memory_space<hbm>>
      tpu.wait_indirect_dma semaphore(%arg12 : memref<!tpu.dma_semaphore, #tpu.memory_space<semaphore_mem>>) src(%dma_wait3A_121 : memref<4096x2048xf32, #tpu.memory_space<hbm>>) dst(%arg9 : memref<16x2048xf32, #tpu.memory_space<vmem>>)
      %add3A_122 = arith.constant 112 : i32
      %add3A_123 = arith.addi %add3A_15, %add3A_122 : i32
      "tpu.region"() ({
        %run_scoped3A = tpu.sem_alloc : memref<!tpu.dma_semaphore, #tpu.memory_space<semaphore_mem>>
        %dma_start3A_138 = arith.constant 0 : i32
        %dma_start3A_139 = tpu.memref_slice %arg5[%add3A_123, %dma_start3A_138] : memref<10240x2048xf32, #tpu.memory_space<hbm>> -> memref<16x2048xf32, #tpu.memory_space<hbm>>
        %dma_start3A_140 = arith.constant 0 : i32
        %dma_start3A_141 = tpu.memref_slice %arg5[%add3A_123, %dma_start3A_140] : memref<10240x2048xf32, #tpu.memory_space<hbm>> -> memref<16x2048xf32, #tpu.memory_space<hbm>>
        tpu.enqueue_dma source(%arg9 : memref<16x2048xf32, #tpu.memory_space<vmem>>) target(%dma_start3A_141 : memref<16x2048xf32, #tpu.memory_space<hbm>>) target_semaphore(%run_scoped3A : memref<!tpu.dma_semaphore, #tpu.memory_space<semaphore_mem>>)
        %dma_wait3A_142 = arith.constant 0 : i32
        %dma_wait3A_143 = tpu.memref_slice %arg5[%add3A_123, %dma_wait3A_142] : memref<10240x2048xf32, #tpu.memory_space<hbm>> -> memref<16x2048xf32, #tpu.memory_space<hbm>>
        %dma_wait3A_144 = arith.constant 0 : i32
        %dma_wait3A_145 = tpu.memref_slice %arg5[%add3A_123, %dma_wait3A_144] : memref<10240x2048xf32, #tpu.memory_space<hbm>> -> memref<16x2048xf32, #tpu.memory_space<hbm>>
        tpu.wait_dma2 semaphore(%run_scoped3A : memref<!tpu.dma_semaphore, #tpu.memory_space<semaphore_mem>>) src(%arg9 : memref<16x2048xf32, #tpu.memory_space<vmem>>) dst(%dma_wait3A_145 : memref<16x2048xf32, #tpu.memory_space<hbm>>)
        tpu.yield
      }) : () -> ()
      %dma_wait3A_124 = arith.constant 128 : i32
      %dma_wait3A_125 = tpu.memref_slice %arg6[%dma_wait3A_124] : memref<160xi32, #tpu.memory_space<vmem>> -> memref<16xi32, #tpu.memory_space<vmem>>
      %dma_wait3A_126 = arith.constant 0 : i32
      %dma_wait3A_127 = arith.constant 0 : i32
      %dma_wait3A_128 = tpu.memref_slice %arg2[%dma_wait3A_126, %dma_wait3A_127] : memref<4096x2048xf32, #tpu.memory_space<hbm>> -> memref<4096x2048xf32, #tpu.memory_space<hbm>>
      tpu.wait_indirect_dma semaphore(%arg13 : memref<!tpu.dma_semaphore, #tpu.memory_space<semaphore_mem>>) src(%dma_wait3A_128 : memref<4096x2048xf32, #tpu.memory_space<hbm>>) dst(%arg10 : memref<16x2048xf32, #tpu.memory_space<vmem>>)
      %add3A_129 = arith.constant 128 : i32
      %add3A_130 = arith.addi %add3A_15, %add3A_129 : i32
      "tpu.region"() ({
        %run_scoped3A = tpu.sem_alloc : memref<!tpu.dma_semaphore, #tpu.memory_space<semaphore_mem>>
        %dma_start3A_138 = arith.constant 0 : i32
        %dma_start3A_139 = tpu.memref_slice %arg5[%add3A_130, %dma_start3A_138] : memref<10240x2048xf32, #tpu.memory_space<hbm>> -> memref<16x2048xf32, #tpu.memory_space<hbm>>
        %dma_start3A_140 = arith.constant 0 : i32
        %dma_start3A_141 = tpu.memref_slice %arg5[%add3A_130, %dma_start3A_140] : memref<10240x2048xf32, #tpu.memory_space<hbm>> -> memref<16x2048xf32, #tpu.memory_space<hbm>>
        tpu.enqueue_dma source(%arg10 : memref<16x2048xf32, #tpu.memory_space<vmem>>) target(%dma_start3A_141 : memref<16x2048xf32, #tpu.memory_space<hbm>>) target_semaphore(%run_scoped3A : memref<!tpu.dma_semaphore, #tpu.memory_space<semaphore_mem>>)
        %dma_wait3A_142 = arith.constant 0 : i32
        %dma_wait3A_143 = tpu.memref_slice %arg5[%add3A_130, %dma_wait3A_142] : memref<10240x2048xf32, #tpu.memory_space<hbm>> -> memref<16x2048xf32, #tpu.memory_space<hbm>>
        %dma_wait3A_144 = arith.constant 0 : i32
        %dma_wait3A_145 = tpu.memref_slice %arg5[%add3A_130, %dma_wait3A_144] : memref<10240x2048xf32, #tpu.memory_space<hbm>> -> memref<16x2048xf32, #tpu.memory_space<hbm>>
        tpu.wait_dma2 semaphore(%run_scoped3A : memref<!tpu.dma_semaphore, #tpu.memory_space<semaphore_mem>>) src(%arg10 : memref<16x2048xf32, #tpu.memory_space<vmem>>) dst(%dma_wait3A_145 : memref<16x2048xf32, #tpu.memory_space<hbm>>)
        tpu.yield
      }) : () -> ()
      %dma_wait3A_131 = arith.constant 144 : i32
      %dma_wait3A_132 = tpu.memref_slice %arg6[%dma_wait3A_131] : memref<160xi32, #tpu.memory_space<vmem>> -> memref<16xi32, #tpu.memory_space<vmem>>
      %dma_wait3A_133 = arith.constant 0 : i32
      %dma_wait3A_134 = arith.constant 0 : i32
      %dma_wait3A_135 = tpu.memref_slice %arg2[%dma_wait3A_133, %dma_wait3A_134] : memref<4096x2048xf32, #tpu.memory_space<hbm>> -> memref<4096x2048xf32, #tpu.memory_space<hbm>>
      tpu.wait_indirect_dma semaphore(%arg11 : memref<!tpu.dma_semaphore, #tpu.memory_space<semaphore_mem>>) src(%dma_wait3A_135 : memref<4096x2048xf32, #tpu.memory_space<hbm>>) dst(%arg8 : memref<16x2048xf32, #tpu.memory_space<vmem>>)
      %add3A_136 = arith.constant 144 : i32
      %add3A_137 = arith.addi %add3A_15, %add3A_136 : i32
      "tpu.region"() ({
        %run_scoped3A = tpu.sem_alloc : memref<!tpu.dma_semaphore, #tpu.memory_space<semaphore_mem>>
        %dma_start3A_138 = arith.constant 0 : i32
        %dma_start3A_139 = tpu.memref_slice %arg5[%add3A_137, %dma_start3A_138] : memref<10240x2048xf32, #tpu.memory_space<hbm>> -> memref<16x2048xf32, #tpu.memory_space<hbm>>
        %dma_start3A_140 = arith.constant 0 : i32
        %dma_start3A_141 = tpu.memref_slice %arg5[%add3A_137, %dma_start3A_140] : memref<10240x2048xf32, #tpu.memory_space<hbm>> -> memref<16x2048xf32, #tpu.memory_space<hbm>>
        tpu.enqueue_dma source(%arg8 : memref<16x2048xf32, #tpu.memory_space<vmem>>) target(%dma_start3A_141 : memref<16x2048xf32, #tpu.memory_space<hbm>>) target_semaphore(%run_scoped3A : memref<!tpu.dma_semaphore, #tpu.memory_space<semaphore_mem>>)
        %dma_wait3A_142 = arith.constant 0 : i32
        %dma_wait3A_143 = tpu.memref_slice %arg5[%add3A_137, %dma_wait3A_142] : memref<10240x2048xf32, #tpu.memory_space<hbm>> -> memref<16x2048xf32, #tpu.memory_space<hbm>>
        %dma_wait3A_144 = arith.constant 0 : i32
        %dma_wait3A_145 = tpu.memref_slice %arg5[%add3A_137, %dma_wait3A_144] : memref<10240x2048xf32, #tpu.memory_space<hbm>> -> memref<16x2048xf32, #tpu.memory_space<hbm>>
        tpu.wait_dma2 semaphore(%run_scoped3A : memref<!tpu.dma_semaphore, #tpu.memory_space<semaphore_mem>>) src(%arg8 : memref<16x2048xf32, #tpu.memory_space<vmem>>) dst(%dma_wait3A_145 : memref<16x2048xf32, #tpu.memory_space<hbm>>)
        tpu.yield
      }) : () -> ()
    } else {
    }
    return
  }
}

#map = affine_map<(d0, d1) -> (0, 0)>
#map1 = affine_map<(d0, d1) -> (0)>
module attributes {stable_mosaic.version = 14 : i64} {
  func.func @g(%arg0: i32, %arg1: i32, %arg2: memref<10240x2048xf32, #tpu.memory_space<hbm>>, %arg3: memref<4096xi32, #tpu.memory_space<hbm>>, %arg4: memref<16xi32, #tpu.memory_space<hbm>>, %arg5: memref<4096x2048xf32, #tpu.memory_space<hbm>>, %arg6: memref<64xi32, #tpu.memory_space<vmem>>, %arg7: memref<16xi32, #tpu.memory_space<vmem>>, %arg8: memref<16x2048xf32, #tpu.memory_space<vmem>>, %arg9: memref<16x2048xf32, #tpu.memory_space<vmem>>, %arg10: memref<16x2048xf32, #tpu.memory_space<vmem>>, %arg11: memref<!tpu.dma_semaphore, #tpu.memory_space<semaphore_mem>>, %arg12: memref<!tpu.dma_semaphore, #tpu.memory_space<semaphore_mem>>, %arg13: memref<!tpu.dma_semaphore, #tpu.memory_space<semaphore_mem>>) attributes {dimension_semantics = [#tpu.dimension_semantics<core_parallel>, #tpu.dimension_semantics<subcore_parallel>], iteration_bounds = array<i64: 2, 16>, scalar_prefetch = 0 : i64, scratch_operands = 8 : i64, tpu.core_type = #tpu.core_type<sc_vector_subcore>, window_params = [{transform_indices = #map}, {transform_indices = #map1}, {transform_indices = #map1}, {transform_indices = #map}]} {
    %mul3A = arith.constant 2 : i32
    %mul3A_0 = arith.muli %arg1, %mul3A : i32
    %add3A = arith.addi %mul3A_0, %arg0 : i32
    %mul3A_1 = arith.constant 64 : i32
    %mul3A_2 = arith.muli %add3A, %mul3A_1 : i32
    %add3A_3 = arith.constant 0 : i32
    %add3A_4 = arith.addi %mul3A_2, %add3A_3 : i32
    %ge3A = arith.constant 0 : i32
    %ge3A_5 = arith.cmpi sge, %add3A, %ge3A : i32
    %convert_element_type3A = arith.extui %ge3A_5 : i1 to i32
    %cond3A = arith.constant 0 : i32
    %cond3A_6 = arith.cmpi ne, %convert_element_type3A, %cond3A : i32
    scf.if %cond3A_6 {
      "tpu.region"() ({
        %run_scoped3A = tpu.sem_alloc : memref<!tpu.dma_semaphore, #tpu.memory_space<semaphore_mem>>
        %dma_start3A_62 = tpu.memref_slice %arg3[%add3A_4] : memref<4096xi32, #tpu.memory_space<hbm>> -> memref<64xi32, #tpu.memory_space<hbm>>
        %dma_start3A_63 = tpu.memref_slice %arg3[%add3A_4] : memref<4096xi32, #tpu.memory_space<hbm>> -> memref<64xi32, #tpu.memory_space<hbm>>
        tpu.enqueue_dma source(%dma_start3A_63 : memref<64xi32, #tpu.memory_space<hbm>>) target(%arg6 : memref<64xi32, #tpu.memory_space<vmem>>) target_semaphore(%run_scoped3A : memref<!tpu.dma_semaphore, #tpu.memory_space<semaphore_mem>>)
        %dma_wait3A_64 = tpu.memref_slice %arg3[%add3A_4] : memref<4096xi32, #tpu.memory_space<hbm>> -> memref<64xi32, #tpu.memory_space<hbm>>
        %dma_wait3A_65 = tpu.memref_slice %arg3[%add3A_4] : memref<4096xi32, #tpu.memory_space<hbm>> -> memref<64xi32, #tpu.memory_space<hbm>>
        tpu.wait_dma2 semaphore(%run_scoped3A : memref<!tpu.dma_semaphore, #tpu.memory_space<semaphore_mem>>) src(%dma_wait3A_65 : memref<64xi32, #tpu.memory_space<hbm>>) dst(%arg6 : memref<64xi32, #tpu.memory_space<vmem>>)
        tpu.yield
      }) : () -> ()
      %dma_start3A = arith.constant 0 : i32
      %dma_start3A_16 = tpu.memref_slice %arg6[%dma_start3A] : memref<64xi32, #tpu.memory_space<vmem>> -> memref<16xi32, #tpu.memory_space<vmem>>
      %dma_start3A_17 = arith.constant 0 : i32
      %dma_start3A_18 = arith.constant 0 : i32
      %dma_start3A_19 = tpu.memref_slice %arg2[%dma_start3A_17, %dma_start3A_18] : memref<10240x2048xf32, #tpu.memory_space<hbm>> -> memref<10240x2048xf32, #tpu.memory_space<hbm>>
      tpu.enqueue_indirect_dma source(%dma_start3A_19 : memref<10240x2048xf32, #tpu.memory_space<hbm>>) target(%arg8 : memref<16x2048xf32, #tpu.memory_space<vmem>>) offsets(%dma_start3A_16 : memref<16xi32, #tpu.memory_space<vmem>>) semaphore(%arg11 : memref<!tpu.dma_semaphore, #tpu.memory_space<semaphore_mem>>)
      %dma_start3A_20 = arith.constant 16 : i32
      %dma_start3A_21 = tpu.memref_slice %arg6[%dma_start3A_20] : memref<64xi32, #tpu.memory_space<vmem>> -> memref<16xi32, #tpu.memory_space<vmem>>
      %dma_start3A_22 = arith.constant 0 : i32
      %dma_start3A_23 = arith.constant 0 : i32
      %dma_start3A_24 = tpu.memref_slice %arg2[%dma_start3A_22, %dma_start3A_23] : memref<10240x2048xf32, #tpu.memory_space<hbm>> -> memref<10240x2048xf32, #tpu.memory_space<hbm>>
      tpu.enqueue_indirect_dma source(%dma_start3A_24 : memref<10240x2048xf32, #tpu.memory_space<hbm>>) target(%arg9 : memref<16x2048xf32, #tpu.memory_space<vmem>>) offsets(%dma_start3A_21 : memref<16xi32, #tpu.memory_space<vmem>>) semaphore(%arg12 : memref<!tpu.dma_semaphore, #tpu.memory_space<semaphore_mem>>)
      %dma_start3A_25 = arith.constant 32 : i32
      %dma_start3A_26 = tpu.memref_slice %arg6[%dma_start3A_25] : memref<64xi32, #tpu.memory_space<vmem>> -> memref<16xi32, #tpu.memory_space<vmem>>
      %dma_start3A_27 = arith.constant 0 : i32
      %dma_start3A_28 = arith.constant 0 : i32
      %dma_start3A_29 = tpu.memref_slice %arg2[%dma_start3A_27, %dma_start3A_28] : memref<10240x2048xf32, #tpu.memory_space<hbm>> -> memref<10240x2048xf32, #tpu.memory_space<hbm>>
      tpu.enqueue_indirect_dma source(%dma_start3A_29 : memref<10240x2048xf32, #tpu.memory_space<hbm>>) target(%arg10 : memref<16x2048xf32, #tpu.memory_space<vmem>>) offsets(%dma_start3A_26 : memref<16xi32, #tpu.memory_space<vmem>>) semaphore(%arg13 : memref<!tpu.dma_semaphore, #tpu.memory_space<semaphore_mem>>)
      %dma_wait3A = arith.constant 0 : i32
      %dma_wait3A_30 = tpu.memref_slice %arg6[%dma_wait3A] : memref<64xi32, #tpu.memory_space<vmem>> -> memref<16xi32, #tpu.memory_space<vmem>>
      %dma_wait3A_31 = arith.constant 0 : i32
      %dma_wait3A_32 = arith.constant 0 : i32
      %dma_wait3A_33 = tpu.memref_slice %arg2[%dma_wait3A_31, %dma_wait3A_32] : memref<10240x2048xf32, #tpu.memory_space<hbm>> -> memref<10240x2048xf32, #tpu.memory_space<hbm>>
      tpu.wait_indirect_dma semaphore(%arg11 : memref<!tpu.dma_semaphore, #tpu.memory_space<semaphore_mem>>) src(%dma_wait3A_33 : memref<10240x2048xf32, #tpu.memory_space<hbm>>) dst(%arg8 : memref<16x2048xf32, #tpu.memory_space<vmem>>)
      %add3A_34 = arith.constant 0 : i32
      %add3A_35 = arith.addi %add3A_4, %add3A_34 : i32
      "tpu.region"() ({
        %run_scoped3A = tpu.sem_alloc : memref<!tpu.dma_semaphore, #tpu.memory_space<semaphore_mem>>
        %dma_start3A_62 = arith.constant 0 : i32
        %dma_start3A_63 = tpu.memref_slice %arg5[%add3A_35, %dma_start3A_62] : memref<4096x2048xf32, #tpu.memory_space<hbm>> -> memref<16x2048xf32, #tpu.memory_space<hbm>>
        %dma_start3A_64 = arith.constant 0 : i32
        %dma_start3A_65 = tpu.memref_slice %arg5[%add3A_35, %dma_start3A_64] : memref<4096x2048xf32, #tpu.memory_space<hbm>> -> memref<16x2048xf32, #tpu.memory_space<hbm>>
        tpu.enqueue_dma source(%arg8 : memref<16x2048xf32, #tpu.memory_space<vmem>>) target(%dma_start3A_65 : memref<16x2048xf32, #tpu.memory_space<hbm>>) target_semaphore(%run_scoped3A : memref<!tpu.dma_semaphore, #tpu.memory_space<semaphore_mem>>)
        %dma_wait3A_66 = arith.constant 0 : i32
        %dma_wait3A_67 = tpu.memref_slice %arg5[%add3A_35, %dma_wait3A_66] : memref<4096x2048xf32, #tpu.memory_space<hbm>> -> memref<16x2048xf32, #tpu.memory_space<hbm>>
        %dma_wait3A_68 = arith.constant 0 : i32
        %dma_wait3A_69 = tpu.memref_slice %arg5[%add3A_35, %dma_wait3A_68] : memref<4096x2048xf32, #tpu.memory_space<hbm>> -> memref<16x2048xf32, #tpu.memory_space<hbm>>
        tpu.wait_dma2 semaphore(%run_scoped3A : memref<!tpu.dma_semaphore, #tpu.memory_space<semaphore_mem>>) src(%arg8 : memref<16x2048xf32, #tpu.memory_space<vmem>>) dst(%dma_wait3A_69 : memref<16x2048xf32, #tpu.memory_space<hbm>>)
        tpu.yield
      }) : () -> ()
      %dma_start3A_36 = arith.constant 48 : i32
      %dma_start3A_37 = tpu.memref_slice %arg6[%dma_start3A_36] : memref<64xi32, #tpu.memory_space<vmem>> -> memref<16xi32, #tpu.memory_space<vmem>>
      %dma_start3A_38 = arith.constant 0 : i32
      %dma_start3A_39 = arith.constant 0 : i32
      %dma_start3A_40 = tpu.memref_slice %arg2[%dma_start3A_38, %dma_start3A_39] : memref<10240x2048xf32, #tpu.memory_space<hbm>> -> memref<10240x2048xf32, #tpu.memory_space<hbm>>
      tpu.enqueue_indirect_dma source(%dma_start3A_40 : memref<10240x2048xf32, #tpu.memory_space<hbm>>) target(%arg8 : memref<16x2048xf32, #tpu.memory_space<vmem>>) offsets(%dma_start3A_37 : memref<16xi32, #tpu.memory_space<vmem>>) semaphore(%arg11 : memref<!tpu.dma_semaphore, #tpu.memory_space<semaphore_mem>>)
      %dma_wait3A_41 = arith.constant 16 : i32
      %dma_wait3A_42 = tpu.memref_slice %arg6[%dma_wait3A_41] : memref<64xi32, #tpu.memory_space<vmem>> -> memref<16xi32, #tpu.memory_space<vmem>>
      %dma_wait3A_43 = arith.constant 0 : i32
      %dma_wait3A_44 = arith.constant 0 : i32
      %dma_wait3A_45 = tpu.memref_slice %arg2[%dma_wait3A_43, %dma_wait3A_44] : memref<10240x2048xf32, #tpu.memory_space<hbm>> -> memref<10240x2048xf32, #tpu.memory_space<hbm>>
      tpu.wait_indirect_dma semaphore(%arg12 : memref<!tpu.dma_semaphore, #tpu.memory_space<semaphore_mem>>) src(%dma_wait3A_45 : memref<10240x2048xf32, #tpu.memory_space<hbm>>) dst(%arg9 : memref<16x2048xf32, #tpu.memory_space<vmem>>)
      %add3A_46 = arith.constant 16 : i32
      %add3A_47 = arith.addi %add3A_4, %add3A_46 : i32
      "tpu.region"() ({
        %run_scoped3A = tpu.sem_alloc : memref<!tpu.dma_semaphore, #tpu.memory_space<semaphore_mem>>
        %dma_start3A_62 = arith.constant 0 : i32
        %dma_start3A_63 = tpu.memref_slice %arg5[%add3A_47, %dma_start3A_62] : memref<4096x2048xf32, #tpu.memory_space<hbm>> -> memref<16x2048xf32, #tpu.memory_space<hbm>>
        %dma_start3A_64 = arith.constant 0 : i32
        %dma_start3A_65 = tpu.memref_slice %arg5[%add3A_47, %dma_start3A_64] : memref<4096x2048xf32, #tpu.memory_space<hbm>> -> memref<16x2048xf32, #tpu.memory_space<hbm>>
        tpu.enqueue_dma source(%arg9 : memref<16x2048xf32, #tpu.memory_space<vmem>>) target(%dma_start3A_65 : memref<16x2048xf32, #tpu.memory_space<hbm>>) target_semaphore(%run_scoped3A : memref<!tpu.dma_semaphore, #tpu.memory_space<semaphore_mem>>)
        %dma_wait3A_66 = arith.constant 0 : i32
        %dma_wait3A_67 = tpu.memref_slice %arg5[%add3A_47, %dma_wait3A_66] : memref<4096x2048xf32, #tpu.memory_space<hbm>> -> memref<16x2048xf32, #tpu.memory_space<hbm>>
        %dma_wait3A_68 = arith.constant 0 : i32
        %dma_wait3A_69 = tpu.memref_slice %arg5[%add3A_47, %dma_wait3A_68] : memref<4096x2048xf32, #tpu.memory_space<hbm>> -> memref<16x2048xf32, #tpu.memory_space<hbm>>
        tpu.wait_dma2 semaphore(%run_scoped3A : memref<!tpu.dma_semaphore, #tpu.memory_space<semaphore_mem>>) src(%arg9 : memref<16x2048xf32, #tpu.memory_space<vmem>>) dst(%dma_wait3A_69 : memref<16x2048xf32, #tpu.memory_space<hbm>>)
        tpu.yield
      }) : () -> ()
      %dma_wait3A_48 = arith.constant 32 : i32
      %dma_wait3A_49 = tpu.memref_slice %arg6[%dma_wait3A_48] : memref<64xi32, #tpu.memory_space<vmem>> -> memref<16xi32, #tpu.memory_space<vmem>>
      %dma_wait3A_50 = arith.constant 0 : i32
      %dma_wait3A_51 = arith.constant 0 : i32
      %dma_wait3A_52 = tpu.memref_slice %arg2[%dma_wait3A_50, %dma_wait3A_51] : memref<10240x2048xf32, #tpu.memory_space<hbm>> -> memref<10240x2048xf32, #tpu.memory_space<hbm>>
      tpu.wait_indirect_dma semaphore(%arg13 : memref<!tpu.dma_semaphore, #tpu.memory_space<semaphore_mem>>) src(%dma_wait3A_52 : memref<10240x2048xf32, #tpu.memory_space<hbm>>) dst(%arg10 : memref<16x2048xf32, #tpu.memory_space<vmem>>)
      %add3A_53 = arith.constant 32 : i32
      %add3A_54 = arith.addi %add3A_4, %add3A_53 : i32
      "tpu.region"() ({
        %run_scoped3A = tpu.sem_alloc : memref<!tpu.dma_semaphore, #tpu.memory_space<semaphore_mem>>
        %dma_start3A_62 = arith.constant 0 : i32
        %dma_start3A_63 = tpu.memref_slice %arg5[%add3A_54, %dma_start3A_62] : memref<4096x2048xf32, #tpu.memory_space<hbm>> -> memref<16x2048xf32, #tpu.memory_space<hbm>>
        %dma_start3A_64 = arith.constant 0 : i32
        %dma_start3A_65 = tpu.memref_slice %arg5[%add3A_54, %dma_start3A_64] : memref<4096x2048xf32, #tpu.memory_space<hbm>> -> memref<16x2048xf32, #tpu.memory_space<hbm>>
        tpu.enqueue_dma source(%arg10 : memref<16x2048xf32, #tpu.memory_space<vmem>>) target(%dma_start3A_65 : memref<16x2048xf32, #tpu.memory_space<hbm>>) target_semaphore(%run_scoped3A : memref<!tpu.dma_semaphore, #tpu.memory_space<semaphore_mem>>)
        %dma_wait3A_66 = arith.constant 0 : i32
        %dma_wait3A_67 = tpu.memref_slice %arg5[%add3A_54, %dma_wait3A_66] : memref<4096x2048xf32, #tpu.memory_space<hbm>> -> memref<16x2048xf32, #tpu.memory_space<hbm>>
        %dma_wait3A_68 = arith.constant 0 : i32
        %dma_wait3A_69 = tpu.memref_slice %arg5[%add3A_54, %dma_wait3A_68] : memref<4096x2048xf32, #tpu.memory_space<hbm>> -> memref<16x2048xf32, #tpu.memory_space<hbm>>
        tpu.wait_dma2 semaphore(%run_scoped3A : memref<!tpu.dma_semaphore, #tpu.memory_space<semaphore_mem>>) src(%arg10 : memref<16x2048xf32, #tpu.memory_space<vmem>>) dst(%dma_wait3A_69 : memref<16x2048xf32, #tpu.memory_space<hbm>>)
        tpu.yield
      }) : () -> ()
      %dma_wait3A_55 = arith.constant 48 : i32
      %dma_wait3A_56 = tpu.memref_slice %arg6[%dma_wait3A_55] : memref<64xi32, #tpu.memory_space<vmem>> -> memref<16xi32, #tpu.memory_space<vmem>>
      %dma_wait3A_57 = arith.constant 0 : i32
      %dma_wait3A_58 = arith.constant 0 : i32
      %dma_wait3A_59 = tpu.memref_slice %arg2[%dma_wait3A_57, %dma_wait3A_58] : memref<10240x2048xf32, #tpu.memory_space<hbm>> -> memref<10240x2048xf32, #tpu.memory_space<hbm>>
      tpu.wait_indirect_dma semaphore(%arg11 : memref<!tpu.dma_semaphore, #tpu.memory_space<semaphore_mem>>) src(%dma_wait3A_59 : memref<10240x2048xf32, #tpu.memory_space<hbm>>) dst(%arg8 : memref<16x2048xf32, #tpu.memory_space<vmem>>)
      %add3A_60 = arith.constant 48 : i32
      %add3A_61 = arith.addi %add3A_4, %add3A_60 : i32
      "tpu.region"() ({
        %run_scoped3A = tpu.sem_alloc : memref<!tpu.dma_semaphore, #tpu.memory_space<semaphore_mem>>
        %dma_start3A_62 = arith.constant 0 : i32
        %dma_start3A_63 = tpu.memref_slice %arg5[%add3A_61, %dma_start3A_62] : memref<4096x2048xf32, #tpu.memory_space<hbm>> -> memref<16x2048xf32, #tpu.memory_space<hbm>>
        %dma_start3A_64 = arith.constant 0 : i32
        %dma_start3A_65 = tpu.memref_slice %arg5[%add3A_61, %dma_start3A_64] : memref<4096x2048xf32, #tpu.memory_space<hbm>> -> memref<16x2048xf32, #tpu.memory_space<hbm>>
        tpu.enqueue_dma source(%arg8 : memref<16x2048xf32, #tpu.memory_space<vmem>>) target(%dma_start3A_65 : memref<16x2048xf32, #tpu.memory_space<hbm>>) target_semaphore(%run_scoped3A : memref<!tpu.dma_semaphore, #tpu.memory_space<semaphore_mem>>)
        %dma_wait3A_66 = arith.constant 0 : i32
        %dma_wait3A_67 = tpu.memref_slice %arg5[%add3A_61, %dma_wait3A_66] : memref<4096x2048xf32, #tpu.memory_space<hbm>> -> memref<16x2048xf32, #tpu.memory_space<hbm>>
        %dma_wait3A_68 = arith.constant 0 : i32
        %dma_wait3A_69 = tpu.memref_slice %arg5[%add3A_61, %dma_wait3A_68] : memref<4096x2048xf32, #tpu.memory_space<hbm>> -> memref<16x2048xf32, #tpu.memory_space<hbm>>
        tpu.wait_dma2 semaphore(%run_scoped3A : memref<!tpu.dma_semaphore, #tpu.memory_space<semaphore_mem>>) src(%arg8 : memref<16x2048xf32, #tpu.memory_space<vmem>>) dst(%dma_wait3A_69 : memref<16x2048xf32, #tpu.memory_space<hbm>>)
        tpu.yield
      }) : () -> ()
    } else {
    }
    %mul3A_7 = arith.constant 64 : i32
    %mul3A_8 = arith.muli %add3A, %mul3A_7 : i32
    %add3A_9 = arith.constant 2048 : i32
    %add3A_10 = arith.addi %mul3A_8, %add3A_9 : i32
    %ge3A_11 = arith.constant 0 : i32
    %ge3A_12 = arith.cmpi sge, %add3A, %ge3A_11 : i32
    %convert_element_type3A_13 = arith.extui %ge3A_12 : i1 to i32
    %cond3A_14 = arith.constant 0 : i32
    %cond3A_15 = arith.cmpi ne, %convert_element_type3A_13, %cond3A_14 : i32
    scf.if %cond3A_15 {
      "tpu.region"() ({
        %run_scoped3A = tpu.sem_alloc : memref<!tpu.dma_semaphore, #tpu.memory_space<semaphore_mem>>
        %dma_start3A_62 = tpu.memref_slice %arg3[%add3A_10] : memref<4096xi32, #tpu.memory_space<hbm>> -> memref<64xi32, #tpu.memory_space<hbm>>
        %dma_start3A_63 = tpu.memref_slice %arg3[%add3A_10] : memref<4096xi32, #tpu.memory_space<hbm>> -> memref<64xi32, #tpu.memory_space<hbm>>
        tpu.enqueue_dma source(%dma_start3A_63 : memref<64xi32, #tpu.memory_space<hbm>>) target(%arg6 : memref<64xi32, #tpu.memory_space<vmem>>) target_semaphore(%run_scoped3A : memref<!tpu.dma_semaphore, #tpu.memory_space<semaphore_mem>>)
        %dma_wait3A_64 = tpu.memref_slice %arg3[%add3A_10] : memref<4096xi32, #tpu.memory_space<hbm>> -> memref<64xi32, #tpu.memory_space<hbm>>
        %dma_wait3A_65 = tpu.memref_slice %arg3[%add3A_10] : memref<4096xi32, #tpu.memory_space<hbm>> -> memref<64xi32, #tpu.memory_space<hbm>>
        tpu.wait_dma2 semaphore(%run_scoped3A : memref<!tpu.dma_semaphore, #tpu.memory_space<semaphore_mem>>) src(%dma_wait3A_65 : memref<64xi32, #tpu.memory_space<hbm>>) dst(%arg6 : memref<64xi32, #tpu.memory_space<vmem>>)
        tpu.yield
      }) : () -> ()
      %dma_start3A = arith.constant 0 : i32
      %dma_start3A_16 = tpu.memref_slice %arg6[%dma_start3A] : memref<64xi32, #tpu.memory_space<vmem>> -> memref<16xi32, #tpu.memory_space<vmem>>
      %dma_start3A_17 = arith.constant 0 : i32
      %dma_start3A_18 = arith.constant 0 : i32
      %dma_start3A_19 = tpu.memref_slice %arg2[%dma_start3A_17, %dma_start3A_18] : memref<10240x2048xf32, #tpu.memory_space<hbm>> -> memref<10240x2048xf32, #tpu.memory_space<hbm>>
      tpu.enqueue_indirect_dma source(%dma_start3A_19 : memref<10240x2048xf32, #tpu.memory_space<hbm>>) target(%arg8 : memref<16x2048xf32, #tpu.memory_space<vmem>>) offsets(%dma_start3A_16 : memref<16xi32, #tpu.memory_space<vmem>>) semaphore(%arg11 : memref<!tpu.dma_semaphore, #tpu.memory_space<semaphore_mem>>)
      %dma_start3A_20 = arith.constant 16 : i32
      %dma_start3A_21 = tpu.memref_slice %arg6[%dma_start3A_20] : memref<64xi32, #tpu.memory_space<vmem>> -> memref<16xi32, #tpu.memory_space<vmem>>
      %dma_start3A_22 = arith.constant 0 : i32
      %dma_start3A_23 = arith.constant 0 : i32
      %dma_start3A_24 = tpu.memref_slice %arg2[%dma_start3A_22, %dma_start3A_23] : memref<10240x2048xf32, #tpu.memory_space<hbm>> -> memref<10240x2048xf32, #tpu.memory_space<hbm>>
      tpu.enqueue_indirect_dma source(%dma_start3A_24 : memref<10240x2048xf32, #tpu.memory_space<hbm>>) target(%arg9 : memref<16x2048xf32, #tpu.memory_space<vmem>>) offsets(%dma_start3A_21 : memref<16xi32, #tpu.memory_space<vmem>>) semaphore(%arg12 : memref<!tpu.dma_semaphore, #tpu.memory_space<semaphore_mem>>)
      %dma_start3A_25 = arith.constant 32 : i32
      %dma_start3A_26 = tpu.memref_slice %arg6[%dma_start3A_25] : memref<64xi32, #tpu.memory_space<vmem>> -> memref<16xi32, #tpu.memory_space<vmem>>
      %dma_start3A_27 = arith.constant 0 : i32
      %dma_start3A_28 = arith.constant 0 : i32
      %dma_start3A_29 = tpu.memref_slice %arg2[%dma_start3A_27, %dma_start3A_28] : memref<10240x2048xf32, #tpu.memory_space<hbm>> -> memref<10240x2048xf32, #tpu.memory_space<hbm>>
      tpu.enqueue_indirect_dma source(%dma_start3A_29 : memref<10240x2048xf32, #tpu.memory_space<hbm>>) target(%arg10 : memref<16x2048xf32, #tpu.memory_space<vmem>>) offsets(%dma_start3A_26 : memref<16xi32, #tpu.memory_space<vmem>>) semaphore(%arg13 : memref<!tpu.dma_semaphore, #tpu.memory_space<semaphore_mem>>)
      %dma_wait3A = arith.constant 0 : i32
      %dma_wait3A_30 = tpu.memref_slice %arg6[%dma_wait3A] : memref<64xi32, #tpu.memory_space<vmem>> -> memref<16xi32, #tpu.memory_space<vmem>>
      %dma_wait3A_31 = arith.constant 0 : i32
      %dma_wait3A_32 = arith.constant 0 : i32
      %dma_wait3A_33 = tpu.memref_slice %arg2[%dma_wait3A_31, %dma_wait3A_32] : memref<10240x2048xf32, #tpu.memory_space<hbm>> -> memref<10240x2048xf32, #tpu.memory_space<hbm>>
      tpu.wait_indirect_dma semaphore(%arg11 : memref<!tpu.dma_semaphore, #tpu.memory_space<semaphore_mem>>) src(%dma_wait3A_33 : memref<10240x2048xf32, #tpu.memory_space<hbm>>) dst(%arg8 : memref<16x2048xf32, #tpu.memory_space<vmem>>)
      %add3A_34 = arith.constant 0 : i32
      %add3A_35 = arith.addi %add3A_10, %add3A_34 : i32
      "tpu.region"() ({
        %run_scoped3A = tpu.sem_alloc : memref<!tpu.dma_semaphore, #tpu.memory_space<semaphore_mem>>
        %dma_start3A_62 = arith.constant 0 : i32
        %dma_start3A_63 = tpu.memref_slice %arg5[%add3A_35, %dma_start3A_62] : memref<4096x2048xf32, #tpu.memory_space<hbm>> -> memref<16x2048xf32, #tpu.memory_space<hbm>>
        %dma_start3A_64 = arith.constant 0 : i32
        %dma_start3A_65 = tpu.memref_slice %arg5[%add3A_35, %dma_start3A_64] : memref<4096x2048xf32, #tpu.memory_space<hbm>> -> memref<16x2048xf32, #tpu.memory_space<hbm>>
        tpu.enqueue_dma source(%arg8 : memref<16x2048xf32, #tpu.memory_space<vmem>>) target(%dma_start3A_65 : memref<16x2048xf32, #tpu.memory_space<hbm>>) target_semaphore(%run_scoped3A : memref<!tpu.dma_semaphore, #tpu.memory_space<semaphore_mem>>)
        %dma_wait3A_66 = arith.constant 0 : i32
        %dma_wait3A_67 = tpu.memref_slice %arg5[%add3A_35, %dma_wait3A_66] : memref<4096x2048xf32, #tpu.memory_space<hbm>> -> memref<16x2048xf32, #tpu.memory_space<hbm>>
        %dma_wait3A_68 = arith.constant 0 : i32
        %dma_wait3A_69 = tpu.memref_slice %arg5[%add3A_35, %dma_wait3A_68] : memref<4096x2048xf32, #tpu.memory_space<hbm>> -> memref<16x2048xf32, #tpu.memory_space<hbm>>
        tpu.wait_dma2 semaphore(%run_scoped3A : memref<!tpu.dma_semaphore, #tpu.memory_space<semaphore_mem>>) src(%arg8 : memref<16x2048xf32, #tpu.memory_space<vmem>>) dst(%dma_wait3A_69 : memref<16x2048xf32, #tpu.memory_space<hbm>>)
        tpu.yield
      }) : () -> ()
      %dma_start3A_36 = arith.constant 48 : i32
      %dma_start3A_37 = tpu.memref_slice %arg6[%dma_start3A_36] : memref<64xi32, #tpu.memory_space<vmem>> -> memref<16xi32, #tpu.memory_space<vmem>>
      %dma_start3A_38 = arith.constant 0 : i32
      %dma_start3A_39 = arith.constant 0 : i32
      %dma_start3A_40 = tpu.memref_slice %arg2[%dma_start3A_38, %dma_start3A_39] : memref<10240x2048xf32, #tpu.memory_space<hbm>> -> memref<10240x2048xf32, #tpu.memory_space<hbm>>
      tpu.enqueue_indirect_dma source(%dma_start3A_40 : memref<10240x2048xf32, #tpu.memory_space<hbm>>) target(%arg8 : memref<16x2048xf32, #tpu.memory_space<vmem>>) offsets(%dma_start3A_37 : memref<16xi32, #tpu.memory_space<vmem>>) semaphore(%arg11 : memref<!tpu.dma_semaphore, #tpu.memory_space<semaphore_mem>>)
      %dma_wait3A_41 = arith.constant 16 : i32
      %dma_wait3A_42 = tpu.memref_slice %arg6[%dma_wait3A_41] : memref<64xi32, #tpu.memory_space<vmem>> -> memref<16xi32, #tpu.memory_space<vmem>>
      %dma_wait3A_43 = arith.constant 0 : i32
      %dma_wait3A_44 = arith.constant 0 : i32
      %dma_wait3A_45 = tpu.memref_slice %arg2[%dma_wait3A_43, %dma_wait3A_44] : memref<10240x2048xf32, #tpu.memory_space<hbm>> -> memref<10240x2048xf32, #tpu.memory_space<hbm>>
      tpu.wait_indirect_dma semaphore(%arg12 : memref<!tpu.dma_semaphore, #tpu.memory_space<semaphore_mem>>) src(%dma_wait3A_45 : memref<10240x2048xf32, #tpu.memory_space<hbm>>) dst(%arg9 : memref<16x2048xf32, #tpu.memory_space<vmem>>)
      %add3A_46 = arith.constant 16 : i32
      %add3A_47 = arith.addi %add3A_10, %add3A_46 : i32
      "tpu.region"() ({
        %run_scoped3A = tpu.sem_alloc : memref<!tpu.dma_semaphore, #tpu.memory_space<semaphore_mem>>
        %dma_start3A_62 = arith.constant 0 : i32
        %dma_start3A_63 = tpu.memref_slice %arg5[%add3A_47, %dma_start3A_62] : memref<4096x2048xf32, #tpu.memory_space<hbm>> -> memref<16x2048xf32, #tpu.memory_space<hbm>>
        %dma_start3A_64 = arith.constant 0 : i32
        %dma_start3A_65 = tpu.memref_slice %arg5[%add3A_47, %dma_start3A_64] : memref<4096x2048xf32, #tpu.memory_space<hbm>> -> memref<16x2048xf32, #tpu.memory_space<hbm>>
        tpu.enqueue_dma source(%arg9 : memref<16x2048xf32, #tpu.memory_space<vmem>>) target(%dma_start3A_65 : memref<16x2048xf32, #tpu.memory_space<hbm>>) target_semaphore(%run_scoped3A : memref<!tpu.dma_semaphore, #tpu.memory_space<semaphore_mem>>)
        %dma_wait3A_66 = arith.constant 0 : i32
        %dma_wait3A_67 = tpu.memref_slice %arg5[%add3A_47, %dma_wait3A_66] : memref<4096x2048xf32, #tpu.memory_space<hbm>> -> memref<16x2048xf32, #tpu.memory_space<hbm>>
        %dma_wait3A_68 = arith.constant 0 : i32
        %dma_wait3A_69 = tpu.memref_slice %arg5[%add3A_47, %dma_wait3A_68] : memref<4096x2048xf32, #tpu.memory_space<hbm>> -> memref<16x2048xf32, #tpu.memory_space<hbm>>
        tpu.wait_dma2 semaphore(%run_scoped3A : memref<!tpu.dma_semaphore, #tpu.memory_space<semaphore_mem>>) src(%arg9 : memref<16x2048xf32, #tpu.memory_space<vmem>>) dst(%dma_wait3A_69 : memref<16x2048xf32, #tpu.memory_space<hbm>>)
        tpu.yield
      }) : () -> ()
      %dma_wait3A_48 = arith.constant 32 : i32
      %dma_wait3A_49 = tpu.memref_slice %arg6[%dma_wait3A_48] : memref<64xi32, #tpu.memory_space<vmem>> -> memref<16xi32, #tpu.memory_space<vmem>>
      %dma_wait3A_50 = arith.constant 0 : i32
      %dma_wait3A_51 = arith.constant 0 : i32
      %dma_wait3A_52 = tpu.memref_slice %arg2[%dma_wait3A_50, %dma_wait3A_51] : memref<10240x2048xf32, #tpu.memory_space<hbm>> -> memref<10240x2048xf32, #tpu.memory_space<hbm>>
      tpu.wait_indirect_dma semaphore(%arg13 : memref<!tpu.dma_semaphore, #tpu.memory_space<semaphore_mem>>) src(%dma_wait3A_52 : memref<10240x2048xf32, #tpu.memory_space<hbm>>) dst(%arg10 : memref<16x2048xf32, #tpu.memory_space<vmem>>)
      %add3A_53 = arith.constant 32 : i32
      %add3A_54 = arith.addi %add3A_10, %add3A_53 : i32
      "tpu.region"() ({
        %run_scoped3A = tpu.sem_alloc : memref<!tpu.dma_semaphore, #tpu.memory_space<semaphore_mem>>
        %dma_start3A_62 = arith.constant 0 : i32
        %dma_start3A_63 = tpu.memref_slice %arg5[%add3A_54, %dma_start3A_62] : memref<4096x2048xf32, #tpu.memory_space<hbm>> -> memref<16x2048xf32, #tpu.memory_space<hbm>>
        %dma_start3A_64 = arith.constant 0 : i32
        %dma_start3A_65 = tpu.memref_slice %arg5[%add3A_54, %dma_start3A_64] : memref<4096x2048xf32, #tpu.memory_space<hbm>> -> memref<16x2048xf32, #tpu.memory_space<hbm>>
        tpu.enqueue_dma source(%arg10 : memref<16x2048xf32, #tpu.memory_space<vmem>>) target(%dma_start3A_65 : memref<16x2048xf32, #tpu.memory_space<hbm>>) target_semaphore(%run_scoped3A : memref<!tpu.dma_semaphore, #tpu.memory_space<semaphore_mem>>)
        %dma_wait3A_66 = arith.constant 0 : i32
        %dma_wait3A_67 = tpu.memref_slice %arg5[%add3A_54, %dma_wait3A_66] : memref<4096x2048xf32, #tpu.memory_space<hbm>> -> memref<16x2048xf32, #tpu.memory_space<hbm>>
        %dma_wait3A_68 = arith.constant 0 : i32
        %dma_wait3A_69 = tpu.memref_slice %arg5[%add3A_54, %dma_wait3A_68] : memref<4096x2048xf32, #tpu.memory_space<hbm>> -> memref<16x2048xf32, #tpu.memory_space<hbm>>
        tpu.wait_dma2 semaphore(%run_scoped3A : memref<!tpu.dma_semaphore, #tpu.memory_space<semaphore_mem>>) src(%arg10 : memref<16x2048xf32, #tpu.memory_space<vmem>>) dst(%dma_wait3A_69 : memref<16x2048xf32, #tpu.memory_space<hbm>>)
        tpu.yield
      }) : () -> ()
      %dma_wait3A_55 = arith.constant 48 : i32
      %dma_wait3A_56 = tpu.memref_slice %arg6[%dma_wait3A_55] : memref<64xi32, #tpu.memory_space<vmem>> -> memref<16xi32, #tpu.memory_space<vmem>>
      %dma_wait3A_57 = arith.constant 0 : i32
      %dma_wait3A_58 = arith.constant 0 : i32
      %dma_wait3A_59 = tpu.memref_slice %arg2[%dma_wait3A_57, %dma_wait3A_58] : memref<10240x2048xf32, #tpu.memory_space<hbm>> -> memref<10240x2048xf32, #tpu.memory_space<hbm>>
      tpu.wait_indirect_dma semaphore(%arg11 : memref<!tpu.dma_semaphore, #tpu.memory_space<semaphore_mem>>) src(%dma_wait3A_59 : memref<10240x2048xf32, #tpu.memory_space<hbm>>) dst(%arg8 : memref<16x2048xf32, #tpu.memory_space<vmem>>)
      %add3A_60 = arith.constant 48 : i32
      %add3A_61 = arith.addi %add3A_10, %add3A_60 : i32
      "tpu.region"() ({
        %run_scoped3A = tpu.sem_alloc : memref<!tpu.dma_semaphore, #tpu.memory_space<semaphore_mem>>
        %dma_start3A_62 = arith.constant 0 : i32
        %dma_start3A_63 = tpu.memref_slice %arg5[%add3A_61, %dma_start3A_62] : memref<4096x2048xf32, #tpu.memory_space<hbm>> -> memref<16x2048xf32, #tpu.memory_space<hbm>>
        %dma_start3A_64 = arith.constant 0 : i32
        %dma_start3A_65 = tpu.memref_slice %arg5[%add3A_61, %dma_start3A_64] : memref<4096x2048xf32, #tpu.memory_space<hbm>> -> memref<16x2048xf32, #tpu.memory_space<hbm>>
        tpu.enqueue_dma source(%arg8 : memref<16x2048xf32, #tpu.memory_space<vmem>>) target(%dma_start3A_65 : memref<16x2048xf32, #tpu.memory_space<hbm>>) target_semaphore(%run_scoped3A : memref<!tpu.dma_semaphore, #tpu.memory_space<semaphore_mem>>)
        %dma_wait3A_66 = arith.constant 0 : i32
        %dma_wait3A_67 = tpu.memref_slice %arg5[%add3A_61, %dma_wait3A_66] : memref<4096x2048xf32, #tpu.memory_space<hbm>> -> memref<16x2048xf32, #tpu.memory_space<hbm>>
        %dma_wait3A_68 = arith.constant 0 : i32
        %dma_wait3A_69 = tpu.memref_slice %arg5[%add3A_61, %dma_wait3A_68] : memref<4096x2048xf32, #tpu.memory_space<hbm>> -> memref<16x2048xf32, #tpu.memory_space<hbm>>
        tpu.wait_dma2 semaphore(%run_scoped3A : memref<!tpu.dma_semaphore, #tpu.memory_space<semaphore_mem>>) src(%arg8 : memref<16x2048xf32, #tpu.memory_space<vmem>>) dst(%dma_wait3A_69 : memref<16x2048xf32, #tpu.memory_space<hbm>>)
        tpu.yield
      }) : () -> ()
    } else {
    }
    return
  }
}

module attributes {stable_mosaic.version = 14 : i64} {
  func.func @_router_body(%arg0: i32, %arg1: memref<512x2048xf32, #tpu.memory_space<vmem>>, %arg2: memref<2048x128xf32, #tpu.memory_space<vmem>>, %arg3: memref<1x128xf32, #tpu.memory_space<vmem>>, %arg4: memref<1x1x512xi32, #tpu.memory_space<vmem>>) attributes {dimension_semantics = [#tpu.dimension_semantics<arbitrary>], iteration_bounds = array<i64: 8>, scalar_prefetch = 0 : i64, scratch_operands = 0 : i64, tpu.core_type = #tpu.core_type<tc>, window_params = [{transform_indices = @transform_0, window_bounds = array<i64: 512, 2048>}, {pipeline_mode = #tpu.pipeline_mode<synchronous>, transform_indices = @transform_1, window_bounds = array<i64: 2048, 128>}, {pipeline_mode = #tpu.pipeline_mode<synchronous>, transform_indices = @transform_2, window_bounds = array<i64: 1, 128>}, {transform_indices = @transform_3, window_bounds = array<i64: 1, 1, 512>}]} {
    %get3A = arith.constant 0 : index
    %get3A_0 = arith.constant 0 : index
    %get3A_1 = vector.load %arg1[%get3A, %get3A_0] : memref<512x2048xf32, #tpu.memory_space<vmem>>, vector<512x2048xf32>
    %get3A_2 = arith.constant 0 : index
    %get3A_3 = arith.constant 0 : index
    %get3A_4 = vector.load %arg2[%get3A_2, %get3A_3] : memref<2048x128xf32, #tpu.memory_space<vmem>>, vector<2048x128xf32>
    %dot_general3A = arith.constant dense<0.000000e+00> : vector<512x128xf32>
    %dot_general3A_5 = tpu.matmul %get3A_1, %get3A_4, %dot_general3A {dimension_numbers = #tpu.dot_dimension_numbers<[1], [0], [0], [1], [0, 0, 1, 1], [], []>, transpose_lhs_hint = false} : vector<512x2048xf32>, vector<2048x128xf32>, vector<512x128xf32> -> vector<512x128xf32>
    %get3A_6 = arith.constant 0 : index
    %get3A_7 = arith.constant 0 : index
    %get3A_8 = vector.load %arg3[%get3A_6, %get3A_7] : memref<1x128xf32, #tpu.memory_space<vmem>>, vector<1x128xf32>
    %add3A = vector.broadcast %get3A_8 : vector<1x128xf32> to vector<512x128xf32>
    %add3A_9 = arith.addf %dot_general3A_5, %add3A : vector<512x128xf32>
    %reduce_max3A = arith.constant dense<0xFF800000> : vector<512xf32>
    %reduce_max3A_10 = vector.multi_reduction <maximumf>, %add3A_9, %reduce_max3A [1] : vector<512x128xf32> to vector<512xf32>
    %broadcast_in_dim3A = vector.shape_cast %reduce_max3A_10 : vector<512xf32> to vector<512x1xf32>
    %iota3A = tpu.iota {dimensions = array<i32: 1>} : vector<512x128xi32>
    %eq3A = vector.broadcast %broadcast_in_dim3A : vector<512x1xf32> to vector<512x128xf32>
    %eq3A_11 = arith.cmpf oeq, %add3A_9, %eq3A : vector<512x128xf32>
    %jit3A = arith.constant 8 : i32
    %broadcast_in_dim3A_12 = vector.broadcast %jit3A : i32 to vector<512x128xi32>
    %select_n3A = arith.select %eq3A_11, %iota3A, %broadcast_in_dim3A_12 : vector<512x128xi1>, vector<512x128xi32>
    %reduce_min3A = arith.constant dense<2147483647> : vector<512xi32>
    %reduce_min3A_13 = vector.multi_reduction <minsi>, %select_n3A, %reduce_min3A [1] : vector<512x128xi32> to vector<512xi32>
    %reshape3A = vector.shape_cast %reduce_min3A_13 : vector<512xi32> to vector<1x1x512xi32>
    %swap3A = arith.constant 0 : index
    %swap3A_14 = arith.constant 0 : index
    %swap3A_15 = arith.constant 0 : index
    %swap3A_16 = vector.load %arg4[%swap3A, %swap3A_14, %swap3A_15] : memref<1x1x512xi32, #tpu.memory_space<vmem>>, vector<1x1x512xi32>
    tpu.vector_store %arg4[%swap3A, %swap3A_14, %swap3A_15], %reshape3A {strides = array<i32>} : memref<1x1x512xi32, #tpu.memory_space<vmem>>, vector<1x1x512xi32>,
    return
  }
  func.func @transform_0(%arg0: i32) -> (i32, i32) {
    %c0_i32 = arith.constant 0 : i32
    %c0_i32_0 = arith.constant 0 : i32
    return %arg0, %c0_i32 : i32, i32
  }
  func.func @transform_1(%arg0: i32) -> (i32, i32) {
    %c0_i32 = arith.constant 0 : i32
    %c0_i32_0 = arith.constant 0 : i32
    %c0_i32_1 = arith.constant 0 : i32
    return %c0_i32, %c0_i32_0 : i32, i32
  }
  func.func @transform_2(%arg0: i32) -> (i32, i32) {
    %c0_i32 = arith.constant 0 : i32
    %c0_i32_0 = arith.constant 0 : i32
    %c0_i32_1 = arith.constant 0 : i32
    return %c0_i32, %c0_i32_0 : i32, i32
  }
  func.func @transform_3(%arg0: i32) -> (i32, i32, i32) {
    %c0_i32 = arith.constant 0 : i32
    %c0_i32_0 = arith.constant 0 : i32
    %c0_i32_1 = arith.constant 0 : i32
    return %arg0, %c0_i32, %c0_i32_0 : i32, i32, i32
  }
}

module attributes {stable_mosaic.version = 14 : i64} {
  func.func @_ffn_body(%arg0: i32, %arg1: i32, %arg2: memref<16xi32, #tpu.memory_space<smem>>, %arg3: memref<16xi32, #tpu.memory_space<smem>>, %arg4: memref<640x2048xf32, #tpu.memory_space<vmem>>, %arg5: memref<1x2048x1024xf32, #tpu.memory_space<vmem>>, %arg6: memref<1x1x1024xf32, #tpu.memory_space<vmem>>, %arg7: memref<1x1024x2048xf32, #tpu.memory_space<vmem>>, %arg8: memref<1x1x2048xf32, #tpu.memory_space<vmem>>, %arg9: memref<640x2048xf32, #tpu.memory_space<vmem>>) attributes {dimension_semantics = [#tpu.dimension_semantics<arbitrary>, #tpu.dimension_semantics<arbitrary>], iteration_bounds = array<i64: 16, 4>, scalar_prefetch = 2 : i64, scratch_operands = 0 : i64, tpu.core_type = #tpu.core_type<tc>, window_params = [{transform_indices = @transform_0, window_bounds = array<i64: 640, 2048>}, {transform_indices = @transform_1, window_bounds = array<i64: 1, 2048, 1024>}, {transform_indices = @transform_2, window_bounds = array<i64: 1, 1, 1024>}, {transform_indices = @transform_3, window_bounds = array<i64: 1, 1024, 2048>}, {transform_indices = @transform_4, window_bounds = array<i64: 1, 1, 2048>}, {transform_indices = @transform_5, window_bounds = array<i64: 640, 2048>}]} {
    %get3A = arith.index_cast %arg0 : i32 to index
    %get3A_0 = memref.load %arg3[%get3A] : memref<16xi32, #tpu.memory_space<smem>>
    %eq3A = arith.cmpi eq, %get3A_0, %arg0 : i32
    %convert_element_type3A = arith.extui %eq3A : i1 to i32
    %cond3A = arith.constant 0 : i32
    %cond3A_1 = arith.cmpi ne, %convert_element_type3A, %cond3A : i32
    scf.if %cond3A_1 {
      %get3A_2 = arith.constant 0 : index
      %get3A_3 = arith.constant 0 : index
      %get3A_4 = vector.load %arg4[%get3A_2, %get3A_3] : memref<640x2048xf32, #tpu.memory_space<vmem>>, vector<640x2048xf32>
      %get3A_5 = arith.constant 0 : index
      %get3A_6 = arith.constant 0 : index
      %get3A_7 = arith.constant 0 : index
      %get3A_8 = vector.load %arg5[%get3A_5, %get3A_6, %get3A_7] : memref<1x2048x1024xf32, #tpu.memory_space<vmem>>, vector<1x2048x1024xf32>
      %get3A_9 = vector.shape_cast %get3A_8 : vector<1x2048x1024xf32> to vector<2048x1024xf32>
      %dot_general3A = arith.constant dense<0.000000e+00> : vector<640x1024xf32>
      %dot_general3A_10 = tpu.matmul %get3A_4, %get3A_9, %dot_general3A {dimension_numbers = #tpu.dot_dimension_numbers<[1], [0], [0], [1], [0, 0, 1, 1], [], []>, transpose_lhs_hint = false} : vector<640x2048xf32>, vector<2048x1024xf32>, vector<640x1024xf32> -> vector<640x1024xf32>
      %get3A_11 = arith.constant 0 : index
      %get3A_12 = arith.constant 0 : index
      %get3A_13 = arith.constant 0 : index
      %get3A_14 = vector.load %arg6[%get3A_11, %get3A_12, %get3A_13] : memref<1x1x1024xf32, #tpu.memory_space<vmem>>, vector<1x1x1024xf32>
      %get3A_15 = vector.shape_cast %get3A_14 : vector<1x1x1024xf32> to vector<1x1024xf32>
      %add3A = vector.broadcast %get3A_15 : vector<1x1024xf32> to vector<640x1024xf32>
      %add3A_16 = arith.addf %dot_general3A_10, %add3A : vector<640x1024xf32>
      %max3A = arith.constant 0.000000e+00 : f32
      %max3A_17 = vector.broadcast %max3A : f32 to vector<640x1024xf32>
      %max3A_18 = arith.maximumf %add3A_16, %max3A_17 : vector<640x1024xf32>
      %get3A_19 = arith.constant 0 : index
      %get3A_20 = arith.constant 0 : index
      %get3A_21 = arith.constant 0 : index
      %get3A_22 = vector.load %arg7[%get3A_19, %get3A_20, %get3A_21] : memref<1x1024x2048xf32, #tpu.memory_space<vmem>>, vector<1x1024x2048xf32>
      %get3A_23 = vector.shape_cast %get3A_22 : vector<1x1024x2048xf32> to vector<1024x2048xf32>
      %dot_general3A_24 = arith.constant dense<0.000000e+00> : vector<640x2048xf32>
      %dot_general3A_25 = tpu.matmul %max3A_18, %get3A_23, %dot_general3A_24 {dimension_numbers = #tpu.dot_dimension_numbers<[1], [0], [0], [1], [0, 0, 1, 1], [], []>, transpose_lhs_hint = false} : vector<640x1024xf32>, vector<1024x2048xf32>, vector<640x2048xf32> -> vector<640x2048xf32>
      %eq3A_26 = arith.constant 0 : i32
      %eq3A_27 = arith.cmpi eq, %arg1, %eq3A_26 : i32
      %convert_element_type3A_28 = arith.extui %eq3A_27 : i1 to i32
      %cond3A_29 = arith.constant 0 : i32
      %cond3A_30 = arith.cmpi ne, %convert_element_type3A_28, %cond3A_29 : i32
      scf.if %cond3A_30 {
        %get3A_35 = arith.constant 0 : index
        %get3A_36 = arith.constant 0 : index
        %get3A_37 = arith.constant 0 : index
        %get3A_38 = vector.load %arg8[%get3A_35, %get3A_36, %get3A_37] : memref<1x1x2048xf32, #tpu.memory_space<vmem>>, vector<1x1x2048xf32>
        %get3A_39 = vector.shape_cast %get3A_38 : vector<1x1x2048xf32> to vector<1x2048xf32>
        %add3A_40 = vector.broadcast %get3A_39 : vector<1x2048xf32> to vector<640x2048xf32>
        %add3A_41 = arith.addf %dot_general3A_25, %add3A_40 : vector<640x2048xf32>
        %swap3A = arith.constant 0 : index
        %swap3A_42 = arith.constant 0 : index
        %swap3A_43 = vector.load %arg9[%swap3A, %swap3A_42] : memref<640x2048xf32, #tpu.memory_space<vmem>>, vector<640x2048xf32>
        tpu.vector_store %arg9[%swap3A, %swap3A_42], %add3A_41 {strides = array<i32>} : memref<640x2048xf32, #tpu.memory_space<vmem>>, vector<640x2048xf32>,
      } else {
      }
      %gt3A = arith.constant 0 : i32
      %gt3A_31 = arith.cmpi sgt, %arg1, %gt3A : i32
      %convert_element_type3A_32 = arith.extui %gt3A_31 : i1 to i32
      %cond3A_33 = arith.constant 0 : i32
      %cond3A_34 = arith.cmpi ne, %convert_element_type3A_32, %cond3A_33 : i32
      scf.if %cond3A_34 {
        %get3A_35 = arith.constant 0 : index
        %get3A_36 = arith.constant 0 : index
        %get3A_37 = vector.load %arg9[%get3A_35, %get3A_36] : memref<640x2048xf32, #tpu.memory_space<vmem>>, vector<640x2048xf32>
        %add3A_38 = arith.addf %get3A_37, %dot_general3A_25 : vector<640x2048xf32>
        %swap3A = arith.constant 0 : index
        %swap3A_39 = arith.constant 0 : index
        %swap3A_40 = vector.load %arg9[%swap3A, %swap3A_39] : memref<640x2048xf32, #tpu.memory_space<vmem>>, vector<640x2048xf32>
        tpu.vector_store %arg9[%swap3A, %swap3A_39], %add3A_38 {strides = array<i32>} : memref<640x2048xf32, #tpu.memory_space<vmem>>, vector<640x2048xf32>,
      } else {
      }
    } else {
    }
    return
  }
  func.func @transform_0(%arg0: i32, %arg1: i32, %arg2: memref<16xi32, #tpu.memory_space<smem>>, %arg3: memref<16xi32, #tpu.memory_space<smem>>) -> (i32, i32) {
    %get3A = arith.index_cast %arg0 : i32 to index
    %get3A_0 = memref.load %arg3[%get3A] : memref<16xi32, #tpu.memory_space<smem>>
    %c0_i32 = arith.constant 0 : i32
    %c0_i32_1 = arith.constant 0 : i32
    return %get3A_0, %c0_i32 : i32, i32
  }
  func.func @transform_1(%arg0: i32, %arg1: i32, %arg2: memref<16xi32, #tpu.memory_space<smem>>, %arg3: memref<16xi32, #tpu.memory_space<smem>>) -> (i32, i32, i32) {
    %get3A = arith.index_cast %arg0 : i32 to index
    %get3A_0 = memref.load %arg2[%get3A] : memref<16xi32, #tpu.memory_space<smem>>
    %get3A_1 = arith.index_cast %arg0 : i32 to index
    %get3A_2 = memref.load %arg3[%get3A_1] : memref<16xi32, #tpu.memory_space<smem>>
    %eq3A = arith.cmpi eq, %get3A_2, %arg0 : i32
    %jit3A = arith.constant 3 : i32
    %select_n3A = arith.select %eq3A, %arg1, %jit3A : i32
    %c0_i32 = arith.constant 0 : i32
    %c0_i32_3 = arith.constant 0 : i32
    return %get3A_0, %c0_i32, %select_n3A : i32, i32, i32
  }
  func.func @transform_2(%arg0: i32, %arg1: i32, %arg2: memref<16xi32, #tpu.memory_space<smem>>, %arg3: memref<16xi32, #tpu.memory_space<smem>>) -> (i32, i32, i32) {
    %get3A = arith.index_cast %arg0 : i32 to index
    %get3A_0 = memref.load %arg2[%get3A] : memref<16xi32, #tpu.memory_space<smem>>
    %get3A_1 = arith.index_cast %arg0 : i32 to index
    %get3A_2 = memref.load %arg3[%get3A_1] : memref<16xi32, #tpu.memory_space<smem>>
    %eq3A = arith.cmpi eq, %get3A_2, %arg0 : i32
    %jit3A = arith.constant 3 : i32
    %select_n3A = arith.select %eq3A, %arg1, %jit3A : i32
    %c0_i32 = arith.constant 0 : i32
    %c0_i32_3 = arith.constant 0 : i32
    return %get3A_0, %c0_i32, %select_n3A : i32, i32, i32
  }
  func.func @transform_3(%arg0: i32, %arg1: i32, %arg2: memref<16xi32, #tpu.memory_space<smem>>, %arg3: memref<16xi32, #tpu.memory_space<smem>>) -> (i32, i32, i32) {
    %get3A = arith.index_cast %arg0 : i32 to index
    %get3A_0 = memref.load %arg2[%get3A] : memref<16xi32, #tpu.memory_space<smem>>
    %get3A_1 = arith.index_cast %arg0 : i32 to index
    %get3A_2 = memref.load %arg3[%get3A_1] : memref<16xi32, #tpu.memory_space<smem>>
    %eq3A = arith.cmpi eq, %get3A_2, %arg0 : i32
    %jit3A = arith.constant 3 : i32
    %select_n3A = arith.select %eq3A, %arg1, %jit3A : i32
    %c0_i32 = arith.constant 0 : i32
    %c0_i32_3 = arith.constant 0 : i32
    return %get3A_0, %select_n3A, %c0_i32 : i32, i32, i32
  }
  func.func @transform_4(%arg0: i32, %arg1: i32, %arg2: memref<16xi32, #tpu.memory_space<smem>>, %arg3: memref<16xi32, #tpu.memory_space<smem>>) -> (i32, i32, i32) {
    %get3A = arith.index_cast %arg0 : i32 to index
    %get3A_0 = memref.load %arg2[%get3A] : memref<16xi32, #tpu.memory_space<smem>>
    %c0_i32 = arith.constant 0 : i32
    %c0_i32_1 = arith.constant 0 : i32
    %c0_i32_2 = arith.constant 0 : i32
    return %get3A_0, %c0_i32, %c0_i32_1 : i32, i32, i32
  }
  func.func @transform_5(%arg0: i32, %arg1: i32, %arg2: memref<16xi32, #tpu.memory_space<smem>>, %arg3: memref<16xi32, #tpu.memory_space<smem>>) -> (i32, i32) {
    %get3A = arith.index_cast %arg0 : i32 to index
    %get3A_0 = memref.load %arg3[%get3A] : memref<16xi32, #tpu.memory_space<smem>>
    %c0_i32 = arith.constant 0 : i32
    %c0_i32_1 = arith.constant 0 : i32
    return %get3A_0, %c0_i32 : i32, i32
  }
}

</mosaic_0001>

<sc_bundles>
// kernel: kernel.10.cloned.1.call-start
scs
__scs_entry_jumppad:
0x0: {  	(pc) =	sbr.rel $0x88, $3  }
0x1: {  	(tag) =	ssettag $0x0;
	lr =	simm.s32 $0x1  }
0x2: {  	[smem:$0x3F9A] =	sst lr;
	_ =	strace $0xD0000000  }
0x3: {  	_ = 	snop  }
0x4: {  	_ = 	snop  }
0x5: {  	_ = 	snop  }
0x6: {  	_ = 	snop  }
0x7: {  	_ = 	snop  }
__scs_overlays_trampoline_lowered:
0x8: {  	[smem:$0x3FA9] =	sst s0  }
0x9: {  	[smem:$0x3FAA] =	sst s1  }
0xa: {  	[smem:$0x3FAB] =	sst s2  }
0xb: {  	[smem:$0x3FAC] =	sst s3  }
0xc: {  	[smem:$0x3FAD] =	sst s4  }
0xd: {  	[smem:$0x3FAE] =	sst s5  }
0xe: {  	[smem:$0x3FAF] =	sst s6  }
0xf: {  	[smem:$0x3FB0] =	sst s7  }
0x10: {  	[smem:$0x3FB1] =	sst s8  }
0x11: {  	[smem:$0x3FB2] =	sst s9;
	s0 =	simm.s32 @!p0 $0x0  }
0x12: {  	s1 =	sld [smem:$0x3F98];
	s0 =	simm.s32 @p0 $0x1  }
0x13: {  	[smem:$0x3FB3] =	sst s0;
	s0 =	simm.s32 @!p1 $0x0  }
0x14: {  	s2 =	sld [smem:$0x3F97];
	s0 =	simm.s32 @p1 $0x1  }
0x15: {  	[smem:$0x3FB4] =	sst s0;
	s0 =	simm.s32 @!p2 $0x0  }
0x16: {  	s3 =	sld [smem:$0x3FDB];
	s0 =	simm.s32 @p2 $0x1  }
0x17: {  	s4 =	simm.s32 $0x1BF5;
	[smem:$0x3FB6] =	sst s0  }
0x18: {  	s0 =	sld [smem:$0x3F99];
	_ =	swait.ge [sflag:s4], $0x0  }
0x19: {  	s7 =	sld [smem:$0x3F9A]  }
0x1a: {  	s8 =	sadd.s32 $0xFFFFE003, lr  }
0x1b: {  	s9 =	sadd.s32 $0xFFFFFEF7, lr;
	s5 =	simm.s32 $0xFFFFFFFF;
	p2 =	slt.u32 s8, $0xFFFFF086  }
0x1c: {  	p1 =	slt.u32 s9, $0xF7A;
	s5 =	simm.s32 @!p2 $0x0  }
0x1d: {  	s5 =	simm.s32 @p1 $0x1;
	p0 =	seq.s32 s7, s2  }
0x1e: {  	s7 =	smul.u32 @!p0 $0xF7A, s2;
	p2 =	seq.s32 @!p0 s5, $0x0  }
0x1f: {  	s9 =	smul.u32 $0xF7A, s1;
	s8 =	simm.s32 @!p0 $0x1BF5;
	p2 =	por !p2, p0  }
0x20: {  	[sflag:s8] =	ssyncset.s32 @!p0 $0xFFFFF086;
	s6 =	sadd.s32 @!p0 s3, s7;
	s7 =	simm.s32 @!p0 $0x108  }
0x21: {  	s3 =	sadd.s32 s3, s9;
	s6 =	sadd.s32 @!p0 $0x88, s6;
	s7 =	simm.s32 @p2 $0x1082  }
0x22: {  	[simem:s7], [sflag:s8] =	dma.local @!p0 [hbm:s6], $0xF7A  }
0x23: {  	s9 =	sor.u32 $0xD0000000, s2;
	s6 =	simm.s32 $0x108;
	_ =	swait.ge @!p0 [sflag:s8], $0x0  }
0x24: {  	s3 =	sadd.s32 $0x88, s3;
	s6 =	simm.s32 @!p1 $0x1082;
	[sflag:s4] =	ssyncset.s32 $0xFFFFF086  }
0x25: {  	[simem:s6], [sflag:s4] =	dma.local [hbm:s3], $0xF7A  }
0x26: {  	[smem:$0x3F9A] =	sst s1;
	(tag) =	ssettag s2;
	_ =	strace s9  }
0x27: {  	s1 =	sld [smem:$0x3FAA]  }
0x28: {  	s2 =	sld [smem:$0x3FAB]  }
0x29: {  	s4 =	sld [smem:$0x3FAD]  }
0x2a: {  	p0 =	seq.s32 s5, $0x0;
	s5 =	sld [smem:$0x3FAE]  }
0x2b: {  	s6 =	sld [smem:$0x3FAF]  }
0x2c: {  	s7 =	sld [smem:$0x3FB0]  }
0x2d: {  	s3 =	simm.s32 $0x108;
	s8 =	sld [smem:$0x3FB1]  }
0x2e: {  	s3 =	simm.s32 @!p0 $0x1082;
	s9 =	sld [smem:$0x3FB2]  }
0x2f: {  	lr =	sadd.s32 s0, s3;
	s0 =	sld [smem:$0x3FA9]  }
0x30: {  	s3 =	sld [smem:$0x3FAC]  }
0x31: {  	[smem:$0x3FB5] =	sst s10  }
0x32: {  	s10 =	sld [smem:$0x3FB3];
	_ =	sdelay $0x3  }
0x33: {  	p0 =	seq.s32 s10, $0x1;
	s10 =	sld [smem:$0x3FB5];
	_ =	sdelay $0x3  }
0x34: {  	[smem:$0x3FB5] =	sst s10  }
0x35: {  	s10 =	sld [smem:$0x3FB4];
	_ =	sdelay $0x3  }
0x36: {  	p1 =	seq.s32 s10, $0x1;
	s10 =	sld [smem:$0x3FB5];
	_ =	sdelay $0x3  }
0x37: {  	[smem:$0x3FB5] =	sst s10  }
0x38: {  	s10 =	sld [smem:$0x3FB6]  }
0x39: {  	_ = 	snop;
	(pc) =	sbr.ind lr, $3  }
0x3a: {  	_ = 	snop  }
0x3b: {  	_ = 	snop  }
0x3c: {  	p2 =	seq.s32 s10, $0x1;
	s10 =	sld [smem:$0x3FB5]  }
0x3d: {  	_ =	shalt  }
0x3e: {  	_ =	shalt  }
0x3f: {  	_ =	shalt  }
0x40: {  	_ =	shalt  }
0x41: {  	_ =	shalt  }
0x42: {  	_ =	shalt  }
0x43: {  	_ =	shalt  }
0x44: {  	_ =	shalt  }
0x45: {  	_ =	shalt  }
0x46: {  	_ =	shalt  }
0x47: {  	_ =	shalt  }
0x48: {  	_ =	shalt  }
0x49: {  	_ =	shalt  }
0x4a: {  	_ =	shalt  }
0x4b: {  	_ =	shalt  }
0x4c: {  	_ =	shalt  }
0x4d: {  	_ =	shalt  }
0x4e: {  	_ =	shalt  }
0x4f: {  	_ =	shalt  }
0x50: {  	_ =	shalt  }
0x51: {  	_ =	shalt  }
0x52: {  	_ =	shalt  }
0x53: {  	_ =	shalt  }
0x54: {  	_ =	shalt  }
0x55: {  	_ =	shalt  }
0x56: {  	_ =	shalt  }
0x57: {  	_ =	shalt  }
0x58: {  	_ =	shalt  }
0x59: {  	_ =	shalt  }
0x5a: {  	_ =	shalt  }
0x5b: {  	_ =	shalt  }
0x5c: {  	_ =	shalt  }
0x5d: {  	_ =	shalt  }
0x5e: {  	_ =	shalt  }
0x5f: {  	_ =	shalt  }
0x60: {  	_ =	shalt  }
0x61: {  	_ =	shalt  }
0x62: {  	_ =	shalt  }
0x63: {  	_ =	shalt  }
0x64: {  	_ =	shalt  }
0x65: {  	_ =	shalt  }
0x66: {  	_ =	shalt  }
0x67: {  	_ =	shalt  }
0x68: {  	_ =	shalt  }
0x69: {  	_ =	shalt  }
0x6a: {  	_ =	shalt  }
0x6b: {  	_ =	shalt  }
0x6c: {  	_ =	shalt  }
0x6d: {  	_ =	shalt  }
0x6e: {  	_ =	shalt  }
0x6f: {  	_ =	shalt  }
0x70: {  	_ =	shalt  }
0x71: {  	_ =	shalt  }
0x72: {  	_ =	shalt  }
0x73: {  	_ =	shalt  }
0x74: {  	_ =	shalt  }
0x75: {  	_ =	shalt  }
0x76: {  	_ =	shalt  }
0x77: {  	_ =	shalt  }
0x78: {  	_ =	shalt  }
0x79: {  	_ =	shalt  }
0x7a: {  	_ =	shalt  }
0x7b: {  	_ =	shalt  }
0x7c: {  	_ =	shalt  }
0x7d: {  	_ =	shalt  }
0x7e: {  	_ =	shalt  }
0x7f: {  	_ =	shalt  }
0x80: {  	_ =	shalt  }
0x81: {  	_ =	shalt  }
0x82: {  	_ =	shalt  }
0x83: {  	_ =	shalt  }
0x84: {  	_ =	shalt  }
0x85: {  	_ =	shalt  }
0x86: {  	_ =	shalt  }
0x87: {  	_ =	shalt  }
.Lfunc_end0:
.L_simem_size_0:
called_computation.1_lowered:
.L_overlay_start_0:
0x88: {  	s2 =	sld [smem:$0x3FD9]  }
0x89: {  	s3 =	sld [smem:$0x3FFE];
	_ =	sdelay $0x1  }
0x8a: {  	s1 =	srdreg.scid  }
0x8b: {  	s0 =	sand.u32 $0x1, s1  }
0x8c: {  	s17 =	sshll.u32 s0, $0xA;
	s2 =	sadd.s32 s3, s2  }
0x8d: {  	s2 =	sadd.s32 s2, s17  }
0x8e: {  	[smem:$0x3FC1] =	sst s2  }
0x8f: {  	_ = 	snop  }
0x90: {  	s2 =	sld [smem:$0x3FC9];
	(tm) =	ssettm $0x1  }
0x91: {  	s18 =	sld [smem:$0x3FFB];
	_ =	sdelay $0x3  }
0x92: {  	_ =	strace s18  }
0x93: {  	s3 =	sld [smem:$0x3FFC];
	_ =	sdelay $0x3  }
0x94: {  	_ =	strace s3  }
0x95: {  	s3 =	sld [smem:$0x3FFD];
	_ =	sdelay $0x3  }
0x96: {  	_ =	strace s3  }
0x97: {  	_ =	strace $0x8FFFFFFF  }
0x98: {  	s19 =	sld [smem:$0x3FDB];
	_ =	sdelay $0x1  }
0x99: {  	s4 =	simm.s32 $_scs_section_size  }
0x9a: {  	s5 =	simm.s32 $_size__tile_overlayer_lowered;
	s6 =	simm.s32 $_tile_overlayer_lowered  }
0x9b: {  	s22 =	simm.s32 $0x1BFF;
	s21 =	sshll.u32 s6, $0x1;
	s3 =	sadd.s32 s4, s19  }
0x9c: {  	s7 =	simm.s32 $0x0;
	s20 =	sshll.u32 s5, $0x1;
	s5 =	sadd.s32 s21, s3  }
0x9d: {  	[timem:s7], [sflag:s22] =	dma.local [hbm:s5], s20  }
0x9e: {  	_ =	swait.ge [sflag:s22], s20  }
0x9f: {  	s4 =	ssub.s32 $0x0, s20;
	[sflag:s22] =	ssyncset.done $0x0  }
0xa0: {  	[sflag:s22] =	ssyncadd.s32 s4;
	_ =	sdelay $0x1  }
0xa1: {  	s23 =	simm.s32 $0x1B8B  }
0xa2: {  	_ =	swait.ge [sflag:s23], $0x1  }
0xa3: {  	[sflag:s23] =	ssyncset.done $0x0  }
0xa4: {  	s25 =	simm.s32 $0x1B8E;
	s24 =	sld [smem:$0x3FFE];
	[sflag:s23] =	ssyncadd.s32 $0xFFFFFFFF  }
0xa5: {  	s26 =	simm.s32 $execute0_lowered;
	[smem:$0x3FD2] =	sst s25  }
0xa6: {  	s5 =	sshll.u32 s26, $0x1;
	_ =	strace $0x80000049;
	[dreg:$0x1] =	wrdreg $0xFFFFFFFF  }
0xa7: {  	s28 =	simm.s32 $_size_execute0_lowered;
	s3 =	sadd.s32 s3, s5;
	[dreg:$0x0] =	wrdreg $0x0  }
0xa8: {  	s5 =	sshll.u32 s28, $0x1;
	[dreg:$0x2] =	wrdreg s3  }
0xa9: {  	[dreg:$0x3] =	wrdreg s5  }
0xaa: {  	[dreg:$0x4] =	wrdreg $0xC0  }
0xab: {  	_ =	task [dreg:s7], $0x5FFFF  }
0xac: {  	[dreg:$0x1] =	wrdreg $0xFFFFFFFF  }
0xad: {  	[dreg:$0x0] =	wrdreg $0x60  }
0xae: {  	[dreg:$0x2] =	wrdreg s2  }
0xaf: {  	[dreg:$0x3] =	wrdreg s24  }
0xb0: {  	[dreg:$0x4] =	wrdreg $0x9  }
0xb1: {  	_ =	task.clear_ibuf [dreg:s7], $0x5FFFF;
	_ =	strace $0x90000049  }
0xb2: {  	s29 =	simm.s32 $0x9;
	_ =	strace $0x8000004B  }
0xb3: {  	_ =	swait.ge [sflag:s29], $0x1  }
0xb4: {  	[sflag:s29] =	ssyncadd.s32 $0xFFFFFFFF  }
0xb5: {  	_ =	strace $0x9000004B  }
0xb6: {  	_ =	sfence  }
0xb7: {  	s30 =	sld [smem:$0x0];
	_ =	sdelay $0x2  }
0xb8: {  	s31 =	sshll.u32 s1, $0xD;
	s1 =	sshrl.u32 s1, $0x2  }
0xb9: {  	s3 =	sand.u32 $0x4000, s31;
	s1 =	sadd.s32 s1, s30  }
0xba: {  	s0 =	sor.u32 s3, s0;
	s1 =	sshll.u32 s1, $0x11  }
0xbb: {  	s0 =	sor.u32 s1, s0  }
0xbc: {  	s0 =	sadd.s32 $0x8F2B, s0  }
0xbd: {  	[sflag:s0] =	ssyncadd.remote.s32 $0x1  }
0xbe: {  	_ =	sfence.sel $0xFFFF  }
0xbf: {  	[dreg:$0x0] =	wrdreg $0xFFFFFFFF;
	(pc) =	sbr.abs _section_cstart, $3  }
0xc0: {  	[dreg:$0x1] =	wrdreg $0xFFFFFFFF  }
0xc1: {  	_ =	task.clear_ibuf [dreg:s7], $0x2FFFF;
	_ =	strace $0x9FFFFFFF  }
0xc2: {  	(tm) =	ssettm $0x7FFFFFFF  }
0xc3: {  	_ =	shalt  }
tec
execute0_lowered:
.L_overlay_start_1:
0x0: {  	(tag) =	ssettag $0x1  }
0x1: {  	s2 =	rddreg [dreg:$0x0]  }
0x2: {  	s0 =	rddreg [dreg:$0x1]  }
0x3: {  	s1 =	srdreg.scid;
	s4 =	stileid.u32;
	s3 =	simm.s32 $0x0  }
0x4: {  	s1 =	sand.u32 $0x1, s1;
	s4 =	sshll.u32 s4, $0x1;
	[smem:$0x7FF] =	sst s3  }
0x5: {  	s5 =	sadd.s32 $0x1200, s0;
	s6 =	sadd.s32 $0x1800, s0;
	s4 =	sor.u32 s1, s4  }
0x6: {  	s0 =	sadd.s32 $0x2000, s0;
	s1 =	ssub.s32 $0x2, s1;
	s8 =	smul.u32 $0xA0, s4  }
0x7: {  	_ =	strace $0x8000004A;
	s24 =	smul.u32 $0x50000, s4;
	s7 =	sshrl.u32 s1, $0x1  }
0x8: {  	[dreg:$0x4] =	wrdreg s6;
	s1 =	ssub.s32 s1, s7;
	s25 =	sshrl.u32 s8, $0x3  }
0x9: {  	s6 =	sshrl.u32 s24, $0x3;
	[dreg:$0x3] =	wrdreg s8;
	s8 =	sadd.s32 $0x1400, s8  }
0xa: {  	s7 =	sadd.s32 s5, s25;
	s26 =	sadd.s32 s0, s6;
	[dreg:$0xc] =	wrdreg s8  }
0xb: {  	[dreg:$0x5] =	wrdreg s7;
	s6 =	sadd.s32 $0x2000, s26  }
0xc: {  	s9 =	sadd.s32 $0x3000, s26;
	[dreg:$0x7] =	wrdreg s6  }
0xd: {  	s10 =	sadd.s32 $0x4000, s26;
	[dreg:$0x8] =	wrdreg s9  }
0xe: {  	s11 =	sadd.s32 $0x5000, s26;
	[dreg:$0x9] =	wrdreg s10  }
0xf: {  	s12 =	sadd.s32 $0x6000, s26;
	[dreg:$0xa] =	wrdreg s11  }
0x10: {  	s4 =	smul.u32 $0xA000, s4;
	s13 =	sadd.s32 $0x7000, s26;
	[dreg:$0xb] =	wrdreg s12  }
0x11: {  	s15 =	sshrl.u32 s8, $0x3;
	s14 =	sadd.s32 $0x8000, s26;
	[dreg:$0xd] =	wrdreg s13  }
0x12: {  	s16 =	sshll.u32 s8, $0x8;
	s5 =	sadd.s32 s5, s15;
	[dreg:$0xe] =	wrdreg s14  }
0x13: {  	s7 =	sadd.s32 s0, s4;
	s0 =	sadd.s32 s0, s16;
	[dreg:$0x10] =	wrdreg s5  }
0x14: {  	s17 =	sadd.s32 $0x141000, s26;
	[dreg:$0x11] =	wrdreg s0  }
0x15: {  	s28 =	simm.s32 $0x180;
	s18 =	sadd.s32 $0x142000, s26;
	[dreg:$0x12] =	wrdreg s17  }
0x16: {  	s30 =	sadd.s32 $0x100, s2;
	s19 =	sadd.s32 $0x143000, s26;
	[dreg:$0x13] =	wrdreg s18  }
0x17: {  	s31 =	sadd.s32 $0x200, s2;
	s20 =	sadd.s32 $0x144000, s26;
	[dreg:$0x14] =	wrdreg s19  }
0x18: {  	s29 =	smax.u32 s1, $0x1;
	s21 =	sadd.s32 $0x145000, s26;
	[dreg:$0x15] =	wrdreg s20  }
0x19: {  	s1 =	sadd.s32 $0x400, s2;
	s22 =	sadd.s32 $0x146000, s26;
	[dreg:$0x16] =	wrdreg s21  }
0x1a: {  	s8 =	sadd.s32 $0x600, s2;
	s23 =	sadd.s32 $0x147000, s26;
	[dreg:$0x17] =	wrdreg s22  }
0x1b: {  	s24 =	sadd.s32 $0x148000, s26;
	s25 =	sadd.s32 $0x149000, s26;
	[dreg:$0x18] =	wrdreg s23  }
.Ltmp0:
0x1c: {  	s15 =	simm.s32 $0x3;
	[dreg:$0x19] =	wrdreg s24;
	(pc) =	sbr.rel .LBB2_1-.Ltmp0, $4  }
0x1d: {  	s9 =	sadd.s32 $0x9000, s26;
	[dreg:$0x1a] =	wrdreg s25;
	s0 =	sadd.s32 $0x300, s2  }
0x1e: {  	v2 =	vlaneseq.u32;
	s6 =	sadd.s32 $0x500, s2;
	[dreg:$0x6] =	wrdreg s7;
	s26 =	sadd.s32 $0x1000, s7  }
0x1f: {  	vm0 =	vmmov $0x1;
	vm1 =	vmmov $0xffff;
	v1 =	vshrl.u32 v2, $0x3;
	s12 =	simm.s32 $0x4;
	s13 =	simm.s32 $0x1;
	[dreg:$0xf] =	wrdreg s9  }
0x20: {  	v0 =	vand.u32 $0x7, v2;
	v2 =	vor.u32 $0x8, v2;
	v1 =	vmul.u32 $0x8, v1;
	s7 =	simm.s32 $0x2;
	s9 =	sadd.s32 $0x700, s2;
	[dreg:$0x1b] =	wrdreg s26  }
.LBB2_5:
0x21: {  	s29 =	sadd.s32 $0xFFFFFFFF, s29  }
0x22: {  	p0 =	sne.s32 s29, $0x0  }
.Ltmp1:
0x23: {  	_ = 	snop;
	(pc) =	sbr.rel @!p0 .LBB2_6-.Ltmp1, $1  }
0x24: {  	_ =	sdelay $0x3  }
.LBB2_1:
0x25: {  	s11 =	rddreg [dreg:$0x4];
	s16 =	simm.s32 $0x100  }
0x26: {  	[tilespmem:s16], [sflag:$0x4] =	stream.linear.gather [hbm4b:s11+s3], $0x80, $0x38;
	[tilespmem:$0x18180] =	vst v63  }
0x27: {  	_ =	swait.ge [sflag:s12], $0x80  }
0x28: {  	[sflag:s12] =	ssyncset.done $0x0  }
0x29: {  	[sflag:s12] =	ssyncadd.s32 $0xFFFFFF80  }
0x2a: {  	v3 =	vld [tilespmem:$0x100];
	_ =	sdelay $0x4  }
0x2b: {  	v3 =	vnsel vm0, $0x0, v3  }
0x2c: {  	(xrf0) =	vadd.scan.msk.s32 $0xffff, v3;
	_ =	sdelay $0x5  }
0x2d: {  	v3, _, _ =	vpop (xrf0)  }
0x2e: {  	(v2sf) =	vpush v3, $0xF;
	_ =	sdelay $0xe  }
0x2f: {  	s26 =	rddreg [dreg:$0x3];
	s11 =	spop (v2sf)  }
0x30: {  	p0 =	sge.s32 s26, s11  }
.Ltmp2:
0x31: {  	_ = 	snop;
	(pc) =	sbr.rel @p0 .LBB2_3-.Ltmp2, $1  }
0x32: {  	_ =	sdelay $0x3  }
0x33: {  	s16 =	rddreg [dreg:$0x5]  }
0x34: {  	[tilespmem:s3], [sflag:$0x4] =	stream.linear.gather [hbm4b:s16+s3], $0xA0, $0x38;
	[tilespmem:$0x18180] =	vst v63  }
0x35: {  	_ =	swait.ge [sflag:s12], $0xA0  }
0x36: {  	[sflag:s12] =	ssyncset.done $0x0  }
0x37: {  	[sflag:s12] =	ssyncadd.s32 $0xFFFFFF60  }
0x38: {  	v3 =	vld [tilespmem:$0x0];
	_ =	sdelay $0x4  }
0x39: {  	v4 =	vshll.u32 v3, $0x4  }
0x3a: {  	v3 =	vand.u32 $0x7, v3;
	v4 =	vand.u32 $0xFFFFFF80, v4  }
0x3b: {  	v3 =	vor.u32 v3, v4  }
0x3c: {  	v4 =	vperm.xlane v3, v0;
	_ =	sdelay $0x1  }
0x3d: {  	v4 =	vadd.s32 v1, v4;
	_ =	sdelay $0x4  }
0x3e: {  	[tilespmem:s28], [sflag:$0x1] =	stream.indirect_vreg.gather [hbm4b:s2+s3], $0x80, v4, vm1, $0xb8;
	[tilespmem:$0x18180] =	vst v63  }
0x3f: {  	s5 =	simm.s32 $0x980  }
0x40: {  	[tilespmem:s5], [sflag:$0x1] =	stream.indirect_vreg.gather [hbm4b:s30+s3], $0x80, v4, vm1, $0xb8;
	[tilespmem:$0x18180] =	vst v63  }
0x41: {  	s14 =	simm.s32 $0x1180  }
0x42: {  	[tilespmem:s14], [sflag:$0x1] =	stream.indirect_vreg.gather [hbm4b:s31+s3], $0x80, v4, vm1, $0xb8;
	[tilespmem:$0x18180] =	vst v63  }
0x43: {  	s16 =	simm.s32 $0x1980  }
0x44: {  	[tilespmem:s16], [sflag:$0x1] =	stream.indirect_vreg.gather [hbm4b:s0+s3], $0x80, v4, vm1, $0xb8;
	[tilespmem:$0x18180] =	vst v63  }
0x45: {  	s17 =	simm.s32 $0x2180  }
0x46: {  	[tilespmem:s17], [sflag:$0x1] =	stream.indirect_vreg.gather [hbm4b:s1+s3], $0x80, v4, vm1, $0xb8;
	[tilespmem:$0x18180] =	vst v63  }
0x47: {  	s18 =	simm.s32 $0x2980;
	v3 =	vperm.xlane v3, v2  }
0x48: {  	[tilespmem:s18], [sflag:$0x1] =	stream.indirect_vreg.gather [hbm4b:s6+s3], $0x80, v4, vm1, $0xb8;
	[tilespmem:$0x18180] =	vst v63  }
0x49: {  	s19 =	simm.s32 $0x3180;
	v3 =	vadd.s32 v1, v3  }
0x4a: {  	[tilespmem:s19], [sflag:$0x1] =	stream.indirect_vreg.gather [hbm4b:s8+s3], $0x80, v4, vm1, $0xb8;
	[tilespmem:$0x18180] =	vst v63  }
0x4b: {  	s20 =	simm.s32 $0x3980  }
0x4c: {  	[tilespmem:s20], [sflag:$0x1] =	stream.indirect_vreg.gather [hbm4b:s9+s3], $0x80, v4, vm1, $0xb8;
	[tilespmem:$0x18180] =	vst v63  }
0x4d: {  	s21 =	simm.s32 $0x4180  }
0x4e: {  	[tilespmem:s21], [sflag:$0x1] =	stream.indirect_vreg.gather [hbm4b:s2+s3], $0x80, v3, vm1, $0xb8;
	[tilespmem:$0x18180] =	vst v63  }
0x4f: {  	s22 =	simm.s32 $0x4980  }
0x50: {  	[tilespmem:s22], [sflag:$0x1] =	stream.indirect_vreg.gather [hbm4b:s30+s3], $0x80, v3, vm1, $0xb8;
	[tilespmem:$0x18180] =	vst v63  }
0x51: {  	s23 =	simm.s32 $0x5180  }
0x52: {  	[tilespmem:s23], [sflag:$0x1] =	stream.indirect_vreg.gather [hbm4b:s31+s3], $0x80, v3, vm1, $0xb8;
	[tilespmem:$0x18180] =	vst v63  }
0x53: {  	s24 =	simm.s32 $0x5980  }
0x54: {  	[tilespmem:s24], [sflag:$0x1] =	stream.indirect_vreg.gather [hbm4b:s0+s3], $0x80, v3, vm1, $0xb8;
	[tilespmem:$0x18180] =	vst v63  }
0x55: {  	s25 =	simm.s32 $0x6180  }
0x56: {  	[tilespmem:s25], [sflag:$0x1] =	stream.indirect_vreg.gather [hbm4b:s1+s3], $0x80, v3, vm1, $0xb8;
	[tilespmem:$0x18180] =	vst v63  }
0x57: {  	s26 =	simm.s32 $0x6980  }
0x58: {  	[tilespmem:s26], [sflag:$0x1] =	stream.indirect_vreg.gather [hbm4b:s6+s3], $0x80, v3, vm1, $0xb8;
	[tilespmem:$0x18180] =	vst v63  }
0x59: {  	s4 =	simm.s32 $0x7180  }
0x5a: {  	[tilespmem:s4], [sflag:$0x1] =	stream.indirect_vreg.gather [hbm4b:s8+s3], $0x80, v3, vm1, $0xb8;
	[tilespmem:$0x18180] =	vst v63  }
0x5b: {  	s14 =	simm.s32 $0x7980  }
0x5c: {  	[tilespmem:s14], [sflag:$0x1] =	stream.indirect_vreg.gather [hbm4b:s9+s3], $0x80, v3, vm1, $0xb8;
	[tilespmem:$0x18180] =	vst v63  }
0x5d: {  	v3 =	vld [tilespmem:$0x10];
	_ =	sdelay $0x4  }
0x5e: {  	v55 =	vshll.u32 v3, $0x4  }
0x5f: {  	v3 =	vand.u32 $0x7, v3;
	v4 =	vand.u32 $0xFFFFFF80, v55  }
0x60: {  	v3 =	vor.u32 v3, v4  }
0x61: {  	v4 =	vperm.xlane v3, v0;
	_ =	sdelay $0x1  }
0x62: {  	v4 =	vadd.s32 v1, v4;
	_ =	sdelay $0x3  }
0x63: {  	s16 =	simm.s32 $0x8180  }
0x64: {  	[tilespmem:s16], [sflag:$0x2] =	stream.indirect_vreg.gather [hbm4b:s2+s3], $0x80, v4, vm1, $0xb8;
	[tilespmem:$0x18180] =	vst v63  }
0x65: {  	s17 =	simm.s32 $0x8980  }
0x66: {  	[tilespmem:s17], [sflag:$0x2] =	stream.indirect_vreg.gather [hbm4b:s30+s3], $0x80, v4, vm1, $0xb8;
	[tilespmem:$0x18180] =	vst v63  }
0x67: {  	s19 =	simm.s32 $0x9180  }
0x68: {  	[tilespmem:s19], [sflag:$0x2] =	stream.indirect_vreg.gather [hbm4b:s31+s3], $0x80, v4, vm1, $0xb8;
	[tilespmem:$0x18180] =	vst v63  }
0x69: {  	s20 =	simm.s32 $0x9980  }
0x6a: {  	[tilespmem:s20], [sflag:$0x2] =	stream.indirect_vreg.gather [hbm4b:s0+s3], $0x80, v4, vm1, $0xb8;
	[tilespmem:$0x18180] =	vst v63  }
0x6b: {  	s21 =	simm.s32 $0xA180  }
0x6c: {  	[tilespmem:s21], [sflag:$0x2] =	stream.indirect_vreg.gather [hbm4b:s1+s3], $0x80, v4, vm1, $0xb8;
	[tilespmem:$0x18180] =	vst v63  }
0x6d: {  	s22 =	simm.s32 $0xA980;
	v3 =	vperm.xlane v3, v2  }
0x6e: {  	[tilespmem:s22], [sflag:$0x2] =	stream.indirect_vreg.gather [hbm4b:s6+s3], $0x80, v4, vm1, $0xb8;
	[tilespmem:$0x18180] =	vst v63  }
0x6f: {  	s23 =	simm.s32 $0xB180;
	v3 =	vadd.s32 v1, v3  }
0x70: {  	[tilespmem:s23], [sflag:$0x2] =	stream.indirect_vreg.gather [hbm4b:s8+s3], $0x80, v4, vm1, $0xb8;
	[tilespmem:$0x18180] =	vst v63  }
0x71: {  	s24 =	simm.s32 $0xB980  }
0x72: {  	[tilespmem:s24], [sflag:$0x2] =	stream.indirect_vreg.gather [hbm4b:s9+s3], $0x80, v4, vm1, $0xb8;
	[tilespmem:$0x18180] =	vst v63  }
0x73: {  	s25 =	simm.s32 $0xC180  }
0x74: {  	[tilespmem:s25], [sflag:$0x2] =	stream.indirect_vreg.gather [hbm4b:s2+s3], $0x80, v3, vm1, $0xb8;
	[tilespmem:$0x18180] =	vst v63  }
0x75: {  	s26 =	simm.s32 $0xC980  }
0x76: {  	[tilespmem:s26], [sflag:$0x2] =	stream.indirect_vreg.gather [hbm4b:s30+s3], $0x80, v3, vm1, $0xb8;
	[tilespmem:$0x18180] =	vst v63  }
0x77: {  	s14 =	simm.s32 $0xD180  }
0x78: {  	[tilespmem:s14], [sflag:$0x2] =	stream.indirect_vreg.gather [hbm4b:s31+s3], $0x80, v3, vm1, $0xb8;
	[tilespmem:$0x18180] =	vst v63  }
0x79: {  	s16 =	simm.s32 $0xD980  }
0x7a: {  	[tilespmem:s16], [sflag:$0x2] =	stream.indirect_vreg.gather [hbm4b:s0+s3], $0x80, v3, vm1, $0xb8;
	[tilespmem:$0x18180] =	vst v63  }
0x7b: {  	s17 =	simm.s32 $0xE180  }
0x7c: {  	[tilespmem:s17], [sflag:$0x2] =	stream.indirect_vreg.gather [hbm4b:s1+s3], $0x80, v3, vm1, $0xb8;
	[tilespmem:$0x18180] =	vst v63  }
0x7d: {  	s19 =	simm.s32 $0xE980  }
0x7e: {  	[tilespmem:s19], [sflag:$0x2] =	stream.indirect_vreg.gather [hbm4b:s6+s3], $0x80, v3, vm1, $0xb8;
	[tilespmem:$0x18180] =	vst v63  }
0x7f: {  	s20 =	simm.s32 $0xF180  }
0x80: {  	[tilespmem:s20], [sflag:$0x2] =	stream.indirect_vreg.gather [hbm4b:s8+s3], $0x80, v3, vm1, $0xb8;
	[tilespmem:$0x18180] =	vst v63  }
0x81: {  	s21 =	simm.s32 $0xF980  }
0x82: {  	[tilespmem:s21], [sflag:$0x2] =	stream.indirect_vreg.gather [hbm4b:s9+s3], $0x80, v3, vm1, $0xb8;
	[tilespmem:$0x18180] =	vst v63  }
0x83: {  	v3 =	vld [tilespmem:$0x20];
	_ =	sdelay $0x4  }
0x84: {  	v56 =	vshll.u32 v3, $0x4  }
0x85: {  	v3 =	vand.u32 $0x7, v3;
	v4 =	vand.u32 $0xFFFFFF80, v56  }
0x86: {  	v3 =	vor.u32 v3, v4  }
0x87: {  	v4 =	vperm.xlane v3, v0;
	_ =	sdelay $0x1  }
0x88: {  	v4 =	vadd.s32 v1, v4;
	_ =	sdelay $0x3  }
0x89: {  	s14 =	simm.s32 $0x10180  }
0x8a: {  	[tilespmem:s14], [sflag:$0x3] =	stream.indirect_vreg.gather [hbm4b:s2+s3], $0x80, v4, vm1, $0xb8;
	[tilespmem:$0x18180] =	vst v63  }
0x8b: {  	s22 =	simm.s32 $0x10980  }
0x8c: {  	[tilespmem:s22], [sflag:$0x3] =	stream.indirect_vreg.gather [hbm4b:s30+s3], $0x80, v4, vm1, $0xb8;
	[tilespmem:$0x18180] =	vst v63  }
0x8d: {  	s23 =	simm.s32 $0x11180  }
0x8e: {  	[tilespmem:s23], [sflag:$0x3] =	stream.indirect_vreg.gather [hbm4b:s31+s3], $0x80, v4, vm1, $0xb8;
	[tilespmem:$0x18180] =	vst v63  }
0x8f: {  	s24 =	simm.s32 $0x11980  }
0x90: {  	[tilespmem:s24], [sflag:$0x3] =	stream.indirect_vreg.gather [hbm4b:s0+s3], $0x80, v4, vm1, $0xb8;
	[tilespmem:$0x18180] =	vst v63  }
0x91: {  	s25 =	simm.s32 $0x12180  }
0x92: {  	[tilespmem:s25], [sflag:$0x3] =	stream.indirect_vreg.gather [hbm4b:s1+s3], $0x80, v4, vm1, $0xb8;
	[tilespmem:$0x18180] =	vst v63  }
0x93: {  	s26 =	simm.s32 $0x12980;
	v3 =	vperm.xlane v3, v2  }
0x94: {  	[tilespmem:s26], [sflag:$0x3] =	stream.indirect_vreg.gather [hbm4b:s6+s3], $0x80, v4, vm1, $0xb8;
	[tilespmem:$0x18180] =	vst v63  }
0x95: {  	s16 =	simm.s32 $0x13180;
	v3 =	vadd.s32 v1, v3  }
0x96: {  	[tilespmem:s16], [sflag:$0x3] =	stream.indirect_vreg.gather [hbm4b:s8+s3], $0x80, v4, vm1, $0xb8;
	[tilespmem:$0x18180] =	vst v63  }
0x97: {  	s17 =	simm.s32 $0x13980  }
0x98: {  	[tilespmem:s17], [sflag:$0x3] =	stream.indirect_vreg.gather [hbm4b:s9+s3], $0x80, v4, vm1, $0xb8;
	[tilespmem:$0x18180] =	vst v63  }
0x99: {  	s19 =	simm.s32 $0x14180  }
0x9a: {  	[tilespmem:s19], [sflag:$0x3] =	stream.indirect_vreg.gather [hbm4b:s2+s3], $0x80, v3, vm1, $0xb8;
	[tilespmem:$0x18180] =	vst v63  }
0x9b: {  	s20 =	simm.s32 $0x14980  }
0x9c: {  	[tilespmem:s20], [sflag:$0x3] =	stream.indirect_vreg.gather [hbm4b:s30+s3], $0x80, v3, vm1, $0xb8;
	[tilespmem:$0x18180] =	vst v63  }
0x9d: {  	s21 =	simm.s32 $0x15180  }
0x9e: {  	[tilespmem:s21], [sflag:$0x3] =	stream.indirect_vreg.gather [hbm4b:s31+s3], $0x80, v3, vm1, $0xb8;
	[tilespmem:$0x18180] =	vst v63  }
0x9f: {  	s22 =	simm.s32 $0x15980  }
0xa0: {  	[tilespmem:s22], [sflag:$0x3] =	stream.indirect_vreg.gather [hbm4b:s0+s3], $0x80, v3, vm1, $0xb8;
	[tilespmem:$0x18180] =	vst v63  }
0xa1: {  	s23 =	simm.s32 $0x16180  }
0xa2: {  	[tilespmem:s23], [sflag:$0x3] =	stream.indirect_vreg.gather [hbm4b:s1+s3], $0x80, v3, vm1, $0xb8;
	[tilespmem:$0x18180] =	vst v63  }
0xa3: {  	s24 =	simm.s32 $0x16980  }
0xa4: {  	[tilespmem:s24], [sflag:$0x3] =	stream.indirect_vreg.gather [hbm4b:s6+s3], $0x80, v3, vm1, $0xb8;
	[tilespmem:$0x18180] =	vst v63  }
0xa5: {  	s25 =	simm.s32 $0x17180  }
0xa6: {  	[tilespmem:s25], [sflag:$0x3] =	stream.indirect_vreg.gather [hbm4b:s8+s3], $0x80, v3, vm1, $0xb8;
	[tilespmem:$0x18180] =	vst v63  }
0xa7: {  	s26 =	simm.s32 $0x17980  }
0xa8: {  	[tilespmem:s26], [sflag:$0x3] =	stream.indirect_vreg.gather [hbm4b:s9+s3], $0x80, v3, vm1, $0xb8;
	[tilespmem:$0x18180] =	vst v63  }
0xa9: {  	_ =	swait.ge [sflag:s13], $0x8000  }
0xaa: {  	[sflag:s13] =	ssyncset.done $0x0  }
0xab: {  	s5 =	rddreg [dreg:$0x6];
	[sflag:s13] =	ssyncadd.s32 $0xFFFF8000  }
0xac: {  	[hbm4b:s5+s3] =	stream.linear.scatter [tilespmem:s28], [sflag:$0x4], $0x8000, $0x38;
	[tilespmem:$0x18180] =	vst v63  }
0xad: {  	_ =	swait.ge [sflag:s12], $0x8000  }
0xae: {  	[sflag:s12] =	ssyncset.done $0x0  }
0xaf: {  	[sflag:s12] =	ssyncadd.s32 $0xFFFF8000  }
0xb0: {  	v3 =	vld [tilespmem:$0x30];
	_ =	sdelay $0x4  }
0xb1: {  	v57 =	vshll.u32 v3, $0x4  }
0xb2: {  	v3 =	vand.u32 $0x7, v3;
	v4 =	vand.u32 $0xFFFFFF80, v57  }
0xb3: {  	v3 =	vor.u32 v3, v4  }
0xb4: {  	v4 =	vperm.xlane v3, v0;
	_ =	sdelay $0x1  }
0xb5: {  	v4 =	vadd.s32 v1, v4;
	_ =	sdelay $0x4  }
0xb6: {  	[tilespmem:s28], [sflag:$0x1] =	stream.indirect_vreg.gather [hbm4b:s2+s3], $0x80, v4, vm1, $0xb8;
	[tilespmem:$0x18180] =	vst v63  }
0xb7: {  	s26 =	simm.s32 $0x980  }
0xb8: {  	[tilespmem:s26], [sflag:$0x1] =	stream.indirect_vreg.gather [hbm4b:s30+s3], $0x80, v4, vm1, $0xb8;
	[tilespmem:$0x18180] =	vst v63  }
0xb9: {  	s17 =	simm.s32 $0x1180  }
0xba: {  	[tilespmem:s17], [sflag:$0x1] =	stream.indirect_vreg.gather [hbm4b:s31+s3], $0x80, v4, vm1, $0xb8;
	[tilespmem:$0x18180] =	vst v63  }
0xbb: {  	s19 =	simm.s32 $0x1980  }
0xbc: {  	[tilespmem:s19], [sflag:$0x1] =	stream.indirect_vreg.gather [hbm4b:s0+s3], $0x80, v4, vm1, $0xb8;
	[tilespmem:$0x18180] =	vst v63  }
0xbd: {  	s10 =	simm.s32 $0x2180  }
0xbe: {  	[tilespmem:s10], [sflag:$0x1] =	stream.indirect_vreg.gather [hbm4b:s1+s3], $0x80, v4, vm1, $0xb8;
	[tilespmem:$0x18180] =	vst v63  }
0xbf: {  	s18 =	simm.s32 $0x2980;
	v3 =	vperm.xlane v3, v2  }
0xc0: {  	[tilespmem:s18], [sflag:$0x1] =	stream.indirect_vreg.gather [hbm4b:s6+s3], $0x80, v4, vm1, $0xb8;
	[tilespmem:$0x18180] =	vst v63  }
0xc1: {  	s21 =	simm.s32 $0x3180;
	v3 =	vadd.s32 v1, v3  }
0xc2: {  	[tilespmem:s21], [sflag:$0x1] =	stream.indirect_vreg.gather [hbm4b:s8+s3], $0x80, v4, vm1, $0xb8;
	[tilespmem:$0x18180] =	vst v63  }
0xc3: {  	s23 =	simm.s32 $0x3980  }
0xc4: {  	[tilespmem:s23], [sflag:$0x1] =	stream.indirect_vreg.gather [hbm4b:s9+s3], $0x80, v4, vm1, $0xb8;
	[tilespmem:$0x18180] =	vst v63  }
0xc5: {  	s25 =	simm.s32 $0x4180  }
0xc6: {  	[tilespmem:s25], [sflag:$0x1] =	stream.indirect_vreg.gather [hbm4b:s2+s3], $0x80, v3, vm1, $0xb8;
	[tilespmem:$0x18180] =	vst v63  }
0xc7: {  	s28 =	simm.s32 $0x4980  }
0xc8: {  	[tilespmem:s28], [sflag:$0x1] =	stream.indirect_vreg.gather [hbm4b:s30+s3], $0x80, v3, vm1, $0xb8;
	[tilespmem:$0x18180] =	vst v63  }
0xc9: {  	s5 =	simm.s32 $0x5180  }
0xca: {  	[tilespmem:s5], [sflag:$0x1] =	stream.indirect_vreg.gather [hbm4b:s31+s3], $0x80, v3, vm1, $0xb8;
	[tilespmem:$0x18180] =	vst v63  }
0xcb: {  	s10 =	simm.s32 $0x5980  }
0xcc: {  	[tilespmem:s10], [sflag:$0x1] =	stream.indirect_vreg.gather [hbm4b:s0+s3], $0x80, v3, vm1, $0xb8;
	[tilespmem:$0x18180] =	vst v63  }
0xcd: {  	s18 =	simm.s32 $0x6180  }
0xce: {  	[tilespmem:s18], [sflag:$0x1] =	stream.indirect_vreg.gather [hbm4b:s1+s3], $0x80, v3, vm1, $0xb8;
	[tilespmem:$0x18180] =	vst v63  }
0xcf: {  	s20 =	simm.s32 $0x6980  }
0xd0: {  	[tilespmem:s20], [sflag:$0x1] =	stream.indirect_vreg.gather [hbm4b:s6+s3], $0x80, v3, vm1, $0xb8;
	[tilespmem:$0x18180] =	vst v63  }
0xd1: {  	s22 =	simm.s32 $0x7180  }
0xd2: {  	[tilespmem:s22], [sflag:$0x1] =	stream.indirect_vreg.gather [hbm4b:s8+s3], $0x80, v3, vm1, $0xb8;
	[tilespmem:$0x18180] =	vst v63  }
0xd3: {  	s24 =	simm.s32 $0x7980  }
0xd4: {  	[tilespmem:s24], [sflag:$0x1] =	stream.indirect_vreg.gather [hbm4b:s9+s3], $0x80, v3, vm1, $0xb8;
	[tilespmem:$0x18180] =	vst v63  }
0xd5: {  	_ =	swait.ge [sflag:s7], $0x8000  }
0xd6: {  	[sflag:s7] =	ssyncset.done $0x0  }
0xd7: {  	s4 =	simm.s32 $0x8180;
	s16 =	rddreg [dreg:$0x1b];
	[sflag:s7] =	ssyncadd.s32 $0xFFFF8000  }
0xd8: {  	[hbm4b:s16+s3] =	stream.linear.scatter [tilespmem:s4], [sflag:$0x4], $0x8000, $0x38;
	[tilespmem:$0x18180] =	vst v63  }
0xd9: {  	_ =	swait.ge [sflag:s12], $0x8000  }
0xda: {  	[sflag:s12] =	ssyncset.done $0x0  }
0xdb: {  	[sflag:s12] =	ssyncadd.s32 $0xFFFF8000  }
0xdc: {  	v3 =	vld [tilespmem:$0x40];
	_ =	sdelay $0x4  }
0xdd: {  	v58 =	vshll.u32 v3, $0x4  }
0xde: {  	v3 =	vand.u32 $0x7, v3;
	v4 =	vand.u32 $0xFFFFFF80, v58  }
0xdf: {  	v3 =	vor.u32 v3, v4  }
0xe0: {  	v4 =	vperm.xlane v3, v0;
	_ =	sdelay $0x1  }
0xe1: {  	v4 =	vadd.s32 v1, v4;
	_ =	sdelay $0x4  }
0xe2: {  	[tilespmem:s4], [sflag:$0x2] =	stream.indirect_vreg.gather [hbm4b:s2+s3], $0x80, v4, vm1, $0xb8;
	[tilespmem:$0x18180] =	vst v63  }
0xe3: {  	s16 =	simm.s32 $0x8980  }
0xe4: {  	[tilespmem:s16], [sflag:$0x2] =	stream.indirect_vreg.gather [hbm4b:s30+s3], $0x80, v4, vm1, $0xb8;
	[tilespmem:$0x18180] =	vst v63  }
0xe5: {  	s16 =	simm.s32 $0x9180  }
0xe6: {  	[tilespmem:s16], [sflag:$0x2] =	stream.indirect_vreg.gather [hbm4b:s31+s3], $0x80, v4, vm1, $0xb8;
	[tilespmem:$0x18180] =	vst v63  }
0xe7: {  	s16 =	simm.s32 $0x9980  }
0xe8: {  	[tilespmem:s16], [sflag:$0x2] =	stream.indirect_vreg.gather [hbm4b:s0+s3], $0x80, v4, vm1, $0xb8;
	[tilespmem:$0x18180] =	vst v63  }
0xe9: {  	s16 =	simm.s32 $0xA180  }
0xea: {  	[tilespmem:s16], [sflag:$0x2] =	stream.indirect_vreg.gather [hbm4b:s1+s3], $0x80, v4, vm1, $0xb8;
	[tilespmem:$0x18180] =	vst v63  }
0xeb: {  	v3 =	vperm.xlane v3, v2;
	s16 =	simm.s32 $0xA980  }
0xec: {  	[tilespmem:s16], [sflag:$0x2] =	stream.indirect_vreg.gather [hbm4b:s6+s3], $0x80, v4, vm1, $0xb8;
	[tilespmem:$0x18180] =	vst v63  }
0xed: {  	v3 =	vadd.s32 v1, v3;
	s16 =	simm.s32 $0xB180  }
0xee: {  	[tilespmem:s16], [sflag:$0x2] =	stream.indirect_vreg.gather [hbm4b:s8+s3], $0x80, v4, vm1, $0xb8;
	[tilespmem:$0x18180] =	vst v63  }
0xef: {  	s16 =	simm.s32 $0xB980  }
0xf0: {  	[tilespmem:s16], [sflag:$0x2] =	stream.indirect_vreg.gather [hbm4b:s9+s3], $0x80, v4, vm1, $0xb8;
	[tilespmem:$0x18180] =	vst v63  }
0xf1: {  	s16 =	simm.s32 $0xC180  }
0xf2: {  	[tilespmem:s16], [sflag:$0x2] =	stream.indirect_vreg.gather [hbm4b:s2+s3], $0x80, v3, vm1, $0xb8;
	[tilespmem:$0x18180] =	vst v63  }
0xf3: {  	s16 =	simm.s32 $0xC980  }
0xf4: {  	[tilespmem:s16], [sflag:$0x2] =	stream.indirect_vreg.gather [hbm4b:s30+s3], $0x80, v3, vm1, $0xb8;
	[tilespmem:$0x18180] =	vst v63  }
0xf5: {  	s16 =	simm.s32 $0xD180  }
0xf6: {  	[tilespmem:s16], [sflag:$0x2] =	stream.indirect_vreg.gather [hbm4b:s31+s3], $0x80, v3, vm1, $0xb8;
	[tilespmem:$0x18180] =	vst v63  }
0xf7: {  	s16 =	simm.s32 $0xD980  }
0xf8: {  	[tilespmem:s16], [sflag:$0x2] =	stream.indirect_vreg.gather [hbm4b:s0+s3], $0x80, v3, vm1, $0xb8;
	[tilespmem:$0x18180] =	vst v63  }
0xf9: {  	s16 =	simm.s32 $0xE180  }
0xfa: {  	[tilespmem:s16], [sflag:$0x2] =	stream.indirect_vreg.gather [hbm4b:s1+s3], $0x80, v3, vm1, $0xb8;
	[tilespmem:$0x18180] =	vst v63  }
0xfb: {  	s16 =	simm.s32 $0xE980  }
0xfc: {  	[tilespmem:s16], [sflag:$0x2] =	stream.indirect_vreg.gather [hbm4b:s6+s3], $0x80, v3, vm1, $0xb8;
	[tilespmem:$0x18180] =	vst v63  }
0xfd: {  	s16 =	simm.s32 $0xF180  }
0xfe: {  	[tilespmem:s16], [sflag:$0x2] =	stream.indirect_vreg.gather [hbm4b:s8+s3], $0x80, v3, vm1, $0xb8;
	[tilespmem:$0x18180] =	vst v63  }
0xff: {  	s16 =	simm.s32 $0xF980  }
0x100: {  	[tilespmem:s16], [sflag:$0x2] =	stream.indirect_vreg.gather [hbm4b:s9+s3], $0x80, v3, vm1, $0xb8;
	[tilespmem:$0x18180] =	vst v63  }
0x101: {  	_ =	swait.ge [sflag:s15], $0x8000  }
0x102: {  	[sflag:s15] =	ssyncset.done $0x0  }
0x103: {  	s4 =	rddreg [dreg:$0x7];
	[sflag:s15] =	ssyncadd.s32 $0xFFFF8000  }
0x104: {  	[hbm4b:s4+s3] =	stream.linear.scatter [tilespmem:s14], [sflag:$0x4], $0x8000, $0x38;
	[tilespmem:$0x18180] =	vst v63  }
0x105: {  	_ =	swait.ge [sflag:s12], $0x8000  }
0x106: {  	[sflag:s12] =	ssyncset.done $0x0  }
0x107: {  	[sflag:s12] =	ssyncadd.s32 $0xFFFF8000  }
0x108: {  	v3 =	vld [tilespmem:$0x50];
	_ =	sdelay $0x4  }
0x109: {  	v59 =	vshll.u32 v3, $0x4  }
0x10a: {  	v3 =	vand.u32 $0x7, v3;
	v4 =	vand.u32 $0xFFFFFF80, v59  }
0x10b: {  	v3 =	vor.u32 v3, v4  }
0x10c: {  	v4 =	vperm.xlane v3, v0;
	_ =	sdelay $0x1  }
0x10d: {  	v4 =	vadd.s32 v1, v4;
	_ =	sdelay $0x4  }
0x10e: {  	[tilespmem:s14], [sflag:$0x3] =	stream.indirect_vreg.gather [hbm4b:s2+s3], $0x80, v4, vm1, $0xb8;
	[tilespmem:$0x18180] =	vst v63  }
0x10f: {  	s16 =	simm.s32 $0x10980  }
0x110: {  	[tilespmem:s16], [sflag:$0x3] =	stream.indirect_vreg.gather [hbm4b:s30+s3], $0x80, v4, vm1, $0xb8;
	[tilespmem:$0x18180] =	vst v63  }
0x111: {  	s16 =	simm.s32 $0x11180  }
0x112: {  	[tilespmem:s16], [sflag:$0x3] =	stream.indirect_vreg.gather [hbm4b:s31+s3], $0x80, v4, vm1, $0xb8;
	[tilespmem:$0x18180] =	vst v63  }
0x113: {  	s16 =	simm.s32 $0x11980  }
0x114: {  	[tilespmem:s16], [sflag:$0x3] =	stream.indirect_vreg.gather [hbm4b:s0+s3], $0x80, v4, vm1, $0xb8;
	[tilespmem:$0x18180] =	vst v63  }
0x115: {  	s16 =	simm.s32 $0x12180  }
0x116: {  	[tilespmem:s16], [sflag:$0x3] =	stream.indirect_vreg.gather [hbm4b:s1+s3], $0x80, v4, vm1, $0xb8;
	[tilespmem:$0x18180] =	vst v63  }
0x117: {  	v3 =	vperm.xlane v3, v2;
	s16 =	simm.s32 $0x12980  }
0x118: {  	[tilespmem:s16], [sflag:$0x3] =	stream.indirect_vreg.gather [hbm4b:s6+s3], $0x80, v4, vm1, $0xb8;
	[tilespmem:$0x18180] =	vst v63  }
0x119: {  	v3 =	vadd.s32 v1, v3;
	s16 =	simm.s32 $0x13180  }
0x11a: {  	[tilespmem:s16], [sflag:$0x3] =	stream.indirect_vreg.gather [hbm4b:s8+s3], $0x80, v4, vm1, $0xb8;
	[tilespmem:$0x18180] =	vst v63  }
0x11b: {  	s16 =	simm.s32 $0x13980  }
0x11c: {  	[tilespmem:s16], [sflag:$0x3] =	stream.indirect_vreg.gather [hbm4b:s9+s3], $0x80, v4, vm1, $0xb8;
	[tilespmem:$0x18180] =	vst v63  }
0x11d: {  	s16 =	simm.s32 $0x14180  }
0x11e: {  	[tilespmem:s16], [sflag:$0x3] =	stream.indirect_vreg.gather [hbm4b:s2+s3], $0x80, v3, vm1, $0xb8;
	[tilespmem:$0x18180] =	vst v63  }
0x11f: {  	s16 =	simm.s32 $0x14980  }
0x120: {  	[tilespmem:s16], [sflag:$0x3] =	stream.indirect_vreg.gather [hbm4b:s30+s3], $0x80, v3, vm1, $0xb8;
	[tilespmem:$0x18180] =	vst v63  }
0x121: {  	s16 =	simm.s32 $0x15180  }
0x122: {  	[tilespmem:s16], [sflag:$0x3] =	stream.indirect_vreg.gather [hbm4b:s31+s3], $0x80, v3, vm1, $0xb8;
	[tilespmem:$0x18180] =	vst v63  }
0x123: {  	s16 =	simm.s32 $0x15980  }
0x124: {  	[tilespmem:s16], [sflag:$0x3] =	stream.indirect_vreg.gather [hbm4b:s0+s3], $0x80, v3, vm1, $0xb8;
	[tilespmem:$0x18180] =	vst v63  }
0x125: {  	s16 =	simm.s32 $0x16180  }
0x126: {  	[tilespmem:s16], [sflag:$0x3] =	stream.indirect_vreg.gather [hbm4b:s1+s3], $0x80, v3, vm1, $0xb8;
	[tilespmem:$0x18180] =	vst v63  }
0x127: {  	s16 =	simm.s32 $0x16980  }
0x128: {  	[tilespmem:s16], [sflag:$0x3] =	stream.indirect_vreg.gather [hbm4b:s6+s3], $0x80, v3, vm1, $0xb8;
	[tilespmem:$0x18180] =	vst v63  }
0x129: {  	s16 =	simm.s32 $0x17180  }
0x12a: {  	[tilespmem:s16], [sflag:$0x3] =	stream.indirect_vreg.gather [hbm4b:s8+s3], $0x80, v3, vm1, $0xb8;
	[tilespmem:$0x18180] =	vst v63  }
0x12b: {  	s16 =	simm.s32 $0x17980  }
0x12c: {  	[tilespmem:s16], [sflag:$0x3] =	stream.indirect_vreg.gather [hbm4b:s9+s3], $0x80, v3, vm1, $0xb8;
	[tilespmem:$0x18180] =	vst v63  }
0x12d: {  	_ =	swait.ge [sflag:s13], $0x8000  }
0x12e: {  	[sflag:s13] =	ssyncset.done $0x0  }
0x12f: {  	s4 =	simm.s32 $0x180;
	s16 =	rddreg [dreg:$0x8];
	[sflag:s13] =	ssyncadd.s32 $0xFFFF8000  }
0x130: {  	[hbm4b:s16+s3] =	stream.linear.scatter [tilespmem:s4], [sflag:$0x4], $0x8000, $0x38;
	[tilespmem:$0x18180] =	vst v63  }
0x131: {  	_ =	swait.ge [sflag:s12], $0x8000  }
0x132: {  	[sflag:s12] =	ssyncset.done $0x0  }
0x133: {  	[sflag:s12] =	ssyncadd.s32 $0xFFFF8000  }
0x134: {  	v3 =	vld [tilespmem:$0x60];
	_ =	sdelay $0x4  }
0x135: {  	v60 =	vshll.u32 v3, $0x4  }
0x136: {  	v3 =	vand.u32 $0x7, v3;
	v4 =	vand.u32 $0xFFFFFF80, v60  }
0x137: {  	v3 =	vor.u32 v3, v4  }
0x138: {  	v4 =	vperm.xlane v3, v0;
	_ =	sdelay $0x1  }
0x139: {  	v4 =	vadd.s32 v1, v4;
	_ =	sdelay $0x3  }
0x13a: {  	s16 =	simm.s32 $0x180  }
0x13b: {  	[tilespmem:s16], [sflag:$0x1] =	stream.indirect_vreg.gather [hbm4b:s2+s3], $0x80, v4, vm1, $0xb8;
	[tilespmem:$0x18180] =	vst v63  }
0x13c: {  	_ = 	snop  }
0x13d: {  	[tilespmem:s26], [sflag:$0x1] =	stream.indirect_vreg.gather [hbm4b:s30+s3], $0x80, v4, vm1, $0xb8;
	[tilespmem:$0x18180] =	vst v63  }
0x13e: {  	_ = 	snop  }
0x13f: {  	[tilespmem:s17], [sflag:$0x1] =	stream.indirect_vreg.gather [hbm4b:s31+s3], $0x80, v4, vm1, $0xb8;
	[tilespmem:$0x18180] =	vst v63  }
0x140: {  	_ = 	snop  }
0x141: {  	[tilespmem:s19], [sflag:$0x1] =	stream.indirect_vreg.gather [hbm4b:s0+s3], $0x80, v4, vm1, $0xb8;
	[tilespmem:$0x18180] =	vst v63  }
0x142: {  	s16 =	simm.s32 $0x2180  }
0x143: {  	[tilespmem:s16], [sflag:$0x1] =	stream.indirect_vreg.gather [hbm4b:s1+s3], $0x80, v4, vm1, $0xb8;
	[tilespmem:$0x18180] =	vst v63  }
0x144: {  	v3 =	vperm.xlane v3, v2;
	s26 =	simm.s32 $0x2980  }
0x145: {  	[tilespmem:s26], [sflag:$0x1] =	stream.indirect_vreg.gather [hbm4b:s6+s3], $0x80, v4, vm1, $0xb8;
	[tilespmem:$0x18180] =	vst v63  }
0x146: {  	v3 =	vadd.s32 v1, v3  }
0x147: {  	[tilespmem:s21], [sflag:$0x1] =	stream.indirect_vreg.gather [hbm4b:s8+s3], $0x80, v4, vm1, $0xb8;
	[tilespmem:$0x18180] =	vst v63  }
0x148: {  	_ = 	snop  }
0x149: {  	[tilespmem:s23], [sflag:$0x1] =	stream.indirect_vreg.gather [hbm4b:s9+s3], $0x80, v4, vm1, $0xb8;
	[tilespmem:$0x18180] =	vst v63  }
0x14a: {  	_ = 	snop  }
0x14b: {  	[tilespmem:s25], [sflag:$0x1] =	stream.indirect_vreg.gather [hbm4b:s2+s3], $0x80, v3, vm1, $0xb8;
	[tilespmem:$0x18180] =	vst v63  }
0x14c: {  	_ = 	snop  }
0x14d: {  	[tilespmem:s28], [sflag:$0x1] =	stream.indirect_vreg.gather [hbm4b:s30+s3], $0x80, v3, vm1, $0xb8;
	[tilespmem:$0x18180] =	vst v63  }
0x14e: {  	_ = 	snop  }
0x14f: {  	[tilespmem:s5], [sflag:$0x1] =	stream.indirect_vreg.gather [hbm4b:s31+s3], $0x80, v3, vm1, $0xb8;
	[tilespmem:$0x18180] =	vst v63  }
0x150: {  	_ = 	snop  }
0x151: {  	[tilespmem:s10], [sflag:$0x1] =	stream.indirect_vreg.gather [hbm4b:s0+s3], $0x80, v3, vm1, $0xb8;
	[tilespmem:$0x18180] =	vst v63  }
0x152: {  	_ = 	snop  }
0x153: {  	[tilespmem:s18], [sflag:$0x1] =	stream.indirect_vreg.gather [hbm4b:s1+s3], $0x80, v3, vm1, $0xb8;
	[tilespmem:$0x18180] =	vst v63  }
0x154: {  	_ = 	snop  }
0x155: {  	[tilespmem:s20], [sflag:$0x1] =	stream.indirect_vreg.gather [hbm4b:s6+s3], $0x80, v3, vm1, $0xb8;
	[tilespmem:$0x18180] =	vst v63  }
0x156: {  	_ = 	snop  }
0x157: {  	[tilespmem:s22], [sflag:$0x1] =	stream.indirect_vreg.gather [hbm4b:s8+s3], $0x80, v3, vm1, $0xb8;
	[tilespmem:$0x18180] =	vst v63  }
0x158: {  	_ = 	snop  }
0x159: {  	[tilespmem:s24], [sflag:$0x1] =	stream.indirect_vreg.gather [hbm4b:s9+s3], $0x80, v3, vm1, $0xb8;
	[tilespmem:$0x18180] =	vst v63  }
0x15a: {  	_ =	swait.ge [sflag:s7], $0x8000  }
0x15b: {  	[sflag:s7] =	ssyncset.done $0x0  }
0x15c: {  	s26 =	simm.s32 $0x8180;
	s4 =	rddreg [dreg:$0x9];
	[sflag:s7] =	ssyncadd.s32 $0xFFFF8000  }
0x15d: {  	[hbm4b:s4+s3] =	stream.linear.scatter [tilespmem:s26], [sflag:$0x4], $0x8000, $0x38;
	[tilespmem:$0x18180] =	vst v63  }
0x15e: {  	_ =	swait.ge [sflag:s12], $0x8000  }
0x15f: {  	[sflag:s12] =	ssyncset.done $0x0  }
0x160: {  	[sflag:s12] =	ssyncadd.s32 $0xFFFF8000  }
0x161: {  	v3 =	vld [tilespmem:$0x70];
	_ =	sdelay $0x4  }
0x162: {  	v61 =	vshll.u32 v3, $0x4  }
0x163: {  	v3 =	vand.u32 $0x7, v3;
	v4 =	vand.u32 $0xFFFFFF80, v61  }
0x164: {  	v3 =	vor.u32 v3, v4  }
0x165: {  	v4 =	vperm.xlane v3, v0;
	_ =	sdelay $0x1  }
0x166: {  	v4 =	vadd.s32 v1, v4;
	_ =	sdelay $0x4  }
0x167: {  	[tilespmem:s26], [sflag:$0x2] =	stream.indirect_vreg.gather [hbm4b:s2+s3], $0x80, v4, vm1, $0xb8;
	[tilespmem:$0x18180] =	vst v63  }
0x168: {  	s16 =	simm.s32 $0x8980  }
0x169: {  	[tilespmem:s16], [sflag:$0x2] =	stream.indirect_vreg.gather [hbm4b:s30+s3], $0x80, v4, vm1, $0xb8;
	[tilespmem:$0x18180] =	vst v63  }
0x16a: {  	s16 =	simm.s32 $0x9180  }
0x16b: {  	[tilespmem:s16], [sflag:$0x2] =	stream.indirect_vreg.gather [hbm4b:s31+s3], $0x80, v4, vm1, $0xb8;
	[tilespmem:$0x18180] =	vst v63  }
0x16c: {  	s16 =	simm.s32 $0x9980  }
0x16d: {  	[tilespmem:s16], [sflag:$0x2] =	stream.indirect_vreg.gather [hbm4b:s0+s3], $0x80, v4, vm1, $0xb8;
	[tilespmem:$0x18180] =	vst v63  }
0x16e: {  	s16 =	simm.s32 $0xA180  }
0x16f: {  	[tilespmem:s16], [sflag:$0x2] =	stream.indirect_vreg.gather [hbm4b:s1+s3], $0x80, v4, vm1, $0xb8;
	[tilespmem:$0x18180] =	vst v63  }
0x170: {  	v3 =	vperm.xlane v3, v2;
	s16 =	simm.s32 $0xA980  }
0x171: {  	[tilespmem:s16], [sflag:$0x2] =	stream.indirect_vreg.gather [hbm4b:s6+s3], $0x80, v4, vm1, $0xb8;
	[tilespmem:$0x18180] =	vst v63  }
0x172: {  	v3 =	vadd.s32 v1, v3;
	s16 =	simm.s32 $0xB180  }
0x173: {  	[tilespmem:s16], [sflag:$0x2] =	stream.indirect_vreg.gather [hbm4b:s8+s3], $0x80, v4, vm1, $0xb8;
	[tilespmem:$0x18180] =	vst v63  }
0x174: {  	s16 =	simm.s32 $0xB980  }
0x175: {  	[tilespmem:s16], [sflag:$0x2] =	stream.indirect_vreg.gather [hbm4b:s9+s3], $0x80, v4, vm1, $0xb8;
	[tilespmem:$0x18180] =	vst v63  }
0x176: {  	s16 =	simm.s32 $0xC180  }
0x177: {  	[tilespmem:s16], [sflag:$0x2] =	stream.indirect_vreg.gather [hbm4b:s2+s3], $0x80, v3, vm1, $0xb8;
	[tilespmem:$0x18180] =	vst v63  }
0x178: {  	s16 =	simm.s32 $0xC980  }
0x179: {  	[tilespmem:s16], [sflag:$0x2] =	stream.indirect_vreg.gather [hbm4b:s30+s3], $0x80, v3, vm1, $0xb8;
	[tilespmem:$0x18180] =	vst v63  }
0x17a: {  	s16 =	simm.s32 $0xD180  }
0x17b: {  	[tilespmem:s16], [sflag:$0x2] =	stream.indirect_vreg.gather [hbm4b:s31+s3], $0x80, v3, vm1, $0xb8;
	[tilespmem:$0x18180] =	vst v63  }
0x17c: {  	s16 =	simm.s32 $0xD980  }
0x17d: {  	[tilespmem:s16], [sflag:$0x2] =	stream.indirect_vreg.gather [hbm4b:s0+s3], $0x80, v3, vm1, $0xb8;
	[tilespmem:$0x18180] =	vst v63  }
0x17e: {  	s16 =	simm.s32 $0xE180  }
0x17f: {  	[tilespmem:s16], [sflag:$0x2] =	stream.indirect_vreg.gather [hbm4b:s1+s3], $0x80, v3, vm1, $0xb8;
	[tilespmem:$0x18180] =	vst v63  }
0x180: {  	s16 =	simm.s32 $0xE980  }
0x181: {  	[tilespmem:s16], [sflag:$0x2] =	stream.indirect_vreg.gather [hbm4b:s6+s3], $0x80, v3, vm1, $0xb8;
	[tilespmem:$0x18180] =	vst v63  }
0x182: {  	s16 =	simm.s32 $0xF180  }
0x183: {  	[tilespmem:s16], [sflag:$0x2] =	stream.indirect_vreg.gather [hbm4b:s8+s3], $0x80, v3, vm1, $0xb8;
	[tilespmem:$0x18180] =	vst v63  }
0x184: {  	s16 =	simm.s32 $0xF980  }
0x185: {  	[tilespmem:s16], [sflag:$0x2] =	stream.indirect_vreg.gather [hbm4b:s9+s3], $0x80, v3, vm1, $0xb8;
	[tilespmem:$0x18180] =	vst v63  }
0x186: {  	_ =	swait.ge [sflag:s15], $0x8000  }
0x187: {  	[sflag:s15] =	ssyncset.done $0x0  }
0x188: {  	s4 =	rddreg [dreg:$0xa];
	[sflag:s15] =	ssyncadd.s32 $0xFFFF8000  }
0x189: {  	[hbm4b:s4+s3] =	stream.linear.scatter [tilespmem:s14], [sflag:$0x4], $0x8000, $0x38;
	[tilespmem:$0x18180] =	vst v63  }
0x18a: {  	_ =	swait.ge [sflag:s12], $0x8000  }
0x18b: {  	[sflag:s12] =	ssyncset.done $0x0  }
0x18c: {  	[sflag:s12] =	ssyncadd.s32 $0xFFFF8000  }
0x18d: {  	v3 =	vld [tilespmem:$0x80];
	_ =	sdelay $0x4  }
0x18e: {  	v62 =	vshll.u32 v3, $0x4  }
0x18f: {  	v3 =	vand.u32 $0x7, v3;
	v4 =	vand.u32 $0xFFFFFF80, v62  }
0x190: {  	v3 =	vor.u32 v3, v4  }
0x191: {  	v4 =	vperm.xlane v3, v0;
	_ =	sdelay $0x1  }
0x192: {  	v4 =	vadd.s32 v1, v4;
	_ =	sdelay $0x4  }
0x193: {  	[tilespmem:s14], [sflag:$0x3] =	stream.indirect_vreg.gather [hbm4b:s2+s3], $0x80, v4, vm1, $0xb8;
	[tilespmem:$0x18180] =	vst v63  }
0x194: {  	s16 =	simm.s32 $0x10980  }
0x195: {  	[tilespmem:s16], [sflag:$0x3] =	stream.indirect_vreg.gather [hbm4b:s30+s3], $0x80, v4, vm1, $0xb8;
	[tilespmem:$0x18180] =	vst v63  }
0x196: {  	s16 =	simm.s32 $0x11180  }
0x197: {  	[tilespmem:s16], [sflag:$0x3] =	stream.indirect_vreg.gather [hbm4b:s31+s3], $0x80, v4, vm1, $0xb8;
	[tilespmem:$0x18180] =	vst v63  }
0x198: {  	s16 =	simm.s32 $0x11980  }
0x199: {  	[tilespmem:s16], [sflag:$0x3] =	stream.indirect_vreg.gather [hbm4b:s0+s3], $0x80, v4, vm1, $0xb8;
	[tilespmem:$0x18180] =	vst v63  }
0x19a: {  	s16 =	simm.s32 $0x12180  }
0x19b: {  	[tilespmem:s16], [sflag:$0x3] =	stream.indirect_vreg.gather [hbm4b:s1+s3], $0x80, v4, vm1, $0xb8;
	[tilespmem:$0x18180] =	vst v63  }
0x19c: {  	v3 =	vperm.xlane v3, v2;
	s16 =	simm.s32 $0x12980  }
0x19d: {  	[tilespmem:s16], [sflag:$0x3] =	stream.indirect_vreg.gather [hbm4b:s6+s3], $0x80, v4, vm1, $0xb8;
	[tilespmem:$0x18180] =	vst v63  }
0x19e: {  	v3 =	vadd.s32 v1, v3;
	s16 =	simm.s32 $0x13180  }
0x19f: {  	[tilespmem:s16], [sflag:$0x3] =	stream.indirect_vreg.gather [hbm4b:s8+s3], $0x80, v4, vm1, $0xb8;
	[tilespmem:$0x18180] =	vst v63  }
0x1a0: {  	s16 =	simm.s32 $0x13980  }
0x1a1: {  	[tilespmem:s16], [sflag:$0x3] =	stream.indirect_vreg.gather [hbm4b:s9+s3], $0x80, v4, vm1, $0xb8;
	[tilespmem:$0x18180] =	vst v63  }
0x1a2: {  	s16 =	simm.s32 $0x14180  }
0x1a3: {  	[tilespmem:s16], [sflag:$0x3] =	stream.indirect_vreg.gather [hbm4b:s2+s3], $0x80, v3, vm1, $0xb8;
	[tilespmem:$0x18180] =	vst v63  }
0x1a4: {  	s16 =	simm.s32 $0x14980  }
0x1a5: {  	[tilespmem:s16], [sflag:$0x3] =	stream.indirect_vreg.gather [hbm4b:s30+s3], $0x80, v3, vm1, $0xb8;
	[tilespmem:$0x18180] =	vst v63  }
0x1a6: {  	s16 =	simm.s32 $0x15180  }
0x1a7: {  	[tilespmem:s16], [sflag:$0x3] =	stream.indirect_vreg.gather [hbm4b:s31+s3], $0x80, v3, vm1, $0xb8;
	[tilespmem:$0x18180] =	vst v63  }
0x1a8: {  	s16 =	simm.s32 $0x15980  }
0x1a9: {  	[tilespmem:s16], [sflag:$0x3] =	stream.indirect_vreg.gather [hbm4b:s0+s3], $0x80, v3, vm1, $0xb8;
	[tilespmem:$0x18180] =	vst v63  }
0x1aa: {  	s16 =	simm.s32 $0x16180  }
0x1ab: {  	[tilespmem:s16], [sflag:$0x3] =	stream.indirect_vreg.gather [hbm4b:s1+s3], $0x80, v3, vm1, $0xb8;
	[tilespmem:$0x18180] =	vst v63  }
0x1ac: {  	s16 =	simm.s32 $0x16980  }
0x1ad: {  	[tilespmem:s16], [sflag:$0x3] =	stream.indirect_vreg.gather [hbm4b:s6+s3], $0x80, v3, vm1, $0xb8;
	[tilespmem:$0x18180] =	vst v63  }
0x1ae: {  	s16 =	simm.s32 $0x17180  }
0x1af: {  	[tilespmem:s16], [sflag:$0x3] =	stream.indirect_vreg.gather [hbm4b:s8+s3], $0x80, v3, vm1, $0xb8;
	[tilespmem:$0x18180] =	vst v63  }
0x1b0: {  	s16 =	simm.s32 $0x17980  }
0x1b1: {  	[tilespmem:s16], [sflag:$0x3] =	stream.indirect_vreg.gather [hbm4b:s9+s3], $0x80, v3, vm1, $0xb8;
	[tilespmem:$0x18180] =	vst v63  }
0x1b2: {  	_ =	swait.ge [sflag:s13], $0x8000  }
0x1b3: {  	[sflag:s13] =	ssyncset.done $0x0  }
0x1b4: {  	s4 =	simm.s32 $0x180;
	s16 =	rddreg [dreg:$0xb];
	[sflag:s13] =	ssyncadd.s32 $0xFFFF8000  }
0x1b5: {  	[hbm4b:s16+s3] =	stream.linear.scatter [tilespmem:s4], [sflag:$0x4], $0x8000, $0x38;
	[tilespmem:$0x18180] =	vst v63  }
0x1b6: {  	_ =	swait.ge [sflag:s12], $0x8000  }
0x1b7: {  	[sflag:s12] =	ssyncset.done $0x0  }
0x1b8: {  	[sflag:s12] =	ssyncadd.s32 $0xFFFF8000  }
0x1b9: {  	v3 =	vld [tilespmem:$0x90];
	_ =	sdelay $0x4  }
0x1ba: {  	v63 =	vshll.u32 v3, $0x4  }
0x1bb: {  	v3 =	vand.u32 $0x7, v3;
	v4 =	vand.u32 $0xFFFFFF80, v63  }
0x1bc: {  	v3 =	vor.u32 v3, v4  }
0x1bd: {  	v4 =	vperm.xlane v3, v0;
	_ =	sdelay $0x1  }
0x1be: {  	v4 =	vadd.s32 v1, v4;
	_ =	sdelay $0x3  }
0x1bf: {  	s4 =	simm.s32 $0x180  }
0x1c0: {  	[tilespmem:s4], [sflag:$0x1] =	stream.indirect_vreg.gather [hbm4b:s2+s3], $0x80, v4, vm1, $0xb8;
	[tilespmem:$0x18180] =	vst v63  }
0x1c1: {  	s16 =	simm.s32 $0x980  }
0x1c2: {  	[tilespmem:s16], [sflag:$0x1] =	stream.indirect_vreg.gather [hbm4b:s30+s3], $0x80, v4, vm1, $0xb8;
	[tilespmem:$0x18180] =	vst v63  }
0x1c3: {  	s17 =	simm.s32 $0x1180  }
0x1c4: {  	[tilespmem:s17], [sflag:$0x1] =	stream.indirect_vreg.gather [hbm4b:s31+s3], $0x80, v4, vm1, $0xb8;
	[tilespmem:$0x18180] =	vst v63  }
0x1c5: {  	s19 =	simm.s32 $0x1980  }
0x1c6: {  	[tilespmem:s19], [sflag:$0x1] =	stream.indirect_vreg.gather [hbm4b:s0+s3], $0x80, v4, vm1, $0xb8;
	[tilespmem:$0x18180] =	vst v63  }
0x1c7: {  	s17 =	simm.s32 $0x2180  }
0x1c8: {  	[tilespmem:s17], [sflag:$0x1] =	stream.indirect_vreg.gather [hbm4b:s1+s3], $0x80, v4, vm1, $0xb8;
	[tilespmem:$0x18180] =	vst v63  }
0x1c9: {  	v3 =	vperm.xlane v3, v2;
	s19 =	simm.s32 $0x2980  }
0x1ca: {  	[tilespmem:s19], [sflag:$0x1] =	stream.indirect_vreg.gather [hbm4b:s6+s3], $0x80, v4, vm1, $0xb8;
	[tilespmem:$0x18180] =	vst v63  }
0x1cb: {  	s21 =	simm.s32 $0x3180;
	v3 =	vadd.s32 v1, v3  }
0x1cc: {  	[tilespmem:s21], [sflag:$0x1] =	stream.indirect_vreg.gather [hbm4b:s8+s3], $0x80, v4, vm1, $0xb8;
	[tilespmem:$0x18180] =	vst v63  }
0x1cd: {  	s23 =	simm.s32 $0x3980  }
0x1ce: {  	[tilespmem:s23], [sflag:$0x1] =	stream.indirect_vreg.gather [hbm4b:s9+s3], $0x80, v4, vm1, $0xb8;
	[tilespmem:$0x18180] =	vst v63  }
0x1cf: {  	s25 =	simm.s32 $0x4180  }
0x1d0: {  	[tilespmem:s25], [sflag:$0x1] =	stream.indirect_vreg.gather [hbm4b:s2+s3], $0x80, v3, vm1, $0xb8;
	[tilespmem:$0x18180] =	vst v63  }
0x1d1: {  	s28 =	simm.s32 $0x4980  }
0x1d2: {  	[tilespmem:s28], [sflag:$0x1] =	stream.indirect_vreg.gather [hbm4b:s30+s3], $0x80, v3, vm1, $0xb8;
	[tilespmem:$0x18180] =	vst v63  }
0x1d3: {  	s5 =	simm.s32 $0x5180  }
0x1d4: {  	[tilespmem:s5], [sflag:$0x1] =	stream.indirect_vreg.gather [hbm4b:s31+s3], $0x80, v3, vm1, $0xb8;
	[tilespmem:$0x18180] =	vst v63  }
0x1d5: {  	s10 =	simm.s32 $0x5980  }
0x1d6: {  	[tilespmem:s10], [sflag:$0x1] =	stream.indirect_vreg.gather [hbm4b:s0+s3], $0x80, v3, vm1, $0xb8;
	[tilespmem:$0x18180] =	vst v63  }
0x1d7: {  	s18 =	simm.s32 $0x6180  }
0x1d8: {  	[tilespmem:s18], [sflag:$0x1] =	stream.indirect_vreg.gather [hbm4b:s1+s3], $0x80, v3, vm1, $0xb8;
	[tilespmem:$0x18180] =	vst v63  }
0x1d9: {  	s20 =	simm.s32 $0x6980  }
0x1da: {  	[tilespmem:s20], [sflag:$0x1] =	stream.indirect_vreg.gather [hbm4b:s6+s3], $0x80, v3, vm1, $0xb8;
	[tilespmem:$0x18180] =	vst v63  }
0x1db: {  	s22 =	simm.s32 $0x7180  }
0x1dc: {  	[tilespmem:s22], [sflag:$0x1] =	stream.indirect_vreg.gather [hbm4b:s8+s3], $0x80, v3, vm1, $0xb8;
	[tilespmem:$0x18180] =	vst v63  }
0x1dd: {  	s24 =	simm.s32 $0x7980  }
0x1de: {  	[tilespmem:s24], [sflag:$0x1] =	stream.indirect_vreg.gather [hbm4b:s9+s3], $0x80, v3, vm1, $0xb8;
	[tilespmem:$0x18180] =	vst v63  }
0x1df: {  	_ =	swait.ge [sflag:s7], $0x8000  }
0x1e0: {  	[sflag:s7] =	ssyncset.done $0x0  }
0x1e1: {  	s26 =	simm.s32 $0x8180;
	s24 =	rddreg [dreg:$0xd];
	[sflag:s7] =	ssyncadd.s32 $0xFFFF8000  }
0x1e2: {  	[hbm4b:s24+s3] =	stream.linear.scatter [tilespmem:s26], [sflag:$0x4], $0x8000, $0x38;
	[tilespmem:$0x18180] =	vst v63  }
0x1e3: {  	_ =	swait.ge [sflag:s12], $0x8000  }
0x1e4: {  	[sflag:s12] =	ssyncset.done $0x0  }
0x1e5: {  	[sflag:s12] =	ssyncadd.s32 $0xFFFF8000  }
0x1e6: {  	_ =	swait.ge [sflag:s15], $0x8000  }
0x1e7: {  	[sflag:s15] =	ssyncset.done $0x0  }
0x1e8: {  	s25 =	rddreg [dreg:$0xe];
	[sflag:s15] =	ssyncadd.s32 $0xFFFF8000  }
0x1e9: {  	[hbm4b:s25+s3] =	stream.linear.scatter [tilespmem:s14], [sflag:$0x4], $0x8000, $0x38;
	[tilespmem:$0x18180] =	vst v63  }
0x1ea: {  	_ =	swait.ge [sflag:s12], $0x8000  }
0x1eb: {  	[sflag:s12] =	ssyncset.done $0x0  }
0x1ec: {  	[sflag:s12] =	ssyncadd.s32 $0xFFFF8000  }
0x1ed: {  	_ =	swait.ge [sflag:s13], $0x8000  }
0x1ee: {  	[sflag:s13] =	ssyncset.done $0x0  }
0x1ef: {  	s28 =	simm.s32 $0x180;
	s26 =	rddreg [dreg:$0xf];
	[sflag:s13] =	ssyncadd.s32 $0xFFFF8000  }
0x1f0: {  	[hbm4b:s26+s3] =	stream.linear.scatter [tilespmem:s28], [sflag:$0x4], $0x8000, $0x38;
	[tilespmem:$0x18180] =	vst v63  }
0x1f1: {  	_ =	swait.ge [sflag:s12], $0x8000  }
0x1f2: {  	[sflag:s12] =	ssyncset.done $0x0  }
0x1f3: {  	[sflag:s12] =	ssyncadd.s32 $0xFFFF8000  }
.LBB2_3:
0x1f4: {  	s16 =	rddreg [dreg:$0xc]  }
0x1f5: {  	p0 =	sge.s32 s16, s11  }
.Ltmp3:
0x1f6: {  	_ = 	snop;
	(pc) =	sbr.rel @p0 .LBB2_5-.Ltmp3, $1  }
0x1f7: {  	_ =	sdelay $0x3  }
0x1f8: {  	s11 =	rddreg [dreg:$0x10]  }
0x1f9: {  	[tilespmem:s3], [sflag:$0x4] =	stream.linear.gather [hbm4b:s11+s3], $0xA0, $0x38;
	[tilespmem:$0x18180] =	vst v63  }
0x1fa: {  	_ =	swait.ge [sflag:s12], $0xA0  }
0x1fb: {  	[sflag:s12] =	ssyncset.done $0x0  }
0x1fc: {  	[sflag:s12] =	ssyncadd.s32 $0xFFFFFF60  }
0x1fd: {  	v3 =	vld [tilespmem:$0x0];
	_ =	sdelay $0x4  }
0x1fe: {  	v4 =	vshll.u32 v3, $0x4  }
0x1ff: {  	v3 =	vand.u32 $0x7, v3;
	v4 =	vand.u32 $0xFFFFFF80, v4  }
0x200: {  	v3 =	vor.u32 v3, v4  }
0x201: {  	v4 =	vperm.xlane v3, v0;
	_ =	sdelay $0x1  }
0x202: {  	v4 =	vadd.s32 v1, v4;
	_ =	sdelay $0x4  }
0x203: {  	[tilespmem:s28], [sflag:$0x1] =	stream.indirect_vreg.gather [hbm4b:s2+s3], $0x80, v4, vm1, $0xb8;
	[tilespmem:$0x18180] =	vst v63  }
0x204: {  	s5 =	simm.s32 $0x980  }
0x205: {  	[tilespmem:s5], [sflag:$0x1] =	stream.indirect_vreg.gather [hbm4b:s30+s3], $0x80, v4, vm1, $0xb8;
	[tilespmem:$0x18180] =	vst v63  }
0x206: {  	s14 =	simm.s32 $0x1180  }
0x207: {  	[tilespmem:s14], [sflag:$0x1] =	stream.indirect_vreg.gather [hbm4b:s31+s3], $0x80, v4, vm1, $0xb8;
	[tilespmem:$0x18180] =	vst v63  }
0x208: {  	s16 =	simm.s32 $0x1980  }
0x209: {  	[tilespmem:s16], [sflag:$0x1] =	stream.indirect_vreg.gather [hbm4b:s0+s3], $0x80, v4, vm1, $0xb8;
	[tilespmem:$0x18180] =	vst v63  }
0x20a: {  	s17 =	simm.s32 $0x2180  }
0x20b: {  	[tilespmem:s17], [sflag:$0x1] =	stream.indirect_vreg.gather [hbm4b:s1+s3], $0x80, v4, vm1, $0xb8;
	[tilespmem:$0x18180] =	vst v63  }
0x20c: {  	s18 =	simm.s32 $0x2980;
	v3 =	vperm.xlane v3, v2  }
0x20d: {  	[tilespmem:s18], [sflag:$0x1] =	stream.indirect_vreg.gather [hbm4b:s6+s3], $0x80, v4, vm1, $0xb8;
	[tilespmem:$0x18180] =	vst v63  }
0x20e: {  	s19 =	simm.s32 $0x3180;
	v3 =	vadd.s32 v1, v3  }
0x20f: {  	[tilespmem:s19], [sflag:$0x1] =	stream.indirect_vreg.gather [hbm4b:s8+s3], $0x80, v4, vm1, $0xb8;
	[tilespmem:$0x18180] =	vst v63  }
0x210: {  	s20 =	simm.s32 $0x3980  }
0x211: {  	[tilespmem:s20], [sflag:$0x1] =	stream.indirect_vreg.gather [hbm4b:s9+s3], $0x80, v4, vm1, $0xb8;
	[tilespmem:$0x18180] =	vst v63  }
0x212: {  	s21 =	simm.s32 $0x4180  }
0x213: {  	[tilespmem:s21], [sflag:$0x1] =	stream.indirect_vreg.gather [hbm4b:s2+s3], $0x80, v3, vm1, $0xb8;
	[tilespmem:$0x18180] =	vst v63  }
0x214: {  	s22 =	simm.s32 $0x4980  }
0x215: {  	[tilespmem:s22], [sflag:$0x1] =	stream.indirect_vreg.gather [hbm4b:s30+s3], $0x80, v3, vm1, $0xb8;
	[tilespmem:$0x18180] =	vst v63  }
0x216: {  	s23 =	simm.s32 $0x5180  }
0x217: {  	[tilespmem:s23], [sflag:$0x1] =	stream.indirect_vreg.gather [hbm4b:s31+s3], $0x80, v3, vm1, $0xb8;
	[tilespmem:$0x18180] =	vst v63  }
0x218: {  	s24 =	simm.s32 $0x5980  }
0x219: {  	[tilespmem:s24], [sflag:$0x1] =	stream.indirect_vreg.gather [hbm4b:s0+s3], $0x80, v3, vm1, $0xb8;
	[tilespmem:$0x18180] =	vst v63  }
0x21a: {  	s25 =	simm.s32 $0x6180  }
0x21b: {  	[tilespmem:s25], [sflag:$0x1] =	stream.indirect_vreg.gather [hbm4b:s1+s3], $0x80, v3, vm1, $0xb8;
	[tilespmem:$0x18180] =	vst v63  }
0x21c: {  	s26 =	simm.s32 $0x6980  }
0x21d: {  	[tilespmem:s26], [sflag:$0x1] =	stream.indirect_vreg.gather [hbm4b:s6+s3], $0x80, v3, vm1, $0xb8;
	[tilespmem:$0x18180] =	vst v63  }
0x21e: {  	s10 =	simm.s32 $0x7180  }
0x21f: {  	[tilespmem:s10], [sflag:$0x1] =	stream.indirect_vreg.gather [hbm4b:s8+s3], $0x80, v3, vm1, $0xb8;
	[tilespmem:$0x18180] =	vst v63  }
0x220: {  	s11 =	simm.s32 $0x7980  }
0x221: {  	[tilespmem:s11], [sflag:$0x1] =	stream.indirect_vreg.gather [hbm4b:s9+s3], $0x80, v3, vm1, $0xb8;
	[tilespmem:$0x18180] =	vst v63  }
0x222: {  	v3 =	vld [tilespmem:$0x10];
	_ =	sdelay $0x4  }
0x223: {  	v55 =	vshll.u32 v3, $0x4  }
0x224: {  	v3 =	vand.u32 $0x7, v3;
	v4 =	vand.u32 $0xFFFFFF80, v55  }
0x225: {  	v3 =	vor.u32 v3, v4  }
0x226: {  	v4 =	vperm.xlane v3, v0;
	_ =	sdelay $0x1  }
0x227: {  	v4 =	vadd.s32 v1, v4;
	_ =	sdelay $0x3  }
0x228: {  	s23 =	simm.s32 $0x8180  }
0x229: {  	[tilespmem:s23], [sflag:$0x2] =	stream.indirect_vreg.gather [hbm4b:s2+s3], $0x80, v4, vm1, $0xb8;
	[tilespmem:$0x18180] =	vst v63  }
0x22a: {  	s14 =	simm.s32 $0x8980  }
0x22b: {  	[tilespmem:s14], [sflag:$0x2] =	stream.indirect_vreg.gather [hbm4b:s30+s3], $0x80, v4, vm1, $0xb8;
	[tilespmem:$0x18180] =	vst v63  }
0x22c: {  	s17 =	simm.s32 $0x9180  }
0x22d: {  	[tilespmem:s17], [sflag:$0x2] =	stream.indirect_vreg.gather [hbm4b:s31+s3], $0x80, v4, vm1, $0xb8;
	[tilespmem:$0x18180] =	vst v63  }
0x22e: {  	s18 =	simm.s32 $0x9980  }
0x22f: {  	[tilespmem:s18], [sflag:$0x2] =	stream.indirect_vreg.gather [hbm4b:s0+s3], $0x80, v4, vm1, $0xb8;
	[tilespmem:$0x18180] =	vst v63  }
0x230: {  	s19 =	simm.s32 $0xA180  }
0x231: {  	[tilespmem:s19], [sflag:$0x2] =	stream.indirect_vreg.gather [hbm4b:s1+s3], $0x80, v4, vm1, $0xb8;
	[tilespmem:$0x18180] =	vst v63  }
0x232: {  	s20 =	simm.s32 $0xA980;
	v3 =	vperm.xlane v3, v2  }
0x233: {  	[tilespmem:s20], [sflag:$0x2] =	stream.indirect_vreg.gather [hbm4b:s6+s3], $0x80, v4, vm1, $0xb8;
	[tilespmem:$0x18180] =	vst v63  }
0x234: {  	s21 =	simm.s32 $0xB180;
	v3 =	vadd.s32 v1, v3  }
0x235: {  	[tilespmem:s21], [sflag:$0x2] =	stream.indirect_vreg.gather [hbm4b:s8+s3], $0x80, v4, vm1, $0xb8;
	[tilespmem:$0x18180] =	vst v63  }
0x236: {  	s22 =	simm.s32 $0xB980  }
0x237: {  	[tilespmem:s22], [sflag:$0x2] =	stream.indirect_vreg.gather [hbm4b:s9+s3], $0x80, v4, vm1, $0xb8;
	[tilespmem:$0x18180] =	vst v63  }
0x238: {  	s24 =	simm.s32 $0xC180  }
0x239: {  	[tilespmem:s24], [sflag:$0x2] =	stream.indirect_vreg.gather [hbm4b:s2+s3], $0x80, v3, vm1, $0xb8;
	[tilespmem:$0x18180] =	vst v63  }
0x23a: {  	s25 =	simm.s32 $0xC980  }
0x23b: {  	[tilespmem:s25], [sflag:$0x2] =	stream.indirect_vreg.gather [hbm4b:s30+s3], $0x80, v3, vm1, $0xb8;
	[tilespmem:$0x18180] =	vst v63  }
0x23c: {  	s26 =	simm.s32 $0xD180  }
0x23d: {  	[tilespmem:s26], [sflag:$0x2] =	stream.indirect_vreg.gather [hbm4b:s31+s3], $0x80, v3, vm1, $0xb8;
	[tilespmem:$0x18180] =	vst v63  }
0x23e: {  	s10 =	simm.s32 $0xD980  }
0x23f: {  	[tilespmem:s10], [sflag:$0x2] =	stream.indirect_vreg.gather [hbm4b:s0+s3], $0x80, v3, vm1, $0xb8;
	[tilespmem:$0x18180] =	vst v63  }
0x240: {  	s11 =	simm.s32 $0xE180  }
0x241: {  	[tilespmem:s11], [sflag:$0x2] =	stream.indirect_vreg.gather [hbm4b:s1+s3], $0x80, v3, vm1, $0xb8;
	[tilespmem:$0x18180] =	vst v63  }
0x242: {  	s25 =	simm.s32 $0xE980  }
0x243: {  	[tilespmem:s25], [sflag:$0x2] =	stream.indirect_vreg.gather [hbm4b:s6+s3], $0x80, v3, vm1, $0xb8;
	[tilespmem:$0x18180] =	vst v63  }
0x244: {  	s14 =	simm.s32 $0xF180  }
0x245: {  	[tilespmem:s14], [sflag:$0x2] =	stream.indirect_vreg.gather [hbm4b:s8+s3], $0x80, v3, vm1, $0xb8;
	[tilespmem:$0x18180] =	vst v63  }
0x246: {  	s17 =	simm.s32 $0xF980  }
0x247: {  	[tilespmem:s17], [sflag:$0x2] =	stream.indirect_vreg.gather [hbm4b:s9+s3], $0x80, v3, vm1, $0xb8;
	[tilespmem:$0x18180] =	vst v63  }
0x248: {  	v3 =	vld [tilespmem:$0x20];
	_ =	sdelay $0x4  }
0x249: {  	v56 =	vshll.u32 v3, $0x4  }
0x24a: {  	v3 =	vand.u32 $0x7, v3;
	v4 =	vand.u32 $0xFFFFFF80, v56  }
0x24b: {  	v3 =	vor.u32 v3, v4  }
0x24c: {  	v4 =	vperm.xlane v3, v0;
	_ =	sdelay $0x1  }
0x24d: {  	v4 =	vadd.s32 v1, v4;
	_ =	sdelay $0x3  }
0x24e: {  	s14 =	simm.s32 $0x10180  }
0x24f: {  	[tilespmem:s14], [sflag:$0x3] =	stream.indirect_vreg.gather [hbm4b:s2+s3], $0x80, v4, vm1, $0xb8;
	[tilespmem:$0x18180] =	vst v63  }
0x250: {  	s18 =	simm.s32 $0x10980  }
0x251: {  	[tilespmem:s18], [sflag:$0x3] =	stream.indirect_vreg.gather [hbm4b:s30+s3], $0x80, v4, vm1, $0xb8;
	[tilespmem:$0x18180] =	vst v63  }
0x252: {  	s19 =	simm.s32 $0x11180  }
0x253: {  	[tilespmem:s19], [sflag:$0x3] =	stream.indirect_vreg.gather [hbm4b:s31+s3], $0x80, v4, vm1, $0xb8;
	[tilespmem:$0x18180] =	vst v63  }
0x254: {  	s20 =	simm.s32 $0x11980  }
0x255: {  	[tilespmem:s20], [sflag:$0x3] =	stream.indirect_vreg.gather [hbm4b:s0+s3], $0x80, v4, vm1, $0xb8;
	[tilespmem:$0x18180] =	vst v63  }
0x256: {  	s21 =	simm.s32 $0x12180  }
0x257: {  	[tilespmem:s21], [sflag:$0x3] =	stream.indirect_vreg.gather [hbm4b:s1+s3], $0x80, v4, vm1, $0xb8;
	[tilespmem:$0x18180] =	vst v63  }
0x258: {  	s22 =	simm.s32 $0x12980;
	v3 =	vperm.xlane v3, v2  }
0x259: {  	[tilespmem:s22], [sflag:$0x3] =	stream.indirect_vreg.gather [hbm4b:s6+s3], $0x80, v4, vm1, $0xb8;
	[tilespmem:$0x18180] =	vst v63  }
0x25a: {  	s24 =	simm.s32 $0x13180;
	v3 =	vadd.s32 v1, v3  }
0x25b: {  	[tilespmem:s24], [sflag:$0x3] =	stream.indirect_vreg.gather [hbm4b:s8+s3], $0x80, v4, vm1, $0xb8;
	[tilespmem:$0x18180] =	vst v63  }
0x25c: {  	s26 =	simm.s32 $0x13980  }
0x25d: {  	[tilespmem:s26], [sflag:$0x3] =	stream.indirect_vreg.gather [hbm4b:s9+s3], $0x80, v4, vm1, $0xb8;
	[tilespmem:$0x18180] =	vst v63  }
0x25e: {  	s10 =	simm.s32 $0x14180  }
0x25f: {  	[tilespmem:s10], [sflag:$0x3] =	stream.indirect_vreg.gather [hbm4b:s2+s3], $0x80, v3, vm1, $0xb8;
	[tilespmem:$0x18180] =	vst v63  }
0x260: {  	s11 =	simm.s32 $0x14980  }
0x261: {  	[tilespmem:s11], [sflag:$0x3] =	stream.indirect_vreg.gather [hbm4b:s30+s3], $0x80, v3, vm1, $0xb8;
	[tilespmem:$0x18180] =	vst v63  }
0x262: {  	s17 =	simm.s32 $0x15180  }
0x263: {  	[tilespmem:s17], [sflag:$0x3] =	stream.indirect_vreg.gather [hbm4b:s31+s3], $0x80, v3, vm1, $0xb8;
	[tilespmem:$0x18180] =	vst v63  }
0x264: {  	s18 =	simm.s32 $0x15980  }
0x265: {  	[tilespmem:s18], [sflag:$0x3] =	stream.indirect_vreg.gather [hbm4b:s0+s3], $0x80, v3, vm1, $0xb8;
	[tilespmem:$0x18180] =	vst v63  }
0x266: {  	s19 =	simm.s32 $0x16180  }
0x267: {  	[tilespmem:s19], [sflag:$0x3] =	stream.indirect_vreg.gather [hbm4b:s1+s3], $0x80, v3, vm1, $0xb8;
	[tilespmem:$0x18180] =	vst v63  }
0x268: {  	s20 =	simm.s32 $0x16980  }
0x269: {  	[tilespmem:s20], [sflag:$0x3] =	stream.indirect_vreg.gather [hbm4b:s6+s3], $0x80, v3, vm1, $0xb8;
	[tilespmem:$0x18180] =	vst v63  }
0x26a: {  	s21 =	simm.s32 $0x17180  }
0x26b: {  	[tilespmem:s21], [sflag:$0x3] =	stream.indirect_vreg.gather [hbm4b:s8+s3], $0x80, v3, vm1, $0xb8;
	[tilespmem:$0x18180] =	vst v63  }
0x26c: {  	s22 =	simm.s32 $0x17980  }
0x26d: {  	[tilespmem:s22], [sflag:$0x3] =	stream.indirect_vreg.gather [hbm4b:s9+s3], $0x80, v3, vm1, $0xb8;
	[tilespmem:$0x18180] =	vst v63  }
0x26e: {  	_ =	swait.ge [sflag:s13], $0x8000  }
0x26f: {  	[sflag:s13] =	ssyncset.done $0x0  }
0x270: {  	s24 =	rddreg [dreg:$0x11];
	[sflag:s13] =	ssyncadd.s32 $0xFFFF8000  }
0x271: {  	[hbm4b:s24+s3] =	stream.linear.scatter [tilespmem:s28], [sflag:$0x4], $0x8000, $0x38;
	[tilespmem:$0x18180] =	vst v63  }
0x272: {  	_ =	swait.ge [sflag:s12], $0x8000  }
0x273: {  	[sflag:s12] =	ssyncset.done $0x0  }
0x274: {  	[sflag:s12] =	ssyncadd.s32 $0xFFFF8000  }
0x275: {  	v3 =	vld [tilespmem:$0x30];
	_ =	sdelay $0x4  }
0x276: {  	v57 =	vshll.u32 v3, $0x4  }
0x277: {  	v3 =	vand.u32 $0x7, v3;
	v4 =	vand.u32 $0xFFFFFF80, v57  }
0x278: {  	v3 =	vor.u32 v3, v4  }
0x279: {  	v4 =	vperm.xlane v3, v0;
	_ =	sdelay $0x1  }
0x27a: {  	v4 =	vadd.s32 v1, v4;
	_ =	sdelay $0x4  }
0x27b: {  	[tilespmem:s28], [sflag:$0x1] =	stream.indirect_vreg.gather [hbm4b:s2+s3], $0x80, v4, vm1, $0xb8;
	[tilespmem:$0x18180] =	vst v63  }
0x27c: {  	s10 =	simm.s32 $0x980  }
0x27d: {  	[tilespmem:s10], [sflag:$0x1] =	stream.indirect_vreg.gather [hbm4b:s30+s3], $0x80, v4, vm1, $0xb8;
	[tilespmem:$0x18180] =	vst v63  }
0x27e: {  	s18 =	simm.s32 $0x1180  }
0x27f: {  	[tilespmem:s18], [sflag:$0x1] =	stream.indirect_vreg.gather [hbm4b:s31+s3], $0x80, v4, vm1, $0xb8;
	[tilespmem:$0x18180] =	vst v63  }
0x280: {  	s20 =	simm.s32 $0x1980  }
0x281: {  	[tilespmem:s20], [sflag:$0x1] =	stream.indirect_vreg.gather [hbm4b:s0+s3], $0x80, v4, vm1, $0xb8;
	[tilespmem:$0x18180] =	vst v63  }
0x282: {  	s4 =	simm.s32 $0x2180  }
0x283: {  	[tilespmem:s4], [sflag:$0x1] =	stream.indirect_vreg.gather [hbm4b:s1+s3], $0x80, v4, vm1, $0xb8;
	[tilespmem:$0x18180] =	vst v63  }
0x284: {  	s16 =	simm.s32 $0x2980;
	v3 =	vperm.xlane v3, v2  }
0x285: {  	[tilespmem:s16], [sflag:$0x1] =	stream.indirect_vreg.gather [hbm4b:s6+s3], $0x80, v4, vm1, $0xb8;
	[tilespmem:$0x18180] =	vst v63  }
0x286: {  	s22 =	simm.s32 $0x3180;
	v3 =	vadd.s32 v1, v3  }
0x287: {  	[tilespmem:s22], [sflag:$0x1] =	stream.indirect_vreg.gather [hbm4b:s8+s3], $0x80, v4, vm1, $0xb8;
	[tilespmem:$0x18180] =	vst v63  }
0x288: {  	s24 =	simm.s32 $0x3980  }
0x289: {  	[tilespmem:s24], [sflag:$0x1] =	stream.indirect_vreg.gather [hbm4b:s9+s3], $0x80, v4, vm1, $0xb8;
	[tilespmem:$0x18180] =	vst v63  }
0x28a: {  	s26 =	simm.s32 $0x4180  }
0x28b: {  	[tilespmem:s26], [sflag:$0x1] =	stream.indirect_vreg.gather [hbm4b:s2+s3], $0x80, v3, vm1, $0xb8;
	[tilespmem:$0x18180] =	vst v63  }
0x28c: {  	s5 =	simm.s32 $0x4980  }
0x28d: {  	[tilespmem:s5], [sflag:$0x1] =	stream.indirect_vreg.gather [hbm4b:s30+s3], $0x80, v3, vm1, $0xb8;
	[tilespmem:$0x18180] =	vst v63  }
0x28e: {  	s4 =	simm.s32 $0x5180  }
0x28f: {  	[tilespmem:s4], [sflag:$0x1] =	stream.indirect_vreg.gather [hbm4b:s31+s3], $0x80, v3, vm1, $0xb8;
	[tilespmem:$0x18180] =	vst v63  }
0x290: {  	s16 =	simm.s32 $0x5980  }
0x291: {  	[tilespmem:s16], [sflag:$0x1] =	stream.indirect_vreg.gather [hbm4b:s0+s3], $0x80, v3, vm1, $0xb8;
	[tilespmem:$0x18180] =	vst v63  }
0x292: {  	s17 =	simm.s32 $0x6180  }
0x293: {  	[tilespmem:s17], [sflag:$0x1] =	stream.indirect_vreg.gather [hbm4b:s1+s3], $0x80, v3, vm1, $0xb8;
	[tilespmem:$0x18180] =	vst v63  }
0x294: {  	s19 =	simm.s32 $0x6980  }
0x295: {  	[tilespmem:s19], [sflag:$0x1] =	stream.indirect_vreg.gather [hbm4b:s6+s3], $0x80, v3, vm1, $0xb8;
	[tilespmem:$0x18180] =	vst v63  }
0x296: {  	s21 =	simm.s32 $0x7180  }
0x297: {  	[tilespmem:s21], [sflag:$0x1] =	stream.indirect_vreg.gather [hbm4b:s8+s3], $0x80, v3, vm1, $0xb8;
	[tilespmem:$0x18180] =	vst v63  }
0x298: {  	s11 =	simm.s32 $0x7980  }
0x299: {  	[tilespmem:s11], [sflag:$0x1] =	stream.indirect_vreg.gather [hbm4b:s9+s3], $0x80, v3, vm1, $0xb8;
	[tilespmem:$0x18180] =	vst v63  }
0x29a: {  	_ =	swait.ge [sflag:s7], $0x8000  }
0x29b: {  	[sflag:s7] =	ssyncset.done $0x0  }
0x29c: {  	s11 =	rddreg [dreg:$0x12];
	[sflag:s7] =	ssyncadd.s32 $0xFFFF8000  }
0x29d: {  	[hbm4b:s11+s3] =	stream.linear.scatter [tilespmem:s23], [sflag:$0x4], $0x8000, $0x38;
	[tilespmem:$0x18180] =	vst v63  }
0x29e: {  	_ =	swait.ge [sflag:s12], $0x8000  }
0x29f: {  	[sflag:s12] =	ssyncset.done $0x0  }
0x2a0: {  	[sflag:s12] =	ssyncadd.s32 $0xFFFF8000  }
0x2a1: {  	v3 =	vld [tilespmem:$0x40];
	_ =	sdelay $0x4  }
0x2a2: {  	v58 =	vshll.u32 v3, $0x4  }
0x2a3: {  	v3 =	vand.u32 $0x7, v3;
	v4 =	vand.u32 $0xFFFFFF80, v58  }
0x2a4: {  	v3 =	vor.u32 v3, v4  }
0x2a5: {  	v4 =	vperm.xlane v3, v0;
	_ =	sdelay $0x1  }
0x2a6: {  	v4 =	vadd.s32 v1, v4;
	_ =	sdelay $0x4  }
0x2a7: {  	[tilespmem:s23], [sflag:$0x2] =	stream.indirect_vreg.gather [hbm4b:s2+s3], $0x80, v4, vm1, $0xb8;
	[tilespmem:$0x18180] =	vst v63  }
0x2a8: {  	s11 =	simm.s32 $0x8980  }
0x2a9: {  	[tilespmem:s11], [sflag:$0x2] =	stream.indirect_vreg.gather [hbm4b:s30+s3], $0x80, v4, vm1, $0xb8;
	[tilespmem:$0x18180] =	vst v63  }
0x2aa: {  	s11 =	simm.s32 $0x9180  }
0x2ab: {  	[tilespmem:s11], [sflag:$0x2] =	stream.indirect_vreg.gather [hbm4b:s31+s3], $0x80, v4, vm1, $0xb8;
	[tilespmem:$0x18180] =	vst v63  }
0x2ac: {  	s11 =	simm.s32 $0x9980  }
0x2ad: {  	[tilespmem:s11], [sflag:$0x2] =	stream.indirect_vreg.gather [hbm4b:s0+s3], $0x80, v4, vm1, $0xb8;
	[tilespmem:$0x18180] =	vst v63  }
0x2ae: {  	s11 =	simm.s32 $0xA180  }
0x2af: {  	[tilespmem:s11], [sflag:$0x2] =	stream.indirect_vreg.gather [hbm4b:s1+s3], $0x80, v4, vm1, $0xb8;
	[tilespmem:$0x18180] =	vst v63  }
0x2b0: {  	v3 =	vperm.xlane v3, v2;
	s11 =	simm.s32 $0xA980  }
0x2b1: {  	[tilespmem:s11], [sflag:$0x2] =	stream.indirect_vreg.gather [hbm4b:s6+s3], $0x80, v4, vm1, $0xb8;
	[tilespmem:$0x18180] =	vst v63  }
0x2b2: {  	v3 =	vadd.s32 v1, v3;
	s11 =	simm.s32 $0xB180  }
0x2b3: {  	[tilespmem:s11], [sflag:$0x2] =	stream.indirect_vreg.gather [hbm4b:s8+s3], $0x80, v4, vm1, $0xb8;
	[tilespmem:$0x18180] =	vst v63  }
0x2b4: {  	s11 =	simm.s32 $0xB980  }
0x2b5: {  	[tilespmem:s11], [sflag:$0x2] =	stream.indirect_vreg.gather [hbm4b:s9+s3], $0x80, v4, vm1, $0xb8;
	[tilespmem:$0x18180] =	vst v63  }
0x2b6: {  	s11 =	simm.s32 $0xC180  }
0x2b7: {  	[tilespmem:s11], [sflag:$0x2] =	stream.indirect_vreg.gather [hbm4b:s2+s3], $0x80, v3, vm1, $0xb8;
	[tilespmem:$0x18180] =	vst v63  }
0x2b8: {  	s11 =	simm.s32 $0xC980  }
0x2b9: {  	[tilespmem:s11], [sflag:$0x2] =	stream.indirect_vreg.gather [hbm4b:s30+s3], $0x80, v3, vm1, $0xb8;
	[tilespmem:$0x18180] =	vst v63  }
0x2ba: {  	s11 =	simm.s32 $0xD180  }
0x2bb: {  	[tilespmem:s11], [sflag:$0x2] =	stream.indirect_vreg.gather [hbm4b:s31+s3], $0x80, v3, vm1, $0xb8;
	[tilespmem:$0x18180] =	vst v63  }
0x2bc: {  	s11 =	simm.s32 $0xD980  }
0x2bd: {  	[tilespmem:s11], [sflag:$0x2] =	stream.indirect_vreg.gather [hbm4b:s0+s3], $0x80, v3, vm1, $0xb8;
	[tilespmem:$0x18180] =	vst v63  }
0x2be: {  	s11 =	simm.s32 $0xE180  }
0x2bf: {  	[tilespmem:s11], [sflag:$0x2] =	stream.indirect_vreg.gather [hbm4b:s1+s3], $0x80, v3, vm1, $0xb8;
	[tilespmem:$0x18180] =	vst v63  }
0x2c0: {  	_ = 	snop  }
0x2c1: {  	[tilespmem:s25], [sflag:$0x2] =	stream.indirect_vreg.gather [hbm4b:s6+s3], $0x80, v3, vm1, $0xb8;
	[tilespmem:$0x18180] =	vst v63  }
0x2c2: {  	s11 =	simm.s32 $0xF180  }
0x2c3: {  	[tilespmem:s11], [sflag:$0x2] =	stream.indirect_vreg.gather [hbm4b:s8+s3], $0x80, v3, vm1, $0xb8;
	[tilespmem:$0x18180] =	vst v63  }
0x2c4: {  	s11 =	simm.s32 $0xF980  }
0x2c5: {  	[tilespmem:s11], [sflag:$0x2] =	stream.indirect_vreg.gather [hbm4b:s9+s3], $0x80, v3, vm1, $0xb8;
	[tilespmem:$0x18180] =	vst v63  }
0x2c6: {  	_ =	swait.ge [sflag:s15], $0x8000  }
0x2c7: {  	[sflag:s15] =	ssyncset.done $0x0  }
0x2c8: {  	s11 =	rddreg [dreg:$0x13];
	[sflag:s15] =	ssyncadd.s32 $0xFFFF8000  }
0x2c9: {  	[hbm4b:s11+s3] =	stream.linear.scatter [tilespmem:s14], [sflag:$0x4], $0x8000, $0x38;
	[tilespmem:$0x18180] =	vst v63  }
0x2ca: {  	_ =	swait.ge [sflag:s12], $0x8000  }
0x2cb: {  	[sflag:s12] =	ssyncset.done $0x0  }
0x2cc: {  	[sflag:s12] =	ssyncadd.s32 $0xFFFF8000  }
0x2cd: {  	v3 =	vld [tilespmem:$0x50];
	_ =	sdelay $0x4  }
0x2ce: {  	v59 =	vshll.u32 v3, $0x4  }
0x2cf: {  	v3 =	vand.u32 $0x7, v3;
	v4 =	vand.u32 $0xFFFFFF80, v59  }
0x2d0: {  	v3 =	vor.u32 v3, v4  }
0x2d1: {  	v4 =	vperm.xlane v3, v0;
	_ =	sdelay $0x1  }
0x2d2: {  	v4 =	vadd.s32 v1, v4;
	_ =	sdelay $0x4  }
0x2d3: {  	[tilespmem:s14], [sflag:$0x3] =	stream.indirect_vreg.gather [hbm4b:s2+s3], $0x80, v4, vm1, $0xb8;
	[tilespmem:$0x18180] =	vst v63  }
0x2d4: {  	s11 =	simm.s32 $0x10980  }
0x2d5: {  	[tilespmem:s11], [sflag:$0x3] =	stream.indirect_vreg.gather [hbm4b:s30+s3], $0x80, v4, vm1, $0xb8;
	[tilespmem:$0x18180] =	vst v63  }
0x2d6: {  	s11 =	simm.s32 $0x11180  }
0x2d7: {  	[tilespmem:s11], [sflag:$0x3] =	stream.indirect_vreg.gather [hbm4b:s31+s3], $0x80, v4, vm1, $0xb8;
	[tilespmem:$0x18180] =	vst v63  }
0x2d8: {  	s11 =	simm.s32 $0x11980  }
0x2d9: {  	[tilespmem:s11], [sflag:$0x3] =	stream.indirect_vreg.gather [hbm4b:s0+s3], $0x80, v4, vm1, $0xb8;
	[tilespmem:$0x18180] =	vst v63  }
0x2da: {  	s11 =	simm.s32 $0x12180  }
0x2db: {  	[tilespmem:s11], [sflag:$0x3] =	stream.indirect_vreg.gather [hbm4b:s1+s3], $0x80, v4, vm1, $0xb8;
	[tilespmem:$0x18180] =	vst v63  }
0x2dc: {  	v3 =	vperm.xlane v3, v2;
	s11 =	simm.s32 $0x12980  }
0x2dd: {  	[tilespmem:s11], [sflag:$0x3] =	stream.indirect_vreg.gather [hbm4b:s6+s3], $0x80, v4, vm1, $0xb8;
	[tilespmem:$0x18180] =	vst v63  }
0x2de: {  	v3 =	vadd.s32 v1, v3;
	s11 =	simm.s32 $0x13180  }
0x2df: {  	[tilespmem:s11], [sflag:$0x3] =	stream.indirect_vreg.gather [hbm4b:s8+s3], $0x80, v4, vm1, $0xb8;
	[tilespmem:$0x18180] =	vst v63  }
0x2e0: {  	s11 =	simm.s32 $0x13980  }
0x2e1: {  	[tilespmem:s11], [sflag:$0x3] =	stream.indirect_vreg.gather [hbm4b:s9+s3], $0x80, v4, vm1, $0xb8;
	[tilespmem:$0x18180] =	vst v63  }
0x2e2: {  	s11 =	simm.s32 $0x14180  }
0x2e3: {  	[tilespmem:s11], [sflag:$0x3] =	stream.indirect_vreg.gather [hbm4b:s2+s3], $0x80, v3, vm1, $0xb8;
	[tilespmem:$0x18180] =	vst v63  }
0x2e4: {  	s11 =	simm.s32 $0x14980  }
0x2e5: {  	[tilespmem:s11], [sflag:$0x3] =	stream.indirect_vreg.gather [hbm4b:s30+s3], $0x80, v3, vm1, $0xb8;
	[tilespmem:$0x18180] =	vst v63  }
0x2e6: {  	s11 =	simm.s32 $0x15180  }
0x2e7: {  	[tilespmem:s11], [sflag:$0x3] =	stream.indirect_vreg.gather [hbm4b:s31+s3], $0x80, v3, vm1, $0xb8;
	[tilespmem:$0x18180] =	vst v63  }
0x2e8: {  	s11 =	simm.s32 $0x15980  }
0x2e9: {  	[tilespmem:s11], [sflag:$0x3] =	stream.indirect_vreg.gather [hbm4b:s0+s3], $0x80, v3, vm1, $0xb8;
	[tilespmem:$0x18180] =	vst v63  }
0x2ea: {  	s11 =	simm.s32 $0x16180  }
0x2eb: {  	[tilespmem:s11], [sflag:$0x3] =	stream.indirect_vreg.gather [hbm4b:s1+s3], $0x80, v3, vm1, $0xb8;
	[tilespmem:$0x18180] =	vst v63  }
0x2ec: {  	s11 =	simm.s32 $0x16980  }
0x2ed: {  	[tilespmem:s11], [sflag:$0x3] =	stream.indirect_vreg.gather [hbm4b:s6+s3], $0x80, v3, vm1, $0xb8;
	[tilespmem:$0x18180] =	vst v63  }
0x2ee: {  	s11 =	simm.s32 $0x17180  }
0x2ef: {  	[tilespmem:s11], [sflag:$0x3] =	stream.indirect_vreg.gather [hbm4b:s8+s3], $0x80, v3, vm1, $0xb8;
	[tilespmem:$0x18180] =	vst v63  }
0x2f0: {  	s11 =	simm.s32 $0x17980  }
0x2f1: {  	[tilespmem:s11], [sflag:$0x3] =	stream.indirect_vreg.gather [hbm4b:s9+s3], $0x80, v3, vm1, $0xb8;
	[tilespmem:$0x18180] =	vst v63  }
0x2f2: {  	_ =	swait.ge [sflag:s13], $0x8000  }
0x2f3: {  	[sflag:s13] =	ssyncset.done $0x0  }
0x2f4: {  	s11 =	rddreg [dreg:$0x14];
	[sflag:s13] =	ssyncadd.s32 $0xFFFF8000  }
0x2f5: {  	[hbm4b:s11+s3] =	stream.linear.scatter [tilespmem:s28], [sflag:$0x4], $0x8000, $0x38;
	[tilespmem:$0x18180] =	vst v63  }
0x2f6: {  	_ =	swait.ge [sflag:s12], $0x8000  }
0x2f7: {  	[sflag:s12] =	ssyncset.done $0x0  }
0x2f8: {  	[sflag:s12] =	ssyncadd.s32 $0xFFFF8000  }
0x2f9: {  	v3 =	vld [tilespmem:$0x60];
	_ =	sdelay $0x4  }
0x2fa: {  	v60 =	vshll.u32 v3, $0x4  }
0x2fb: {  	v3 =	vand.u32 $0x7, v3;
	v4 =	vand.u32 $0xFFFFFF80, v60  }
0x2fc: {  	v3 =	vor.u32 v3, v4  }
0x2fd: {  	v4 =	vperm.xlane v3, v0;
	_ =	sdelay $0x1  }
0x2fe: {  	v4 =	vadd.s32 v1, v4;
	_ =	sdelay $0x4  }
0x2ff: {  	[tilespmem:s28], [sflag:$0x1] =	stream.indirect_vreg.gather [hbm4b:s2+s3], $0x80, v4, vm1, $0xb8;
	[tilespmem:$0x18180] =	vst v63  }
0x300: {  	_ = 	snop  }
0x301: {  	[tilespmem:s10], [sflag:$0x1] =	stream.indirect_vreg.gather [hbm4b:s30+s3], $0x80, v4, vm1, $0xb8;
	[tilespmem:$0x18180] =	vst v63  }
0x302: {  	_ = 	snop  }
0x303: {  	[tilespmem:s18], [sflag:$0x1] =	stream.indirect_vreg.gather [hbm4b:s31+s3], $0x80, v4, vm1, $0xb8;
	[tilespmem:$0x18180] =	vst v63  }
0x304: {  	_ = 	snop  }
0x305: {  	[tilespmem:s20], [sflag:$0x1] =	stream.indirect_vreg.gather [hbm4b:s0+s3], $0x80, v4, vm1, $0xb8;
	[tilespmem:$0x18180] =	vst v63  }
0x306: {  	s11 =	simm.s32 $0x2180  }
0x307: {  	[tilespmem:s11], [sflag:$0x1] =	stream.indirect_vreg.gather [hbm4b:s1+s3], $0x80, v4, vm1, $0xb8;
	[tilespmem:$0x18180] =	vst v63  }
0x308: {  	v3 =	vperm.xlane v3, v2;
	s11 =	simm.s32 $0x2980  }
0x309: {  	[tilespmem:s11], [sflag:$0x1] =	stream.indirect_vreg.gather [hbm4b:s6+s3], $0x80, v4, vm1, $0xb8;
	[tilespmem:$0x18180] =	vst v63  }
0x30a: {  	v3 =	vadd.s32 v1, v3  }
0x30b: {  	[tilespmem:s22], [sflag:$0x1] =	stream.indirect_vreg.gather [hbm4b:s8+s3], $0x80, v4, vm1, $0xb8;
	[tilespmem:$0x18180] =	vst v63  }
0x30c: {  	_ = 	snop  }
0x30d: {  	[tilespmem:s24], [sflag:$0x1] =	stream.indirect_vreg.gather [hbm4b:s9+s3], $0x80, v4, vm1, $0xb8;
	[tilespmem:$0x18180] =	vst v63  }
0x30e: {  	_ = 	snop  }
0x30f: {  	[tilespmem:s26], [sflag:$0x1] =	stream.indirect_vreg.gather [hbm4b:s2+s3], $0x80, v3, vm1, $0xb8;
	[tilespmem:$0x18180] =	vst v63  }
0x310: {  	_ = 	snop  }
0x311: {  	[tilespmem:s5], [sflag:$0x1] =	stream.indirect_vreg.gather [hbm4b:s30+s3], $0x80, v3, vm1, $0xb8;
	[tilespmem:$0x18180] =	vst v63  }
0x312: {  	_ = 	snop  }
0x313: {  	[tilespmem:s4], [sflag:$0x1] =	stream.indirect_vreg.gather [hbm4b:s31+s3], $0x80, v3, vm1, $0xb8;
	[tilespmem:$0x18180] =	vst v63  }
0x314: {  	_ = 	snop  }
0x315: {  	[tilespmem:s16], [sflag:$0x1] =	stream.indirect_vreg.gather [hbm4b:s0+s3], $0x80, v3, vm1, $0xb8;
	[tilespmem:$0x18180] =	vst v63  }
0x316: {  	_ = 	snop  }
0x317: {  	[tilespmem:s17], [sflag:$0x1] =	stream.indirect_vreg.gather [hbm4b:s1+s3], $0x80, v3, vm1, $0xb8;
	[tilespmem:$0x18180] =	vst v63  }
0x318: {  	_ = 	snop  }
0x319: {  	[tilespmem:s19], [sflag:$0x1] =	stream.indirect_vreg.gather [hbm4b:s6+s3], $0x80, v3, vm1, $0xb8;
	[tilespmem:$0x18180] =	vst v63  }
0x31a: {  	_ = 	snop  }
0x31b: {  	[tilespmem:s21], [sflag:$0x1] =	stream.indirect_vreg.gather [hbm4b:s8+s3], $0x80, v3, vm1, $0xb8;
	[tilespmem:$0x18180] =	vst v63  }
0x31c: {  	s11 =	simm.s32 $0x7980  }
0x31d: {  	[tilespmem:s11], [sflag:$0x1] =	stream.indirect_vreg.gather [hbm4b:s9+s3], $0x80, v3, vm1, $0xb8;
	[tilespmem:$0x18180] =	vst v63  }
0x31e: {  	_ =	swait.ge [sflag:s7], $0x8000  }
0x31f: {  	[sflag:s7] =	ssyncset.done $0x0  }
0x320: {  	s11 =	rddreg [dreg:$0x15];
	[sflag:s7] =	ssyncadd.s32 $0xFFFF8000  }
0x321: {  	[hbm4b:s11+s3] =	stream.linear.scatter [tilespmem:s23], [sflag:$0x4], $0x8000, $0x38;
	[tilespmem:$0x18180] =	vst v63  }
0x322: {  	_ =	swait.ge [sflag:s12], $0x8000  }
0x323: {  	[sflag:s12] =	ssyncset.done $0x0  }
0x324: {  	[sflag:s12] =	ssyncadd.s32 $0xFFFF8000  }
0x325: {  	v3 =	vld [tilespmem:$0x70];
	_ =	sdelay $0x4  }
0x326: {  	v61 =	vshll.u32 v3, $0x4  }
0x327: {  	v3 =	vand.u32 $0x7, v3;
	v4 =	vand.u32 $0xFFFFFF80, v61  }
0x328: {  	v3 =	vor.u32 v3, v4  }
0x329: {  	v4 =	vperm.xlane v3, v0;
	_ =	sdelay $0x1  }
0x32a: {  	v4 =	vadd.s32 v1, v4;
	_ =	sdelay $0x4  }
0x32b: {  	[tilespmem:s23], [sflag:$0x2] =	stream.indirect_vreg.gather [hbm4b:s2+s3], $0x80, v4, vm1, $0xb8;
	[tilespmem:$0x18180] =	vst v63  }
0x32c: {  	s11 =	simm.s32 $0x8980  }
0x32d: {  	[tilespmem:s11], [sflag:$0x2] =	stream.indirect_vreg.gather [hbm4b:s30+s3], $0x80, v4, vm1, $0xb8;
	[tilespmem:$0x18180] =	vst v63  }
0x32e: {  	s11 =	simm.s32 $0x9180  }
0x32f: {  	[tilespmem:s11], [sflag:$0x2] =	stream.indirect_vreg.gather [hbm4b:s31+s3], $0x80, v4, vm1, $0xb8;
	[tilespmem:$0x18180] =	vst v63  }
0x330: {  	s11 =	simm.s32 $0x9980  }
0x331: {  	[tilespmem:s11], [sflag:$0x2] =	stream.indirect_vreg.gather [hbm4b:s0+s3], $0x80, v4, vm1, $0xb8;
	[tilespmem:$0x18180] =	vst v63  }
0x332: {  	s11 =	simm.s32 $0xA180  }
0x333: {  	[tilespmem:s11], [sflag:$0x2] =	stream.indirect_vreg.gather [hbm4b:s1+s3], $0x80, v4, vm1, $0xb8;
	[tilespmem:$0x18180] =	vst v63  }
0x334: {  	v3 =	vperm.xlane v3, v2;
	s11 =	simm.s32 $0xA980  }
0x335: {  	[tilespmem:s11], [sflag:$0x2] =	stream.indirect_vreg.gather [hbm4b:s6+s3], $0x80, v4, vm1, $0xb8;
	[tilespmem:$0x18180] =	vst v63  }
0x336: {  	v3 =	vadd.s32 v1, v3;
	s11 =	simm.s32 $0xB180  }
0x337: {  	[tilespmem:s11], [sflag:$0x2] =	stream.indirect_vreg.gather [hbm4b:s8+s3], $0x80, v4, vm1, $0xb8;
	[tilespmem:$0x18180] =	vst v63  }
0x338: {  	s11 =	simm.s32 $0xB980  }
0x339: {  	[tilespmem:s11], [sflag:$0x2] =	stream.indirect_vreg.gather [hbm4b:s9+s3], $0x80, v4, vm1, $0xb8;
	[tilespmem:$0x18180] =	vst v63  }
0x33a: {  	s11 =	simm.s32 $0xC180  }
0x33b: {  	[tilespmem:s11], [sflag:$0x2] =	stream.indirect_vreg.gather [hbm4b:s2+s3], $0x80, v3, vm1, $0xb8;
	[tilespmem:$0x18180] =	vst v63  }
0x33c: {  	s11 =	simm.s32 $0xC980  }
0x33d: {  	[tilespmem:s11], [sflag:$0x2] =	stream.indirect_vreg.gather [hbm4b:s30+s3], $0x80, v3, vm1, $0xb8;
	[tilespmem:$0x18180] =	vst v63  }
0x33e: {  	s11 =	simm.s32 $0xD180  }
0x33f: {  	[tilespmem:s11], [sflag:$0x2] =	stream.indirect_vreg.gather [hbm4b:s31+s3], $0x80, v3, vm1, $0xb8;
	[tilespmem:$0x18180] =	vst v63  }
0x340: {  	s11 =	simm.s32 $0xD980  }
0x341: {  	[tilespmem:s11], [sflag:$0x2] =	stream.indirect_vreg.gather [hbm4b:s0+s3], $0x80, v3, vm1, $0xb8;
	[tilespmem:$0x18180] =	vst v63  }
0x342: {  	s11 =	simm.s32 $0xE180  }
0x343: {  	[tilespmem:s11], [sflag:$0x2] =	stream.indirect_vreg.gather [hbm4b:s1+s3], $0x80, v3, vm1, $0xb8;
	[tilespmem:$0x18180] =	vst v63  }
0x344: {  	_ = 	snop  }
0x345: {  	[tilespmem:s25], [sflag:$0x2] =	stream.indirect_vreg.gather [hbm4b:s6+s3], $0x80, v3, vm1, $0xb8;
	[tilespmem:$0x18180] =	vst v63  }
0x346: {  	s25 =	simm.s32 $0xF180  }
0x347: {  	[tilespmem:s25], [sflag:$0x2] =	stream.indirect_vreg.gather [hbm4b:s8+s3], $0x80, v3, vm1, $0xb8;
	[tilespmem:$0x18180] =	vst v63  }
0x348: {  	s25 =	simm.s32 $0xF980  }
0x349: {  	[tilespmem:s25], [sflag:$0x2] =	stream.indirect_vreg.gather [hbm4b:s9+s3], $0x80, v3, vm1, $0xb8;
	[tilespmem:$0x18180] =	vst v63  }
0x34a: {  	_ =	swait.ge [sflag:s15], $0x8000  }
0x34b: {  	[sflag:s15] =	ssyncset.done $0x0  }
0x34c: {  	s25 =	rddreg [dreg:$0x16];
	[sflag:s15] =	ssyncadd.s32 $0xFFFF8000  }
0x34d: {  	[hbm4b:s25+s3] =	stream.linear.scatter [tilespmem:s14], [sflag:$0x4], $0x8000, $0x38;
	[tilespmem:$0x18180] =	vst v63  }
0x34e: {  	_ =	swait.ge [sflag:s12], $0x8000  }
0x34f: {  	[sflag:s12] =	ssyncset.done $0x0  }
0x350: {  	[sflag:s12] =	ssyncadd.s32 $0xFFFF8000  }
0x351: {  	v3 =	vld [tilespmem:$0x80];
	_ =	sdelay $0x4  }
0x352: {  	v62 =	vshll.u32 v3, $0x4  }
0x353: {  	v3 =	vand.u32 $0x7, v3;
	v4 =	vand.u32 $0xFFFFFF80, v62  }
0x354: {  	v3 =	vor.u32 v3, v4  }
0x355: {  	v4 =	vperm.xlane v3, v0;
	_ =	sdelay $0x1  }
0x356: {  	v4 =	vadd.s32 v1, v4;
	_ =	sdelay $0x4  }
0x357: {  	[tilespmem:s14], [sflag:$0x3] =	stream.indirect_vreg.gather [hbm4b:s2+s3], $0x80, v4, vm1, $0xb8;
	[tilespmem:$0x18180] =	vst v63  }
0x358: {  	s25 =	simm.s32 $0x10980  }
0x359: {  	[tilespmem:s25], [sflag:$0x3] =	stream.indirect_vreg.gather [hbm4b:s30+s3], $0x80, v4, vm1, $0xb8;
	[tilespmem:$0x18180] =	vst v63  }
0x35a: {  	s25 =	simm.s32 $0x11180  }
0x35b: {  	[tilespmem:s25], [sflag:$0x3] =	stream.indirect_vreg.gather [hbm4b:s31+s3], $0x80, v4, vm1, $0xb8;
	[tilespmem:$0x18180] =	vst v63  }
0x35c: {  	s25 =	simm.s32 $0x11980  }
0x35d: {  	[tilespmem:s25], [sflag:$0x3] =	stream.indirect_vreg.gather [hbm4b:s0+s3], $0x80, v4, vm1, $0xb8;
	[tilespmem:$0x18180] =	vst v63  }
0x35e: {  	s25 =	simm.s32 $0x12180  }
0x35f: {  	[tilespmem:s25], [sflag:$0x3] =	stream.indirect_vreg.gather [hbm4b:s1+s3], $0x80, v4, vm1, $0xb8;
	[tilespmem:$0x18180] =	vst v63  }
0x360: {  	v3 =	vperm.xlane v3, v2;
	s25 =	simm.s32 $0x12980  }
0x361: {  	[tilespmem:s25], [sflag:$0x3] =	stream.indirect_vreg.gather [hbm4b:s6+s3], $0x80, v4, vm1, $0xb8;
	[tilespmem:$0x18180] =	vst v63  }
0x362: {  	v3 =	vadd.s32 v1, v3;
	s25 =	simm.s32 $0x13180  }
0x363: {  	[tilespmem:s25], [sflag:$0x3] =	stream.indirect_vreg.gather [hbm4b:s8+s3], $0x80, v4, vm1, $0xb8;
	[tilespmem:$0x18180] =	vst v63  }
0x364: {  	s25 =	simm.s32 $0x13980  }
0x365: {  	[tilespmem:s25], [sflag:$0x3] =	stream.indirect_vreg.gather [hbm4b:s9+s3], $0x80, v4, vm1, $0xb8;
	[tilespmem:$0x18180] =	vst v63  }
0x366: {  	s25 =	simm.s32 $0x14180  }
0x367: {  	[tilespmem:s25], [sflag:$0x3] =	stream.indirect_vreg.gather [hbm4b:s2+s3], $0x80, v3, vm1, $0xb8;
	[tilespmem:$0x18180] =	vst v63  }
0x368: {  	s25 =	simm.s32 $0x14980  }
0x369: {  	[tilespmem:s25], [sflag:$0x3] =	stream.indirect_vreg.gather [hbm4b:s30+s3], $0x80, v3, vm1, $0xb8;
	[tilespmem:$0x18180] =	vst v63  }
0x36a: {  	s25 =	simm.s32 $0x15180  }
0x36b: {  	[tilespmem:s25], [sflag:$0x3] =	stream.indirect_vreg.gather [hbm4b:s31+s3], $0x80, v3, vm1, $0xb8;
	[tilespmem:$0x18180] =	vst v63  }
0x36c: {  	s25 =	simm.s32 $0x15980  }
0x36d: {  	[tilespmem:s25], [sflag:$0x3] =	stream.indirect_vreg.gather [hbm4b:s0+s3], $0x80, v3, vm1, $0xb8;
	[tilespmem:$0x18180] =	vst v63  }
0x36e: {  	s25 =	simm.s32 $0x16180  }
0x36f: {  	[tilespmem:s25], [sflag:$0x3] =	stream.indirect_vreg.gather [hbm4b:s1+s3], $0x80, v3, vm1, $0xb8;
	[tilespmem:$0x18180] =	vst v63  }
0x370: {  	s25 =	simm.s32 $0x16980  }
0x371: {  	[tilespmem:s25], [sflag:$0x3] =	stream.indirect_vreg.gather [hbm4b:s6+s3], $0x80, v3, vm1, $0xb8;
	[tilespmem:$0x18180] =	vst v63  }
0x372: {  	s25 =	simm.s32 $0x17180  }
0x373: {  	[tilespmem:s25], [sflag:$0x3] =	stream.indirect_vreg.gather [hbm4b:s8+s3], $0x80, v3, vm1, $0xb8;
	[tilespmem:$0x18180] =	vst v63  }
0x374: {  	s25 =	simm.s32 $0x17980  }
0x375: {  	[tilespmem:s25], [sflag:$0x3] =	stream.indirect_vreg.gather [hbm4b:s9+s3], $0x80, v3, vm1, $0xb8;
	[tilespmem:$0x18180] =	vst v63  }
0x376: {  	_ =	swait.ge [sflag:s13], $0x8000  }
0x377: {  	[sflag:s13] =	ssyncset.done $0x0  }
0x378: {  	s25 =	rddreg [dreg:$0x17];
	[sflag:s13] =	ssyncadd.s32 $0xFFFF8000  }
0x379: {  	[hbm4b:s25+s3] =	stream.linear.scatter [tilespmem:s28], [sflag:$0x4], $0x8000, $0x38;
	[tilespmem:$0x18180] =	vst v63  }
0x37a: {  	_ =	swait.ge [sflag:s12], $0x8000  }
0x37b: {  	[sflag:s12] =	ssyncset.done $0x0  }
0x37c: {  	[sflag:s12] =	ssyncadd.s32 $0xFFFF8000  }
0x37d: {  	v3 =	vld [tilespmem:$0x90];
	_ =	sdelay $0x4  }
0x37e: {  	v63 =	vshll.u32 v3, $0x4  }
0x37f: {  	v3 =	vand.u32 $0x7, v3;
	v4 =	vand.u32 $0xFFFFFF80, v63  }
0x380: {  	v3 =	vor.u32 v3, v4  }
0x381: {  	v4 =	vperm.xlane v3, v0;
	_ =	sdelay $0x1  }
0x382: {  	v4 =	vadd.s32 v1, v4;
	_ =	sdelay $0x4  }
0x383: {  	[tilespmem:s28], [sflag:$0x1] =	stream.indirect_vreg.gather [hbm4b:s2+s3], $0x80, v4, vm1, $0xb8;
	[tilespmem:$0x18180] =	vst v63  }
0x384: {  	s10 =	simm.s32 $0x980  }
0x385: {  	[tilespmem:s10], [sflag:$0x1] =	stream.indirect_vreg.gather [hbm4b:s30+s3], $0x80, v4, vm1, $0xb8;
	[tilespmem:$0x18180] =	vst v63  }
0x386: {  	s18 =	simm.s32 $0x1180  }
0x387: {  	[tilespmem:s18], [sflag:$0x1] =	stream.indirect_vreg.gather [hbm4b:s31+s3], $0x80, v4, vm1, $0xb8;
	[tilespmem:$0x18180] =	vst v63  }
0x388: {  	s20 =	simm.s32 $0x1980  }
0x389: {  	[tilespmem:s20], [sflag:$0x1] =	stream.indirect_vreg.gather [hbm4b:s0+s3], $0x80, v4, vm1, $0xb8;
	[tilespmem:$0x18180] =	vst v63  }
0x38a: {  	s18 =	simm.s32 $0x2180  }
0x38b: {  	[tilespmem:s18], [sflag:$0x1] =	stream.indirect_vreg.gather [hbm4b:s1+s3], $0x80, v4, vm1, $0xb8;
	[tilespmem:$0x18180] =	vst v63  }
0x38c: {  	v3 =	vperm.xlane v3, v2;
	s20 =	simm.s32 $0x2980  }
0x38d: {  	[tilespmem:s20], [sflag:$0x1] =	stream.indirect_vreg.gather [hbm4b:s6+s3], $0x80, v4, vm1, $0xb8;
	[tilespmem:$0x18180] =	vst v63  }
0x38e: {  	s22 =	simm.s32 $0x3180;
	v3 =	vadd.s32 v1, v3  }
0x38f: {  	[tilespmem:s22], [sflag:$0x1] =	stream.indirect_vreg.gather [hbm4b:s8+s3], $0x80, v4, vm1, $0xb8;
	[tilespmem:$0x18180] =	vst v63  }
0x390: {  	s24 =	simm.s32 $0x3980  }
0x391: {  	[tilespmem:s24], [sflag:$0x1] =	stream.indirect_vreg.gather [hbm4b:s9+s3], $0x80, v4, vm1, $0xb8;
	[tilespmem:$0x18180] =	vst v63  }
0x392: {  	s26 =	simm.s32 $0x4180  }
0x393: {  	[tilespmem:s26], [sflag:$0x1] =	stream.indirect_vreg.gather [hbm4b:s2+s3], $0x80, v3, vm1, $0xb8;
	[tilespmem:$0x18180] =	vst v63  }
0x394: {  	s5 =	simm.s32 $0x4980  }
0x395: {  	[tilespmem:s5], [sflag:$0x1] =	stream.indirect_vreg.gather [hbm4b:s30+s3], $0x80, v3, vm1, $0xb8;
	[tilespmem:$0x18180] =	vst v63  }
0x396: {  	s4 =	simm.s32 $0x5180  }
0x397: {  	[tilespmem:s4], [sflag:$0x1] =	stream.indirect_vreg.gather [hbm4b:s31+s3], $0x80, v3, vm1, $0xb8;
	[tilespmem:$0x18180] =	vst v63  }
0x398: {  	s16 =	simm.s32 $0x5980  }
0x399: {  	[tilespmem:s16], [sflag:$0x1] =	stream.indirect_vreg.gather [hbm4b:s0+s3], $0x80, v3, vm1, $0xb8;
	[tilespmem:$0x18180] =	vst v63  }
0x39a: {  	s17 =	simm.s32 $0x6180  }
0x39b: {  	[tilespmem:s17], [sflag:$0x1] =	stream.indirect_vreg.gather [hbm4b:s1+s3], $0x80, v3, vm1, $0xb8;
	[tilespmem:$0x18180] =	vst v63  }
0x39c: {  	s19 =	simm.s32 $0x6980  }
0x39d: {  	[tilespmem:s19], [sflag:$0x1] =	stream.indirect_vreg.gather [hbm4b:s6+s3], $0x80, v3, vm1, $0xb8;
	[tilespmem:$0x18180] =	vst v63  }
0x39e: {  	s21 =	simm.s32 $0x7180  }
0x39f: {  	[tilespmem:s21], [sflag:$0x1] =	stream.indirect_vreg.gather [hbm4b:s8+s3], $0x80, v3, vm1, $0xb8;
	[tilespmem:$0x18180] =	vst v63  }
0x3a0: {  	s22 =	simm.s32 $0x7980  }
0x3a1: {  	[tilespmem:s22], [sflag:$0x1] =	stream.indirect_vreg.gather [hbm4b:s9+s3], $0x80, v3, vm1, $0xb8;
	[tilespmem:$0x18180] =	vst v63  }
0x3a2: {  	_ =	swait.ge [sflag:s7], $0x8000  }
0x3a3: {  	[sflag:s7] =	ssyncset.done $0x0  }
0x3a4: {  	s24 =	rddreg [dreg:$0x18];
	[sflag:s7] =	ssyncadd.s32 $0xFFFF8000  }
0x3a5: {  	[hbm4b:s24+s3] =	stream.linear.scatter [tilespmem:s23], [sflag:$0x4], $0x8000, $0x38;
	[tilespmem:$0x18180] =	vst v63  }
0x3a6: {  	_ =	swait.ge [sflag:s12], $0x8000  }
0x3a7: {  	[sflag:s12] =	ssyncset.done $0x0  }
0x3a8: {  	[sflag:s12] =	ssyncadd.s32 $0xFFFF8000  }
0x3a9: {  	_ =	swait.ge [sflag:s15], $0x8000  }
0x3aa: {  	[sflag:s15] =	ssyncset.done $0x0  }
0x3ab: {  	s25 =	rddreg [dreg:$0x19];
	[sflag:s15] =	ssyncadd.s32 $0xFFFF8000  }
0x3ac: {  	[hbm4b:s25+s3] =	stream.linear.scatter [tilespmem:s14], [sflag:$0x4], $0x8000, $0x38;
	[tilespmem:$0x18180] =	vst v63  }
0x3ad: {  	_ =	swait.ge [sflag:s12], $0x8000  }
0x3ae: {  	[sflag:s12] =	ssyncset.done $0x0  }
0x3af: {  	[sflag:s12] =	ssyncadd.s32 $0xFFFF8000  }
0x3b0: {  	_ =	swait.ge [sflag:s13], $0x8000  }
0x3b1: {  	[sflag:s13] =	ssyncset.done $0x0  }
.Ltmp4:
0x3b2: {  	s26 =	rddreg [dreg:$0x1a];
	[sflag:s13] =	ssyncadd.s32 $0xFFFF8000;
	(pc) =	sbr.rel .LBB2_5-.Ltmp4, $4  }
0x3b3: {  	[hbm4b:s26+s3] =	stream.linear.scatter [tilespmem:s28], [sflag:$0x4], $0x8000, $0x38;
	[tilespmem:$0x18180] =	vst v63  }
0x3b4: {  	_ =	swait.ge [sflag:s12], $0x8000  }
0x3b5: {  	[sflag:s12] =	ssyncset.done $0x0  }
0x3b6: {  	[sflag:s12] =	ssyncadd.s32 $0xFFFF8000  }
.LBB2_6:
0x3b7: {  	_ =	sfence.sel $0x180000  }
0x3b8: {  	[bflag:$0x0] =	sbarrier.arrive $0xFFFF  }
0x3b9: {  	_ =	strace $0x9000004A  }
0x3ba: {  	s0 =	stileid.u32;
	[bflag:$0x2] =	sbarrier.arrive $0xFFFF  }
0x3bb: {  	p0 =	sne.s32 s0, $0x0;
	s0 =	rddreg [dreg:$0x2]  }
0x3bc: {  	s0 =	sadd.s32 @!p0 $0x100000, s0  }
0x3bd: {  	[sflag:s0] =	ssyncadd.tile.s32 @!p0 $0x1;
	_ =	shalt  }
.Lfunc_end2:
_tile_overlayer_lowered:
.L_overlay_start_2:
0x3be: {  	(tag) =	ssettag $0x2  }
0x3bf: {  	s0 =	rddreg [dreg:$0x0];
	s2 =	stileid.u32  }
0x3c0: {  	s1 =	rddreg [dreg:$0x1];
	p0 =	sne.s32 s2, $0x0  }
0x3c1: {  	s3 =	rddreg [dreg:$0x2];
	[bflag:$0x3] =	sbarrier.arrive $0xFFFF;
	s2 =	simm.s32 @!p0 $0x1C04  }
0x3c2: {  	[timem:s3], [sflag:s2] =	dma.local @!p0 [hbm:s0], s1  }
0x3c3: {  	s0 =	simm.s32 @!p0 $0x4  }
0x3c4: {  	_ =	swait.ge @!p0 [sflag:s0], s1  }
0x3c5: {  	s1 =	ssub.s32 @!p0 $0x0, s1;
	[sflag:s0] =	ssyncset.done @!p0 $0x0  }
0x3c6: {  	[sflag:s0] =	ssyncadd.s32 @!p0 s1  }
0x3c7: {  	[bflag:$0x3] =	sbarrier.arrive $0xFFFF  }
0x3c8: {  	_ =	shalt  }

// kernel: kernel.13.cloned.1.call-start
scs
__scs_entry_jumppad:
0x0: {  	(pc) =	sbr.rel $0x88, $3  }
0x1: {  	(tag) =	ssettag $0x0;
	lr =	simm.s32 $0x1  }
0x2: {  	[smem:$0x3F9A] =	sst lr;
	_ =	strace $0xD0000000  }
0x3: {  	_ = 	snop  }
0x4: {  	_ = 	snop  }
0x5: {  	_ = 	snop  }
0x6: {  	_ = 	snop  }
0x7: {  	_ = 	snop  }
__scs_overlays_trampoline_lowered:
0x8: {  	[smem:$0x3FA9] =	sst s0  }
0x9: {  	[smem:$0x3FAA] =	sst s1  }
0xa: {  	[smem:$0x3FAB] =	sst s2  }
0xb: {  	[smem:$0x3FAC] =	sst s3  }
0xc: {  	[smem:$0x3FAD] =	sst s4  }
0xd: {  	[smem:$0x3FAE] =	sst s5  }
0xe: {  	[smem:$0x3FAF] =	sst s6  }
0xf: {  	[smem:$0x3FB0] =	sst s7  }
0x10: {  	[smem:$0x3FB1] =	sst s8  }
0x11: {  	[smem:$0x3FB2] =	sst s9;
	s0 =	simm.s32 @!p0 $0x0  }
0x12: {  	s1 =	sld [smem:$0x3F98];
	s0 =	simm.s32 @p0 $0x1  }
0x13: {  	[smem:$0x3FB3] =	sst s0;
	s0 =	simm.s32 @!p1 $0x0  }
0x14: {  	s2 =	sld [smem:$0x3F97];
	s0 =	simm.s32 @p1 $0x1  }
0x15: {  	[smem:$0x3FB4] =	sst s0;
	s0 =	simm.s32 @!p2 $0x0  }
0x16: {  	s3 =	sld [smem:$0x3FDB];
	s0 =	simm.s32 @p2 $0x1  }
0x17: {  	s4 =	simm.s32 $0x1BF5;
	[smem:$0x3FB6] =	sst s0  }
0x18: {  	s0 =	sld [smem:$0x3F99];
	_ =	swait.ge [sflag:s4], $0x0  }
0x19: {  	s7 =	sld [smem:$0x3F9A]  }
0x1a: {  	s8 =	sadd.s32 $0xFFFFE003, lr  }
0x1b: {  	s9 =	sadd.s32 $0xFFFFFEF7, lr;
	s5 =	simm.s32 $0xFFFFFFFF;
	p2 =	slt.u32 s8, $0xFFFFF086  }
0x1c: {  	p1 =	slt.u32 s9, $0xF7A;
	s5 =	simm.s32 @!p2 $0x0  }
0x1d: {  	s5 =	simm.s32 @p1 $0x1;
	p0 =	seq.s32 s7, s2  }
0x1e: {  	s7 =	smul.u32 @!p0 $0xF7A, s2;
	p2 =	seq.s32 @!p0 s5, $0x0  }
0x1f: {  	s9 =	smul.u32 $0xF7A, s1;
	s8 =	simm.s32 @!p0 $0x1BF5;
	p2 =	por !p2, p0  }
0x20: {  	[sflag:s8] =	ssyncset.s32 @!p0 $0xFFFFF086;
	s6 =	sadd.s32 @!p0 s3, s7;
	s7 =	simm.s32 @!p0 $0x108  }
0x21: {  	s3 =	sadd.s32 s3, s9;
	s6 =	sadd.s32 @!p0 $0x88, s6;
	s7 =	simm.s32 @p2 $0x1082  }
0x22: {  	[simem:s7], [sflag:s8] =	dma.local @!p0 [hbm:s6], $0xF7A  }
0x23: {  	s9 =	sor.u32 $0xD0000000, s2;
	s6 =	simm.s32 $0x108;
	_ =	swait.ge @!p0 [sflag:s8], $0x0  }
0x24: {  	s3 =	sadd.s32 $0x88, s3;
	s6 =	simm.s32 @!p1 $0x1082;
	[sflag:s4] =	ssyncset.s32 $0xFFFFF086  }
0x25: {  	[simem:s6], [sflag:s4] =	dma.local [hbm:s3], $0xF7A  }
0x26: {  	[smem:$0x3F9A] =	sst s1;
	(tag) =	ssettag s2;
	_ =	strace s9  }
0x27: {  	s1 =	sld [smem:$0x3FAA]  }
0x28: {  	s2 =	sld [smem:$0x3FAB]  }
0x29: {  	s4 =	sld [smem:$0x3FAD]  }
0x2a: {  	p0 =	seq.s32 s5, $0x0;
	s5 =	sld [smem:$0x3FAE]  }
0x2b: {  	s6 =	sld [smem:$0x3FAF]  }
0x2c: {  	s7 =	sld [smem:$0x3FB0]  }
0x2d: {  	s3 =	simm.s32 $0x108;
	s8 =	sld [smem:$0x3FB1]  }
0x2e: {  	s3 =	simm.s32 @!p0 $0x1082;
	s9 =	sld [smem:$0x3FB2]  }
0x2f: {  	lr =	sadd.s32 s0, s3;
	s0 =	sld [smem:$0x3FA9]  }
0x30: {  	s3 =	sld [smem:$0x3FAC]  }
0x31: {  	[smem:$0x3FB5] =	sst s10  }
0x32: {  	s10 =	sld [smem:$0x3FB3];
	_ =	sdelay $0x3  }
0x33: {  	p0 =	seq.s32 s10, $0x1;
	s10 =	sld [smem:$0x3FB5];
	_ =	sdelay $0x3  }
0x34: {  	[smem:$0x3FB5] =	sst s10  }
0x35: {  	s10 =	sld [smem:$0x3FB4];
	_ =	sdelay $0x3  }
0x36: {  	p1 =	seq.s32 s10, $0x1;
	s10 =	sld [smem:$0x3FB5];
	_ =	sdelay $0x3  }
0x37: {  	[smem:$0x3FB5] =	sst s10  }
0x38: {  	s10 =	sld [smem:$0x3FB6]  }
0x39: {  	_ = 	snop;
	(pc) =	sbr.ind lr, $3  }
0x3a: {  	_ = 	snop  }
0x3b: {  	_ = 	snop  }
0x3c: {  	p2 =	seq.s32 s10, $0x1;
	s10 =	sld [smem:$0x3FB5]  }
0x3d: {  	_ =	shalt  }
0x3e: {  	_ =	shalt  }
0x3f: {  	_ =	shalt  }
0x40: {  	_ =	shalt  }
0x41: {  	_ =	shalt  }
0x42: {  	_ =	shalt  }
0x43: {  	_ =	shalt  }
0x44: {  	_ =	shalt  }
0x45: {  	_ =	shalt  }
0x46: {  	_ =	shalt  }
0x47: {  	_ =	shalt  }
0x48: {  	_ =	shalt  }
0x49: {  	_ =	shalt  }
0x4a: {  	_ =	shalt  }
0x4b: {  	_ =	shalt  }
0x4c: {  	_ =	shalt  }
0x4d: {  	_ =	shalt  }
0x4e: {  	_ =	shalt  }
0x4f: {  	_ =	shalt  }
0x50: {  	_ =	shalt  }
0x51: {  	_ =	shalt  }
0x52: {  	_ =	shalt  }
0x53: {  	_ =	shalt  }
0x54: {  	_ =	shalt  }
0x55: {  	_ =	shalt  }
0x56: {  	_ =	shalt  }
0x57: {  	_ =	shalt  }
0x58: {  	_ =	shalt  }
0x59: {  	_ =	shalt  }
0x5a: {  	_ =	shalt  }
0x5b: {  	_ =	shalt  }
0x5c: {  	_ =	shalt  }
0x5d: {  	_ =	shalt  }
0x5e: {  	_ =	shalt  }
0x5f: {  	_ =	shalt  }
0x60: {  	_ =	shalt  }
0x61: {  	_ =	shalt  }
0x62: {  	_ =	shalt  }
0x63: {  	_ =	shalt  }
0x64: {  	_ =	shalt  }
0x65: {  	_ =	shalt  }
0x66: {  	_ =	shalt  }
0x67: {  	_ =	shalt  }
0x68: {  	_ =	shalt  }
0x69: {  	_ =	shalt  }
0x6a: {  	_ =	shalt  }
0x6b: {  	_ =	shalt  }
0x6c: {  	_ =	shalt  }
0x6d: {  	_ =	shalt  }
0x6e: {  	_ =	shalt  }
0x6f: {  	_ =	shalt  }
0x70: {  	_ =	shalt  }
0x71: {  	_ =	shalt  }
0x72: {  	_ =	shalt  }
0x73: {  	_ =	shalt  }
0x74: {  	_ =	shalt  }
0x75: {  	_ =	shalt  }
0x76: {  	_ =	shalt  }
0x77: {  	_ =	shalt  }
0x78: {  	_ =	shalt  }
0x79: {  	_ =	shalt  }
0x7a: {  	_ =	shalt  }
0x7b: {  	_ =	shalt  }
0x7c: {  	_ =	shalt  }
0x7d: {  	_ =	shalt  }
0x7e: {  	_ =	shalt  }
0x7f: {  	_ =	shalt  }
0x80: {  	_ =	shalt  }
0x81: {  	_ =	shalt  }
0x82: {  	_ =	shalt  }
0x83: {  	_ =	shalt  }
0x84: {  	_ =	shalt  }
0x85: {  	_ =	shalt  }
0x86: {  	_ =	shalt  }
0x87: {  	_ =	shalt  }
.Lfunc_end0:
.L_simem_size_0:
called_computation.2_lowered:
.L_overlay_start_0:
0x88: {  	s2 =	sld [smem:$0x3FD9]  }
0x89: {  	s3 =	sld [smem:$0x3FFE];
	_ =	sdelay $0x1  }
0x8a: {  	s1 =	srdreg.scid  }
0x8b: {  	s0 =	sand.u32 $0x1, s1  }
0x8c: {  	s17 =	sshll.u32 s0, $0xA;
	s2 =	sadd.s32 s3, s2  }
0x8d: {  	s2 =	sadd.s32 s2, s17  }
0x8e: {  	[smem:$0x3FC1] =	sst s2  }
0x8f: {  	_ = 	snop  }
0x90: {  	s2 =	sld [smem:$0x3FD0];
	(tm) =	ssettm $0x1  }
0x91: {  	s18 =	sld [smem:$0x3FFB];
	_ =	sdelay $0x3  }
0x92: {  	_ =	strace s18  }
0x93: {  	s3 =	sld [smem:$0x3FFC];
	_ =	sdelay $0x3  }
0x94: {  	_ =	strace s3  }
0x95: {  	s3 =	sld [smem:$0x3FFD];
	_ =	sdelay $0x3  }
0x96: {  	_ =	strace s3  }
0x97: {  	_ =	strace $0x8FFFFFFF  }
0x98: {  	s19 =	sld [smem:$0x3FDB];
	_ =	sdelay $0x1  }
0x99: {  	s4 =	simm.s32 $_scs_section_size  }
0x9a: {  	s5 =	simm.s32 $_size__tile_overlayer_lowered;
	s6 =	simm.s32 $_tile_overlayer_lowered  }
0x9b: {  	s22 =	simm.s32 $0x1BFF;
	s21 =	sshll.u32 s6, $0x1;
	s3 =	sadd.s32 s4, s19  }
0x9c: {  	s7 =	simm.s32 $0x0;
	s20 =	sshll.u32 s5, $0x1;
	s5 =	sadd.s32 s21, s3  }
0x9d: {  	[timem:s7], [sflag:s22] =	dma.local [hbm:s5], s20  }
0x9e: {  	_ =	swait.ge [sflag:s22], s20  }
0x9f: {  	s4 =	ssub.s32 $0x0, s20;
	[sflag:s22] =	ssyncset.done $0x0  }
0xa0: {  	[sflag:s22] =	ssyncadd.s32 s4;
	_ =	sdelay $0x1  }
0xa1: {  	s23 =	simm.s32 $0x1B8B  }
0xa2: {  	_ =	swait.ge [sflag:s23], $0x1  }
0xa3: {  	[sflag:s23] =	ssyncset.done $0x0  }
0xa4: {  	s25 =	simm.s32 $0x1B8E;
	s24 =	sld [smem:$0x3FFE];
	[sflag:s23] =	ssyncadd.s32 $0xFFFFFFFF  }
0xa5: {  	s26 =	simm.s32 $execute0_lowered;
	[smem:$0x3FD2] =	sst s25  }
0xa6: {  	s5 =	sshll.u32 s26, $0x1;
	_ =	strace $0x8000004C;
	[dreg:$0x1] =	wrdreg $0xFFFFFFFF  }
0xa7: {  	s28 =	simm.s32 $_size_execute0_lowered;
	s3 =	sadd.s32 s3, s5;
	[dreg:$0x0] =	wrdreg $0x0  }
0xa8: {  	s5 =	sshll.u32 s28, $0x1;
	[dreg:$0x2] =	wrdreg s3  }
0xa9: {  	[dreg:$0x3] =	wrdreg s5  }
0xaa: {  	[dreg:$0x4] =	wrdreg $0xC0  }
0xab: {  	_ =	task [dreg:s7], $0x5FFFF  }
0xac: {  	[dreg:$0x1] =	wrdreg $0xFFFFFFFF  }
0xad: {  	[dreg:$0x0] =	wrdreg $0x60  }
0xae: {  	[dreg:$0x2] =	wrdreg s24  }
0xaf: {  	[dreg:$0x3] =	wrdreg s2  }
0xb0: {  	[dreg:$0x4] =	wrdreg $0x9  }
0xb1: {  	_ =	task.clear_ibuf [dreg:s7], $0x5FFFF;
	_ =	strace $0x9000004C  }
0xb2: {  	s29 =	simm.s32 $0x9;
	_ =	strace $0x8000004E  }
0xb3: {  	_ =	swait.ge [sflag:s29], $0x1  }
0xb4: {  	[sflag:s29] =	ssyncadd.s32 $0xFFFFFFFF  }
0xb5: {  	_ =	strace $0x9000004E  }
0xb6: {  	_ =	sfence  }
0xb7: {  	s30 =	sld [smem:$0x0];
	_ =	sdelay $0x2  }
0xb8: {  	s31 =	sshll.u32 s1, $0xD;
	s1 =	sshrl.u32 s1, $0x2  }
0xb9: {  	s3 =	sand.u32 $0x4000, s31;
	s1 =	sadd.s32 s1, s30  }
0xba: {  	s0 =	sor.u32 s3, s0;
	s1 =	sshll.u32 s1, $0x11  }
0xbb: {  	s0 =	sor.u32 s1, s0  }
0xbc: {  	s0 =	sadd.s32 $0x8F2B, s0  }
0xbd: {  	[sflag:s0] =	ssyncadd.remote.s32 $0x1  }
0xbe: {  	_ =	sfence.sel $0xFFFF  }
0xbf: {  	[dreg:$0x0] =	wrdreg $0xFFFFFFFF;
	(pc) =	sbr.abs _section_cstart, $3  }
0xc0: {  	[dreg:$0x1] =	wrdreg $0xFFFFFFFF  }
0xc1: {  	_ =	task.clear_ibuf [dreg:s7], $0x2FFFF;
	_ =	strace $0x9FFFFFFF  }
0xc2: {  	(tm) =	ssettm $0x7FFFFFFF  }
0xc3: {  	_ =	shalt  }
tec
execute0_lowered:
.L_overlay_start_1:
0x0: {  	(tag) =	ssettag $0x1  }
0x1: {  	s0 =	rddreg [dreg:$0x0]  }
0x2: {  	s1 =	rddreg [dreg:$0x1];
	s2 =	simm.s32 $0x0;
	s3 =	srdreg.scid  }
0x3: {  	s6 =	stileid.u32;
	s14 =	simm.s32 $0x80;
	[smem:$0x7FF] =	sst s2  }
0x4: {  	s4 =	sand.u32 $0x1, s3;
	s6 =	sshll.u32 s6, $0x1;
	s3 =	sadd.s32 $0x282800, s0  }
0x5: {  	s22 =	sadd.s32 $0x1E00, s0;
	s11 =	sadd.s32 $0x282F00, s0;
	s5 =	ssub.s32 $0x2, s4  }
0x6: {  	_ =	strace $0x8000004D;
	s4 =	sor.u32 s4, s6;
	s7 =	sshrl.u32 s5, $0x1  }
0x7: {  	s23 =	sshll.u32 s4, $0x3;
	s8 =	sshll.u32 s4, $0x6;
	s9 =	sshll.u32 s4, $0xE  }
0x8: {  	s4 =	sadd.s32 $0x282900, s0;
	s12 =	ssub.s32 s5, s7;
	s24 =	sadd.s32 s22, s23  }
0x9: {  	s5 =	sadd.s32 $0x282A00, s0;
	s13 =	sadd.s32 s1, s9;
	[dreg:$0x3] =	wrdreg s24  }
0xa: {  	s7 =	sadd.s32 $0x282B00, s0;
	s9 =	sadd.s32 $0x1000, s13;
	[dreg:$0xc] =	wrdreg s13  }
0xb: {  	s8 =	sor.u32 $0x800, s8;
	s25 =	sadd.s32 $0x2000, s13;
	[dreg:$0x4] =	wrdreg s9  }
0xc: {  	s26 =	sadd.s32 $0x3000, s13;
	s10 =	sshrl.u32 s8, $0x3;
	[dreg:$0x5] =	wrdreg s25  }
0xd: {  	s28 =	sshll.u32 s8, $0x8;
	s29 =	sadd.s32 $0x81000, s13;
	[dreg:$0x6] =	wrdreg s26  }
0xe: {  	s8 =	sadd.s32 $0x282C00, s0;
	s30 =	sadd.s32 $0x82000, s13;
	[dreg:$0x9] =	wrdreg s29  }
0xf: {  	s31 =	sadd.s32 $0x83000, s13;
	s12 =	smax.u32 s12, $0x1;
	[dreg:$0xa] =	wrdreg s30  }
0x10: {  	v2 =	vlaneseq.u32;
	s13 =	simm.s32 $0x4;
	s6 =	sadd.s32 s22, s10;
	[dreg:$0xb] =	wrdreg s31  }
0x11: {  	vm0 =	vmmov $0xffff;
	v1 =	vshrl.u32 v2, $0x3;
	s1 =	sadd.s32 s1, s28;
	s9 =	sadd.s32 $0x282D00, s0;
	[dreg:$0x7] =	wrdreg s6  }
0x12: {  	v0 =	vand.u32 $0x7, v2;
	v2 =	vor.u32 $0x8, v2;
	v1 =	vmul.u32 $0x8, v1;
	s10 =	sadd.s32 $0x282E00, s0;
	[dreg:$0x8] =	wrdreg s1;
	s6 =	simm.s32 $0x1  }
.LBB2_1:
0x13: {  	s16 =	rddreg [dreg:$0x3]  }
0x14: {  	[tilespmem:s2], [sflag:$0x4] =	stream.linear.gather [hbm4b:s16+s2], $0x40, $0x38;
	[tilespmem:$0x18080] =	vst v63  }
0x15: {  	_ =	swait.ge [sflag:s13], $0x40  }
0x16: {  	[sflag:s13] =	ssyncset.done $0x0  }
0x17: {  	[sflag:s13] =	ssyncadd.s32 $0xFFFFFFC0  }
0x18: {  	v3 =	vld [tilespmem:$0x0];
	_ =	sdelay $0x4  }
0x19: {  	v4 =	vshll.u32 v3, $0x4  }
0x1a: {  	v3 =	vand.u32 $0x7, v3;
	v4 =	vand.u32 $0xFFFFFF80, v4  }
0x1b: {  	v3 =	vor.u32 v3, v4  }
0x1c: {  	v4 =	vperm.xlane v3, v0;
	_ =	sdelay $0x1  }
0x1d: {  	v4 =	vadd.s32 v1, v4;
	_ =	sdelay $0x4  }
0x1e: {  	[tilespmem:s14], [sflag:$0x1] =	stream.indirect_vreg.gather [hbm4b:s3+s2], $0x80, v4, vm0, $0xb8;
	[tilespmem:$0x18080] =	vst v63  }
0x1f: {  	s0 =	simm.s32 $0x880  }
0x20: {  	[tilespmem:s0], [sflag:$0x1] =	stream.indirect_vreg.gather [hbm4b:s4+s2], $0x80, v4, vm0, $0xb8;
	[tilespmem:$0x18080] =	vst v63  }
0x21: {  	s29 =	simm.s32 $0x1080  }
0x22: {  	[tilespmem:s29], [sflag:$0x1] =	stream.indirect_vreg.gather [hbm4b:s5+s2], $0x80, v4, vm0, $0xb8;
	[tilespmem:$0x18080] =	vst v63  }
0x23: {  	s30 =	simm.s32 $0x1880  }
0x24: {  	[tilespmem:s30], [sflag:$0x1] =	stream.indirect_vreg.gather [hbm4b:s7+s2], $0x80, v4, vm0, $0xb8;
	[tilespmem:$0x18080] =	vst v63  }
0x25: {  	s31 =	simm.s32 $0x2080  }
0x26: {  	[tilespmem:s31], [sflag:$0x1] =	stream.indirect_vreg.gather [hbm4b:s8+s2], $0x80, v4, vm0, $0xb8;
	[tilespmem:$0x18080] =	vst v63  }
0x27: {  	s15 =	simm.s32 $0x2880;
	v3 =	vperm.xlane v3, v2  }
0x28: {  	[tilespmem:s15], [sflag:$0x1] =	stream.indirect_vreg.gather [hbm4b:s9+s2], $0x80, v4, vm0, $0xb8;
	[tilespmem:$0x18080] =	vst v63  }
0x29: {  	s16 =	simm.s32 $0x3080;
	v3 =	vadd.s32 v1, v3  }
0x2a: {  	[tilespmem:s16], [sflag:$0x1] =	stream.indirect_vreg.gather [hbm4b:s10+s2], $0x80, v4, vm0, $0xb8;
	[tilespmem:$0x18080] =	vst v63  }
0x2b: {  	s18 =	simm.s32 $0x3880  }
0x2c: {  	[tilespmem:s18], [sflag:$0x1] =	stream.indirect_vreg.gather [hbm4b:s11+s2], $0x80, v4, vm0, $0xb8;
	[tilespmem:$0x18080] =	vst v63  }
0x2d: {  	s19 =	simm.s32 $0x4080  }
0x2e: {  	[tilespmem:s19], [sflag:$0x1] =	stream.indirect_vreg.gather [hbm4b:s3+s2], $0x80, v3, vm0, $0xb8;
	[tilespmem:$0x18080] =	vst v63  }
0x2f: {  	s20 =	simm.s32 $0x4880  }
0x30: {  	[tilespmem:s20], [sflag:$0x1] =	stream.indirect_vreg.gather [hbm4b:s4+s2], $0x80, v3, vm0, $0xb8;
	[tilespmem:$0x18080] =	vst v63  }
0x31: {  	s21 =	simm.s32 $0x5080  }
0x32: {  	[tilespmem:s21], [sflag:$0x1] =	stream.indirect_vreg.gather [hbm4b:s5+s2], $0x80, v3, vm0, $0xb8;
	[tilespmem:$0x18080] =	vst v63  }
0x33: {  	s22 =	simm.s32 $0x5880  }
0x34: {  	[tilespmem:s22], [sflag:$0x1] =	stream.indirect_vreg.gather [hbm4b:s7+s2], $0x80, v3, vm0, $0xb8;
	[tilespmem:$0x18080] =	vst v63  }
0x35: {  	s23 =	simm.s32 $0x6080  }
0x36: {  	[tilespmem:s23], [sflag:$0x1] =	stream.indirect_vreg.gather [hbm4b:s8+s2], $0x80, v3, vm0, $0xb8;
	[tilespmem:$0x18080] =	vst v63  }
0x37: {  	s24 =	simm.s32 $0x6880  }
0x38: {  	[tilespmem:s24], [sflag:$0x1] =	stream.indirect_vreg.gather [hbm4b:s9+s2], $0x80, v3, vm0, $0xb8;
	[tilespmem:$0x18080] =	vst v63  }
0x39: {  	s25 =	simm.s32 $0x7080  }
0x3a: {  	[tilespmem:s25], [sflag:$0x1] =	stream.indirect_vreg.gather [hbm4b:s10+s2], $0x80, v3, vm0, $0xb8;
	[tilespmem:$0x18080] =	vst v63  }
0x3b: {  	s26 =	simm.s32 $0x7880  }
0x3c: {  	[tilespmem:s26], [sflag:$0x1] =	stream.indirect_vreg.gather [hbm4b:s11+s2], $0x80, v3, vm0, $0xb8;
	[tilespmem:$0x18080] =	vst v63  }
0x3d: {  	v3 =	vld [tilespmem:$0x10];
	_ =	sdelay $0x4  }
0x3e: {  	v57 =	vshll.u32 v3, $0x4  }
0x3f: {  	v3 =	vand.u32 $0x7, v3;
	v4 =	vand.u32 $0xFFFFFF80, v57  }
0x40: {  	v3 =	vor.u32 v3, v4  }
0x41: {  	v4 =	vperm.xlane v3, v0;
	_ =	sdelay $0x1  }
0x42: {  	v4 =	vadd.s32 v1, v4;
	_ =	sdelay $0x3  }
0x43: {  	s15 =	simm.s32 $0x8080  }
0x44: {  	[tilespmem:s15], [sflag:$0x2] =	stream.indirect_vreg.gather [hbm4b:s3+s2], $0x80, v4, vm0, $0xb8;
	[tilespmem:$0x18080] =	vst v63  }
0x45: {  	s28 =	simm.s32 $0x8880  }
0x46: {  	[tilespmem:s28], [sflag:$0x2] =	stream.indirect_vreg.gather [hbm4b:s4+s2], $0x80, v4, vm0, $0xb8;
	[tilespmem:$0x18080] =	vst v63  }
0x47: {  	s29 =	simm.s32 $0x9080  }
0x48: {  	[tilespmem:s29], [sflag:$0x2] =	stream.indirect_vreg.gather [hbm4b:s5+s2], $0x80, v4, vm0, $0xb8;
	[tilespmem:$0x18080] =	vst v63  }
0x49: {  	s30 =	simm.s32 $0x9880  }
0x4a: {  	[tilespmem:s30], [sflag:$0x2] =	stream.indirect_vreg.gather [hbm4b:s7+s2], $0x80, v4, vm0, $0xb8;
	[tilespmem:$0x18080] =	vst v63  }
0x4b: {  	s31 =	simm.s32 $0xA080  }
0x4c: {  	[tilespmem:s31], [sflag:$0x2] =	stream.indirect_vreg.gather [hbm4b:s8+s2], $0x80, v4, vm0, $0xb8;
	[tilespmem:$0x18080] =	vst v63  }
0x4d: {  	s16 =	simm.s32 $0xA880;
	v3 =	vperm.xlane v3, v2  }
0x4e: {  	[tilespmem:s16], [sflag:$0x2] =	stream.indirect_vreg.gather [hbm4b:s9+s2], $0x80, v4, vm0, $0xb8;
	[tilespmem:$0x18080] =	vst v63  }
0x4f: {  	s18 =	simm.s32 $0xB080;
	v3 =	vadd.s32 v1, v3  }
0x50: {  	[tilespmem:s18], [sflag:$0x2] =	stream.indirect_vreg.gather [hbm4b:s10+s2], $0x80, v4, vm0, $0xb8;
	[tilespmem:$0x18080] =	vst v63  }
0x51: {  	s19 =	simm.s32 $0xB880  }
0x52: {  	[tilespmem:s19], [sflag:$0x2] =	stream.indirect_vreg.gather [hbm4b:s11+s2], $0x80, v4, vm0, $0xb8;
	[tilespmem:$0x18080] =	vst v63  }
0x53: {  	s20 =	simm.s32 $0xC080  }
0x54: {  	[tilespmem:s20], [sflag:$0x2] =	stream.indirect_vreg.gather [hbm4b:s3+s2], $0x80, v3, vm0, $0xb8;
	[tilespmem:$0x18080] =	vst v63  }
0x55: {  	s21 =	simm.s32 $0xC880  }
0x56: {  	[tilespmem:s21], [sflag:$0x2] =	stream.indirect_vreg.gather [hbm4b:s4+s2], $0x80, v3, vm0, $0xb8;
	[tilespmem:$0x18080] =	vst v63  }
0x57: {  	s22 =	simm.s32 $0xD080  }
0x58: {  	[tilespmem:s22], [sflag:$0x2] =	stream.indirect_vreg.gather [hbm4b:s5+s2], $0x80, v3, vm0, $0xb8;
	[tilespmem:$0x18080] =	vst v63  }
0x59: {  	s23 =	simm.s32 $0xD880  }
0x5a: {  	[tilespmem:s23], [sflag:$0x2] =	stream.indirect_vreg.gather [hbm4b:s7+s2], $0x80, v3, vm0, $0xb8;
	[tilespmem:$0x18080] =	vst v63  }
0x5b: {  	s24 =	simm.s32 $0xE080  }
0x5c: {  	[tilespmem:s24], [sflag:$0x2] =	stream.indirect_vreg.gather [hbm4b:s8+s2], $0x80, v3, vm0, $0xb8;
	[tilespmem:$0x18080] =	vst v63  }
0x5d: {  	s25 =	simm.s32 $0xE880  }
0x5e: {  	[tilespmem:s25], [sflag:$0x2] =	stream.indirect_vreg.gather [hbm4b:s9+s2], $0x80, v3, vm0, $0xb8;
	[tilespmem:$0x18080] =	vst v63  }
0x5f: {  	s26 =	simm.s32 $0xF080  }
0x60: {  	[tilespmem:s26], [sflag:$0x2] =	stream.indirect_vreg.gather [hbm4b:s10+s2], $0x80, v3, vm0, $0xb8;
	[tilespmem:$0x18080] =	vst v63  }
0x61: {  	s28 =	simm.s32 $0xF880  }
0x62: {  	[tilespmem:s28], [sflag:$0x2] =	stream.indirect_vreg.gather [hbm4b:s11+s2], $0x80, v3, vm0, $0xb8;
	[tilespmem:$0x18080] =	vst v63  }
0x63: {  	v3 =	vld [tilespmem:$0x20];
	_ =	sdelay $0x4  }
0x64: {  	v58 =	vshll.u32 v3, $0x4  }
0x65: {  	v3 =	vand.u32 $0x7, v3;
	v4 =	vand.u32 $0xFFFFFF80, v58  }
0x66: {  	v3 =	vor.u32 v3, v4  }
0x67: {  	v4 =	vperm.xlane v3, v0;
	_ =	sdelay $0x1  }
0x68: {  	v4 =	vadd.s32 v1, v4;
	_ =	sdelay $0x3  }
0x69: {  	s29 =	simm.s32 $0x10080  }
0x6a: {  	[tilespmem:s29], [sflag:$0x3] =	stream.indirect_vreg.gather [hbm4b:s3+s2], $0x80, v4, vm0, $0xb8;
	[tilespmem:$0x18080] =	vst v63  }
0x6b: {  	s30 =	simm.s32 $0x10880  }
0x6c: {  	[tilespmem:s30], [sflag:$0x3] =	stream.indirect_vreg.gather [hbm4b:s4+s2], $0x80, v4, vm0, $0xb8;
	[tilespmem:$0x18080] =	vst v63  }
0x6d: {  	s31 =	simm.s32 $0x11080  }
0x6e: {  	[tilespmem:s31], [sflag:$0x3] =	stream.indirect_vreg.gather [hbm4b:s5+s2], $0x80, v4, vm0, $0xb8;
	[tilespmem:$0x18080] =	vst v63  }
0x6f: {  	s15 =	simm.s32 $0x11880  }
0x70: {  	[tilespmem:s15], [sflag:$0x3] =	stream.indirect_vreg.gather [hbm4b:s7+s2], $0x80, v4, vm0, $0xb8;
	[tilespmem:$0x18080] =	vst v63  }
0x71: {  	s18 =	simm.s32 $0x12080  }
0x72: {  	[tilespmem:s18], [sflag:$0x3] =	stream.indirect_vreg.gather [hbm4b:s8+s2], $0x80, v4, vm0, $0xb8;
	[tilespmem:$0x18080] =	vst v63  }
0x73: {  	s19 =	simm.s32 $0x12880;
	v3 =	vperm.xlane v3, v2  }
0x74: {  	[tilespmem:s19], [sflag:$0x3] =	stream.indirect_vreg.gather [hbm4b:s9+s2], $0x80, v4, vm0, $0xb8;
	[tilespmem:$0x18080] =	vst v63  }
0x75: {  	s20 =	simm.s32 $0x13080;
	v3 =	vadd.s32 v1, v3  }
0x76: {  	[tilespmem:s20], [sflag:$0x3] =	stream.indirect_vreg.gather [hbm4b:s10+s2], $0x80, v4, vm0, $0xb8;
	[tilespmem:$0x18080] =	vst v63  }
0x77: {  	s21 =	simm.s32 $0x13880  }
0x78: {  	[tilespmem:s21], [sflag:$0x3] =	stream.indirect_vreg.gather [hbm4b:s11+s2], $0x80, v4, vm0, $0xb8;
	[tilespmem:$0x18080] =	vst v63  }
0x79: {  	s22 =	simm.s32 $0x14080  }
0x7a: {  	[tilespmem:s22], [sflag:$0x3] =	stream.indirect_vreg.gather [hbm4b:s3+s2], $0x80, v3, vm0, $0xb8;
	[tilespmem:$0x18080] =	vst v63  }
0x7b: {  	s23 =	simm.s32 $0x14880  }
0x7c: {  	[tilespmem:s23], [sflag:$0x3] =	stream.indirect_vreg.gather [hbm4b:s4+s2], $0x80, v3, vm0, $0xb8;
	[tilespmem:$0x18080] =	vst v63  }
0x7d: {  	s24 =	simm.s32 $0x15080  }
0x7e: {  	[tilespmem:s24], [sflag:$0x3] =	stream.indirect_vreg.gather [hbm4b:s5+s2], $0x80, v3, vm0, $0xb8;
	[tilespmem:$0x18080] =	vst v63  }
0x7f: {  	s25 =	simm.s32 $0x15880  }
0x80: {  	[tilespmem:s25], [sflag:$0x3] =	stream.indirect_vreg.gather [hbm4b:s7+s2], $0x80, v3, vm0, $0xb8;
	[tilespmem:$0x18080] =	vst v63  }
0x81: {  	s26 =	simm.s32 $0x16080  }
0x82: {  	[tilespmem:s26], [sflag:$0x3] =	stream.indirect_vreg.gather [hbm4b:s8+s2], $0x80, v3, vm0, $0xb8;
	[tilespmem:$0x18080] =	vst v63  }
0x83: {  	s28 =	simm.s32 $0x16880  }
0x84: {  	[tilespmem:s28], [sflag:$0x3] =	stream.indirect_vreg.gather [hbm4b:s9+s2], $0x80, v3, vm0, $0xb8;
	[tilespmem:$0x18080] =	vst v63  }
0x85: {  	s29 =	simm.s32 $0x17080  }
0x86: {  	[tilespmem:s29], [sflag:$0x3] =	stream.indirect_vreg.gather [hbm4b:s10+s2], $0x80, v3, vm0, $0xb8;
	[tilespmem:$0x18080] =	vst v63  }
0x87: {  	s30 =	simm.s32 $0x17880  }
0x88: {  	[tilespmem:s30], [sflag:$0x3] =	stream.indirect_vreg.gather [hbm4b:s11+s2], $0x80, v3, vm0, $0xb8;
	[tilespmem:$0x18080] =	vst v63  }
0x89: {  	_ =	swait.ge [sflag:s6], $0x8000  }
0x8a: {  	[sflag:s6] =	ssyncset.done $0x0  }
0x8b: {  	s31 =	rddreg [dreg:$0xc];
	[sflag:s6] =	ssyncadd.s32 $0xFFFF8000  }
0x8c: {  	[hbm4b:s31+s2] =	stream.linear.scatter [tilespmem:s14], [sflag:$0x4], $0x8000, $0x38;
	[tilespmem:$0x18080] =	vst v63  }
0x8d: {  	_ =	swait.ge [sflag:s13], $0x8000  }
0x8e: {  	[sflag:s13] =	ssyncset.done $0x0  }
0x8f: {  	[sflag:s13] =	ssyncadd.s32 $0xFFFF8000  }
0x90: {  	v3 =	vld [tilespmem:$0x30];
	_ =	sdelay $0x4  }
0x91: {  	v59 =	vshll.u32 v3, $0x4  }
0x92: {  	v3 =	vand.u32 $0x7, v3;
	v4 =	vand.u32 $0xFFFFFF80, v59  }
0x93: {  	v3 =	vor.u32 v3, v4  }
0x94: {  	v4 =	vperm.xlane v3, v0;
	_ =	sdelay $0x1  }
0x95: {  	v4 =	vadd.s32 v1, v4;
	_ =	sdelay $0x4  }
0x96: {  	[tilespmem:s14], [sflag:$0x1] =	stream.indirect_vreg.gather [hbm4b:s3+s2], $0x80, v4, vm0, $0xb8;
	[tilespmem:$0x18080] =	vst v63  }
0x97: {  	s1 =	simm.s32 $0x880  }
0x98: {  	[tilespmem:s1], [sflag:$0x1] =	stream.indirect_vreg.gather [hbm4b:s4+s2], $0x80, v4, vm0, $0xb8;
	[tilespmem:$0x18080] =	vst v63  }
0x99: {  	s17 =	simm.s32 $0x1080  }
0x9a: {  	[tilespmem:s17], [sflag:$0x1] =	stream.indirect_vreg.gather [hbm4b:s5+s2], $0x80, v4, vm0, $0xb8;
	[tilespmem:$0x18080] =	vst v63  }
0x9b: {  	s19 =	simm.s32 $0x1880  }
0x9c: {  	[tilespmem:s19], [sflag:$0x1] =	stream.indirect_vreg.gather [hbm4b:s7+s2], $0x80, v4, vm0, $0xb8;
	[tilespmem:$0x18080] =	vst v63  }
0x9d: {  	s20 =	simm.s32 $0x2080  }
0x9e: {  	[tilespmem:s20], [sflag:$0x1] =	stream.indirect_vreg.gather [hbm4b:s8+s2], $0x80, v4, vm0, $0xb8;
	[tilespmem:$0x18080] =	vst v63  }
0x9f: {  	s21 =	simm.s32 $0x2880;
	v3 =	vperm.xlane v3, v2  }
0xa0: {  	[tilespmem:s21], [sflag:$0x1] =	stream.indirect_vreg.gather [hbm4b:s9+s2], $0x80, v4, vm0, $0xb8;
	[tilespmem:$0x18080] =	vst v63  }
0xa1: {  	s22 =	simm.s32 $0x3080;
	v3 =	vadd.s32 v1, v3  }
0xa2: {  	[tilespmem:s22], [sflag:$0x1] =	stream.indirect_vreg.gather [hbm4b:s10+s2], $0x80, v4, vm0, $0xb8;
	[tilespmem:$0x18080] =	vst v63  }
0xa3: {  	s23 =	simm.s32 $0x3880  }
0xa4: {  	[tilespmem:s23], [sflag:$0x1] =	stream.indirect_vreg.gather [hbm4b:s11+s2], $0x80, v4, vm0, $0xb8;
	[tilespmem:$0x18080] =	vst v63  }
0xa5: {  	s24 =	simm.s32 $0x4080  }
0xa6: {  	[tilespmem:s24], [sflag:$0x1] =	stream.indirect_vreg.gather [hbm4b:s3+s2], $0x80, v3, vm0, $0xb8;
	[tilespmem:$0x18080] =	vst v63  }
0xa7: {  	s25 =	simm.s32 $0x4880  }
0xa8: {  	[tilespmem:s25], [sflag:$0x1] =	stream.indirect_vreg.gather [hbm4b:s4+s2], $0x80, v3, vm0, $0xb8;
	[tilespmem:$0x18080] =	vst v63  }
0xa9: {  	s26 =	simm.s32 $0x5080  }
0xaa: {  	[tilespmem:s26], [sflag:$0x1] =	stream.indirect_vreg.gather [hbm4b:s5+s2], $0x80, v3, vm0, $0xb8;
	[tilespmem:$0x18080] =	vst v63  }
0xab: {  	s28 =	simm.s32 $0x5880  }
0xac: {  	[tilespmem:s28], [sflag:$0x1] =	stream.indirect_vreg.gather [hbm4b:s7+s2], $0x80, v3, vm0, $0xb8;
	[tilespmem:$0x18080] =	vst v63  }
0xad: {  	s29 =	simm.s32 $0x6080  }
0xae: {  	[tilespmem:s29], [sflag:$0x1] =	stream.indirect_vreg.gather [hbm4b:s8+s2], $0x80, v3, vm0, $0xb8;
	[tilespmem:$0x18080] =	vst v63  }
0xaf: {  	s30 =	simm.s32 $0x6880  }
0xb0: {  	[tilespmem:s30], [sflag:$0x1] =	stream.indirect_vreg.gather [hbm4b:s9+s2], $0x80, v3, vm0, $0xb8;
	[tilespmem:$0x18080] =	vst v63  }
0xb1: {  	s31 =	simm.s32 $0x7080  }
0xb2: {  	[tilespmem:s31], [sflag:$0x1] =	stream.indirect_vreg.gather [hbm4b:s10+s2], $0x80, v3, vm0, $0xb8;
	[tilespmem:$0x18080] =	vst v63  }
0xb3: {  	s0 =	simm.s32 $0x7880  }
0xb4: {  	[tilespmem:s0], [sflag:$0x1] =	stream.indirect_vreg.gather [hbm4b:s11+s2], $0x80, v3, vm0, $0xb8;
	[tilespmem:$0x18080] =	vst v63  }
0xb5: {  	s0 =	simm.s32 $0x2  }
0xb6: {  	_ =	swait.ge [sflag:s0], $0x8000  }
0xb7: {  	[sflag:s0] =	ssyncset.done $0x0  }
0xb8: {  	s17 =	simm.s32 $0x8080;
	s1 =	rddreg [dreg:$0x4];
	[sflag:s0] =	ssyncadd.s32 $0xFFFF8000  }
0xb9: {  	[hbm4b:s1+s2] =	stream.linear.scatter [tilespmem:s17], [sflag:$0x4], $0x8000, $0x38;
	[tilespmem:$0x18080] =	vst v63  }
0xba: {  	_ =	swait.ge [sflag:s13], $0x8000  }
0xbb: {  	[sflag:s13] =	ssyncset.done $0x0  }
0xbc: {  	s1 =	simm.s32 $0x3;
	[sflag:s13] =	ssyncadd.s32 $0xFFFF8000  }
0xbd: {  	_ =	swait.ge [sflag:s1], $0x8000  }
0xbe: {  	[sflag:s1] =	ssyncset.done $0x0  }
0xbf: {  	s15 =	simm.s32 $0x10080;
	s16 =	rddreg [dreg:$0x5];
	[sflag:s1] =	ssyncadd.s32 $0xFFFF8000  }
0xc0: {  	[hbm4b:s16+s2] =	stream.linear.scatter [tilespmem:s15], [sflag:$0x4], $0x8000, $0x38;
	[tilespmem:$0x18080] =	vst v63  }
0xc1: {  	_ =	swait.ge [sflag:s13], $0x8000  }
0xc2: {  	[sflag:s13] =	ssyncset.done $0x0  }
0xc3: {  	[sflag:s13] =	ssyncadd.s32 $0xFFFF8000  }
0xc4: {  	_ =	swait.ge [sflag:s6], $0x8000  }
0xc5: {  	[sflag:s6] =	ssyncset.done $0x0  }
0xc6: {  	s15 =	rddreg [dreg:$0x6];
	[sflag:s6] =	ssyncadd.s32 $0xFFFF8000  }
0xc7: {  	[hbm4b:s15+s2] =	stream.linear.scatter [tilespmem:s14], [sflag:$0x4], $0x8000, $0x38;
	[tilespmem:$0x18080] =	vst v63  }
0xc8: {  	_ =	swait.ge [sflag:s13], $0x8000  }
0xc9: {  	[sflag:s13] =	ssyncset.done $0x0  }
0xca: {  	s15 =	rddreg [dreg:$0x7];
	[sflag:s13] =	ssyncadd.s32 $0xFFFF8000  }
0xcb: {  	[tilespmem:s2], [sflag:$0x4] =	stream.linear.gather [hbm4b:s15+s2], $0x40, $0x38;
	[tilespmem:$0x18080] =	vst v63  }
0xcc: {  	_ =	swait.ge [sflag:s13], $0x40  }
0xcd: {  	[sflag:s13] =	ssyncset.done $0x0  }
0xce: {  	[sflag:s13] =	ssyncadd.s32 $0xFFFFFFC0  }
0xcf: {  	v3 =	vld [tilespmem:$0x0];
	_ =	sdelay $0x4  }
0xd0: {  	v60 =	vshll.u32 v3, $0x4  }
0xd1: {  	v3 =	vand.u32 $0x7, v3;
	v4 =	vand.u32 $0xFFFFFF80, v60  }
0xd2: {  	v3 =	vor.u32 v3, v4  }
0xd3: {  	v4 =	vperm.xlane v3, v0;
	_ =	sdelay $0x1  }
0xd4: {  	v4 =	vadd.s32 v1, v4;
	_ =	sdelay $0x4  }
0xd5: {  	[tilespmem:s14], [sflag:$0x1] =	stream.indirect_vreg.gather [hbm4b:s3+s2], $0x80, v4, vm0, $0xb8;
	[tilespmem:$0x18080] =	vst v63  }
0xd6: {  	s18 =	simm.s32 $0x880  }
0xd7: {  	[tilespmem:s18], [sflag:$0x1] =	stream.indirect_vreg.gather [hbm4b:s4+s2], $0x80, v4, vm0, $0xb8;
	[tilespmem:$0x18080] =	vst v63  }
0xd8: {  	s18 =	simm.s32 $0x1080  }
0xd9: {  	[tilespmem:s18], [sflag:$0x1] =	stream.indirect_vreg.gather [hbm4b:s5+s2], $0x80, v4, vm0, $0xb8;
	[tilespmem:$0x18080] =	vst v63  }
0xda: {  	_ = 	snop  }
0xdb: {  	[tilespmem:s19], [sflag:$0x1] =	stream.indirect_vreg.gather [hbm4b:s7+s2], $0x80, v4, vm0, $0xb8;
	[tilespmem:$0x18080] =	vst v63  }
0xdc: {  	_ = 	snop  }
0xdd: {  	[tilespmem:s20], [sflag:$0x1] =	stream.indirect_vreg.gather [hbm4b:s8+s2], $0x80, v4, vm0, $0xb8;
	[tilespmem:$0x18080] =	vst v63  }
0xde: {  	v3 =	vperm.xlane v3, v2  }
0xdf: {  	[tilespmem:s21], [sflag:$0x1] =	stream.indirect_vreg.gather [hbm4b:s9+s2], $0x80, v4, vm0, $0xb8;
	[tilespmem:$0x18080] =	vst v63  }
0xe0: {  	v3 =	vadd.s32 v1, v3  }
0xe1: {  	[tilespmem:s22], [sflag:$0x1] =	stream.indirect_vreg.gather [hbm4b:s10+s2], $0x80, v4, vm0, $0xb8;
	[tilespmem:$0x18080] =	vst v63  }
0xe2: {  	_ = 	snop  }
0xe3: {  	[tilespmem:s23], [sflag:$0x1] =	stream.indirect_vreg.gather [hbm4b:s11+s2], $0x80, v4, vm0, $0xb8;
	[tilespmem:$0x18080] =	vst v63  }
0xe4: {  	_ = 	snop  }
0xe5: {  	[tilespmem:s24], [sflag:$0x1] =	stream.indirect_vreg.gather [hbm4b:s3+s2], $0x80, v3, vm0, $0xb8;
	[tilespmem:$0x18080] =	vst v63  }
0xe6: {  	_ = 	snop  }
0xe7: {  	[tilespmem:s25], [sflag:$0x1] =	stream.indirect_vreg.gather [hbm4b:s4+s2], $0x80, v3, vm0, $0xb8;
	[tilespmem:$0x18080] =	vst v63  }
0xe8: {  	_ = 	snop  }
0xe9: {  	[tilespmem:s26], [sflag:$0x1] =	stream.indirect_vreg.gather [hbm4b:s5+s2], $0x80, v3, vm0, $0xb8;
	[tilespmem:$0x18080] =	vst v63  }
0xea: {  	_ = 	snop  }
0xeb: {  	[tilespmem:s28], [sflag:$0x1] =	stream.indirect_vreg.gather [hbm4b:s7+s2], $0x80, v3, vm0, $0xb8;
	[tilespmem:$0x18080] =	vst v63  }
0xec: {  	_ = 	snop  }
0xed: {  	[tilespmem:s29], [sflag:$0x1] =	stream.indirect_vreg.gather [hbm4b:s8+s2], $0x80, v3, vm0, $0xb8;
	[tilespmem:$0x18080] =	vst v63  }
0xee: {  	_ = 	snop  }
0xef: {  	[tilespmem:s30], [sflag:$0x1] =	stream.indirect_vreg.gather [hbm4b:s9+s2], $0x80, v3, vm0, $0xb8;
	[tilespmem:$0x18080] =	vst v63  }
0xf0: {  	_ = 	snop  }
0xf1: {  	[tilespmem:s31], [sflag:$0x1] =	stream.indirect_vreg.gather [hbm4b:s10+s2], $0x80, v3, vm0, $0xb8;
	[tilespmem:$0x18080] =	vst v63  }
0xf2: {  	s31 =	simm.s32 $0x7880  }
0xf3: {  	[tilespmem:s31], [sflag:$0x1] =	stream.indirect_vreg.gather [hbm4b:s11+s2], $0x80, v3, vm0, $0xb8;
	[tilespmem:$0x18080] =	vst v63  }
0xf4: {  	v3 =	vld [tilespmem:$0x10];
	_ =	sdelay $0x4  }
0xf5: {  	v61 =	vshll.u32 v3, $0x4  }
0xf6: {  	v3 =	vand.u32 $0x7, v3;
	v4 =	vand.u32 $0xFFFFFF80, v61  }
0xf7: {  	v3 =	vor.u32 v3, v4  }
0xf8: {  	v4 =	vperm.xlane v3, v0;
	_ =	sdelay $0x1  }
0xf9: {  	v4 =	vadd.s32 v1, v4;
	_ =	sdelay $0x4  }
0xfa: {  	[tilespmem:s17], [sflag:$0x2] =	stream.indirect_vreg.gather [hbm4b:s3+s2], $0x80, v4, vm0, $0xb8;
	[tilespmem:$0x18080] =	vst v63  }
0xfb: {  	s16 =	simm.s32 $0x8880  }
0xfc: {  	[tilespmem:s16], [sflag:$0x2] =	stream.indirect_vreg.gather [hbm4b:s4+s2], $0x80, v4, vm0, $0xb8;
	[tilespmem:$0x18080] =	vst v63  }
0xfd: {  	s16 =	simm.s32 $0x9080  }
0xfe: {  	[tilespmem:s16], [sflag:$0x2] =	stream.indirect_vreg.gather [hbm4b:s5+s2], $0x80, v4, vm0, $0xb8;
	[tilespmem:$0x18080] =	vst v63  }
0xff: {  	s16 =	simm.s32 $0x9880  }
0x100: {  	[tilespmem:s16], [sflag:$0x2] =	stream.indirect_vreg.gather [hbm4b:s7+s2], $0x80, v4, vm0, $0xb8;
	[tilespmem:$0x18080] =	vst v63  }
0x101: {  	s16 =	simm.s32 $0xA080  }
0x102: {  	[tilespmem:s16], [sflag:$0x2] =	stream.indirect_vreg.gather [hbm4b:s8+s2], $0x80, v4, vm0, $0xb8;
	[tilespmem:$0x18080] =	vst v63  }
0x103: {  	v3 =	vperm.xlane v3, v2;
	s16 =	simm.s32 $0xA880  }
0x104: {  	[tilespmem:s16], [sflag:$0x2] =	stream.indirect_vreg.gather [hbm4b:s9+s2], $0x80, v4, vm0, $0xb8;
	[tilespmem:$0x18080] =	vst v63  }
0x105: {  	v3 =	vadd.s32 v1, v3;
	s16 =	simm.s32 $0xB080  }
0x106: {  	[tilespmem:s16], [sflag:$0x2] =	stream.indirect_vreg.gather [hbm4b:s10+s2], $0x80, v4, vm0, $0xb8;
	[tilespmem:$0x18080] =	vst v63  }
0x107: {  	s16 =	simm.s32 $0xB880  }
0x108: {  	[tilespmem:s16], [sflag:$0x2] =	stream.indirect_vreg.gather [hbm4b:s11+s2], $0x80, v4, vm0, $0xb8;
	[tilespmem:$0x18080] =	vst v63  }
0x109: {  	s16 =	simm.s32 $0xC080  }
0x10a: {  	[tilespmem:s16], [sflag:$0x2] =	stream.indirect_vreg.gather [hbm4b:s3+s2], $0x80, v3, vm0, $0xb8;
	[tilespmem:$0x18080] =	vst v63  }
0x10b: {  	s16 =	simm.s32 $0xC880  }
0x10c: {  	[tilespmem:s16], [sflag:$0x2] =	stream.indirect_vreg.gather [hbm4b:s4+s2], $0x80, v3, vm0, $0xb8;
	[tilespmem:$0x18080] =	vst v63  }
0x10d: {  	s16 =	simm.s32 $0xD080  }
0x10e: {  	[tilespmem:s16], [sflag:$0x2] =	stream.indirect_vreg.gather [hbm4b:s5+s2], $0x80, v3, vm0, $0xb8;
	[tilespmem:$0x18080] =	vst v63  }
0x10f: {  	s16 =	simm.s32 $0xD880  }
0x110: {  	[tilespmem:s16], [sflag:$0x2] =	stream.indirect_vreg.gather [hbm4b:s7+s2], $0x80, v3, vm0, $0xb8;
	[tilespmem:$0x18080] =	vst v63  }
0x111: {  	s16 =	simm.s32 $0xE080  }
0x112: {  	[tilespmem:s16], [sflag:$0x2] =	stream.indirect_vreg.gather [hbm4b:s8+s2], $0x80, v3, vm0, $0xb8;
	[tilespmem:$0x18080] =	vst v63  }
0x113: {  	s16 =	simm.s32 $0xE880  }
0x114: {  	[tilespmem:s16], [sflag:$0x2] =	stream.indirect_vreg.gather [hbm4b:s9+s2], $0x80, v3, vm0, $0xb8;
	[tilespmem:$0x18080] =	vst v63  }
0x115: {  	s16 =	simm.s32 $0xF080  }
0x116: {  	[tilespmem:s16], [sflag:$0x2] =	stream.indirect_vreg.gather [hbm4b:s10+s2], $0x80, v3, vm0, $0xb8;
	[tilespmem:$0x18080] =	vst v63  }
0x117: {  	s16 =	simm.s32 $0xF880  }
0x118: {  	[tilespmem:s16], [sflag:$0x2] =	stream.indirect_vreg.gather [hbm4b:s11+s2], $0x80, v3, vm0, $0xb8;
	[tilespmem:$0x18080] =	vst v63  }
0x119: {  	v3 =	vld [tilespmem:$0x20];
	_ =	sdelay $0x4  }
0x11a: {  	v62 =	vshll.u32 v3, $0x4  }
0x11b: {  	v3 =	vand.u32 $0x7, v3;
	v4 =	vand.u32 $0xFFFFFF80, v62  }
0x11c: {  	v3 =	vor.u32 v3, v4  }
0x11d: {  	v4 =	vperm.xlane v3, v0;
	_ =	sdelay $0x1  }
0x11e: {  	v4 =	vadd.s32 v1, v4;
	_ =	sdelay $0x3  }
0x11f: {  	s15 =	simm.s32 $0x10080  }
0x120: {  	[tilespmem:s15], [sflag:$0x3] =	stream.indirect_vreg.gather [hbm4b:s3+s2], $0x80, v4, vm0, $0xb8;
	[tilespmem:$0x18080] =	vst v63  }
0x121: {  	s16 =	simm.s32 $0x10880  }
0x122: {  	[tilespmem:s16], [sflag:$0x3] =	stream.indirect_vreg.gather [hbm4b:s4+s2], $0x80, v4, vm0, $0xb8;
	[tilespmem:$0x18080] =	vst v63  }
0x123: {  	s16 =	simm.s32 $0x11080  }
0x124: {  	[tilespmem:s16], [sflag:$0x3] =	stream.indirect_vreg.gather [hbm4b:s5+s2], $0x80, v4, vm0, $0xb8;
	[tilespmem:$0x18080] =	vst v63  }
0x125: {  	s16 =	simm.s32 $0x11880  }
0x126: {  	[tilespmem:s16], [sflag:$0x3] =	stream.indirect_vreg.gather [hbm4b:s7+s2], $0x80, v4, vm0, $0xb8;
	[tilespmem:$0x18080] =	vst v63  }
0x127: {  	s16 =	simm.s32 $0x12080  }
0x128: {  	[tilespmem:s16], [sflag:$0x3] =	stream.indirect_vreg.gather [hbm4b:s8+s2], $0x80, v4, vm0, $0xb8;
	[tilespmem:$0x18080] =	vst v63  }
0x129: {  	v3 =	vperm.xlane v3, v2;
	s16 =	simm.s32 $0x12880  }
0x12a: {  	[tilespmem:s16], [sflag:$0x3] =	stream.indirect_vreg.gather [hbm4b:s9+s2], $0x80, v4, vm0, $0xb8;
	[tilespmem:$0x18080] =	vst v63  }
0x12b: {  	v3 =	vadd.s32 v1, v3;
	s16 =	simm.s32 $0x13080  }
0x12c: {  	[tilespmem:s16], [sflag:$0x3] =	stream.indirect_vreg.gather [hbm4b:s10+s2], $0x80, v4, vm0, $0xb8;
	[tilespmem:$0x18080] =	vst v63  }
0x12d: {  	s16 =	simm.s32 $0x13880  }
0x12e: {  	[tilespmem:s16], [sflag:$0x3] =	stream.indirect_vreg.gather [hbm4b:s11+s2], $0x80, v4, vm0, $0xb8;
	[tilespmem:$0x18080] =	vst v63  }
0x12f: {  	s16 =	simm.s32 $0x14080  }
0x130: {  	[tilespmem:s16], [sflag:$0x3] =	stream.indirect_vreg.gather [hbm4b:s3+s2], $0x80, v3, vm0, $0xb8;
	[tilespmem:$0x18080] =	vst v63  }
0x131: {  	s16 =	simm.s32 $0x14880  }
0x132: {  	[tilespmem:s16], [sflag:$0x3] =	stream.indirect_vreg.gather [hbm4b:s4+s2], $0x80, v3, vm0, $0xb8;
	[tilespmem:$0x18080] =	vst v63  }
0x133: {  	s16 =	simm.s32 $0x15080  }
0x134: {  	[tilespmem:s16], [sflag:$0x3] =	stream.indirect_vreg.gather [hbm4b:s5+s2], $0x80, v3, vm0, $0xb8;
	[tilespmem:$0x18080] =	vst v63  }
0x135: {  	s16 =	simm.s32 $0x15880  }
0x136: {  	[tilespmem:s16], [sflag:$0x3] =	stream.indirect_vreg.gather [hbm4b:s7+s2], $0x80, v3, vm0, $0xb8;
	[tilespmem:$0x18080] =	vst v63  }
0x137: {  	s16 =	simm.s32 $0x16080  }
0x138: {  	[tilespmem:s16], [sflag:$0x3] =	stream.indirect_vreg.gather [hbm4b:s8+s2], $0x80, v3, vm0, $0xb8;
	[tilespmem:$0x18080] =	vst v63  }
0x139: {  	s16 =	simm.s32 $0x16880  }
0x13a: {  	[tilespmem:s16], [sflag:$0x3] =	stream.indirect_vreg.gather [hbm4b:s9+s2], $0x80, v3, vm0, $0xb8;
	[tilespmem:$0x18080] =	vst v63  }
0x13b: {  	s16 =	simm.s32 $0x17080  }
0x13c: {  	[tilespmem:s16], [sflag:$0x3] =	stream.indirect_vreg.gather [hbm4b:s10+s2], $0x80, v3, vm0, $0xb8;
	[tilespmem:$0x18080] =	vst v63  }
0x13d: {  	s16 =	simm.s32 $0x17880  }
0x13e: {  	[tilespmem:s16], [sflag:$0x3] =	stream.indirect_vreg.gather [hbm4b:s11+s2], $0x80, v3, vm0, $0xb8;
	[tilespmem:$0x18080] =	vst v63  }
0x13f: {  	_ =	swait.ge [sflag:s6], $0x8000  }
0x140: {  	[sflag:s6] =	ssyncset.done $0x0  }
0x141: {  	s16 =	rddreg [dreg:$0x8];
	[sflag:s6] =	ssyncadd.s32 $0xFFFF8000  }
0x142: {  	[hbm4b:s16+s2] =	stream.linear.scatter [tilespmem:s14], [sflag:$0x4], $0x8000, $0x38;
	[tilespmem:$0x18080] =	vst v63  }
0x143: {  	_ =	swait.ge [sflag:s13], $0x8000  }
0x144: {  	[sflag:s13] =	ssyncset.done $0x0  }
0x145: {  	[sflag:s13] =	ssyncadd.s32 $0xFFFF8000  }
0x146: {  	v3 =	vld [tilespmem:$0x30];
	_ =	sdelay $0x4  }
0x147: {  	v63 =	vshll.u32 v3, $0x4  }
0x148: {  	v3 =	vand.u32 $0x7, v3;
	v4 =	vand.u32 $0xFFFFFF80, v63  }
0x149: {  	v3 =	vor.u32 v3, v4  }
0x14a: {  	v4 =	vperm.xlane v3, v0;
	_ =	sdelay $0x1  }
0x14b: {  	v4 =	vadd.s32 v1, v4;
	_ =	sdelay $0x4  }
0x14c: {  	[tilespmem:s14], [sflag:$0x1] =	stream.indirect_vreg.gather [hbm4b:s3+s2], $0x80, v4, vm0, $0xb8;
	[tilespmem:$0x18080] =	vst v63  }
0x14d: {  	s16 =	simm.s32 $0x880  }
0x14e: {  	[tilespmem:s16], [sflag:$0x1] =	stream.indirect_vreg.gather [hbm4b:s4+s2], $0x80, v4, vm0, $0xb8;
	[tilespmem:$0x18080] =	vst v63  }
0x14f: {  	s16 =	simm.s32 $0x1080  }
0x150: {  	[tilespmem:s16], [sflag:$0x1] =	stream.indirect_vreg.gather [hbm4b:s5+s2], $0x80, v4, vm0, $0xb8;
	[tilespmem:$0x18080] =	vst v63  }
0x151: {  	s18 =	simm.s32 $0x1880  }
0x152: {  	[tilespmem:s18], [sflag:$0x1] =	stream.indirect_vreg.gather [hbm4b:s7+s2], $0x80, v4, vm0, $0xb8;
	[tilespmem:$0x18080] =	vst v63  }
0x153: {  	s19 =	simm.s32 $0x2080  }
0x154: {  	[tilespmem:s19], [sflag:$0x1] =	stream.indirect_vreg.gather [hbm4b:s8+s2], $0x80, v4, vm0, $0xb8;
	[tilespmem:$0x18080] =	vst v63  }
0x155: {  	s20 =	simm.s32 $0x2880;
	v3 =	vperm.xlane v3, v2  }
0x156: {  	[tilespmem:s20], [sflag:$0x1] =	stream.indirect_vreg.gather [hbm4b:s9+s2], $0x80, v4, vm0, $0xb8;
	[tilespmem:$0x18080] =	vst v63  }
0x157: {  	s21 =	simm.s32 $0x3080;
	v3 =	vadd.s32 v1, v3  }
0x158: {  	[tilespmem:s21], [sflag:$0x1] =	stream.indirect_vreg.gather [hbm4b:s10+s2], $0x80, v4, vm0, $0xb8;
	[tilespmem:$0x18080] =	vst v63  }
0x159: {  	s22 =	simm.s32 $0x3880  }
0x15a: {  	[tilespmem:s22], [sflag:$0x1] =	stream.indirect_vreg.gather [hbm4b:s11+s2], $0x80, v4, vm0, $0xb8;
	[tilespmem:$0x18080] =	vst v63  }
0x15b: {  	s23 =	simm.s32 $0x4080  }
0x15c: {  	[tilespmem:s23], [sflag:$0x1] =	stream.indirect_vreg.gather [hbm4b:s3+s2], $0x80, v3, vm0, $0xb8;
	[tilespmem:$0x18080] =	vst v63  }
0x15d: {  	s24 =	simm.s32 $0x4880  }
0x15e: {  	[tilespmem:s24], [sflag:$0x1] =	stream.indirect_vreg.gather [hbm4b:s4+s2], $0x80, v3, vm0, $0xb8;
	[tilespmem:$0x18080] =	vst v63  }
0x15f: {  	s25 =	simm.s32 $0x5080  }
0x160: {  	[tilespmem:s25], [sflag:$0x1] =	stream.indirect_vreg.gather [hbm4b:s5+s2], $0x80, v3, vm0, $0xb8;
	[tilespmem:$0x18080] =	vst v63  }
0x161: {  	s26 =	simm.s32 $0x5880  }
0x162: {  	[tilespmem:s26], [sflag:$0x1] =	stream.indirect_vreg.gather [hbm4b:s7+s2], $0x80, v3, vm0, $0xb8;
	[tilespmem:$0x18080] =	vst v63  }
0x163: {  	s28 =	simm.s32 $0x6080  }
0x164: {  	[tilespmem:s28], [sflag:$0x1] =	stream.indirect_vreg.gather [hbm4b:s8+s2], $0x80, v3, vm0, $0xb8;
	[tilespmem:$0x18080] =	vst v63  }
0x165: {  	s29 =	simm.s32 $0x6880  }
0x166: {  	[tilespmem:s29], [sflag:$0x1] =	stream.indirect_vreg.gather [hbm4b:s9+s2], $0x80, v3, vm0, $0xb8;
	[tilespmem:$0x18080] =	vst v63  }
0x167: {  	s30 =	simm.s32 $0x7080  }
0x168: {  	[tilespmem:s30], [sflag:$0x1] =	stream.indirect_vreg.gather [hbm4b:s10+s2], $0x80, v3, vm0, $0xb8;
	[tilespmem:$0x18080] =	vst v63  }
0x169: {  	s31 =	simm.s32 $0x7880  }
0x16a: {  	[tilespmem:s31], [sflag:$0x1] =	stream.indirect_vreg.gather [hbm4b:s11+s2], $0x80, v3, vm0, $0xb8;
	[tilespmem:$0x18080] =	vst v63  }
0x16b: {  	_ =	swait.ge [sflag:s0], $0x8000  }
0x16c: {  	[sflag:s0] =	ssyncset.done $0x0  }
0x16d: {  	s17 =	simm.s32 $0x8080;
	s29 =	rddreg [dreg:$0x9];
	[sflag:s0] =	ssyncadd.s32 $0xFFFF8000  }
0x16e: {  	[hbm4b:s29+s2] =	stream.linear.scatter [tilespmem:s17], [sflag:$0x4], $0x8000, $0x38;
	[tilespmem:$0x18080] =	vst v63  }
0x16f: {  	_ =	swait.ge [sflag:s13], $0x8000  }
0x170: {  	[sflag:s13] =	ssyncset.done $0x0  }
0x171: {  	[sflag:s13] =	ssyncadd.s32 $0xFFFF8000  }
0x172: {  	_ =	swait.ge [sflag:s1], $0x8000  }
0x173: {  	[sflag:s1] =	ssyncset.done $0x0  }
0x174: {  	s30 =	rddreg [dreg:$0xa];
	[sflag:s1] =	ssyncadd.s32 $0xFFFF8000  }
0x175: {  	[hbm4b:s30+s2] =	stream.linear.scatter [tilespmem:s15], [sflag:$0x4], $0x8000, $0x38;
	[tilespmem:$0x18080] =	vst v63  }
0x176: {  	_ =	swait.ge [sflag:s13], $0x8000  }
0x177: {  	[sflag:s13] =	ssyncset.done $0x0  }
0x178: {  	[sflag:s13] =	ssyncadd.s32 $0xFFFF8000  }
0x179: {  	_ =	swait.ge [sflag:s6], $0x8000  }
0x17a: {  	p0 =	sne.s32 s12, $0x1;
	[sflag:s6] =	ssyncset.done $0x0  }
.Ltmp0:
0x17b: {  	s31 =	rddreg [dreg:$0xb];
	[sflag:s6] =	ssyncadd.s32 $0xFFFF8000;
	(pc) =	sbr.rel @p0 .LBB2_1-.Ltmp0, $4  }
0x17c: {  	[hbm4b:s31+s2] =	stream.linear.scatter [tilespmem:s14], [sflag:$0x4], $0x8000, $0x38;
	[tilespmem:$0x18080] =	vst v63  }
0x17d: {  	_ =	swait.ge [sflag:s13], $0x8000  }
0x17e: {  	[sflag:s13] =	ssyncset.done $0x0  }
0x17f: {  	s12 =	sadd.s32 $0xFFFFFFFF, s12;
	[sflag:s13] =	ssyncadd.s32 $0xFFFF8000  }
0x180: {  	_ =	sfence.sel $0x180000  }
0x181: {  	[bflag:$0x0] =	sbarrier.arrive $0xFFFF  }
0x182: {  	_ =	strace $0x9000004D  }
0x183: {  	s0 =	stileid.u32;
	[bflag:$0x2] =	sbarrier.arrive $0xFFFF  }
0x184: {  	p0 =	sne.s32 s0, $0x0;
	s0 =	rddreg [dreg:$0x2]  }
0x185: {  	s0 =	sadd.s32 @!p0 $0x100000, s0  }
0x186: {  	[sflag:s0] =	ssyncadd.tile.s32 @!p0 $0x1;
	_ =	shalt  }
.Lfunc_end2:
_tile_overlayer_lowered:
.L_overlay_start_2:
0x187: {  	(tag) =	ssettag $0x2  }
0x188: {  	s0 =	rddreg [dreg:$0x0];
	s2 =	stileid.u32  }
0x189: {  	s1 =	rddreg [dreg:$0x1];
	p0 =	sne.s32 s2, $0x0  }
0x18a: {  	s3 =	rddreg [dreg:$0x2];
	[bflag:$0x3] =	sbarrier.arrive $0xFFFF;
	s2 =	simm.s32 @!p0 $0x1C04  }
0x18b: {  	[timem:s3], [sflag:s2] =	dma.local @!p0 [hbm:s0], s1  }
0x18c: {  	s0 =	simm.s32 @!p0 $0x4  }
0x18d: {  	_ =	swait.ge @!p0 [sflag:s0], s1  }
0x18e: {  	s1 =	ssub.s32 @!p0 $0x0, s1;
	[sflag:s0] =	ssyncset.done @!p0 $0x0  }
0x18f: {  	[sflag:s0] =	ssyncadd.s32 @!p0 s1  }
0x190: {  	[bflag:$0x3] =	sbarrier.arrive $0xFFFF  }
0x191: {  	_ =	shalt  }

// kernel: kernel.7.cloned.1.call-start
scs
__scs_entry_jumppad:
0x0: {  	(pc) =	sbr.rel $0x88, $3  }
0x1: {  	(tag) =	ssettag $0x0;
	lr =	simm.s32 $0x1  }
0x2: {  	[smem:$0x3F9A] =	sst lr;
	_ =	strace $0xD0000000  }
0x3: {  	_ = 	snop  }
0x4: {  	_ = 	snop  }
0x5: {  	_ = 	snop  }
0x6: {  	_ = 	snop  }
0x7: {  	_ = 	snop  }
__scs_overlays_trampoline_lowered:
0x8: {  	[smem:$0x3FA9] =	sst s0  }
0x9: {  	[smem:$0x3FAA] =	sst s1  }
0xa: {  	[smem:$0x3FAB] =	sst s2  }
0xb: {  	[smem:$0x3FAC] =	sst s3  }
0xc: {  	[smem:$0x3FAD] =	sst s4  }
0xd: {  	[smem:$0x3FAE] =	sst s5  }
0xe: {  	[smem:$0x3FAF] =	sst s6  }
0xf: {  	[smem:$0x3FB0] =	sst s7  }
0x10: {  	[smem:$0x3FB1] =	sst s8  }
0x11: {  	[smem:$0x3FB2] =	sst s9;
	s0 =	simm.s32 @!p0 $0x0  }
0x12: {  	s1 =	sld [smem:$0x3F98];
	s0 =	simm.s32 @p0 $0x1  }
0x13: {  	[smem:$0x3FB3] =	sst s0;
	s0 =	simm.s32 @!p1 $0x0  }
0x14: {  	s2 =	sld [smem:$0x3F97];
	s0 =	simm.s32 @p1 $0x1  }
0x15: {  	[smem:$0x3FB4] =	sst s0;
	s0 =	simm.s32 @!p2 $0x0  }
0x16: {  	s3 =	sld [smem:$0x3FDB];
	s0 =	simm.s32 @p2 $0x1  }
0x17: {  	s4 =	simm.s32 $0x1BF5;
	[smem:$0x3FB6] =	sst s0  }
0x18: {  	s0 =	sld [smem:$0x3F99];
	_ =	swait.ge [sflag:s4], $0x0  }
0x19: {  	s7 =	sld [smem:$0x3F9A]  }
0x1a: {  	s8 =	sadd.s32 $0xFFFFE003, lr  }
0x1b: {  	s9 =	sadd.s32 $0xFFFFFEF7, lr;
	s5 =	simm.s32 $0xFFFFFFFF;
	p2 =	slt.u32 s8, $0xFFFFF086  }
0x1c: {  	p1 =	slt.u32 s9, $0xF7A;
	s5 =	simm.s32 @!p2 $0x0  }
0x1d: {  	s5 =	simm.s32 @p1 $0x1;
	p0 =	seq.s32 s7, s2  }
0x1e: {  	s7 =	smul.u32 @!p0 $0xF7A, s2;
	p2 =	seq.s32 @!p0 s5, $0x0  }
0x1f: {  	s9 =	smul.u32 $0xF7A, s1;
	s8 =	simm.s32 @!p0 $0x1BF5;
	p2 =	por !p2, p0  }
0x20: {  	[sflag:s8] =	ssyncset.s32 @!p0 $0xFFFFF086;
	s6 =	sadd.s32 @!p0 s3, s7;
	s7 =	simm.s32 @!p0 $0x108  }
0x21: {  	s3 =	sadd.s32 s3, s9;
	s6 =	sadd.s32 @!p0 $0x88, s6;
	s7 =	simm.s32 @p2 $0x1082  }
0x22: {  	[simem:s7], [sflag:s8] =	dma.local @!p0 [hbm:s6], $0xF7A  }
0x23: {  	s9 =	sor.u32 $0xD0000000, s2;
	s6 =	simm.s32 $0x108;
	_ =	swait.ge @!p0 [sflag:s8], $0x0  }
0x24: {  	s3 =	sadd.s32 $0x88, s3;
	s6 =	simm.s32 @!p1 $0x1082;
	[sflag:s4] =	ssyncset.s32 $0xFFFFF086  }
0x25: {  	[simem:s6], [sflag:s4] =	dma.local [hbm:s3], $0xF7A  }
0x26: {  	[smem:$0x3F9A] =	sst s1;
	(tag) =	ssettag s2;
	_ =	strace s9  }
0x27: {  	s1 =	sld [smem:$0x3FAA]  }
0x28: {  	s2 =	sld [smem:$0x3FAB]  }
0x29: {  	s4 =	sld [smem:$0x3FAD]  }
0x2a: {  	p0 =	seq.s32 s5, $0x0;
	s5 =	sld [smem:$0x3FAE]  }
0x2b: {  	s6 =	sld [smem:$0x3FAF]  }
0x2c: {  	s7 =	sld [smem:$0x3FB0]  }
0x2d: {  	s3 =	simm.s32 $0x108;
	s8 =	sld [smem:$0x3FB1]  }
0x2e: {  	s3 =	simm.s32 @!p0 $0x1082;
	s9 =	sld [smem:$0x3FB2]  }
0x2f: {  	lr =	sadd.s32 s0, s3;
	s0 =	sld [smem:$0x3FA9]  }
0x30: {  	s3 =	sld [smem:$0x3FAC]  }
0x31: {  	[smem:$0x3FB5] =	sst s10  }
0x32: {  	s10 =	sld [smem:$0x3FB3];
	_ =	sdelay $0x3  }
0x33: {  	p0 =	seq.s32 s10, $0x1;
	s10 =	sld [smem:$0x3FB5];
	_ =	sdelay $0x3  }
0x34: {  	[smem:$0x3FB5] =	sst s10  }
0x35: {  	s10 =	sld [smem:$0x3FB4];
	_ =	sdelay $0x3  }
0x36: {  	p1 =	seq.s32 s10, $0x1;
	s10 =	sld [smem:$0x3FB5];
	_ =	sdelay $0x3  }
0x37: {  	[smem:$0x3FB5] =	sst s10  }
0x38: {  	s10 =	sld [smem:$0x3FB6]  }
0x39: {  	_ = 	snop;
	(pc) =	sbr.ind lr, $3  }
0x3a: {  	_ = 	snop  }
0x3b: {  	_ = 	snop  }
0x3c: {  	p2 =	seq.s32 s10, $0x1;
	s10 =	sld [smem:$0x3FB5]  }
0x3d: {  	_ =	shalt  }
0x3e: {  	_ =	shalt  }
0x3f: {  	_ =	shalt  }
0x40: {  	_ =	shalt  }
0x41: {  	_ =	shalt  }
0x42: {  	_ =	shalt  }
0x43: {  	_ =	shalt  }
0x44: {  	_ =	shalt  }
0x45: {  	_ =	shalt  }
0x46: {  	_ =	shalt  }
0x47: {  	_ =	shalt  }
0x48: {  	_ =	shalt  }
0x49: {  	_ =	shalt  }
0x4a: {  	_ =	shalt  }
0x4b: {  	_ =	shalt  }
0x4c: {  	_ =	shalt  }
0x4d: {  	_ =	shalt  }
0x4e: {  	_ =	shalt  }
0x4f: {  	_ =	shalt  }
0x50: {  	_ =	shalt  }
0x51: {  	_ =	shalt  }
0x52: {  	_ =	shalt  }
0x53: {  	_ =	shalt  }
0x54: {  	_ =	shalt  }
0x55: {  	_ =	shalt  }
0x56: {  	_ =	shalt  }
0x57: {  	_ =	shalt  }
0x58: {  	_ =	shalt  }
0x59: {  	_ =	shalt  }
0x5a: {  	_ =	shalt  }
0x5b: {  	_ =	shalt  }
0x5c: {  	_ =	shalt  }
0x5d: {  	_ =	shalt  }
0x5e: {  	_ =	shalt  }
0x5f: {  	_ =	shalt  }
0x60: {  	_ =	shalt  }
0x61: {  	_ =	shalt  }
0x62: {  	_ =	shalt  }
0x63: {  	_ =	shalt  }
0x64: {  	_ =	shalt  }
0x65: {  	_ =	shalt  }
0x66: {  	_ =	shalt  }
0x67: {  	_ =	shalt  }
0x68: {  	_ =	shalt  }
0x69: {  	_ =	shalt  }
0x6a: {  	_ =	shalt  }
0x6b: {  	_ =	shalt  }
0x6c: {  	_ =	shalt  }
0x6d: {  	_ =	shalt  }
0x6e: {  	_ =	shalt  }
0x6f: {  	_ =	shalt  }
0x70: {  	_ =	shalt  }
0x71: {  	_ =	shalt  }
0x72: {  	_ =	shalt  }
0x73: {  	_ =	shalt  }
0x74: {  	_ =	shalt  }
0x75: {  	_ =	shalt  }
0x76: {  	_ =	shalt  }
0x77: {  	_ =	shalt  }
0x78: {  	_ =	shalt  }
0x79: {  	_ =	shalt  }
0x7a: {  	_ =	shalt  }
0x7b: {  	_ =	shalt  }
0x7c: {  	_ =	shalt  }
0x7d: {  	_ =	shalt  }
0x7e: {  	_ =	shalt  }
0x7f: {  	_ =	shalt  }
0x80: {  	_ =	shalt  }
0x81: {  	_ =	shalt  }
0x82: {  	_ =	shalt  }
0x83: {  	_ =	shalt  }
0x84: {  	_ =	shalt  }
0x85: {  	_ =	shalt  }
0x86: {  	_ =	shalt  }
0x87: {  	_ =	shalt  }
.Lfunc_end0:
.L_simem_size_0:
called_computation_lowered:
.L_overlay_start_0:
0x88: {  	s2 =	sld [smem:$0x3FD9]  }
0x89: {  	s3 =	sld [smem:$0x3FFE];
	_ =	sdelay $0x1  }
0x8a: {  	s1 =	srdreg.scid  }
0x8b: {  	s0 =	sand.u32 $0x1, s1  }
0x8c: {  	s17 =	sshll.u32 s0, $0xA;
	s2 =	sadd.s32 s3, s2  }
0x8d: {  	s2 =	sadd.s32 s2, s17  }
0x8e: {  	[smem:$0x3FC1] =	sst s2  }
0x8f: {  	_ = 	snop  }
0x90: {  	s2 =	sld [smem:$0x3FD0];
	(tm) =	ssettm $0x1  }
0x91: {  	s18 =	sld [smem:$0x3FFB];
	_ =	sdelay $0x3  }
0x92: {  	_ =	strace s18  }
0x93: {  	s3 =	sld [smem:$0x3FFC];
	_ =	sdelay $0x3  }
0x94: {  	_ =	strace s3  }
0x95: {  	s3 =	sld [smem:$0x3FFD];
	_ =	sdelay $0x3  }
0x96: {  	_ =	strace s3  }
0x97: {  	_ =	strace $0x8FFFFFFF  }
0x98: {  	s19 =	sld [smem:$0x3FDB];
	_ =	sdelay $0x1  }
0x99: {  	s4 =	simm.s32 $_scs_section_size  }
0x9a: {  	s5 =	simm.s32 $_size__tile_overlayer_lowered;
	s6 =	simm.s32 $_tile_overlayer_lowered  }
0x9b: {  	s22 =	simm.s32 $0x1BFF;
	s21 =	sshll.u32 s6, $0x1;
	s3 =	sadd.s32 s4, s19  }
0x9c: {  	s7 =	simm.s32 $0x0;
	s20 =	sshll.u32 s5, $0x1;
	s5 =	sadd.s32 s21, s3  }
0x9d: {  	[timem:s7], [sflag:s22] =	dma.local [hbm:s5], s20  }
0x9e: {  	_ =	swait.ge [sflag:s22], s20  }
0x9f: {  	s4 =	ssub.s32 $0x0, s20;
	[sflag:s22] =	ssyncset.done $0x0  }
0xa0: {  	[sflag:s22] =	ssyncadd.s32 s4;
	_ =	sdelay $0x1  }
0xa1: {  	s23 =	simm.s32 $0x1B8B  }
0xa2: {  	_ =	swait.ge [sflag:s23], $0x1  }
0xa3: {  	[sflag:s23] =	ssyncset.done $0x0  }
0xa4: {  	s25 =	simm.s32 $0x1B8E;
	s24 =	sld [smem:$0x3FFE];
	[sflag:s23] =	ssyncadd.s32 $0xFFFFFFFF  }
0xa5: {  	s26 =	simm.s32 $execute0_lowered;
	[smem:$0x3FD2] =	sst s25  }
0xa6: {  	s5 =	sshll.u32 s26, $0x1;
	_ =	strace $0x80000046;
	[dreg:$0x1] =	wrdreg $0xFFFFFFFF  }
0xa7: {  	s28 =	simm.s32 $_size_execute0_lowered;
	s3 =	sadd.s32 s3, s5;
	[dreg:$0x0] =	wrdreg $0x0  }
0xa8: {  	s5 =	sshll.u32 s28, $0x1;
	[dreg:$0x2] =	wrdreg s3  }
0xa9: {  	[dreg:$0x3] =	wrdreg s5  }
0xaa: {  	[dreg:$0x4] =	wrdreg $0xC0  }
0xab: {  	_ =	task [dreg:s7], $0x5FFFF  }
0xac: {  	[dreg:$0x1] =	wrdreg $0xFFFFFFFF  }
0xad: {  	[dreg:$0x0] =	wrdreg $0x60  }
0xae: {  	[dreg:$0x2] =	wrdreg s2  }
0xaf: {  	[dreg:$0x3] =	wrdreg s24  }
0xb0: {  	[dreg:$0x4] =	wrdreg $0x9  }
0xb1: {  	_ =	task.clear_ibuf [dreg:s7], $0x5FFFF;
	_ =	strace $0x90000046  }
0xb2: {  	s29 =	simm.s32 $0x9;
	_ =	strace $0x80000048  }
0xb3: {  	_ =	swait.ge [sflag:s29], $0x1  }
0xb4: {  	[sflag:s29] =	ssyncadd.s32 $0xFFFFFFFF  }
0xb5: {  	_ =	strace $0x90000048  }
0xb6: {  	_ =	sfence  }
0xb7: {  	s30 =	sld [smem:$0x0];
	_ =	sdelay $0x2  }
0xb8: {  	s31 =	sshll.u32 s1, $0xD;
	s1 =	sshrl.u32 s1, $0x2  }
0xb9: {  	s3 =	sand.u32 $0x4000, s31;
	s1 =	sadd.s32 s1, s30  }
0xba: {  	s0 =	sor.u32 s3, s0;
	s1 =	sshll.u32 s1, $0x11  }
0xbb: {  	s0 =	sor.u32 s1, s0  }
0xbc: {  	s0 =	sadd.s32 $0x8F2B, s0  }
0xbd: {  	[sflag:s0] =	ssyncadd.remote.s32 $0x1  }
0xbe: {  	_ =	sfence.sel $0xFFFF  }
0xbf: {  	[dreg:$0x0] =	wrdreg $0xFFFFFFFF;
	(pc) =	sbr.abs _section_cstart, $3  }
0xc0: {  	[dreg:$0x1] =	wrdreg $0xFFFFFFFF  }
0xc1: {  	_ =	task.clear_ibuf [dreg:s7], $0x2FFFF;
	_ =	strace $0x9FFFFFFF  }
0xc2: {  	(tm) =	ssettm $0x7FFFFFFF  }
0xc3: {  	_ =	shalt  }
tec
execute0_lowered:
.L_overlay_start_1:
0x0: {  	(tag) =	ssettag $0x1  }
0x1: {  	s0 =	srdreg.scid  }
0x2: {  	s31 =	stileid.u32;
	s4 =	sand.u32 $0x1, s0  }
0x3: {  	s3 =	sshll.u32 s31, $0x1;
	s5 =	ssub.s32 $0x0, s4  }
0x4: {  	p0 =	sne.s32 s3, s5  }
.Ltmp0:
0x5: {  	_ = 	snop;
	(pc) =	sbr.rel @p0 .LBB2_9-.Ltmp0, $2  }
0x6: {  	_ =	sdelay $0x2  }
0x7: {  	s7 =	rddreg [dreg:$0x1];
	_ =	strace $0x80000047  }
0x8: {  	vm1 =	vcmask $0x704;
	vm8 =	vcmask $0x3F08  }
0x9: {  	vm9 =	vmneg vm1;
	vm10 =	vmneg vm8  }
0xa: {  	v0 =	vlaneseq.u32;
	v1 =	vimm.s32 $0x0;
	vm9 =	vmand vm10, vm9  }
0xb: {  	vm0 =	vmmov $0x1;
	v3 =	vimm.s32 $0x0;
	vm8 =	vmor vm8, vm9  }
0xc: {  	vm3 =	vcmask $0xB08;
	v3 =	vsel vm8, $0xFFFFFFFF, v3;
	vm8 =	vcmask $0x3F0C  }
0xd: {  	vm2 =	vcmask $0xF0C;
	vm12 =	vmneg vm3;
	vm13 =	vmneg vm8  }
0xe: {  	vm11 =	vcmask $0x3F10;
	vm10 =	vmneg vm2;
	vm9 =	vmand vm13, vm12  }
0xf: {  	[tilespmem:$0x1FFA0] =	vst v3;
	v3 =	vimm.s32 $0x0;
	vm12 =	vmneg vm11;
	vm8 =	vmor vm8, vm9  }
0x10: {  	vm5 =	vcmask $0x1310;
	v3 =	vsel vm8, $0xFFFFFFFF, v3;
	vm8 =	vmand vm12, vm10  }
0x11: {  	vm14 =	vcmask $0x3F14;
	[tilespmem:$0x1FFB0] =	vst v3;
	vm8 =	vmor vm11, vm8;
	v3 =	vimm.s32 $0x0  }
0x12: {  	vm15 =	vmneg vm14;
	v3 =	vsel vm8, $0xFFFFFFFF, v3;
	vm8 =	vmneg vm5  }
0x13: {  	v2 =	vimm.s32 $0xECA86420;
	vm4 =	vcmask $0x1714;
	vm8 =	vmand vm15, vm8  }
0x14: {  	vm7 =	vcmask $0x1F1C;
	s0 =	sadd.s32 $0x1200, s7;
	s8 =	ssub.s32 $0x2, s4;
	[tilespmem:$0x1FFC0] =	vst v3;
	v3 =	vimm.s32 $0x0;
	vm8 =	vmor vm14, vm8  }
0x15: {  	s29 =	sadd.s32 $0x1E00, s7;
	s30 =	sadd.s32 $0x1A00, s7;
	v8 =	vimm.s32 $0x0;
	s31 =	sadd.s32 $0x1C00, s7;
	v3 =	vsel vm8, $0xFFFFFFFF, v3;
	vm8 =	vmmov $0xff  }
0x16: {  	s7 =	sadd.s32 $0x1800, s7;
	s10 =	simm.s32 $0x1;
	vm6 =	vcmask $0x70C;
	v2 =	vunpack.c.l.s4.s8 v2;
	[dreg:$0x3] =	wrdreg s0;
	v8 =	vsel vm8, $0xFFFFFFFF, v8  }
0x17: {  	s11 =	simm.s32 $0x1000;
	v4 =	vor.u32 $0x80000000, v0;
	[dreg:$0x4] =	wrdreg s29;
	s9 =	sshrl.u32 s8, $0x1;
	vm1 =	vmneg vm4;
	[tilespmem:$0x1FFE0] =	vst v8;
	v8 =	vimm.s32 $0x0  }
0x18: {  	s16 =	simm.s32 $0x0;
	v5 =	vadd.s32 $0x1, v0;
	v6 =	vadd.s32 $0x11, v0;
	[dreg:$0x5] =	wrdreg s30;
	s8 =	ssub.s32 s8, s9;
	[tilespmem:$0x1FFD0] =	vst v3;
	v8 =	vsel vm1, $0xFFFFFFFF, v8  }
0x19: {  	v7 =	vor.u32 $0x10, v0;
	[dreg:$0x6] =	wrdreg s31;
	s9 =	simm.s32 $0x0;
	v2 =	vunpack.c.0.s8.s32 v2;
	s8 =	smax.u32 s8, $0x1;
	v3 =	vmul.u32 $0x2, v0;
	[tilespmem:$0x1FFF0] =	vst v8  }
.LBB2_2:
0x1a: {  	s0 =	rddreg [dreg:$0x0]  }
0x1b: {  	[tilespmem:s9], [sflag:$0x1] =	stream.linear.gather [hbm4b:s0+s9], $0x1000, $0x38;
	[tilespmem:$0x4980] =	vst v63  }
0x1c: {  	_ =	swait.ge [sflag:s10], $0x1000  }
0x1d: {  	[sflag:s10] =	ssyncset.done $0x0  }
0x1e: {  	s17 =	simm.s32 $0x1000;
	s18 =	simm.s32 $0x0;
	[sflag:s10] =	ssyncadd.s32 $0xFFFFF000  }
.LBB2_3:
0x1f: {  	p0 =	sne.s32 s18, $0x27F0  }
.Ltmp1:
0x20: {  	_ = 	snop;
	(pc) =	sbr.rel @p0 .LBB2_3-.Ltmp1, $4  }
0x21: {  	_ = 	snop  }
0x22: {  	v8 =	vor.u32 s18, v0  }
0x23: {  	v8 =	vand.u32 $0xFFF, v8  }
0x24: {  	s18 =	sadd.s32 $0x10, s18;
	[tilespmem:s17+$0x0] =	vst v8;
	s17 =	sadd.s32 $0x10, s17  }
0x25: {  	s17 =	simm.s32 $0x0  }
0x26: {  	v10 =	vld [tilespmem:s17+$0x0];
	_ =	sdelay $0x4  }
0x27: {  	vm8 =	veq.s32 v10, $0x0  }
0x28: {  	vm1 =	vcmask $0x704;
	vm9 =	veq.s32 v10, $0x1;
	v8 =	vsel vm8, $0x1, v1  }
0x29: {  	s31 =	simm.s32 $0x10;
	vm3 =	vcmask $0xF0C;
	vm8 =	veq.s32 v10, $0x2;
	v9 =	vsel vm9, $0x1, v1;
	(xrf0) =	vadd.scan.msk.s32 $0xffff, v8  }
0x2a: {  	vm14 =	vcmask $0xB08;
	vm9 =	veq.s32 v10, $0x3;
	v8 =	vld [tilespmem:s31+$0x0];
	v11 =	vsel vm8, $0x1, v1;
	(xrf0) =	vadd.scan.msk.s32 $0xffff, v9  }
0x2b: {  	vm5 =	vcmask $0x1714;
	vm8 =	veq.s32 v10, $0x4;
	v9 =	vsel vm9, $0x1, v1;
	(xrf0) =	vadd.scan.msk.s32 $0xffff, v11  }
0x2c: {  	vm15 =	vcmask $0x1310;
	v11 =	vsel vm8, $0x1, v1;
	vm8 =	veq.s32 v10, $0x5;
	(xrf0) =	vadd.scan.msk.s32 $0xffff, v9  }
0x2d: {  	vm2 =	vcmask $0x1B18;
	v12 =	vsel vm8, $0x1, v1;
	vm8 =	veq.s32 v10, $0x6;
	(xrf0) =	vadd.scan.msk.s32 $0xffff, v11  }
0x2e: {  	v9 =	vimm.s32 $0x0;
	v13 =	vsel vm8, $0x1, v1;
	vm8 =	veq.s32 v10, $0x7;
	(xrf0) =	vadd.scan.msk.s32 $0xffff, v12  }
0x2f: {  	s17 =	simm.s32 $0x80;
	vm10 =	veq.s32 v8, $0x3;
	vm9 =	veq.s32 v8, $0x4;
	v10 =	vsel vm8, $0x1, v1;
	v11, _, _ =	vpop (xrf0);
	(xrf0) =	vadd.scan.msk.s32 $0xffff, v13  }
.LBB2_5:
0x30: {  	p0 =	sne.s32 s17, $0x3FC0;
	vm11 =	veq.s32 v8, $0x1;
	vm8 =	veq.s32 v8, $0x2;
	v11 =	vbroadcast v11, $0xF;
	v12, _, _ =	vpop (xrf0);
	(xrf0) =	vadd.scan.msk.s32 $0xffff, v10  }
0x31: {  	vm12 =	veq.s32 v8, $0x0;
	v10 =	vsel vm11, $0x1, v1;
	v12 =	vbroadcast v12, $0xF;
	v13, _, _ =	vpop (xrf0)  }
0x32: {  	v14 =	vsel vm12, $0x1, v1;
	v11 =	vnsel vm0, $0x0, v11;
	v13 =	vbroadcast v13, $0xF;
	v15, _, _ =	vpop (xrf0)  }
0x33: {  	v9 =	vadd.s32 v9, v11;
	v11 =	vnsel vm1, $0x0, v12;
	v12 =	vbroadcast v15, $0xF;
	v15, _, _ =	vpop (xrf0)  }
0x34: {  	v9 =	vadd.s32 v11, v9;
	v11 =	vnsel vm14, $0x0, v13;
	v13 =	vbroadcast v15, $0xF;
	v15, _, _ =	vpop (xrf0)  }
0x35: {  	v9 =	vadd.s32 v11, v9;
	v11 =	vnsel vm3, $0x0, v12;
	v12 =	vbroadcast v15, $0xF;
	v15, _, _ =	vpop (xrf0)  }
0x36: {  	v9 =	vadd.s32 v11, v9;
	v11 =	vnsel vm15, $0x0, v13;
	v13 =	vbroadcast v15, $0xF;
	v15, _, _ =	vpop (xrf0)  }
0x37: {  	s18 =	sshra.s32 s17, $0x2;
	(xrf0) =	vadd.scan.msk.s32 $0xffff, v14;
	v9 =	vadd.s32 v11, v9;
	v11 =	vnsel vm5, $0x0, v12;
	v12 =	vbroadcast v15, $0xF;
	v14 =	vmovc v8  }
0x38: {  	v15 =	vsel vm8, $0x1, v1;
	v8 =	vld [tilespmem:s18+$0x0];
	(xrf0) =	vadd.scan.msk.s32 $0xffff, v10;
	v9 =	vadd.s32 v11, v9;
	v10 =	vnsel vm2, $0x0, v13  }
.Ltmp2:
0x39: {  	v11 =	vsel vm10, $0x1, v1;
	(xrf0) =	vadd.scan.msk.s32 $0xffff, v15;
	v9 =	vadd.s32 v10, v9;
	v10 =	vnsel vm7, $0x0, v12;
	(pc) =	sbr.rel @p0 .LBB2_5-.Ltmp2, $4  }
0x3a: {  	vm8 =	veq.s32 v14, $0x5;
	v12 =	vsel vm9, $0x1, v1;
	(xrf0) =	vadd.scan.msk.s32 $0xffff, v11;
	v9 =	vadd.s32 v10, v9  }
0x3b: {  	v10 =	vsel vm8, $0x1, v1;
	vm8 =	veq.s32 v14, $0x6;
	(xrf0) =	vadd.scan.msk.s32 $0xffff, v12  }
0x3c: {  	v12 =	vsel vm8, $0x1, v1;
	vm8 =	veq.s32 v14, $0x7;
	(xrf0) =	vadd.scan.msk.s32 $0xffff, v10  }
0x3d: {  	s17 =	sadd.s32 $0x40, s17;
	v10 =	vsel vm8, $0x1, v1;
	vm10 =	veq.s32 v8, $0x3;
	vm9 =	veq.s32 v8, $0x4;
	v11, _, _ =	vpop (xrf0);
	(xrf0) =	vadd.scan.msk.s32 $0xffff, v12  }
0x3e: {  	vm8 =	veq.s32 v8, $0x1;
	v11 =	vbroadcast v11, $0xF;
	v12, _, _ =	vpop (xrf0)  }
0x3f: {  	vm11 =	veq.s32 v8, $0x2;
	vm12 =	veq.s32 v8, $0x0;
	v12 =	vbroadcast v12, $0xF;
	v14, _, _ =	vpop (xrf0)  }
0x40: {  	v13 =	vsel vm8, $0x1, v1;
	v11 =	vnsel vm0, $0x0, v11;
	v14 =	vbroadcast v14, $0xF;
	v16, _, _ =	vpop (xrf0)  }
0x41: {  	(xrf0) =	vadd.scan.msk.s32 $0xffff, v10;
	v9 =	vadd.s32 v9, v11;
	v10 =	vnsel vm1, $0x0, v12;
	v11 =	vbroadcast v16, $0xF  }
0x42: {  	v15 =	vsel vm12, $0x1, v1;
	v9 =	vadd.s32 v10, v9;
	v10 =	vnsel vm14, $0x0, v14  }
0x43: {  	v25, _, _ =	vpop (xrf0);
	(xrf0) =	vadd.scan.msk.s32 $0xffff, v15;
	v9 =	vadd.s32 v10, v9;
	v10 =	vnsel vm3, $0x0, v11;
	v11 =	vsel vm11, $0x1, v1  }
0x44: {  	v12 =	vbroadcast v25, $0xF;
	v26, _, _ =	vpop (xrf0);
	(xrf0) =	vadd.scan.msk.s32 $0xffff, v13  }
0x45: {  	v28 =	vsel vm9, $0x1, v1;
	v9 =	vadd.s32 v10, v9;
	v10 =	vsel vm10, $0x1, v1;
	(xrf0) =	vadd.scan.msk.s32 $0xffff, v11  }
0x46: {  	vm8 =	veq.s32 v8, $0x5;
	v27 =	vbroadcast v26, $0xF;
	v12 =	vnsel vm15, $0x0, v12;
	v11, _, _ =	vpop (xrf0);
	(xrf0) =	vadd.scan.msk.s32 $0xffff, v10  }
0x47: {  	v10 =	vbroadcast v11, $0xF;
	v11 =	vsel vm8, $0x1, v1;
	vm8 =	veq.s32 v8, $0x6;
	(xrf0) =	vadd.scan.msk.s32 $0xffff, v28  }
0x48: {  	v9 =	vadd.s32 v12, v9;
	v29, _, _ =	vpop (xrf0);
	v30 =	vsel vm8, $0x1, v1;
	vm8 =	veq.s32 v8, $0x7;
	(xrf0) =	vadd.scan.msk.s32 $0xffff, v11  }
0x49: {  	v8 =	vnsel vm5, $0x0, v27;
	v11 =	vbroadcast v29, $0xF;
	v32, _, _ =	vpop (xrf0);
	v31 =	vsel vm8, $0x1, v1;
	(xrf0) =	vadd.scan.msk.s32 $0xffff, v30  }
0x4a: {  	v8 =	vadd.s32 v8, v9;
	v9 =	vnsel vm2, $0x0, v10;
	v10 =	vbroadcast v32, $0xF;
	v33, _, _ =	vpop (xrf0);
	(xrf0) =	vadd.scan.msk.s32 $0xffff, v31  }
0x4b: {  	v8 =	vadd.s32 v9, v8;
	v9 =	vnsel vm7, $0x0, v11;
	v11 =	vbroadcast v33, $0xF;
	v34, _, _ =	vpop (xrf0)  }
0x4c: {  	v8 =	vadd.s32 v9, v8;
	v9 =	vnsel vm0, $0x0, v10;
	v10 =	vbroadcast v34, $0xF;
	v35, _, _ =	vpop (xrf0)  }
0x4d: {  	v8 =	vadd.s32 v8, v9;
	v9 =	vnsel vm1, $0x0, v11;
	v11 =	vbroadcast v35, $0xF;
	v36, _, _ =	vpop (xrf0)  }
0x4e: {  	v8 =	vadd.s32 v9, v8;
	v9 =	vnsel vm14, $0x0, v10;
	v10 =	vbroadcast v36, $0xF;
	v37, _, _ =	vpop (xrf0)  }
0x4f: {  	v8 =	vadd.s32 v9, v8;
	v9 =	vnsel vm3, $0x0, v11;
	v11 =	vbroadcast v37, $0xF;
	v38, _, _ =	vpop (xrf0)  }
0x50: {  	v8 =	vadd.s32 v9, v8;
	v9 =	vnsel vm15, $0x0, v10;
	v10 =	vbroadcast v38, $0xF;
	v39, _, _ =	vpop (xrf0)  }
0x51: {  	v8 =	vadd.s32 v9, v8;
	v9 =	vnsel vm5, $0x0, v11;
	v11 =	vbroadcast v39, $0xF  }
0x52: {  	v8 =	vadd.s32 v9, v8;
	v9 =	vnsel vm2, $0x0, v10  }
0x53: {  	v8 =	vadd.s32 v9, v8;
	v9 =	vnsel vm7, $0x0, v11  }
0x54: {  	v9 =	vadd.s32 v9, v8  }
0x55: {  	v8 =	vadd.s32 $0x27F, v9  }
0x56: {  	(v2sf) =	vpush v8, $0xD;
	_ =	sdelay $0x1  }
0x57: {  	(v2sf) =	vpush v8, $0xC;
	_ =	sdelay $0x1  }
0x58: {  	(v2sf) =	vpush v8, $0xE;
	_ =	sdelay $0x1  }
0x59: {  	(v2sf) =	vpush v8, $0xF;
	_ =	sdelay $0x1  }
0x5a: {  	(v2sf) =	vpush v8, $0x9  }
0x5b: {  	(v2sf) =	vpush v8, $0x8;
	_ =	sdelay $0x2  }
0x5c: {  	(v2sf) =	vpush v8, $0xA;
	_ =	sdelay $0x1  }
0x5d: {  	(v2sf) =	vpush v8, $0xB  }
0x5e: {  	s17 =	spop (v2sf)  }
0x5f: {  	(v2sf) =	vpush v8, $0x0;
	s18 =	smulhi.u32 $0x66666667, s17;
	s17 =	sshra.s32 s17, $0x1F  }
0x60: {  	s19 =	spop (v2sf);
	s17 =	smul.u32 $0x66666667, s17  }
0x61: {  	(v2sf) =	vpush v8, $0x1;
	s20 =	smulhi.u32 $0x66666667, s19;
	s19 =	sshra.s32 s19, $0x1F  }
0x62: {  	s21 =	spop (v2sf);
	(v2sf) =	vpush v8, $0x2;
	s19 =	smul.u32 $0x66666667, s19  }
0x63: {  	s22 =	smulhi.u32 $0x66666667, s21;
	s21 =	sshra.s32 s21, $0x1F;
	(v2sf) =	vpush v8, $0x3  }
0x64: {  	s23 =	spop (v2sf);
	s21 =	smul.u32 $0x66666667, s21;
	(v2sf) =	vpush v8, $0x4  }
0x65: {  	s24 =	smulhi.u32 $0x66666667, s23;
	s23 =	sshra.s32 s23, $0x1F;
	(v2sf) =	vpush v8, $0x5  }
0x66: {  	s25 =	spop (v2sf);
	s17 =	sadd.s32 s17, s18;
	s23 =	smul.u32 $0x66666667, s23;
	(v2sf) =	vpush v8, $0x6  }
0x67: {  	s28 =	smulhi.u32 $0x66666667, s25;
	s25 =	sshra.s32 s25, $0x1F;
	s1 =	spop (v2sf);
	(v2sf) =	vpush v8, $0x7  }
0x68: {  	s26 =	sshrl.u32 s17, $0x1F;
	s20 =	sadd.s32 s19, s20;
	s25 =	smul.u32 $0x66666667, s25  }
0x69: {  	s17 =	sshra.s32 s17, $0x8;
	s29 =	smulhi.u32 $0x66666667, s1;
	s18 =	sshra.s32 s1, $0x1F  }
0x6a: {  	s2 =	spop (v2sf);
	s31 =	sshrl.u32 s20, $0x1F;
	s30 =	smul.u32 $0x66666667, s18  }
0x6b: {  	s1 =	smulhi.u32 $0x66666667, s2;
	s3 =	sshra.s32 s2, $0x1F;
	s18 =	sadd.s32 s21, s22  }
0x6c: {  	s4 =	spop (v2sf);
	s19 =	sadd.s32 s23, s24;
	s22 =	smul.u32 $0x66666667, s3  }
0x6d: {  	s0 =	sshrl.u32 s18, $0x1F;
	s2 =	smulhi.u32 $0x66666667, s4;
	s5 =	sshra.s32 s4, $0x1F  }
0x6e: {  	s12 =	sshrl.u32 s19, $0x1F;
	s6 =	smul.u32 $0x66666667, s5;
	s3 =	spop (v2sf)  }
0x6f: {  	s21 =	sadd.s32 s25, s28;
	s24 =	smulhi.u32 $0x66666667, s3;
	s13 =	sshra.s32 s3, $0x1F  }
0x70: {  	s25 =	sadd.s32 s30, s29;
	s4 =	spop (v2sf);
	s13 =	smul.u32 $0x66666667, s13  }
0x71: {  	s28 =	smulhi.u32 $0x66666667, s4;
	s14 =	sshra.s32 s4, $0x1F;
	s15 =	spop (v2sf)  }
0x72: {  	s22 =	sadd.s32 s22, s1;
	s14 =	smul.u32 $0x66666667, s14;
	s5 =	spop (v2sf)  }
0x73: {  	s30 =	smulhi.u32 $0x66666667, s15;
	s15 =	sshra.s32 s15, $0x1F;
	s3 =	spop (v2sf)  }
0x74: {  	s23 =	sadd.s32 s6, s2;
	s1 =	smul.u32 $0x66666667, s15;
	s15 =	spop (v2sf)  }
0x75: {  	s4 =	smulhi.u32 $0x66666667, s5;
	s29 =	sshra.s32 s5, $0x1F;
	s5 =	spop (v2sf)  }
0x76: {  	s13 =	sadd.s32 s13, s24;
	s2 =	smul.u32 $0x66666667, s29;
	s6 =	spop (v2sf)  }
0x77: {  	s14 =	sadd.s32 s14, s28;
	s24 =	smulhi.u32 $0x66666667, s6;
	s29 =	sshra.s32 s6, $0x1F  }
0x78: {  	v11 =	vmov s31;
	s31 =	sshrl.u32 s13, $0x1F;
	s1 =	sadd.s32 s1, s30;
	s28 =	smul.u32 $0x66666667, s29  }
0x79: {  	v11 =	vsel vm14, s26, v11;
	s30 =	sshrl.u32 s25, $0x1F;
	s26 =	smulhi.u32 $0x66666667, s15;
	s15 =	sshra.s32 s15, $0x1F  }
0x7a: {  	v40 =	vmov s31;
	s31 =	sshra.s32 s14, $0x8;
	s2 =	sadd.s32 s2, s4;
	s24 =	sadd.s32 s28, s24  }
0x7b: {  	vm13 =	vcmask $0x3330;
	vm11 =	vcmask $0x300;
	s29 =	smulhi.u32 $0x66666667, s3;
	s3 =	sshra.s32 s3, $0x1F;
	s4 =	sshra.s32 s24, $0x1F  }
0x7c: {  	v11 =	vsel vm15, s0, v11;
	v41 =	vmov s30;
	s6 =	sshrl.u32 s21, $0x1F;
	s3 =	smul.u32 $0x66666667, s3;
	v10 =	vmov s4;
	s4 =	sshra.s32 s13, $0x8  }
0x7d: {  	v11 =	vsel vm2, s12, v11;
	s30 =	sshra.s32 s2, $0x8;
	v13 =	vsel vm14, s6, v41;
	s28 =	sshrl.u32 s22, $0x1F;
	s13 =	sshra.s32 s13, $0x1F;
	v10 =	vsel vm11, s4, v10  }
0x7e: {  	v12 =	vnsel vm11, $0x0, v40;
	s3 =	sadd.s32 s3, s29;
	s29 =	sshrl.u32 s23, $0x1F;
	v13 =	vsel vm15, s28, v13;
	s4 =	sshrl.u32 s14, $0x1F;
	v10 =	vsel vm1, s13, v10  }
0x7f: {  	v13 =	vsel vm2, s29, v13;
	s14 =	sshra.s32 s14, $0x1F;
	s13 =	sshrl.u32 s1, $0x1F;
	v12 =	vsel vm14, s4, v12;
	s4 =	smulhi.u32 $0x66666667, s5;
	v10 =	vsel vm14, s31, v10  }
0x80: {  	vm12 =	vcmask $0x2B28;
	v11 =	vcombine.low v13, v11;
	s5 =	sshra.s32 s5, $0x1F;
	s31 =	smul.u32 $0x66666667, s15;
	v10 =	vsel vm3, s14, v10;
	s14 =	sshra.s32 s1, $0x8  }
0x81: {  	vm8 =	vcmask $0x2320;
	v12 =	vsel vm15, s13, v12;
	s5 =	smul.u32 $0x66666667, s5;
	s13 =	sshra.s32 s20, $0x8;
	s1 =	sshra.s32 s1, $0x1F;
	v10 =	vsel vm15, s14, v10  }
0x82: {  	s15 =	sshrl.u32 s2, $0x1F;
	v11 =	vperm.xlane v11, v2;
	v42 =	vmov s13;
	s0 =	sadd.s32 s31, s26;
	s26 =	sshrl.u32 s3, $0x1F;
	v10 =	vsel vm5, s1, v10  }
0x83: {  	v12 =	vsel vm2, s15, v12;
	s4 =	sadd.s32 s5, s4;
	s5 =	sshra.s32 s2, $0x1F;
	s14 =	sshra.s32 s25, $0x8;
	v13 =	vsel vm14, s17, v42;
	v10 =	vsel vm2, s30, v10  }
0x84: {  	s12 =	sshra.s32 s3, $0x8;
	s25 =	sshra.s32 s18, $0x8;
	v12 =	vsel vm8, s26, v12;
	v43 =	vmov s14;
	v10 =	vsel vm7, s5, v10  }
0x85: {  	s20 =	sshra.s32 s21, $0x8;
	s15 =	sshra.s32 s3, $0x1F;
	s31 =	sshrl.u32 s0, $0x1F;
	v13 =	vsel vm15, s25, v13;
	v10 =	vsel vm8, s12, v10;
	vm8 =	vcmask $0x2724  }
0x86: {  	s21 =	sshra.s32 s0, $0x8;
	s26 =	sshra.s32 s22, $0x8;
	v12 =	vsel vm12, s31, v12;
	v14 =	vsel vm14, s20, v43;
	v10 =	vsel vm8, s15, v10  }
0x87: {  	s28 =	sshra.s32 s19, $0x8;
	s29 =	sshra.s32 s23, $0x8;
	s0 =	sshra.s32 s0, $0x1F;
	v14 =	vsel vm15, s26, v14;
	vm8 =	vcmask $0x2F2C;
	v10 =	vsel vm12, s21, v10  }
0x88: {  	v44 =	vld [tilespmem:$0x1FFE0];
	s30 =	sshra.s32 s4, $0x8;
	v13 =	vsel vm2, s28, v13;
	v14 =	vsel vm2, s29, v14;
	v10 =	vsel vm8, s0, v10  }
0x89: {  	s6 =	sshrl.u32 s4, $0x1F;
	s1 =	sshra.s32 s4, $0x1F;
	v13 =	vcombine.low v14, v13;
	vm12 =	vcmask $0x3734;
	v10 =	vsel vm13, s30, v10  }
0x8a: {  	s2 =	sshra.s32 s24, $0x8;
	s31 =	sshrl.u32 s24, $0x1F;
	v12 =	vsel vm13, s6, v12;
	vm8 =	vcmask $0x3B38;
	v10 =	vsel vm12, s1, v10  }
0x8b: {  	v13 =	vperm.xlane v13, v2;
	v12 =	vsel vm8, s31, v12;
	v10 =	vsel vm8, s2, v10  }
0x8c: {  	v12 =	vperm.xlane v12, v3;
	v10 =	vperm.xlane v10, v3  }
0x8d: {  	vm13 =	vnez.u8 v44  }
0x8e: {  	v11 =	vsel vm13, v12, v11;
	v10 =	vsel vm13, v10, v13  }
0x8f: {  	v10 =	vadd.s32 v11, v10  }
0x90: {  	v11 =	vmul.u32 $0xFFFFFD80, v10  }
0x91: {  	v9 =	vsub.s32 $0xFFFFFD81, v9  }
0x92: {  	vm8 =	vlt.s32 v8, $0x1;
	vm12 =	vne.s32 v11, v9  }
0x93: {  	vm8 =	vmand vm8, vm12  }
0x94: {  	v8 =	vsel vm8, $0xFFFFFFFF, v1  }
0x95: {  	v8 =	vadd.s32 v8, v10  }
0x96: {  	v10 =	vnsel vm13, $0x0, v8  }
0x97: {  	(xrf0) =	vadd.scan.msk.s32 $0xffff, v10;
	_ =	sdelay $0x5  }
0x98: {  	vm1 =	vcmask $0x1B20;
	v8, _, _ =	vpop (xrf0)  }
0x99: {  	vm8 =	vgt.s32 v10, $0x0;
	v9 =	vsel vm1, $0x0, v8  }
0x9a: {  	vm4 =	vcmask $0x308;
	v8 =	vsub.s32 v8, v10;
	(xrf0) =	vadd.scan.msk.s32 $0xffff, v9;
	v9 =	vnsel vm8, $0x80000000, v4  }
0x9b: {  	(xrf0) =	vmax.scan.msk.u32 $0xffff, v9;
	v9 =	vsel vm4, $0x0, v8  }
0x9c: {  	(xrf0) =	vadd.scan.msk.s32 $0xffff, v9;
	v9 =	vld [tilespmem:$0x1FFA0];
	_ =	sdelay $0x4  }
0x9d: {  	vm8 =	vnez.u8 v9  }
0x9e: {  	v9 =	vsel vm8, $0x0, v10  }
0x9f: {  	v11 =	vsel vm6, $0x0, v8;
	(xrf0) =	vadd.scan.msk.s32 $0xffff, v9  }
0xa0: {  	(xrf0) =	vadd.scan.msk.s32 $0xffff, v11;
	v11 =	vld [tilespmem:$0x1FFB0];
	_ =	sdelay $0x4  }
0xa1: {  	vm8 =	vnez.u8 v11  }
0xa2: {  	vm5 =	vcmask $0xB10;
	v11 =	vsel vm8, $0x0, v10  }
0xa3: {  	(xrf0) =	vadd.scan.msk.s32 $0xffff, v11;
	v11 =	vsel vm5, $0x0, v8  }
0xa4: {  	v9, _, _ =	vpop (xrf0);
	(xrf0) =	vadd.scan.msk.s32 $0xffff, v11;
	v11 =	vld [tilespmem:$0x1FFC0];
	_ =	sdelay $0x4  }
0xa5: {  	vm8 =	vnez.u8 v11  }
0xa6: {  	vm4 =	vcmask $0xF14;
	v11 =	vsel vm8, $0x0, v10  }
0xa7: {  	v48 =	vld [tilespmem:$0x1FFF0];
	v45, _, _ =	vpop (xrf0);
	(xrf0) =	vadd.scan.msk.s32 $0xffff, v11;
	v11 =	vsel vm4, $0x0, v8  }
0xa8: {  	v46, _, _ =	vpop (xrf0);
	(xrf0) =	vadd.scan.msk.s32 $0xffff, v11;
	v11 =	vld [tilespmem:$0x1FFD0];
	_ =	sdelay $0x3  }
0xa9: {  	vm10 =	vcmask $0x3F18;
	vm3 =	vcmask $0x1318;
	(v2sf) =	vpush v9, $0xF  }
0xaa: {  	vm12 =	vnez.u8 v48;
	(v2sf) =	vpush v45, $0xF;
	vm13 =	vnez.u8 v11  }
0xab: {  	(v2sf) =	vpush v46, $0xF;
	v49, _, _ =	vpop (xrf0);
	vm8 =	vmneg vm10;
	v11 =	vsel vm13, $0x0, v10  }
0xac: {  	v47 =	vsel vm3, $0x0, v8;
	(v2sf) =	vpush v49, $0xF;
	vm8 =	vmand vm8, vm12  }
0xad: {  	vm12 =	vmneg vm7;
	vm8 =	vmor vm10, vm8;
	vm13 =	vmneg vm2;
	(xrf0) =	vadd.scan.msk.s32 $0xffff, v11  }
0xae: {  	v50 =	vsel vm8, $0x0, v10;
	vm2 =	vcmask $0x171C;
	vm8 =	vmand vm12, vm13;
	v11, _, _ =	vpop (xrf0);
	(xrf0) =	vadd.scan.msk.s32 $0xffff, v47  }
0xaf: {  	v52 =	vsel vm2, $0x0, v8;
	vm8 =	vmor vm7, vm8;
	(v2sf) =	vpush v11, $0xF;
	v51, _, _ =	vpop (xrf0);
	(xrf0) =	vadd.scan.msk.s32 $0xffff, v50  }
0xb0: {  	v54 =	vsel vm8, $0x0, v10;
	(v2sf) =	vpush v51, $0xF;
	v53, _, _ =	vpop (xrf0);
	(xrf0) =	vadd.scan.msk.s32 $0xffff, v52  }
0xb1: {  	v56 =	vsel vm1, $0x0, v8;
	v10 =	vsel vm12, $0x0, v10;
	(v2sf) =	vpush v53, $0xF;
	v55, _, _ =	vpop (xrf0);
	(xrf0) =	vadd.scan.msk.s32 $0xffff, v54  }
0xb2: {  	(v2sf) =	vpush v55, $0xF;
	v57, _, _ =	vpop (xrf0);
	(xrf0) =	vadd.scan.msk.s32 $0xffff, v56  }
0xb3: {  	(v2sf) =	vpush v57, $0xF;
	v58, _, _ =	vpop (xrf0);
	(xrf0) =	vadd.scan.msk.s32 $0xffff, v10  }
0xb4: {  	(v2sf) =	vpush v58, $0xF;
	v10, _, _ =	vpop (xrf0)  }
0xb5: {  	(v2sf) =	vpush v10, $0xF;
	v59, _, _ =	vpop (xrf0)  }
0xb6: {  	(v2sf) =	vpush v59, $0xF;
	v60, _, _ =	vpop (xrf0)  }
0xb7: {  	(v2sf) =	vpush v60, $0xF;
	v61, _, _ =	vpop (xrf0)  }
0xb8: {  	(v2sf) =	vpush v61, $0xF;
	v62, _, _ =	vpop (xrf0)  }
0xb9: {  	s3 =	spop (v2sf);
	(v2sf) =	vpush v62, $0xF;
	v17, _, _ =	vpop (xrf0)  }
0xba: {  	s4 =	spop (v2sf);
	(v2sf) =	vpush v17, $0xF  }
0xbb: {  	s5 =	spop (v2sf)  }
0xbc: {  	s6 =	spop (v2sf)  }
0xbd: {  	v12 =	vbroadcast v46, $0xF;
	s0 =	sadd.s32 s6, s5  }
0xbe: {  	v63 =	vmov s0;
	s12 =	spop (v2sf)  }
0xbf: {  	vm13 =	vgt.s32 v63, v0;
	vm8 =	vlt.s32 v12, v5;
	s13 =	spop (v2sf)  }
0xc0: {  	v11 =	vbroadcast v11, $0xF;
	vm8 =	vmand vm8, vm13;
	s14 =	spop (v2sf)  }
0xc1: {  	v19 =	vsel vm8, $0x1, v1;
	s15 =	spop (v2sf)  }
0xc2: {  	vm12 =	vlt.s32 v11, v5;
	v14 =	vbroadcast v53, $0xF;
	v15 =	vbroadcast v57, $0xF;
	s1 =	sadd.s32 s13, s12;
	s19 =	spop (v2sf)  }
0xc3: {  	v10 =	vbroadcast v10, $0xF;
	v13 =	vbroadcast v60, $0xF;
	v18 =	vmov s1;
	s0 =	sadd.s32 s15, s14;
	s20 =	spop (v2sf)  }
0xc4: {  	v16 =	vbroadcast v62, $0xF;
	vm13 =	vgt.s32 v18, v0;
	v20 =	vmov s0;
	s21 =	spop (v2sf)  }
0xc5: {  	vm8 =	vmand vm12, vm13;
	vm12 =	vlt.s32 v14, v5;
	vm13 =	vgt.s32 v20, v0;
	s1 =	sadd.s32 s20, s19;
	s22 =	spop (v2sf)  }
0xc6: {  	v19 =	vsel vm8, $0x2, v19;
	vm8 =	vmand vm12, vm13;
	v21 =	vmov s1;
	s23 =	spop (v2sf)  }
0xc7: {  	vm12 =	vlt.s32 v15, v5;
	vm13 =	vgt.s32 v21, v0;
	s0 =	sadd.s32 s22, s21;
	v19 =	vsel vm8, $0x3, v19;
	s24 =	spop (v2sf)  }
0xc8: {  	vm8 =	vmand vm12, vm13;
	v22 =	vmov s0;
	vm12 =	vlt.s32 v10, v5;
	s25 =	spop (v2sf);
	s1 =	sadd.s32 s24, s23  }
0xc9: {  	vm13 =	vgt.s32 v22, v0;
	v19 =	vsel vm8, $0x4, v19;
	v23 =	vmov s1;
	s26 =	spop (v2sf)  }
0xca: {  	vm8 =	vmand vm12, vm13;
	vm12 =	vlt.s32 v13, v5;
	vm13 =	vgt.s32 v23, v0;
	s0 =	sadd.s32 s26, s25  }
0xcb: {  	v19 =	vsel vm8, $0x5, v19;
	vm8 =	vmand vm12, vm13;
	v24 =	vmov s0  }
0xcc: {  	v19 =	vsel vm8, $0x6, v19;
	vm8 =	vlt.s32 v16, v5;
	vm12 =	vgt.s32 v24, v0  }
0xcd: {  	vm13 =	vlt.s32 v12, v6;
	vm8 =	vmand vm8, vm12;
	vm12 =	vgt.s32 v63, v7  }
0xce: {  	v26 =	vsel vm8, $0x7, v19;
	vm8 =	vmand vm13, vm12  }
0xcf: {  	vm13 =	vgt.s32 v18, v7;
	v27 =	vsel vm8, $0x1, v1;
	vm8 =	vlt.s32 v11, v6  }
0xd0: {  	vm12 =	vlt.s32 v14, v6;
	vm8 =	vmand vm8, vm13;
	vm13 =	vgt.s32 v20, v7  }
0xd1: {  	v9 =	vbroadcast v9, $0xF;
	v11 =	vsel vm8, $0x2, v27;
	vm8 =	vmand vm12, vm13  }
0xd2: {  	vm12 =	vgt.s32 v21, v7;
	v11 =	vsel vm8, $0x3, v11;
	vm8 =	vlt.s32 v15, v6  }
0xd3: {  	vm13 =	vlt.s32 v10, v6;
	vm8 =	vmand vm8, vm12;
	vm12 =	vgt.s32 v22, v7  }
0xd4: {  	vm11 =	vgt.s32 v9, v0;
	v10 =	vsel vm8, $0x4, v11;
	vm8 =	vmand vm13, vm12  }
0xd5: {  	vm13 =	vgt.s32 v23, v7;
	v10 =	vsel vm8, $0x5, v10;
	vm8 =	vlt.s32 v13, v6  }
0xd6: {  	s28 =	sxor.u32 $0x80000000, s4;
	vm12 =	vlt.s32 v16, v6;
	vm8 =	vmand vm8, vm13;
	vm13 =	vgt.s32 v24, v7  }
0xd7: {  	s29 =	sadd.s32 $0xFFFFFFFF, s3;
	v11 =	vnsel vm11, s28, v26;
	v10 =	vsel vm8, $0x6, v10;
	vm8 =	vmand vm12, vm13  }
0xd8: {  	s30 =	smul.u32 $0x280, s3;
	[tilespmem:$0x4800] =	vst v11;
	v11 =	vnsel vm11, s29, v0;
	v10 =	vsel vm8, $0x7, v10;
	vm8 =	vgt.s32 v9, v7  }
0xd9: {  	[tilespmem:$0x4880] =	vst v11;
	v9 =	vnsel vm8, s28, v10  }
0xda: {  	vm1 =	vcmask $0x300;
	v10 =	vmov s30;
	[tilespmem:$0x4810] =	vst v9;
	v9 =	vnsel vm8, s29, v7  }
0xdb: {  	[tilespmem:$0x4890] =	vst v9;
	v9 =	vnsel vm1, $0x0, v10  }
0xdc: {  	s31 =	simm.s32 $0x0;
	[tilespmem:$0x4900] =	vst v9  }
0xdd: {  	v9 =	vld [tilespmem:s31+$0x0];
	_ =	sdelay $0x4  }
0xde: {  	v10 =	vimm.s32 $0x0;
	vm1 =	veq.s32 v9, $0x4  }
0xdf: {  	v10 =	vsel vm1, $0xFFFFFFFF, v10  }
0xe0: {  	vm8 =	veq.s32 v9, $0x0;
	[tilespmem:$0x1FF90] =	vst v10;
	v10 =	vsel vm1, $0x1, v1  }
0xe1: {  	vm9 =	veq.s32 v9, $0x1;
	v11 =	vsel vm8, $0x1, v1;
	(xrf0) =	vadd.scan.msk.s32 $0xffff, v10  }
0xe2: {  	vm13 =	veq.s32 v9, $0x2;
	v10 =	vsel vm9, $0x1, v1;
	(xrf0) =	vadd.scan.msk.s32 $0xffff, v11  }
0xe3: {  	vm12 =	veq.s32 v9, $0x3;
	v11 =	vsel vm13, $0x1, v1;
	(xrf0) =	vadd.scan.msk.s32 $0xffff, v10  }
0xe4: {  	v10 =	vsel vm12, $0x1, v1;
	(xrf0) =	vadd.scan.msk.s32 $0xffff, v11;
	_ =	sdelay $0x1  }
0xe5: {  	(xrf0) =	vadd.scan.msk.s32 $0xffff, v10  }
0xe6: {  	vm10 =	veq.s32 v9, $0x5;
	v10, _, _ =	vpop (xrf0)  }
0xe7: {  	v8 =	vmul.u32 $0x280, v8;
	vm11 =	veq.s32 v9, $0x6;
	v11 =	vsel vm10, $0x1, v1;
	v28, _, _ =	vpop (xrf0)  }
0xe8: {  	v29 =	vsel vm11, $0x1, v1;
	(xrf0) =	vadd.scan.msk.s32 $0xffff, v11;
	v11 =	vbroadcast v28, $0xF;
	v30, _, _ =	vpop (xrf0)  }
0xe9: {  	v33 =	vnsel vm0, $0x0, v8;
	(xrf0) =	vadd.scan.msk.s32 $0xffff, v29;
	v31 =	vbroadcast v30, $0xF;
	v32, _, _ =	vpop (xrf0)  }
0xea: {  	vm1 =	vcmask $0x704;
	v11 =	vnsel vm0, $0x0, v11;
	v34 =	vbroadcast v32, $0xF  }
0xeb: {  	v35, _, _ =	vpop (xrf0);
	v8 =	vadd.s32 v8, v11;
	v11 =	vnsel vm1, $0x0, v31;
	vm1 =	vcmask $0x308  }
0xec: {  	v38 =	vbroadcast v10, $0xF;
	(xrf0) =	vadd.scan.msk.s32 $0xffff, v33;
	v36 =	vbroadcast v35, $0xF;
	v37 =	vsel vm1, $0x0, v8  }
0xed: {  	v8 =	vadd.s32 v11, v8;
	v11 =	vnsel vm14, $0x0, v34;
	vm1 =	vcmask $0xF0C  }
0xee: {  	v39 =	vsel vm6, $0x0, v8;
	v8 =	vadd.s32 v11, v8;
	(xrf0) =	vadd.scan.msk.s32 $0xffff, v37;
	v11 =	vnsel vm1, $0x0, v36;
	v40, _, _ =	vpop (xrf0)  }
0xef: {  	v41 =	vsel vm5, $0x0, v8;
	(xrf0) =	vadd.scan.msk.s32 $0xffff, v39;
	v8 =	vadd.s32 v11, v8;
	v11 =	vbroadcast v40, $0xF;
	v42, _, _ =	vpop (xrf0)  }
0xf0: {  	v17 =	vnsel vm15, $0x0, v38;
	vm1 =	vcmask $0x1714;
	v43 =	vbroadcast v42, $0xF  }
0xf1: {  	(xrf0) =	vadd.scan.msk.s32 $0xffff, v41;
	v44 =	vadd.s32 v17, v8;
	v8 =	vsel vm4, $0x0, v8;
	v11 =	vnsel vm1, $0x0, v11  }
0xf2: {  	v17 =	vsel vm3, $0x0, v44;
	v45, _, _ =	vpop (xrf0);
	(xrf0) =	vadd.scan.msk.s32 $0xffff, v8;
	vm1 =	vcmask $0x1B18;
	v8 =	vadd.s32 v11, v44  }
0xf3: {  	v11 =	vnsel vm1, $0x0, v43;
	v46 =	vadd.s32 $0xFFFFFFFF, v45;
	(xrf0) =	vadd.scan.msk.s32 $0xffff, v17;
	vm1 =	vcmask $0x1B20  }
0xf4: {  	v62 =	vld [tilespmem:$0x1FF90];
	v47 =	vsel vm2, $0x0, v8;
	v8 =	vadd.s32 v11, v8;
	v11 =	vbroadcast v46, $0xF;
	v48, _, _ =	vpop (xrf0)  }
0xf5: {  	v49 =	vsel vm1, $0x0, v8;
	(xrf0) =	vadd.scan.msk.s32 $0xffff, v47;
	v16 =	vadd.s32 $0xFFFFFFFF, v48;
	v50, _, _ =	vpop (xrf0)  }
0xf6: {  	(xrf0) =	vadd.scan.msk.s32 $0xffff, v49;
	v11 =	vadd.s32 v28, v11;
	v51 =	vbroadcast v16, $0xF;
	v52 =	vadd.s32 $0xFFFFFFFF, v50  }
0xf7: {  	v11 =	vnsel vm8, $0x0, v11;
	vm8 =	veq.s32 v9, $0x7;
	v9, _, _ =	vpop (xrf0);
	v16 =	vbroadcast v52, $0xF  }
0xf8: {  	v53 =	vsel vm8, $0x1, v1;
	v9 =	vadd.s32 $0xFFFFFFFF, v9;
	v54, _, _ =	vpop (xrf0);
	v12 =	vadd.s32 v30, v51  }
0xf9: {  	vm1 =	vnez.u8 v62;
	v9 =	vbroadcast v9, $0xF;
	(xrf0) =	vadd.scan.msk.s32 $0xffff, v53;
	v56, _, _ =	vpop (xrf0);
	v11 =	vsel vm9, v12, v11  }
0xfa: {  	v55 =	vadd.s32 v32, v16;
	v12 =	vadd.s32 $0xFFFFFFFF, v54;
	v14 =	vadd.s32 $0xFFFFFFFF, v56  }
0xfb: {  	v11 =	vsel vm13, v55, v11;
	v12 =	vbroadcast v12, $0xF;
	v9 =	vadd.s32 v35, v9;
	v57, _, _ =	vpop (xrf0)  }
0xfc: {  	v9 =	vsel vm12, v9, v11;
	v11 =	vbroadcast v14, $0xF;
	v58 =	vadd.s32 $0xFFFFFFFF, v57;
	v59, _, _ =	vpop (xrf0)  }
0xfd: {  	v10 =	vadd.s32 v10, v12;
	v60 =	vbroadcast v58, $0xF;
	v61 =	vadd.s32 $0xFFFFFFFF, v59  }
0xfe: {  	v9 =	vsel vm1, v10, v9;
	v10 =	vadd.s32 v40, v11;
	v11 =	vbroadcast v61, $0xF  }
0xff: {  	v9 =	vsel vm10, v10, v9;
	v10 =	vadd.s32 v42, v60;
	v63, _, _ =	vpop (xrf0)  }
0x100: {  	v9 =	vsel vm11, v10, v9;
	v10 =	vadd.s32 v63, v11  }
0x101: {  	v9 =	vsel vm8, v10, v9;
	_ =	sdelay $0x2  }
0x102: {  	s17 =	simm.s32 $0x3800;
	v10 =	vbroadcast v63, $0xF  }
0x103: {  	v11 =	vor.u32 s31, v0;
	[tilespmem:s17+$0x0] =	vst v9  }
0x104: {  	s18 =	simm.s32 $0x10;
	v10 =	vnsel vm7, $0x0, v10;
	[tilespmem:v9+s11+$0x0] =	vst.idx.msk $0xffff, v11  }
0x105: {  	v9 =	vadd.s32 v10, v8;
	v8 =	vld [tilespmem:s18+$0x0];
	_ =	sdelay $0x1  }
0x106: {  	s19 =	simm.s32 $0x20;
	s20 =	simm.s32 $0x10  }
.LBB2_7:
0x107: {  	p0 =	sne.s32 s19, $0xFF0;
	_ =	sdelay $0x1  }
0x108: {  	vm13 =	veq.s32 v8, $0x4  }
0x109: {  	vm14 =	veq.s32 v8, $0x0;
	v10 =	vsel vm13, $0x1, v1  }
0x10a: {  	vm12 =	veq.s32 v8, $0x1;
	v11 =	vsel vm14, $0x1, v1;
	(xrf0) =	vadd.scan.msk.s32 $0xffff, v10  }
0x10b: {  	vm11 =	veq.s32 v8, $0x2;
	v10 =	vsel vm12, $0x1, v1;
	(xrf0) =	vadd.scan.msk.s32 $0xffff, v11  }
0x10c: {  	vm10 =	veq.s32 v8, $0x3;
	v11 =	vsel vm11, $0x1, v1;
	(xrf0) =	vadd.scan.msk.s32 $0xffff, v10  }
0x10d: {  	v10 =	vsel vm10, $0x1, v1;
	(xrf0) =	vadd.scan.msk.s32 $0xffff, v11  }
0x10e: {  	(xrf0) =	vadd.scan.msk.s32 $0xffff, v10  }
0x10f: {  	vm9 =	veq.s32 v8, $0x5  }
0x110: {  	vm15 =	veq.s32 v8, $0x6;
	v10 =	vsel vm9, $0x1, v1;
	v11, _, _ =	vpop (xrf0)  }
0x111: {  	v12 =	vsel vm15, $0x1, v1;
	v13, _, _ =	vpop (xrf0);
	(xrf0) =	vadd.scan.msk.s32 $0xffff, v10  }
0x112: {  	v10 =	vbroadcast v13, $0xF;
	v14, _, _ =	vpop (xrf0);
	(xrf0) =	vadd.scan.msk.s32 $0xffff, v12  }
0x113: {  	vm1 =	vcmask $0x704;
	v18 =	vbroadcast v11, $0xF;
	v15 =	vbroadcast v14, $0xF;
	v16, _, _ =	vpop (xrf0)  }
0x114: {  	v12 =	vnsel vm0, $0x0, v9;
	v10 =	vnsel vm0, $0x0, v10;
	v17 =	vbroadcast v16, $0xF  }
0x115: {  	v19, _, _ =	vpop (xrf0);
	v9 =	vadd.s32 v9, v10;
	v10 =	vnsel vm1, $0x0, v15;
	vm1 =	vcmask $0x308  }
0x116: {  	v15 =	vbroadcast v19, $0xF;
	v20 =	vsel vm1, $0x0, v9;
	vm1 =	vcmask $0xB08  }
0x117: {  	(xrf0) =	vadd.scan.msk.s32 $0xffff, v12;
	v9 =	vadd.s32 v10, v9;
	v10 =	vnsel vm1, $0x0, v17;
	vm1 =	vcmask $0xF0C  }
0x118: {  	v21 =	vsel vm6, $0x0, v9;
	v9 =	vadd.s32 v10, v9;
	v10 =	vnsel vm1, $0x0, v15  }
0x119: {  	(xrf0) =	vadd.scan.msk.s32 $0xffff, v20;
	v12, _, _ =	vpop (xrf0);
	vm1 =	vcmask $0x1310;
	v15 =	vsel vm5, $0x0, v9;
	v9 =	vadd.s32 v10, v9  }
0x11a: {  	v10 =	vbroadcast v12, $0xF;
	(xrf0) =	vadd.scan.msk.s32 $0xffff, v21;
	v17, _, _ =	vpop (xrf0);
	v22 =	vnsel vm1, $0x0, v18;
	vm1 =	vcmask $0x1714  }
0x11b: {  	v20 =	vsel vm4, $0x0, v9;
	v21 =	vbroadcast v17, $0xF;
	(xrf0) =	vadd.scan.msk.s32 $0xffff, v15;
	v9 =	vadd.s32 v22, v9  }
0x11c: {  	v10 =	vnsel vm1, $0x0, v10;
	(xrf0) =	vadd.scan.msk.s32 $0xffff, v20;
	v22 =	vsel vm3, $0x0, v9;
	vm1 =	vcmask $0x1B18  }
0x11d: {  	v9 =	vadd.s32 v10, v9;
	v10 =	vnsel vm1, $0x0, v21;
	v18, _, _ =	vpop (xrf0);
	vm1 =	vcmask $0x1B20  }
0x11e: {  	v18 =	vadd.s32 $0xFFFFFFFF, v18;
	v21 =	vsel vm2, $0x0, v9;
	v9 =	vadd.s32 v10, v9;
	(xrf0) =	vadd.scan.msk.s32 $0xffff, v22  }
0x11f: {  	vm8 =	veq.s32 v8, $0x7;
	v10 =	vbroadcast v18, $0xF;
	v8 =	vsel vm1, $0x0, v9;
	v15, _, _ =	vpop (xrf0);
	(xrf0) =	vadd.scan.msk.s32 $0xffff, v21  }
0x120: {  	v18 =	vsel vm8, $0x1, v1;
	v21 =	vadd.s32 $0xFFFFFFFF, v15;
	v20, _, _ =	vpop (xrf0);
	(xrf0) =	vadd.scan.msk.s32 $0xffff, v8  }
0x121: {  	v8 =	vadd.s32 v13, v10;
	v10 =	vbroadcast v21, $0xF;
	v13 =	vadd.s32 $0xFFFFFFFF, v20;
	v15, _, _ =	vpop (xrf0)  }
0x122: {  	v8 =	vnsel vm14, $0x0, v8;
	v13 =	vbroadcast v13, $0xF;
	v21 =	vadd.s32 $0xFFFFFFFF, v15;
	v20, _, _ =	vpop (xrf0)  }
0x123: {  	v10 =	vadd.s32 v14, v10;
	v14 =	vbroadcast v21, $0xF;
	v20 =	vadd.s32 $0xFFFFFFFF, v20;
	(xrf0) =	vadd.scan.msk.s32 $0xffff, v18  }
0x124: {  	v8 =	vsel vm12, v10, v8;
	v10 =	vadd.s32 v16, v13;
	v13 =	vbroadcast v20, $0xF;
	v15, _, _ =	vpop (xrf0)  }
0x125: {  	v8 =	vsel vm11, v10, v8;
	v10 =	vadd.s32 v19, v14;
	v14 =	vadd.s32 $0xFFFFFFFF, v15;
	v15, _, _ =	vpop (xrf0)  }
0x126: {  	v8 =	vsel vm10, v10, v8;
	v10 =	vbroadcast v14, $0xF;
	v14 =	vadd.s32 $0xFFFFFFFF, v15;
	v15, _, _ =	vpop (xrf0)  }
0x127: {  	v11 =	vadd.s32 v11, v13;
	v13 =	vbroadcast v14, $0xF;
	v14 =	vadd.s32 $0xFFFFFFFF, v15  }
0x128: {  	v8 =	vsel vm13, v11, v8;
	v10 =	vadd.s32 v12, v10;
	v11 =	vbroadcast v14, $0xF  }
0x129: {  	v8 =	vsel vm9, v10, v8;
	v10 =	vadd.s32 v17, v13;
	v12, _, _ =	vpop (xrf0)  }
0x12a: {  	v8 =	vsel vm15, v10, v8;
	v10 =	vadd.s32 v12, v11;
	v11 =	vbroadcast v12, $0xF  }
0x12b: {  	v8 =	vsel vm8, v10, v8  }
0x12c: {  	v10 =	vnsel vm7, $0x0, v11  }
0x12d: {  	v9 =	vadd.s32 v10, v9  }
0x12e: {  	s17 =	sadd.s32 $0x10, s17  }
.Ltmp3:
0x12f: {  	v10 =	vor.u32 s18, v0;
	s18 =	smov.u32 s19;
	[tilespmem:s17+$0x0] =	vst v8;
	(pc) =	sbr.rel @p0 .LBB2_7-.Ltmp3, $3  }
0x130: {  	s20 =	sadd.s32 $0x10, s20;
	[tilespmem:v8+s11+$0x0] =	vst.idx.msk $0xffff, v10  }
0x131: {  	v8 =	vld [tilespmem:s20+$0x0];
	_ =	sdelay $0x1  }
0x132: {  	s19 =	sadd.s32 $0x10, s19  }
0x133: {  	_ =	sdelay $0x1  }
0x134: {  	vm9 =	veq.s32 v8, $0x4  }
0x135: {  	vm15 =	veq.s32 v8, $0x0;
	v10 =	vsel vm9, $0x1, v1  }
0x136: {  	vm14 =	veq.s32 v8, $0x1;
	v11 =	vsel vm15, $0x1, v1;
	(xrf0) =	vadd.scan.msk.s32 $0xffff, v10  }
0x137: {  	vm13 =	veq.s32 v8, $0x2;
	v21 =	vsel vm14, $0x1, v1;
	(xrf0) =	vadd.scan.msk.s32 $0xffff, v11  }
0x138: {  	v22 =	vsel vm13, $0x1, v1;
	(xrf0) =	vadd.scan.msk.s32 $0xffff, v21  }
0x139: {  	vm12 =	veq.s32 v8, $0x3;
	(xrf0) =	vadd.scan.msk.s32 $0xffff, v22  }
0x13a: {  	v23 =	vsel vm12, $0x1, v1  }
0x13b: {  	(xrf0) =	vadd.scan.msk.s32 $0xffff, v23  }
0x13c: {  	vm10 =	veq.s32 v8, $0x5;
	v24, _, _ =	vpop (xrf0)  }
0x13d: {  	vm11 =	veq.s32 v8, $0x6;
	v25 =	vsel vm10, $0x1, v1;
	v12, _, _ =	vpop (xrf0)  }
0x13e: {  	v13 =	vsel vm11, $0x1, v1;
	(xrf0) =	vadd.scan.msk.s32 $0xffff, v25;
	v26 =	vbroadcast v12, $0xF;
	v14, _, _ =	vpop (xrf0)  }
0x13f: {  	v16 =	vnsel vm0, $0x0, v9;
	vm1 =	vcmask $0x704;
	(xrf0) =	vadd.scan.msk.s32 $0xffff, v13;
	v27 =	vbroadcast v14, $0xF;
	v15, _, _ =	vpop (xrf0)  }
0x140: {  	v33 =	vbroadcast v24, $0xF;
	v11 =	vnsel vm0, $0x0, v26;
	v17 =	vbroadcast v15, $0xF  }
0x141: {  	v18, _, _ =	vpop (xrf0);
	v28 =	vadd.s32 v9, v11;
	v29 =	vnsel vm1, $0x0, v27;
	vm1 =	vcmask $0x308  }
0x142: {  	(xrf0) =	vadd.scan.msk.s32 $0xffff, v16;
	v30 =	vbroadcast v18, $0xF;
	v31 =	vsel vm1, $0x0, v28;
	vm1 =	vcmask $0xB08  }
0x143: {  	v9 =	vadd.s32 v29, v28;
	v32 =	vnsel vm1, $0x0, v17;
	vm1 =	vcmask $0xF0C  }
0x144: {  	v19 =	vsel vm6, $0x0, v9;
	(xrf0) =	vadd.scan.msk.s32 $0xffff, v31;
	v35, _, _ =	vpop (xrf0);
	v9 =	vadd.s32 v32, v9;
	v34 =	vnsel vm1, $0x0, v30  }
0x145: {  	(xrf0) =	vadd.scan.msk.s32 $0xffff, v19;
	v37 =	vbroadcast v35, $0xF;
	v38, _, _ =	vpop (xrf0);
	vm1 =	vcmask $0x1310;
	v36 =	vsel vm5, $0x0, v9  }
0x146: {  	v9 =	vadd.s32 v34, v9;
	v17 =	vnsel vm1, $0x0, v33;
	v20 =	vbroadcast v38, $0xF  }
0x147: {  	vm1 =	vcmask $0x1714;
	(xrf0) =	vadd.scan.msk.s32 $0xffff, v36;
	v39 =	vadd.s32 v17, v9;
	v9 =	vsel vm4, $0x0, v9  }
0x148: {  	v11 =	vnsel vm1, $0x0, v37;
	v21, _, _ =	vpop (xrf0);
	vm1 =	vcmask $0x1B18;
	v17 =	vsel vm3, $0x0, v39  }
0x149: {  	(xrf0) =	vadd.scan.msk.s32 $0xffff, v9;
	v40 =	vadd.s32 v11, v39;
	v41 =	vnsel vm1, $0x0, v20;
	v42 =	vadd.s32 $0xFFFFFFFF, v21  }
0x14a: {  	vm1 =	vcmask $0x1B20;
	v43 =	vsel vm2, $0x0, v40;
	v9 =	vadd.s32 v41, v40;
	(xrf0) =	vadd.scan.msk.s32 $0xffff, v17;
	v45, _, _ =	vpop (xrf0)  }
0x14b: {  	v44 =	vbroadcast v42, $0xF;
	v9 =	vsel vm1, $0x0, v9;
	(xrf0) =	vadd.scan.msk.s32 $0xffff, v43;
	v16 =	vadd.s32 $0xFFFFFFFF, v45;
	v46, _, _ =	vpop (xrf0)  }
0x14c: {  	vm8 =	veq.s32 v8, $0x7;
	(xrf0) =	vadd.scan.msk.s32 $0xffff, v9;
	v48 =	vbroadcast v16, $0xF;
	v49 =	vadd.s32 $0xFFFFFFFF, v46  }
0x14d: {  	v50 =	vsel vm8, $0x1, v1;
	v47 =	vadd.s32 v12, v44;
	v8, _, _ =	vpop (xrf0);
	v12 =	vbroadcast v49, $0xF  }
0x14e: {  	v9 =	vnsel vm15, $0x0, v47;
	v8 =	vadd.s32 $0xFFFFFFFF, v8;
	v11 =	vadd.s32 v14, v48  }
0x14f: {  	(xrf0) =	vadd.scan.msk.s32 $0xffff, v50;
	v51, _, _ =	vpop (xrf0);
	v9 =	vsel vm14, v11, v9;
	v8 =	vbroadcast v8, $0xF;
	v12 =	vadd.s32 v15, v12  }
0x150: {  	v11 =	vadd.s32 $0xFFFFFFFF, v51;
	v52, _, _ =	vpop (xrf0);
	v9 =	vsel vm13, v12, v9  }
0x151: {  	v11 =	vbroadcast v11, $0xF;
	v12 =	vadd.s32 $0xFFFFFFFF, v52;
	v53, _, _ =	vpop (xrf0);
	v8 =	vadd.s32 v18, v8  }
0x152: {  	v54 =	vbroadcast v12, $0xF;
	v55 =	vadd.s32 $0xFFFFFFFF, v53;
	v56, _, _ =	vpop (xrf0);
	v8 =	vsel vm12, v8, v9  }
0x153: {  	v10 =	vadd.s32 v24, v11;
	v57 =	vbroadcast v55, $0xF;
	v58 =	vadd.s32 $0xFFFFFFFF, v56  }
0x154: {  	v8 =	vsel vm9, v10, v8;
	v9 =	vadd.s32 v35, v54;
	v59 =	vbroadcast v58, $0xF  }
0x155: {  	v61, _, _ =	vpop (xrf0);
	v8 =	vsel vm10, v9, v8;
	v60 =	vadd.s32 v38, v57  }
0x156: {  	v8 =	vsel vm11, v60, v8;
	v62 =	vadd.s32 v61, v59  }
0x157: {  	v8 =	vsel vm8, v62, v8;
	_ =	sdelay $0x2  }
0x158: {  	s0 =	sadd.s32 $0x10, s17  }
0x159: {  	v63 =	vor.u32 s18, v0;
	[tilespmem:s0+$0x0] =	vst v8  }
0x15a: {  	s24 =	rddreg [dreg:$0x3];
	[tilespmem:v8+s11+$0x0] =	vst.idx.msk $0xffff, v63  }
0x15b: {  	[hbm4b:s24+s9] =	stream.linear.scatter [tilespmem:s11], [sflag:$0x1], $0x2800, $0x38;
	[tilespmem:$0x4980] =	vst v63  }
0x15c: {  	_ =	swait.ge [sflag:s10], $0x2800  }
0x15d: {  	[sflag:s10] =	ssyncset.done $0x0  }
0x15e: {  	s1 =	simm.s32 $0x3800;
	s25 =	rddreg [dreg:$0x4];
	[sflag:s10] =	ssyncadd.s32 $0xFFFFD800  }
0x15f: {  	[hbm4b:s25+s9] =	stream.linear.scatter [tilespmem:s1], [sflag:$0x1], $0x1000, $0x38;
	[tilespmem:$0x4980] =	vst v63  }
0x160: {  	_ =	swait.ge [sflag:s10], $0x1000  }
0x161: {  	[sflag:s10] =	ssyncset.done $0x0  }
0x162: {  	s28 =	simm.s32 $0x4800;
	s26 =	rddreg [dreg:$0x5];
	[sflag:s10] =	ssyncadd.s32 $0xFFFFF000  }
0x163: {  	[hbm4b:s26+s9] =	stream.linear.scatter [tilespmem:s28], [sflag:$0x1], $0x80, $0x38;
	[tilespmem:$0x4980] =	vst v63  }
0x164: {  	_ =	swait.ge [sflag:s10], $0x80  }
0x165: {  	[sflag:s10] =	ssyncset.done $0x0  }
0x166: {  	s30 =	simm.s32 $0x4880;
	s29 =	rddreg [dreg:$0x6];
	[sflag:s10] =	ssyncadd.s32 $0xFFFFFF80  }
0x167: {  	[hbm4b:s29+s9] =	stream.linear.scatter [tilespmem:s30], [sflag:$0x1], $0x80, $0x38;
	[tilespmem:$0x4980] =	vst v63  }
0x168: {  	s16 =	sadd.s32 $0x1, s16;
	_ =	swait.ge [sflag:s10], $0x80  }
0x169: {  	p0 =	sne.s32 s16, s8;
	[sflag:s10] =	ssyncset.done $0x0  }
.Ltmp4:
0x16a: {  	s31 =	simm.s32 $0x4900;
	[sflag:s10] =	ssyncadd.s32 $0xFFFFFF80;
	(pc) =	sbr.rel @p0 .LBB2_2-.Ltmp4, $4  }
0x16b: {  	[hbm4b:s7+s9] =	stream.linear.scatter [tilespmem:s31], [sflag:$0x1], $0x80, $0x38;
	[tilespmem:$0x4980] =	vst v63  }
0x16c: {  	_ =	swait.ge [sflag:s10], $0x80  }
0x16d: {  	[sflag:s10] =	ssyncset.done $0x0  }
0x16e: {  	[sflag:s10] =	ssyncadd.s32 $0xFFFFFF80  }
.LBB2_9:
0x16f: {  	_ =	sfence.sel $0x180000  }
0x170: {  	[bflag:$0x0] =	sbarrier.arrive $0xFFFF  }
0x171: {  	_ =	strace $0x90000047  }
0x172: {  	s0 =	stileid.u32;
	[bflag:$0x2] =	sbarrier.arrive $0xFFFF  }
0x173: {  	p0 =	sne.s32 s0, $0x0;
	s0 =	rddreg [dreg:$0x2]  }
0x174: {  	s0 =	sadd.s32 @!p0 $0x100000, s0  }
0x175: {  	[sflag:s0] =	ssyncadd.tile.s32 @!p0 $0x1;
	_ =	shalt  }
.Lfunc_end2:
_tile_overlayer_lowered:
.L_overlay_start_2:
0x176: {  	(tag) =	ssettag $0x2  }
0x177: {  	s0 =	rddreg [dreg:$0x0];
	s2 =	stileid.u32  }
0x178: {  	s1 =	rddreg [dreg:$0x1];
	p0 =	sne.s32 s2, $0x0  }
0x179: {  	s3 =	rddreg [dreg:$0x2];
	[bflag:$0x3] =	sbarrier.arrive $0xFFFF;
	s2 =	simm.s32 @!p0 $0x1C01  }
0x17a: {  	[timem:s3], [sflag:s2] =	dma.local @!p0 [hbm:s0], s1  }
0x17b: {  	s0 =	simm.s32 @!p0 $0x1  }
0x17c: {  	_ =	swait.ge @!p0 [sflag:s0], s1  }
0x17d: {  	s1 =	ssub.s32 @!p0 $0x0, s1;
	[sflag:s0] =	ssyncset.done @!p0 $0x0  }
0x17e: {  	[sflag:s0] =	ssyncadd.s32 @!p0 s1  }
0x17f: {  	[bflag:$0x3] =	sbarrier.arrive $0xFFFF  }
0x180: {  	_ =	shalt  }

</sc_bundles>
